<compile_context>
chip_gen: v7x
topology: tpu7x:2x2x1
jax: 0.10.2.dev20260603
libtpu: 0.0.44.dev20260713+nightly
codegen_flags: <defaults>
</compile_context>

<pallas_src>
import functools

import jax
import jax.numpy as jnp
from jax import lax
from jax.experimental import pallas as pl
from jax.experimental.pallas import tpu as pltpu
from jax.experimental.pallas import tpu_sc as plsc

L = 16
NC, NS = 2, 16
NW = NC * NS
BATCH = 256
BB = BATCH // L
H, W = 513, 257
NPX = H * W
NPM = NPX - 1
PPW = NPM // NW
PK = 40
NCHUNK = PPW // PK
XROWS = 2 * NPX
NSH = 257
NSP = 384
RRW = NSP // NS
EPS = 1e-5


def _main_body(x_hbm, w_hbm, idx_hbm, out_hbm,
               x_buf, w_buf, idx_buf, acc, sem):
    cid = lax.axis_index("c")
    sid = lax.axis_index("s")
    wid = sid * NC + cid
    p0 = wid * PPW
    iota = lax.iota(jnp.int32, L)

    zeros = jnp.zeros((L,), jnp.float32)

    def zrow(i, c):
        for v in range(BATCH // L):
            acc[i, pl.ds(v * L, L)] = zeros
        return c

    lax.fori_loop(0, NSP, zrow, 0)

    def chunk_dmas(c, slot):
        pb = p0 + c * PK
        return (
            pltpu.make_async_copy(
                x_hbm.at[pl.ds(2 * pb, 2 * PK)], x_buf.at[slot], sem),
            pltpu.make_async_copy(
                w_hbm.at[pl.ds(pb, PK)], w_buf.at[slot], sem),
            pltpu.make_async_copy(
                idx_hbm.at[pl.ds(pb, PK)], idx_buf.at[slot], sem),
        )

    def start(c, slot):
        for d in chunk_dmas(c, slot):
            d.start()

    def wait(c, slot):
        for d in chunk_dmas(c, slot):
            d.wait()

    def compute(slot):
        @plsc.parallel_loop(0, PK)
        def pbody(pp):
            sv = jnp.full((L,), slot, jnp.int32)
            pv = jnp.full((L,), pp, jnp.int32)
            iv = plsc.load_gather(idx_buf, [sv, pv])
            wv = plsc.load_gather(w_buf, [sv, pv])
            for k in range(BB):
                dr, co = divmod(k * L, 128)
                xv = x_buf[slot, 2 * pp + dr, pl.ds(co, L)]
                yv = xv * xv * wv
                plsc.addupdate_scatter(acc, [iv, iota + (k * L)], yv)

    start(0, 0)

    def cbody(c, carry):
        slot = lax.rem(c, 2)
        wait(c, slot)

        @pl.when(c + 1 < NCHUNK)
        def _():
            start(c + 1, 1 - slot)

        compute(slot)
        return carry

    lax.fori_loop(0, NCHUNK, cbody, 0)

    pltpu.sync_copy(acc, out_hbm.at[wid])


def _reduce_body(slabs_hbm, out_hbm, acc8, tmp8):
    cid = lax.axis_index("c")
    sid = lax.axis_index("s")
    wid = sid * NC + cid

    def stripe(r0):
        pltpu.sync_copy(slabs_hbm.at[0, pl.ds(r0, 8)], acc8)

        def rbody(t, carry):
            pltpu.sync_copy(slabs_hbm.at[t, pl.ds(r0, 8)], tmp8)
            for r in range(8):
                for v in range(BATCH // L):
                    o = v * L
                    plsc.addupdate(acc8.at[r, pl.ds(o, L)],
                                   tmp8[r, pl.ds(o, L)])
            return carry

        lax.fori_loop(1, NW, rbody, 0)
        pltpu.sync_copy(acc8, out_hbm.at[pl.ds(r0, 8)])

    stripe(wid * 8)

    @pl.when(wid < (NSP // 8) - NW)
    def _():
        stripe((wid + NW) * 8)


@jax.jit
def _sc_spectrum(xp, wf, idxf):
    mesh = plsc.VectorSubcoreMesh(core_axis_name="c", subcore_axis_name="s")
    f = pl.kernel(
        _main_body,
        mesh=mesh,
        compiler_params=pltpu.CompilerParams(needs_layout_passes=False),
        out_type=jax.ShapeDtypeStruct((NW, NSP, BATCH), jnp.float32),
        scratch_types=[
            pltpu.VMEM((2, 2 * PK, 128), jnp.float32),
            pltpu.VMEM((2, PK), jnp.float32),
            pltpu.VMEM((2, PK), jnp.int32),
            pltpu.VMEM((NSP, BATCH), jnp.float32),
            pltpu.SemaphoreType.DMA,
        ],
    )
    red = pl.kernel(
        _reduce_body,
        mesh=mesh,
        compiler_params=pltpu.CompilerParams(needs_layout_passes=False),
        out_type=jax.ShapeDtypeStruct((NSP, BATCH), jnp.float32),
        scratch_types=[
            pltpu.VMEM((8, BATCH), jnp.float32),
            pltpu.VMEM((8, BATCH), jnp.float32),
        ],
    )
    return red(f(xp, wf, idxf))


def kernel(x, shells_weight, shell_index, shells_count):
    b, c, h, w_ = x.shape
    xp = lax.reshape(x, (XROWS, 128), dimensions=(2, 3, 1, 0))
    wf = shells_weight.reshape(-1)
    idxf = shell_index.reshape(-1)
    tot = _sc_spectrum(xp, wf, idxf)
    rec = 1.0 / (shells_count + EPS)
    out = (tot[:NSH] * rec[:, None]).T
    last = x[:, 0, h - 1, w_ - 1]
    contrib = (last * last) * wf[NPX - 1] / (shells_count[idxf[NPX - 1]] + EPS)
    out = out.at[:, idxf[NPX - 1]].add(contrib)
    return out.reshape(b, c, NSH)

# --- scband reference (transcript-rebuilt; emitter-appended) ---
"""Pipeline reference for scband-group-stat-25864293056838 (READ-ONLY COPY).

The authoritative reference and input builder live on the scoring server;
editing this copy changes nothing except your own understanding.
"""

import jax, jax.numpy as jnp
import numpy as np


def setup_inputs(seed: int = 0) -> dict:
    key = jax.random.key(seed)
    k1, k2, k3 = jax.random.split(key, 3)
    B, C, H, W = 256, 1, 513, 257
    n_shells = 257
    x = jax.random.normal(k1, (B, C, H, W), dtype=jnp.float32)
    shells_weight = jax.random.uniform(k2, (H, W), dtype=jnp.float32)
    shell_index = jax.random.randint(k3, (H, W), 0, n_shells).astype(jnp.int32)
    shells_count = jnp.bincount(shell_index.reshape(-1), length=n_shells).astype(jnp.float32)
    return {"x": x, "shells_weight": shells_weight, "shell_index": shell_index, "shells_count": shells_count}


def reference(x, shells_weight, shell_index, shells_count):
    # GroupStat.get_spectrum(x, avg=True, sqr=True):
    #   x = |x|**2; x *= shells_weight; shell (radial) scatter-add; divide by shell counts
    eps = 1e-5
    B, C, H, W = x.shape
    n_shells = shells_count.shape[0]
    xs = (x ** 2) * shells_weight
    flat = xs.reshape(B * C, H * W)
    seg = shell_index.reshape(-1)
    spec = jax.vmap(lambda row: jax.ops.segment_sum(row, seg, num_segments=n_shells))(flat)
    spec = spec / (shells_count + eps)
    return spec.reshape(B, C, n_shells)

if __name__ == "__main__":
    import jax
    _d = setup_inputs()
    print(jax.jit(kernel)(*tuple(_d.values())))

</pallas_src>

<mosaic_0001>
#map = affine_map<(d0, d1) -> (0, 0, 0)>
#map1 = affine_map<(d0, d1) -> (0, 0)>
module attributes {stable_mosaic.version = 14 : i64} {
  func.func @_reduce_body(%arg0: i32, %arg1: i32, %arg2: memref<32x384x256xf32, #tpu.memory_space<hbm>>, %arg3: memref<384x256xf32, #tpu.memory_space<hbm>>, %arg4: memref<8x256xf32, #tpu.memory_space<vmem>>, %arg5: memref<8x256xf32, #tpu.memory_space<vmem>>) attributes {dimension_semantics = [#tpu.dimension_semantics<core_parallel>, #tpu.dimension_semantics<subcore_parallel>], iteration_bounds = array<i64: 2, 16>, scalar_prefetch = 0 : i64, scratch_operands = 2 : i64, tpu.core_type = #tpu.core_type<sc_vector_subcore>, window_params = [{transform_indices = #map}, {transform_indices = #map1}]} {
    %mul3A = arith.constant 2 : i32
    %mul3A_0 = arith.muli %arg1, %mul3A : i32
    %add3A = arith.addi %mul3A_0, %arg0 : i32
    %mul3A_1 = arith.constant 8 : i32
    %mul3A_2 = arith.muli %add3A, %mul3A_1 : i32
    %run_scoped3A = arith.constant 0 : i32
    "tpu.region"() ({
      %run_scoped3A_10 = tpu.sem_alloc : memref<!tpu.dma_semaphore, #tpu.memory_space<semaphore_mem>>
      %dma_start3A = arith.constant 0 : i32
      %dma_start3A_11 = tpu.memref_slice %arg2[%run_scoped3A, %mul3A_2, %dma_start3A] : memref<32x384x256xf32, #tpu.memory_space<hbm>> -> memref<1x8x256xf32, #tpu.memory_space<hbm>>
      %dma_start3A_12 = tpu.memref_squeeze %dma_start3A_11 : memref<1x8x256xf32, #tpu.memory_space<hbm>> -> memref<8x256xf32, #tpu.memory_space<hbm>>
      %dma_start3A_13 = arith.constant 0 : i32
      %dma_start3A_14 = tpu.memref_slice %arg2[%run_scoped3A, %mul3A_2, %dma_start3A_13] : memref<32x384x256xf32, #tpu.memory_space<hbm>> -> memref<1x8x256xf32, #tpu.memory_space<hbm>>
      %dma_start3A_15 = tpu.memref_squeeze %dma_start3A_14 : memref<1x8x256xf32, #tpu.memory_space<hbm>> -> memref<8x256xf32, #tpu.memory_space<hbm>>
      tpu.enqueue_dma source(%dma_start3A_15 : memref<8x256xf32, #tpu.memory_space<hbm>>) target(%arg4 : memref<8x256xf32, #tpu.memory_space<vmem>>) target_semaphore(%run_scoped3A_10 : memref<!tpu.dma_semaphore, #tpu.memory_space<semaphore_mem>>)
      %dma_wait3A = arith.constant 0 : i32
      %dma_wait3A_16 = tpu.memref_slice %arg2[%run_scoped3A, %mul3A_2, %dma_wait3A] : memref<32x384x256xf32, #tpu.memory_space<hbm>> -> memref<1x8x256xf32, #tpu.memory_space<hbm>>
      %dma_wait3A_17 = tpu.memref_squeeze %dma_wait3A_16 : memref<1x8x256xf32, #tpu.memory_space<hbm>> -> memref<8x256xf32, #tpu.memory_space<hbm>>
      %dma_wait3A_18 = arith.constant 0 : i32
      %dma_wait3A_19 = tpu.memref_slice %arg2[%run_scoped3A, %mul3A_2, %dma_wait3A_18] : memref<32x384x256xf32, #tpu.memory_space<hbm>> -> memref<1x8x256xf32, #tpu.memory_space<hbm>>
      %dma_wait3A_20 = tpu.memref_squeeze %dma_wait3A_19 : memref<1x8x256xf32, #tpu.memory_space<hbm>> -> memref<8x256xf32, #tpu.memory_space<hbm>>
      tpu.wait_dma2 semaphore(%run_scoped3A_10 : memref<!tpu.dma_semaphore, #tpu.memory_space<semaphore_mem>>) src(%dma_wait3A_20 : memref<8x256xf32, #tpu.memory_space<hbm>>) dst(%arg4 : memref<8x256xf32, #tpu.memory_space<vmem>>)
      tpu.yield
    }) : () -> ()
    %scan3A = arith.constant 0 : i32
    %scan3A_3 = arith.constant 1 : i32
    %scan3A_4 = arith.constant 31 : i32
    %scan3A_5 = arith.addi %scan3A_3, %scan3A_4 : i32
    %scan3A_6 = arith.constant 1 : i32
    scf.for %scan3A_10 = %scan3A_3 to %scan3A_5 step %scan3A_6  : i32 {
      "tpu.region"() ({
        %run_scoped3A_1033 = tpu.sem_alloc : memref<!tpu.dma_semaphore, #tpu.memory_space<semaphore_mem>>
        %dma_start3A = arith.constant 0 : i32
        %dma_start3A_1034 = tpu.memref_slice %arg2[%scan3A_10, %mul3A_2, %dma_start3A] : memref<32x384x256xf32, #tpu.memory_space<hbm>> -> memref<1x8x256xf32, #tpu.memory_space<hbm>>
        %dma_start3A_1035 = tpu.memref_squeeze %dma_start3A_1034 : memref<1x8x256xf32, #tpu.memory_space<hbm>> -> memref<8x256xf32, #tpu.memory_space<hbm>>
        %dma_start3A_1036 = arith.constant 0 : i32
        %dma_start3A_1037 = tpu.memref_slice %arg2[%scan3A_10, %mul3A_2, %dma_start3A_1036] : memref<32x384x256xf32, #tpu.memory_space<hbm>> -> memref<1x8x256xf32, #tpu.memory_space<hbm>>
        %dma_start3A_1038 = tpu.memref_squeeze %dma_start3A_1037 : memref<1x8x256xf32, #tpu.memory_space<hbm>> -> memref<8x256xf32, #tpu.memory_space<hbm>>
        tpu.enqueue_dma source(%dma_start3A_1038 : memref<8x256xf32, #tpu.memory_space<hbm>>) target(%arg5 : memref<8x256xf32, #tpu.memory_space<vmem>>) target_semaphore(%run_scoped3A_1033 : memref<!tpu.dma_semaphore, #tpu.memory_space<semaphore_mem>>)
        %dma_wait3A = arith.constant 0 : i32
        %dma_wait3A_1039 = tpu.memref_slice %arg2[%scan3A_10, %mul3A_2, %dma_wait3A] : memref<32x384x256xf32, #tpu.memory_space<hbm>> -> memref<1x8x256xf32, #tpu.memory_space<hbm>>
        %dma_wait3A_1040 = tpu.memref_squeeze %dma_wait3A_1039 : memref<1x8x256xf32, #tpu.memory_space<hbm>> -> memref<8x256xf32, #tpu.memory_space<hbm>>
        %dma_wait3A_1041 = arith.constant 0 : i32
        %dma_wait3A_1042 = tpu.memref_slice %arg2[%scan3A_10, %mul3A_2, %dma_wait3A_1041] : memref<32x384x256xf32, #tpu.memory_space<hbm>> -> memref<1x8x256xf32, #tpu.memory_space<hbm>>
        %dma_wait3A_1043 = tpu.memref_squeeze %dma_wait3A_1042 : memref<1x8x256xf32, #tpu.memory_space<hbm>> -> memref<8x256xf32, #tpu.memory_space<hbm>>
        tpu.wait_dma2 semaphore(%run_scoped3A_1033 : memref<!tpu.dma_semaphore, #tpu.memory_space<semaphore_mem>>) src(%dma_wait3A_1043 : memref<8x256xf32, #tpu.memory_space<hbm>>) dst(%arg5 : memref<8x256xf32, #tpu.memory_space<vmem>>)
        tpu.yield
      }) : () -> ()
      %get3A = arith.constant 0 : i32
      %get3A_11 = arith.index_cast %get3A : i32 to index
      %get3A_12 = arith.constant 0 : index
      %get3A_13 = tpu.vector_load %arg5[%get3A_11, %get3A_12] {strides = array<i32>} : memref<8x256xf32, #tpu.memory_space<vmem>>, vector<16xf32>,
      %swap3A = arith.constant 0 : i32
      %swap3A_14 = arith.index_cast %swap3A : i32 to index
      %swap3A_15 = arith.constant 0 : index
      %swap3A_16 = tpu.vector_load %arg4[%swap3A_14, %swap3A_15] {strides = array<i32>} : memref<8x256xf32, #tpu.memory_space<vmem>>, vector<16xf32>,
      tpu.vector_store %arg4[%swap3A_14, %swap3A_15], %get3A_13 {add = true, strides = array<i32>} : memref<8x256xf32, #tpu.memory_space<vmem>>, vector<16xf32>,
      %get3A_17 = arith.constant 0 : i32
      %get3A_18 = arith.index_cast %get3A_17 : i32 to index
      %get3A_19 = arith.constant 16 : index
      %get3A_20 = tpu.vector_load %arg5[%get3A_18, %get3A_19] {strides = array<i32>} : memref<8x256xf32, #tpu.memory_space<vmem>>, vector<16xf32>,
      %swap3A_21 = arith.constant 0 : i32
      %swap3A_22 = arith.index_cast %swap3A_21 : i32 to index
      %swap3A_23 = arith.constant 16 : index
      %swap3A_24 = tpu.vector_load %arg4[%swap3A_22, %swap3A_23] {strides = array<i32>} : memref<8x256xf32, #tpu.memory_space<vmem>>, vector<16xf32>,
      tpu.vector_store %arg4[%swap3A_22, %swap3A_23], %get3A_20 {add = true, strides = array<i32>} : memref<8x256xf32, #tpu.memory_space<vmem>>, vector<16xf32>,
      %get3A_25 = arith.constant 0 : i32
      %get3A_26 = arith.index_cast %get3A_25 : i32 to index
      %get3A_27 = arith.constant 32 : index
      %get3A_28 = tpu.vector_load %arg5[%get3A_26, %get3A_27] {strides = array<i32>} : memref<8x256xf32, #tpu.memory_space<vmem>>, vector<16xf32>,
      %swap3A_29 = arith.constant 0 : i32
      %swap3A_30 = arith.index_cast %swap3A_29 : i32 to index
      %swap3A_31 = arith.constant 32 : index
      %swap3A_32 = tpu.vector_load %arg4[%swap3A_30, %swap3A_31] {strides = array<i32>} : memref<8x256xf32, #tpu.memory_space<vmem>>, vector<16xf32>,
      tpu.vector_store %arg4[%swap3A_30, %swap3A_31], %get3A_28 {add = true, strides = array<i32>} : memref<8x256xf32, #tpu.memory_space<vmem>>, vector<16xf32>,
      %get3A_33 = arith.constant 0 : i32
      %get3A_34 = arith.index_cast %get3A_33 : i32 to index
      %get3A_35 = arith.constant 48 : index
      %get3A_36 = tpu.vector_load %arg5[%get3A_34, %get3A_35] {strides = array<i32>} : memref<8x256xf32, #tpu.memory_space<vmem>>, vector<16xf32>,
      %swap3A_37 = arith.constant 0 : i32
      %swap3A_38 = arith.index_cast %swap3A_37 : i32 to index
      %swap3A_39 = arith.constant 48 : index
      %swap3A_40 = tpu.vector_load %arg4[%swap3A_38, %swap3A_39] {strides = array<i32>} : memref<8x256xf32, #tpu.memory_space<vmem>>, vector<16xf32>,
      tpu.vector_store %arg4[%swap3A_38, %swap3A_39], %get3A_36 {add = true, strides = array<i32>} : memref<8x256xf32, #tpu.memory_space<vmem>>, vector<16xf32>,
      %get3A_41 = arith.constant 0 : i32
      %get3A_42 = arith.index_cast %get3A_41 : i32 to index
      %get3A_43 = arith.constant 64 : index
      %get3A_44 = tpu.vector_load %arg5[%get3A_42, %get3A_43] {strides = array<i32>} : memref<8x256xf32, #tpu.memory_space<vmem>>, vector<16xf32>,
      %swap3A_45 = arith.constant 0 : i32
      %swap3A_46 = arith.index_cast %swap3A_45 : i32 to index
      %swap3A_47 = arith.constant 64 : index
      %swap3A_48 = tpu.vector_load %arg4[%swap3A_46, %swap3A_47] {strides = array<i32>} : memref<8x256xf32, #tpu.memory_space<vmem>>, vector<16xf32>,
      tpu.vector_store %arg4[%swap3A_46, %swap3A_47], %get3A_44 {add = true, strides = array<i32>} : memref<8x256xf32, #tpu.memory_space<vmem>>, vector<16xf32>,
      %get3A_49 = arith.constant 0 : i32
      %get3A_50 = arith.index_cast %get3A_49 : i32 to index
      %get3A_51 = arith.constant 80 : index
      %get3A_52 = tpu.vector_load %arg5[%get3A_50, %get3A_51] {strides = array<i32>} : memref<8x256xf32, #tpu.memory_space<vmem>>, vector<16xf32>,
      %swap3A_53 = arith.constant 0 : i32
      %swap3A_54 = arith.index_cast %swap3A_53 : i32 to index
      %swap3A_55 = arith.constant 80 : index
      %swap3A_56 = tpu.vector_load %arg4[%swap3A_54, %swap3A_55] {strides = array<i32>} : memref<8x256xf32, #tpu.memory_space<vmem>>, vector<16xf32>,
      tpu.vector_store %arg4[%swap3A_54, %swap3A_55], %get3A_52 {add = true, strides = array<i32>} : memref<8x256xf32, #tpu.memory_space<vmem>>, vector<16xf32>,
      %get3A_57 = arith.constant 0 : i32
      %get3A_58 = arith.index_cast %get3A_57 : i32 to index
      %get3A_59 = arith.constant 96 : index
      %get3A_60 = tpu.vector_load %arg5[%get3A_58, %get3A_59] {strides = array<i32>} : memref<8x256xf32, #tpu.memory_space<vmem>>, vector<16xf32>,
      %swap3A_61 = arith.constant 0 : i32
      %swap3A_62 = arith.index_cast %swap3A_61 : i32 to index
      %swap3A_63 = arith.constant 96 : index
      %swap3A_64 = tpu.vector_load %arg4[%swap3A_62, %swap3A_63] {strides = array<i32>} : memref<8x256xf32, #tpu.memory_space<vmem>>, vector<16xf32>,
      tpu.vector_store %arg4[%swap3A_62, %swap3A_63], %get3A_60 {add = true, strides = array<i32>} : memref<8x256xf32, #tpu.memory_space<vmem>>, vector<16xf32>,
      %get3A_65 = arith.constant 0 : i32
      %get3A_66 = arith.index_cast %get3A_65 : i32 to index
      %get3A_67 = arith.constant 112 : index
      %get3A_68 = tpu.vector_load %arg5[%get3A_66, %get3A_67] {strides = array<i32>} : memref<8x256xf32, #tpu.memory_space<vmem>>, vector<16xf32>,
      %swap3A_69 = arith.constant 0 : i32
      %swap3A_70 = arith.index_cast %swap3A_69 : i32 to index
      %swap3A_71 = arith.constant 112 : index
      %swap3A_72 = tpu.vector_load %arg4[%swap3A_70, %swap3A_71] {strides = array<i32>} : memref<8x256xf32, #tpu.memory_space<vmem>>, vector<16xf32>,
      tpu.vector_store %arg4[%swap3A_70, %swap3A_71], %get3A_68 {add = true, strides = array<i32>} : memref<8x256xf32, #tpu.memory_space<vmem>>, vector<16xf32>,
      %get3A_73 = arith.constant 0 : i32
      %get3A_74 = arith.index_cast %get3A_73 : i32 to index
      %get3A_75 = arith.constant 128 : index
      %get3A_76 = tpu.vector_load %arg5[%get3A_74, %get3A_75] {strides = array<i32>} : memref<8x256xf32, #tpu.memory_space<vmem>>, vector<16xf32>,
      %swap3A_77 = arith.constant 0 : i32
      %swap3A_78 = arith.index_cast %swap3A_77 : i32 to index
      %swap3A_79 = arith.constant 128 : index
      %swap3A_80 = tpu.vector_load %arg4[%swap3A_78, %swap3A_79] {strides = array<i32>} : memref<8x256xf32, #tpu.memory_space<vmem>>, vector<16xf32>,
      tpu.vector_store %arg4[%swap3A_78, %swap3A_79], %get3A_76 {add = true, strides = array<i32>} : memref<8x256xf32, #tpu.memory_space<vmem>>, vector<16xf32>,
      %get3A_81 = arith.constant 0 : i32
      %get3A_82 = arith.index_cast %get3A_81 : i32 to index
      %get3A_83 = arith.constant 144 : index
      %get3A_84 = tpu.vector_load %arg5[%get3A_82, %get3A_83] {strides = array<i32>} : memref<8x256xf32, #tpu.memory_space<vmem>>, vector<16xf32>,
      %swap3A_85 = arith.constant 0 : i32
      %swap3A_86 = arith.index_cast %swap3A_85 : i32 to index
      %swap3A_87 = arith.constant 144 : index
      %swap3A_88 = tpu.vector_load %arg4[%swap3A_86, %swap3A_87] {strides = array<i32>} : memref<8x256xf32, #tpu.memory_space<vmem>>, vector<16xf32>,
      tpu.vector_store %arg4[%swap3A_86, %swap3A_87], %get3A_84 {add = true, strides = array<i32>} : memref<8x256xf32, #tpu.memory_space<vmem>>, vector<16xf32>,
      %get3A_89 = arith.constant 0 : i32
      %get3A_90 = arith.index_cast %get3A_89 : i32 to index
      %get3A_91 = arith.constant 160 : index
      %get3A_92 = tpu.vector_load %arg5[%get3A_90, %get3A_91] {strides = array<i32>} : memref<8x256xf32, #tpu.memory_space<vmem>>, vector<16xf32>,
      %swap3A_93 = arith.constant 0 : i32
      %swap3A_94 = arith.index_cast %swap3A_93 : i32 to index
      %swap3A_95 = arith.constant 160 : index
      %swap3A_96 = tpu.vector_load %arg4[%swap3A_94, %swap3A_95] {strides = array<i32>} : memref<8x256xf32, #tpu.memory_space<vmem>>, vector<16xf32>,
      tpu.vector_store %arg4[%swap3A_94, %swap3A_95], %get3A_92 {add = true, strides = array<i32>} : memref<8x256xf32, #tpu.memory_space<vmem>>, vector<16xf32>,
      %get3A_97 = arith.constant 0 : i32
      %get3A_98 = arith.index_cast %get3A_97 : i32 to index
      %get3A_99 = arith.constant 176 : index
      %get3A_100 = tpu.vector_load %arg5[%get3A_98, %get3A_99] {strides = array<i32>} : memref<8x256xf32, #tpu.memory_space<vmem>>, vector<16xf32>,
      %swap3A_101 = arith.constant 0 : i32
      %swap3A_102 = arith.index_cast %swap3A_101 : i32 to index
      %swap3A_103 = arith.constant 176 : index
      %swap3A_104 = tpu.vector_load %arg4[%swap3A_102, %swap3A_103] {strides = array<i32>} : memref<8x256xf32, #tpu.memory_space<vmem>>, vector<16xf32>,
      tpu.vector_store %arg4[%swap3A_102, %swap3A_103], %get3A_100 {add = true, strides = array<i32>} : memref<8x256xf32, #tpu.memory_space<vmem>>, vector<16xf32>,
      %get3A_105 = arith.constant 0 : i32
      %get3A_106 = arith.index_cast %get3A_105 : i32 to index
      %get3A_107 = arith.constant 192 : index
      %get3A_108 = tpu.vector_load %arg5[%get3A_106, %get3A_107] {strides = array<i32>} : memref<8x256xf32, #tpu.memory_space<vmem>>, vector<16xf32>,
      %swap3A_109 = arith.constant 0 : i32
      %swap3A_110 = arith.index_cast %swap3A_109 : i32 to index
      %swap3A_111 = arith.constant 192 : index
      %swap3A_112 = tpu.vector_load %arg4[%swap3A_110, %swap3A_111] {strides = array<i32>} : memref<8x256xf32, #tpu.memory_space<vmem>>, vector<16xf32>,
      tpu.vector_store %arg4[%swap3A_110, %swap3A_111], %get3A_108 {add = true, strides = array<i32>} : memref<8x256xf32, #tpu.memory_space<vmem>>, vector<16xf32>,
      %get3A_113 = arith.constant 0 : i32
      %get3A_114 = arith.index_cast %get3A_113 : i32 to index
      %get3A_115 = arith.constant 208 : index
      %get3A_116 = tpu.vector_load %arg5[%get3A_114, %get3A_115] {strides = array<i32>} : memref<8x256xf32, #tpu.memory_space<vmem>>, vector<16xf32>,
      %swap3A_117 = arith.constant 0 : i32
      %swap3A_118 = arith.index_cast %swap3A_117 : i32 to index
      %swap3A_119 = arith.constant 208 : index
      %swap3A_120 = tpu.vector_load %arg4[%swap3A_118, %swap3A_119] {strides = array<i32>} : memref<8x256xf32, #tpu.memory_space<vmem>>, vector<16xf32>,
      tpu.vector_store %arg4[%swap3A_118, %swap3A_119], %get3A_116 {add = true, strides = array<i32>} : memref<8x256xf32, #tpu.memory_space<vmem>>, vector<16xf32>,
      %get3A_121 = arith.constant 0 : i32
      %get3A_122 = arith.index_cast %get3A_121 : i32 to index
      %get3A_123 = arith.constant 224 : index
      %get3A_124 = tpu.vector_load %arg5[%get3A_122, %get3A_123] {strides = array<i32>} : memref<8x256xf32, #tpu.memory_space<vmem>>, vector<16xf32>,
      %swap3A_125 = arith.constant 0 : i32
      %swap3A_126 = arith.index_cast %swap3A_125 : i32 to index
      %swap3A_127 = arith.constant 224 : index
      %swap3A_128 = tpu.vector_load %arg4[%swap3A_126, %swap3A_127] {strides = array<i32>} : memref<8x256xf32, #tpu.memory_space<vmem>>, vector<16xf32>,
      tpu.vector_store %arg4[%swap3A_126, %swap3A_127], %get3A_124 {add = true, strides = array<i32>} : memref<8x256xf32, #tpu.memory_space<vmem>>, vector<16xf32>,
      %get3A_129 = arith.constant 0 : i32
      %get3A_130 = arith.index_cast %get3A_129 : i32 to index
      %get3A_131 = arith.constant 240 : index
      %get3A_132 = tpu.vector_load %arg5[%get3A_130, %get3A_131] {strides = array<i32>} : memref<8x256xf32, #tpu.memory_space<vmem>>, vector<16xf32>,
      %swap3A_133 = arith.constant 0 : i32
      %swap3A_134 = arith.index_cast %swap3A_133 : i32 to index
      %swap3A_135 = arith.constant 240 : index
      %swap3A_136 = tpu.vector_load %arg4[%swap3A_134, %swap3A_135] {strides = array<i32>} : memref<8x256xf32, #tpu.memory_space<vmem>>, vector<16xf32>,
      tpu.vector_store %arg4[%swap3A_134, %swap3A_135], %get3A_132 {add = true, strides = array<i32>} : memref<8x256xf32, #tpu.memory_space<vmem>>, vector<16xf32>,
      %get3A_137 = arith.constant 1 : i32
      %get3A_138 = arith.index_cast %get3A_137 : i32 to index
      %get3A_139 = arith.constant 0 : index
      %get3A_140 = tpu.vector_load %arg5[%get3A_138, %get3A_139] {strides = array<i32>} : memref<8x256xf32, #tpu.memory_space<vmem>>, vector<16xf32>,
      %swap3A_141 = arith.constant 1 : i32
      %swap3A_142 = arith.index_cast %swap3A_141 : i32 to index
      %swap3A_143 = arith.constant 0 : index
      %swap3A_144 = tpu.vector_load %arg4[%swap3A_142, %swap3A_143] {strides = array<i32>} : memref<8x256xf32, #tpu.memory_space<vmem>>, vector<16xf32>,
      tpu.vector_store %arg4[%swap3A_142, %swap3A_143], %get3A_140 {add = true, strides = array<i32>} : memref<8x256xf32, #tpu.memory_space<vmem>>, vector<16xf32>,
      %get3A_145 = arith.constant 1 : i32
      %get3A_146 = arith.index_cast %get3A_145 : i32 to index
      %get3A_147 = arith.constant 16 : index
      %get3A_148 = tpu.vector_load %arg5[%get3A_146, %get3A_147] {strides = array<i32>} : memref<8x256xf32, #tpu.memory_space<vmem>>, vector<16xf32>,
      %swap3A_149 = arith.constant 1 : i32
      %swap3A_150 = arith.index_cast %swap3A_149 : i32 to index
      %swap3A_151 = arith.constant 16 : index
      %swap3A_152 = tpu.vector_load %arg4[%swap3A_150, %swap3A_151] {strides = array<i32>} : memref<8x256xf32, #tpu.memory_space<vmem>>, vector<16xf32>,
      tpu.vector_store %arg4[%swap3A_150, %swap3A_151], %get3A_148 {add = true, strides = array<i32>} : memref<8x256xf32, #tpu.memory_space<vmem>>, vector<16xf32>,
      %get3A_153 = arith.constant 1 : i32
      %get3A_154 = arith.index_cast %get3A_153 : i32 to index
      %get3A_155 = arith.constant 32 : index
      %get3A_156 = tpu.vector_load %arg5[%get3A_154, %get3A_155] {strides = array<i32>} : memref<8x256xf32, #tpu.memory_space<vmem>>, vector<16xf32>,
      %swap3A_157 = arith.constant 1 : i32
      %swap3A_158 = arith.index_cast %swap3A_157 : i32 to index
      %swap3A_159 = arith.constant 32 : index
      %swap3A_160 = tpu.vector_load %arg4[%swap3A_158, %swap3A_159] {strides = array<i32>} : memref<8x256xf32, #tpu.memory_space<vmem>>, vector<16xf32>,
      tpu.vector_store %arg4[%swap3A_158, %swap3A_159], %get3A_156 {add = true, strides = array<i32>} : memref<8x256xf32, #tpu.memory_space<vmem>>, vector<16xf32>,
      %get3A_161 = arith.constant 1 : i32
      %get3A_162 = arith.index_cast %get3A_161 : i32 to index
      %get3A_163 = arith.constant 48 : index
      %get3A_164 = tpu.vector_load %arg5[%get3A_162, %get3A_163] {strides = array<i32>} : memref<8x256xf32, #tpu.memory_space<vmem>>, vector<16xf32>,
      %swap3A_165 = arith.constant 1 : i32
      %swap3A_166 = arith.index_cast %swap3A_165 : i32 to index
      %swap3A_167 = arith.constant 48 : index
      %swap3A_168 = tpu.vector_load %arg4[%swap3A_166, %swap3A_167] {strides = array<i32>} : memref<8x256xf32, #tpu.memory_space<vmem>>, vector<16xf32>,
      tpu.vector_store %arg4[%swap3A_166, %swap3A_167], %get3A_164 {add = true, strides = array<i32>} : memref<8x256xf32, #tpu.memory_space<vmem>>, vector<16xf32>,
      %get3A_169 = arith.constant 1 : i32
      %get3A_170 = arith.index_cast %get3A_169 : i32 to index
      %get3A_171 = arith.constant 64 : index
      %get3A_172 = tpu.vector_load %arg5[%get3A_170, %get3A_171] {strides = array<i32>} : memref<8x256xf32, #tpu.memory_space<vmem>>, vector<16xf32>,
      %swap3A_173 = arith.constant 1 : i32
      %swap3A_174 = arith.index_cast %swap3A_173 : i32 to index
      %swap3A_175 = arith.constant 64 : index
      %swap3A_176 = tpu.vector_load %arg4[%swap3A_174, %swap3A_175] {strides = array<i32>} : memref<8x256xf32, #tpu.memory_space<vmem>>, vector<16xf32>,
      tpu.vector_store %arg4[%swap3A_174, %swap3A_175], %get3A_172 {add = true, strides = array<i32>} : memref<8x256xf32, #tpu.memory_space<vmem>>, vector<16xf32>,
      %get3A_177 = arith.constant 1 : i32
      %get3A_178 = arith.index_cast %get3A_177 : i32 to index
      %get3A_179 = arith.constant 80 : index
      %get3A_180 = tpu.vector_load %arg5[%get3A_178, %get3A_179] {strides = array<i32>} : memref<8x256xf32, #tpu.memory_space<vmem>>, vector<16xf32>,
      %swap3A_181 = arith.constant 1 : i32
      %swap3A_182 = arith.index_cast %swap3A_181 : i32 to index
      %swap3A_183 = arith.constant 80 : index
      %swap3A_184 = tpu.vector_load %arg4[%swap3A_182, %swap3A_183] {strides = array<i32>} : memref<8x256xf32, #tpu.memory_space<vmem>>, vector<16xf32>,
      tpu.vector_store %arg4[%swap3A_182, %swap3A_183], %get3A_180 {add = true, strides = array<i32>} : memref<8x256xf32, #tpu.memory_space<vmem>>, vector<16xf32>,
      %get3A_185 = arith.constant 1 : i32
      %get3A_186 = arith.index_cast %get3A_185 : i32 to index
      %get3A_187 = arith.constant 96 : index
      %get3A_188 = tpu.vector_load %arg5[%get3A_186, %get3A_187] {strides = array<i32>} : memref<8x256xf32, #tpu.memory_space<vmem>>, vector<16xf32>,
      %swap3A_189 = arith.constant 1 : i32
      %swap3A_190 = arith.index_cast %swap3A_189 : i32 to index
      %swap3A_191 = arith.constant 96 : index
      %swap3A_192 = tpu.vector_load %arg4[%swap3A_190, %swap3A_191] {strides = array<i32>} : memref<8x256xf32, #tpu.memory_space<vmem>>, vector<16xf32>,
      tpu.vector_store %arg4[%swap3A_190, %swap3A_191], %get3A_188 {add = true, strides = array<i32>} : memref<8x256xf32, #tpu.memory_space<vmem>>, vector<16xf32>,
      %get3A_193 = arith.constant 1 : i32
      %get3A_194 = arith.index_cast %get3A_193 : i32 to index
      %get3A_195 = arith.constant 112 : index
      %get3A_196 = tpu.vector_load %arg5[%get3A_194, %get3A_195] {strides = array<i32>} : memref<8x256xf32, #tpu.memory_space<vmem>>, vector<16xf32>,
      %swap3A_197 = arith.constant 1 : i32
      %swap3A_198 = arith.index_cast %swap3A_197 : i32 to index
      %swap3A_199 = arith.constant 112 : index
      %swap3A_200 = tpu.vector_load %arg4[%swap3A_198, %swap3A_199] {strides = array<i32>} : memref<8x256xf32, #tpu.memory_space<vmem>>, vector<16xf32>,
      tpu.vector_store %arg4[%swap3A_198, %swap3A_199], %get3A_196 {add = true, strides = array<i32>} : memref<8x256xf32, #tpu.memory_space<vmem>>, vector<16xf32>,
      %get3A_201 = arith.constant 1 : i32
      %get3A_202 = arith.index_cast %get3A_201 : i32 to index
      %get3A_203 = arith.constant 128 : index
      %get3A_204 = tpu.vector_load %arg5[%get3A_202, %get3A_203] {strides = array<i32>} : memref<8x256xf32, #tpu.memory_space<vmem>>, vector<16xf32>,
      %swap3A_205 = arith.constant 1 : i32
      %swap3A_206 = arith.index_cast %swap3A_205 : i32 to index
      %swap3A_207 = arith.constant 128 : index
      %swap3A_208 = tpu.vector_load %arg4[%swap3A_206, %swap3A_207] {strides = array<i32>} : memref<8x256xf32, #tpu.memory_space<vmem>>, vector<16xf32>,
      tpu.vector_store %arg4[%swap3A_206, %swap3A_207], %get3A_204 {add = true, strides = array<i32>} : memref<8x256xf32, #tpu.memory_space<vmem>>, vector<16xf32>,
      %get3A_209 = arith.constant 1 : i32
      %get3A_210 = arith.index_cast %get3A_209 : i32 to index
      %get3A_211 = arith.constant 144 : index
      %get3A_212 = tpu.vector_load %arg5[%get3A_210, %get3A_211] {strides = array<i32>} : memref<8x256xf32, #tpu.memory_space<vmem>>, vector<16xf32>,
      %swap3A_213 = arith.constant 1 : i32
      %swap3A_214 = arith.index_cast %swap3A_213 : i32 to index
      %swap3A_215 = arith.constant 144 : index
      %swap3A_216 = tpu.vector_load %arg4[%swap3A_214, %swap3A_215] {strides = array<i32>} : memref<8x256xf32, #tpu.memory_space<vmem>>, vector<16xf32>,
      tpu.vector_store %arg4[%swap3A_214, %swap3A_215], %get3A_212 {add = true, strides = array<i32>} : memref<8x256xf32, #tpu.memory_space<vmem>>, vector<16xf32>,
      %get3A_217 = arith.constant 1 : i32
      %get3A_218 = arith.index_cast %get3A_217 : i32 to index
      %get3A_219 = arith.constant 160 : index
      %get3A_220 = tpu.vector_load %arg5[%get3A_218, %get3A_219] {strides = array<i32>} : memref<8x256xf32, #tpu.memory_space<vmem>>, vector<16xf32>,
      %swap3A_221 = arith.constant 1 : i32
      %swap3A_222 = arith.index_cast %swap3A_221 : i32 to index
      %swap3A_223 = arith.constant 160 : index
      %swap3A_224 = tpu.vector_load %arg4[%swap3A_222, %swap3A_223] {strides = array<i32>} : memref<8x256xf32, #tpu.memory_space<vmem>>, vector<16xf32>,
      tpu.vector_store %arg4[%swap3A_222, %swap3A_223], %get3A_220 {add = true, strides = array<i32>} : memref<8x256xf32, #tpu.memory_space<vmem>>, vector<16xf32>,
      %get3A_225 = arith.constant 1 : i32
      %get3A_226 = arith.index_cast %get3A_225 : i32 to index
      %get3A_227 = arith.constant 176 : index
      %get3A_228 = tpu.vector_load %arg5[%get3A_226, %get3A_227] {strides = array<i32>} : memref<8x256xf32, #tpu.memory_space<vmem>>, vector<16xf32>,
      %swap3A_229 = arith.constant 1 : i32
      %swap3A_230 = arith.index_cast %swap3A_229 : i32 to index
      %swap3A_231 = arith.constant 176 : index
      %swap3A_232 = tpu.vector_load %arg4[%swap3A_230, %swap3A_231] {strides = array<i32>} : memref<8x256xf32, #tpu.memory_space<vmem>>, vector<16xf32>,
      tpu.vector_store %arg4[%swap3A_230, %swap3A_231], %get3A_228 {add = true, strides = array<i32>} : memref<8x256xf32, #tpu.memory_space<vmem>>, vector<16xf32>,
      %get3A_233 = arith.constant 1 : i32
      %get3A_234 = arith.index_cast %get3A_233 : i32 to index
      %get3A_235 = arith.constant 192 : index
      %get3A_236 = tpu.vector_load %arg5[%get3A_234, %get3A_235] {strides = array<i32>} : memref<8x256xf32, #tpu.memory_space<vmem>>, vector<16xf32>,
      %swap3A_237 = arith.constant 1 : i32
      %swap3A_238 = arith.index_cast %swap3A_237 : i32 to index
      %swap3A_239 = arith.constant 192 : index
      %swap3A_240 = tpu.vector_load %arg4[%swap3A_238, %swap3A_239] {strides = array<i32>} : memref<8x256xf32, #tpu.memory_space<vmem>>, vector<16xf32>,
      tpu.vector_store %arg4[%swap3A_238, %swap3A_239], %get3A_236 {add = true, strides = array<i32>} : memref<8x256xf32, #tpu.memory_space<vmem>>, vector<16xf32>,
      %get3A_241 = arith.constant 1 : i32
      %get3A_242 = arith.index_cast %get3A_241 : i32 to index
      %get3A_243 = arith.constant 208 : index
      %get3A_244 = tpu.vector_load %arg5[%get3A_242, %get3A_243] {strides = array<i32>} : memref<8x256xf32, #tpu.memory_space<vmem>>, vector<16xf32>,
      %swap3A_245 = arith.constant 1 : i32
      %swap3A_246 = arith.index_cast %swap3A_245 : i32 to index
      %swap3A_247 = arith.constant 208 : index
      %swap3A_248 = tpu.vector_load %arg4[%swap3A_246, %swap3A_247] {strides = array<i32>} : memref<8x256xf32, #tpu.memory_space<vmem>>, vector<16xf32>,
      tpu.vector_store %arg4[%swap3A_246, %swap3A_247], %get3A_244 {add = true, strides = array<i32>} : memref<8x256xf32, #tpu.memory_space<vmem>>, vector<16xf32>,
      %get3A_249 = arith.constant 1 : i32
      %get3A_250 = arith.index_cast %get3A_249 : i32 to index
      %get3A_251 = arith.constant 224 : index
      %get3A_252 = tpu.vector_load %arg5[%get3A_250, %get3A_251] {strides = array<i32>} : memref<8x256xf32, #tpu.memory_space<vmem>>, vector<16xf32>,
      %swap3A_253 = arith.constant 1 : i32
      %swap3A_254 = arith.index_cast %swap3A_253 : i32 to index
      %swap3A_255 = arith.constant 224 : index
      %swap3A_256 = tpu.vector_load %arg4[%swap3A_254, %swap3A_255] {strides = array<i32>} : memref<8x256xf32, #tpu.memory_space<vmem>>, vector<16xf32>,
      tpu.vector_store %arg4[%swap3A_254, %swap3A_255], %get3A_252 {add = true, strides = array<i32>} : memref<8x256xf32, #tpu.memory_space<vmem>>, vector<16xf32>,
      %get3A_257 = arith.constant 1 : i32
      %get3A_258 = arith.index_cast %get3A_257 : i32 to index
      %get3A_259 = arith.constant 240 : index
      %get3A_260 = tpu.vector_load %arg5[%get3A_258, %get3A_259] {strides = array<i32>} : memref<8x256xf32, #tpu.memory_space<vmem>>, vector<16xf32>,
      %swap3A_261 = arith.constant 1 : i32
      %swap3A_262 = arith.index_cast %swap3A_261 : i32 to index
      %swap3A_263 = arith.constant 240 : index
      %swap3A_264 = tpu.vector_load %arg4[%swap3A_262, %swap3A_263] {strides = array<i32>} : memref<8x256xf32, #tpu.memory_space<vmem>>, vector<16xf32>,
      tpu.vector_store %arg4[%swap3A_262, %swap3A_263], %get3A_260 {add = true, strides = array<i32>} : memref<8x256xf32, #tpu.memory_space<vmem>>, vector<16xf32>,
      %get3A_265 = arith.constant 2 : i32
      %get3A_266 = arith.index_cast %get3A_265 : i32 to index
      %get3A_267 = arith.constant 0 : index
      %get3A_268 = tpu.vector_load %arg5[%get3A_266, %get3A_267] {strides = array<i32>} : memref<8x256xf32, #tpu.memory_space<vmem>>, vector<16xf32>,
      %swap3A_269 = arith.constant 2 : i32
      %swap3A_270 = arith.index_cast %swap3A_269 : i32 to index
      %swap3A_271 = arith.constant 0 : index
      %swap3A_272 = tpu.vector_load %arg4[%swap3A_270, %swap3A_271] {strides = array<i32>} : memref<8x256xf32, #tpu.memory_space<vmem>>, vector<16xf32>,
      tpu.vector_store %arg4[%swap3A_270, %swap3A_271], %get3A_268 {add = true, strides = array<i32>} : memref<8x256xf32, #tpu.memory_space<vmem>>, vector<16xf32>,
      %get3A_273 = arith.constant 2 : i32
      %get3A_274 = arith.index_cast %get3A_273 : i32 to index
      %get3A_275 = arith.constant 16 : index
      %get3A_276 = tpu.vector_load %arg5[%get3A_274, %get3A_275] {strides = array<i32>} : memref<8x256xf32, #tpu.memory_space<vmem>>, vector<16xf32>,
      %swap3A_277 = arith.constant 2 : i32
      %swap3A_278 = arith.index_cast %swap3A_277 : i32 to index
      %swap3A_279 = arith.constant 16 : index
      %swap3A_280 = tpu.vector_load %arg4[%swap3A_278, %swap3A_279] {strides = array<i32>} : memref<8x256xf32, #tpu.memory_space<vmem>>, vector<16xf32>,
      tpu.vector_store %arg4[%swap3A_278, %swap3A_279], %get3A_276 {add = true, strides = array<i32>} : memref<8x256xf32, #tpu.memory_space<vmem>>, vector<16xf32>,
      %get3A_281 = arith.constant 2 : i32
      %get3A_282 = arith.index_cast %get3A_281 : i32 to index
      %get3A_283 = arith.constant 32 : index
      %get3A_284 = tpu.vector_load %arg5[%get3A_282, %get3A_283] {strides = array<i32>} : memref<8x256xf32, #tpu.memory_space<vmem>>, vector<16xf32>,
      %swap3A_285 = arith.constant 2 : i32
      %swap3A_286 = arith.index_cast %swap3A_285 : i32 to index
      %swap3A_287 = arith.constant 32 : index
      %swap3A_288 = tpu.vector_load %arg4[%swap3A_286, %swap3A_287] {strides = array<i32>} : memref<8x256xf32, #tpu.memory_space<vmem>>, vector<16xf32>,
      tpu.vector_store %arg4[%swap3A_286, %swap3A_287], %get3A_284 {add = true, strides = array<i32>} : memref<8x256xf32, #tpu.memory_space<vmem>>, vector<16xf32>,
      %get3A_289 = arith.constant 2 : i32
      %get3A_290 = arith.index_cast %get3A_289 : i32 to index
      %get3A_291 = arith.constant 48 : index
      %get3A_292 = tpu.vector_load %arg5[%get3A_290, %get3A_291] {strides = array<i32>} : memref<8x256xf32, #tpu.memory_space<vmem>>, vector<16xf32>,
      %swap3A_293 = arith.constant 2 : i32
      %swap3A_294 = arith.index_cast %swap3A_293 : i32 to index
      %swap3A_295 = arith.constant 48 : index
      %swap3A_296 = tpu.vector_load %arg4[%swap3A_294, %swap3A_295] {strides = array<i32>} : memref<8x256xf32, #tpu.memory_space<vmem>>, vector<16xf32>,
      tpu.vector_store %arg4[%swap3A_294, %swap3A_295], %get3A_292 {add = true, strides = array<i32>} : memref<8x256xf32, #tpu.memory_space<vmem>>, vector<16xf32>,
      %get3A_297 = arith.constant 2 : i32
      %get3A_298 = arith.index_cast %get3A_297 : i32 to index
      %get3A_299 = arith.constant 64 : index
      %get3A_300 = tpu.vector_load %arg5[%get3A_298, %get3A_299] {strides = array<i32>} : memref<8x256xf32, #tpu.memory_space<vmem>>, vector<16xf32>,
      %swap3A_301 = arith.constant 2 : i32
      %swap3A_302 = arith.index_cast %swap3A_301 : i32 to index
      %swap3A_303 = arith.constant 64 : index
      %swap3A_304 = tpu.vector_load %arg4[%swap3A_302, %swap3A_303] {strides = array<i32>} : memref<8x256xf32, #tpu.memory_space<vmem>>, vector<16xf32>,
      tpu.vector_store %arg4[%swap3A_302, %swap3A_303], %get3A_300 {add = true, strides = array<i32>} : memref<8x256xf32, #tpu.memory_space<vmem>>, vector<16xf32>,
      %get3A_305 = arith.constant 2 : i32
      %get3A_306 = arith.index_cast %get3A_305 : i32 to index
      %get3A_307 = arith.constant 80 : index
      %get3A_308 = tpu.vector_load %arg5[%get3A_306, %get3A_307] {strides = array<i32>} : memref<8x256xf32, #tpu.memory_space<vmem>>, vector<16xf32>,
      %swap3A_309 = arith.constant 2 : i32
      %swap3A_310 = arith.index_cast %swap3A_309 : i32 to index
      %swap3A_311 = arith.constant 80 : index
      %swap3A_312 = tpu.vector_load %arg4[%swap3A_310, %swap3A_311] {strides = array<i32>} : memref<8x256xf32, #tpu.memory_space<vmem>>, vector<16xf32>,
      tpu.vector_store %arg4[%swap3A_310, %swap3A_311], %get3A_308 {add = true, strides = array<i32>} : memref<8x256xf32, #tpu.memory_space<vmem>>, vector<16xf32>,
      %get3A_313 = arith.constant 2 : i32
      %get3A_314 = arith.index_cast %get3A_313 : i32 to index
      %get3A_315 = arith.constant 96 : index
      %get3A_316 = tpu.vector_load %arg5[%get3A_314, %get3A_315] {strides = array<i32>} : memref<8x256xf32, #tpu.memory_space<vmem>>, vector<16xf32>,
      %swap3A_317 = arith.constant 2 : i32
      %swap3A_318 = arith.index_cast %swap3A_317 : i32 to index
      %swap3A_319 = arith.constant 96 : index
      %swap3A_320 = tpu.vector_load %arg4[%swap3A_318, %swap3A_319] {strides = array<i32>} : memref<8x256xf32, #tpu.memory_space<vmem>>, vector<16xf32>,
      tpu.vector_store %arg4[%swap3A_318, %swap3A_319], %get3A_316 {add = true, strides = array<i32>} : memref<8x256xf32, #tpu.memory_space<vmem>>, vector<16xf32>,
      %get3A_321 = arith.constant 2 : i32
      %get3A_322 = arith.index_cast %get3A_321 : i32 to index
      %get3A_323 = arith.constant 112 : index
      %get3A_324 = tpu.vector_load %arg5[%get3A_322, %get3A_323] {strides = array<i32>} : memref<8x256xf32, #tpu.memory_space<vmem>>, vector<16xf32>,
      %swap3A_325 = arith.constant 2 : i32
      %swap3A_326 = arith.index_cast %swap3A_325 : i32 to index
      %swap3A_327 = arith.constant 112 : index
      %swap3A_328 = tpu.vector_load %arg4[%swap3A_326, %swap3A_327] {strides = array<i32>} : memref<8x256xf32, #tpu.memory_space<vmem>>, vector<16xf32>,
      tpu.vector_store %arg4[%swap3A_326, %swap3A_327], %get3A_324 {add = true, strides = array<i32>} : memref<8x256xf32, #tpu.memory_space<vmem>>, vector<16xf32>,
      %get3A_329 = arith.constant 2 : i32
      %get3A_330 = arith.index_cast %get3A_329 : i32 to index
      %get3A_331 = arith.constant 128 : index
      %get3A_332 = tpu.vector_load %arg5[%get3A_330, %get3A_331] {strides = array<i32>} : memref<8x256xf32, #tpu.memory_space<vmem>>, vector<16xf32>,
      %swap3A_333 = arith.constant 2 : i32
      %swap3A_334 = arith.index_cast %swap3A_333 : i32 to index
      %swap3A_335 = arith.constant 128 : index
      %swap3A_336 = tpu.vector_load %arg4[%swap3A_334, %swap3A_335] {strides = array<i32>} : memref<8x256xf32, #tpu.memory_space<vmem>>, vector<16xf32>,
      tpu.vector_store %arg4[%swap3A_334, %swap3A_335], %get3A_332 {add = true, strides = array<i32>} : memref<8x256xf32, #tpu.memory_space<vmem>>, vector<16xf32>,
      %get3A_337 = arith.constant 2 : i32
      %get3A_338 = arith.index_cast %get3A_337 : i32 to index
      %get3A_339 = arith.constant 144 : index
      %get3A_340 = tpu.vector_load %arg5[%get3A_338, %get3A_339] {strides = array<i32>} : memref<8x256xf32, #tpu.memory_space<vmem>>, vector<16xf32>,
      %swap3A_341 = arith.constant 2 : i32
      %swap3A_342 = arith.index_cast %swap3A_341 : i32 to index
      %swap3A_343 = arith.constant 144 : index
      %swap3A_344 = tpu.vector_load %arg4[%swap3A_342, %swap3A_343] {strides = array<i32>} : memref<8x256xf32, #tpu.memory_space<vmem>>, vector<16xf32>,
      tpu.vector_store %arg4[%swap3A_342, %swap3A_343], %get3A_340 {add = true, strides = array<i32>} : memref<8x256xf32, #tpu.memory_space<vmem>>, vector<16xf32>,
      %get3A_345 = arith.constant 2 : i32
      %get3A_346 = arith.index_cast %get3A_345 : i32 to index
      %get3A_347 = arith.constant 160 : index
      %get3A_348 = tpu.vector_load %arg5[%get3A_346, %get3A_347] {strides = array<i32>} : memref<8x256xf32, #tpu.memory_space<vmem>>, vector<16xf32>,
      %swap3A_349 = arith.constant 2 : i32
      %swap3A_350 = arith.index_cast %swap3A_349 : i32 to index
      %swap3A_351 = arith.constant 160 : index
      %swap3A_352 = tpu.vector_load %arg4[%swap3A_350, %swap3A_351] {strides = array<i32>} : memref<8x256xf32, #tpu.memory_space<vmem>>, vector<16xf32>,
      tpu.vector_store %arg4[%swap3A_350, %swap3A_351], %get3A_348 {add = true, strides = array<i32>} : memref<8x256xf32, #tpu.memory_space<vmem>>, vector<16xf32>,
      %get3A_353 = arith.constant 2 : i32
      %get3A_354 = arith.index_cast %get3A_353 : i32 to index
      %get3A_355 = arith.constant 176 : index
      %get3A_356 = tpu.vector_load %arg5[%get3A_354, %get3A_355] {strides = array<i32>} : memref<8x256xf32, #tpu.memory_space<vmem>>, vector<16xf32>,
      %swap3A_357 = arith.constant 2 : i32
      %swap3A_358 = arith.index_cast %swap3A_357 : i32 to index
      %swap3A_359 = arith.constant 176 : index
      %swap3A_360 = tpu.vector_load %arg4[%swap3A_358, %swap3A_359] {strides = array<i32>} : memref<8x256xf32, #tpu.memory_space<vmem>>, vector<16xf32>,
      tpu.vector_store %arg4[%swap3A_358, %swap3A_359], %get3A_356 {add = true, strides = array<i32>} : memref<8x256xf32, #tpu.memory_space<vmem>>, vector<16xf32>,
      %get3A_361 = arith.constant 2 : i32
      %get3A_362 = arith.index_cast %get3A_361 : i32 to index
      %get3A_363 = arith.constant 192 : index
      %get3A_364 = tpu.vector_load %arg5[%get3A_362, %get3A_363] {strides = array<i32>} : memref<8x256xf32, #tpu.memory_space<vmem>>, vector<16xf32>,
      %swap3A_365 = arith.constant 2 : i32
      %swap3A_366 = arith.index_cast %swap3A_365 : i32 to index
      %swap3A_367 = arith.constant 192 : index
      %swap3A_368 = tpu.vector_load %arg4[%swap3A_366, %swap3A_367] {strides = array<i32>} : memref<8x256xf32, #tpu.memory_space<vmem>>, vector<16xf32>,
      tpu.vector_store %arg4[%swap3A_366, %swap3A_367], %get3A_364 {add = true, strides = array<i32>} : memref<8x256xf32, #tpu.memory_space<vmem>>, vector<16xf32>,
      %get3A_369 = arith.constant 2 : i32
      %get3A_370 = arith.index_cast %get3A_369 : i32 to index
      %get3A_371 = arith.constant 208 : index
      %get3A_372 = tpu.vector_load %arg5[%get3A_370, %get3A_371] {strides = array<i32>} : memref<8x256xf32, #tpu.memory_space<vmem>>, vector<16xf32>,
      %swap3A_373 = arith.constant 2 : i32
      %swap3A_374 = arith.index_cast %swap3A_373 : i32 to index
      %swap3A_375 = arith.constant 208 : index
      %swap3A_376 = tpu.vector_load %arg4[%swap3A_374, %swap3A_375] {strides = array<i32>} : memref<8x256xf32, #tpu.memory_space<vmem>>, vector<16xf32>,
      tpu.vector_store %arg4[%swap3A_374, %swap3A_375], %get3A_372 {add = true, strides = array<i32>} : memref<8x256xf32, #tpu.memory_space<vmem>>, vector<16xf32>,
      %get3A_377 = arith.constant 2 : i32
      %get3A_378 = arith.index_cast %get3A_377 : i32 to index
      %get3A_379 = arith.constant 224 : index
      %get3A_380 = tpu.vector_load %arg5[%get3A_378, %get3A_379] {strides = array<i32>} : memref<8x256xf32, #tpu.memory_space<vmem>>, vector<16xf32>,
      %swap3A_381 = arith.constant 2 : i32
      %swap3A_382 = arith.index_cast %swap3A_381 : i32 to index
      %swap3A_383 = arith.constant 224 : index
      %swap3A_384 = tpu.vector_load %arg4[%swap3A_382, %swap3A_383] {strides = array<i32>} : memref<8x256xf32, #tpu.memory_space<vmem>>, vector<16xf32>,
      tpu.vector_store %arg4[%swap3A_382, %swap3A_383], %get3A_380 {add = true, strides = array<i32>} : memref<8x256xf32, #tpu.memory_space<vmem>>, vector<16xf32>,
      %get3A_385 = arith.constant 2 : i32
      %get3A_386 = arith.index_cast %get3A_385 : i32 to index
      %get3A_387 = arith.constant 240 : index
      %get3A_388 = tpu.vector_load %arg5[%get3A_386, %get3A_387] {strides = array<i32>} : memref<8x256xf32, #tpu.memory_space<vmem>>, vector<16xf32>,
      %swap3A_389 = arith.constant 2 : i32
      %swap3A_390 = arith.index_cast %swap3A_389 : i32 to index
      %swap3A_391 = arith.constant 240 : index
      %swap3A_392 = tpu.vector_load %arg4[%swap3A_390, %swap3A_391] {strides = array<i32>} : memref<8x256xf32, #tpu.memory_space<vmem>>, vector<16xf32>,
      tpu.vector_store %arg4[%swap3A_390, %swap3A_391], %get3A_388 {add = true, strides = array<i32>} : memref<8x256xf32, #tpu.memory_space<vmem>>, vector<16xf32>,
      %get3A_393 = arith.constant 3 : i32
      %get3A_394 = arith.index_cast %get3A_393 : i32 to index
      %get3A_395 = arith.constant 0 : index
      %get3A_396 = tpu.vector_load %arg5[%get3A_394, %get3A_395] {strides = array<i32>} : memref<8x256xf32, #tpu.memory_space<vmem>>, vector<16xf32>,
      %swap3A_397 = arith.constant 3 : i32
      %swap3A_398 = arith.index_cast %swap3A_397 : i32 to index
      %swap3A_399 = arith.constant 0 : index
      %swap3A_400 = tpu.vector_load %arg4[%swap3A_398, %swap3A_399] {strides = array<i32>} : memref<8x256xf32, #tpu.memory_space<vmem>>, vector<16xf32>,
      tpu.vector_store %arg4[%swap3A_398, %swap3A_399], %get3A_396 {add = true, strides = array<i32>} : memref<8x256xf32, #tpu.memory_space<vmem>>, vector<16xf32>,
      %get3A_401 = arith.constant 3 : i32
      %get3A_402 = arith.index_cast %get3A_401 : i32 to index
      %get3A_403 = arith.constant 16 : index
      %get3A_404 = tpu.vector_load %arg5[%get3A_402, %get3A_403] {strides = array<i32>} : memref<8x256xf32, #tpu.memory_space<vmem>>, vector<16xf32>,
      %swap3A_405 = arith.constant 3 : i32
      %swap3A_406 = arith.index_cast %swap3A_405 : i32 to index
      %swap3A_407 = arith.constant 16 : index
      %swap3A_408 = tpu.vector_load %arg4[%swap3A_406, %swap3A_407] {strides = array<i32>} : memref<8x256xf32, #tpu.memory_space<vmem>>, vector<16xf32>,
      tpu.vector_store %arg4[%swap3A_406, %swap3A_407], %get3A_404 {add = true, strides = array<i32>} : memref<8x256xf32, #tpu.memory_space<vmem>>, vector<16xf32>,
      %get3A_409 = arith.constant 3 : i32
      %get3A_410 = arith.index_cast %get3A_409 : i32 to index
      %get3A_411 = arith.constant 32 : index
      %get3A_412 = tpu.vector_load %arg5[%get3A_410, %get3A_411] {strides = array<i32>} : memref<8x256xf32, #tpu.memory_space<vmem>>, vector<16xf32>,
      %swap3A_413 = arith.constant 3 : i32
      %swap3A_414 = arith.index_cast %swap3A_413 : i32 to index
      %swap3A_415 = arith.constant 32 : index
      %swap3A_416 = tpu.vector_load %arg4[%swap3A_414, %swap3A_415] {strides = array<i32>} : memref<8x256xf32, #tpu.memory_space<vmem>>, vector<16xf32>,
      tpu.vector_store %arg4[%swap3A_414, %swap3A_415], %get3A_412 {add = true, strides = array<i32>} : memref<8x256xf32, #tpu.memory_space<vmem>>, vector<16xf32>,
      %get3A_417 = arith.constant 3 : i32
      %get3A_418 = arith.index_cast %get3A_417 : i32 to index
      %get3A_419 = arith.constant 48 : index
      %get3A_420 = tpu.vector_load %arg5[%get3A_418, %get3A_419] {strides = array<i32>} : memref<8x256xf32, #tpu.memory_space<vmem>>, vector<16xf32>,
      %swap3A_421 = arith.constant 3 : i32
      %swap3A_422 = arith.index_cast %swap3A_421 : i32 to index
      %swap3A_423 = arith.constant 48 : index
      %swap3A_424 = tpu.vector_load %arg4[%swap3A_422, %swap3A_423] {strides = array<i32>} : memref<8x256xf32, #tpu.memory_space<vmem>>, vector<16xf32>,
      tpu.vector_store %arg4[%swap3A_422, %swap3A_423], %get3A_420 {add = true, strides = array<i32>} : memref<8x256xf32, #tpu.memory_space<vmem>>, vector<16xf32>,
      %get3A_425 = arith.constant 3 : i32
      %get3A_426 = arith.index_cast %get3A_425 : i32 to index
      %get3A_427 = arith.constant 64 : index
      %get3A_428 = tpu.vector_load %arg5[%get3A_426, %get3A_427] {strides = array<i32>} : memref<8x256xf32, #tpu.memory_space<vmem>>, vector<16xf32>,
      %swap3A_429 = arith.constant 3 : i32
      %swap3A_430 = arith.index_cast %swap3A_429 : i32 to index
      %swap3A_431 = arith.constant 64 : index
      %swap3A_432 = tpu.vector_load %arg4[%swap3A_430, %swap3A_431] {strides = array<i32>} : memref<8x256xf32, #tpu.memory_space<vmem>>, vector<16xf32>,
      tpu.vector_store %arg4[%swap3A_430, %swap3A_431], %get3A_428 {add = true, strides = array<i32>} : memref<8x256xf32, #tpu.memory_space<vmem>>, vector<16xf32>,
      %get3A_433 = arith.constant 3 : i32
      %get3A_434 = arith.index_cast %get3A_433 : i32 to index
      %get3A_435 = arith.constant 80 : index
      %get3A_436 = tpu.vector_load %arg5[%get3A_434, %get3A_435] {strides = array<i32>} : memref<8x256xf32, #tpu.memory_space<vmem>>, vector<16xf32>,
      %swap3A_437 = arith.constant 3 : i32
      %swap3A_438 = arith.index_cast %swap3A_437 : i32 to index
      %swap3A_439 = arith.constant 80 : index
      %swap3A_440 = tpu.vector_load %arg4[%swap3A_438, %swap3A_439] {strides = array<i32>} : memref<8x256xf32, #tpu.memory_space<vmem>>, vector<16xf32>,
      tpu.vector_store %arg4[%swap3A_438, %swap3A_439], %get3A_436 {add = true, strides = array<i32>} : memref<8x256xf32, #tpu.memory_space<vmem>>, vector<16xf32>,
      %get3A_441 = arith.constant 3 : i32
      %get3A_442 = arith.index_cast %get3A_441 : i32 to index
      %get3A_443 = arith.constant 96 : index
      %get3A_444 = tpu.vector_load %arg5[%get3A_442, %get3A_443] {strides = array<i32>} : memref<8x256xf32, #tpu.memory_space<vmem>>, vector<16xf32>,
      %swap3A_445 = arith.constant 3 : i32
      %swap3A_446 = arith.index_cast %swap3A_445 : i32 to index
      %swap3A_447 = arith.constant 96 : index
      %swap3A_448 = tpu.vector_load %arg4[%swap3A_446, %swap3A_447] {strides = array<i32>} : memref<8x256xf32, #tpu.memory_space<vmem>>, vector<16xf32>,
      tpu.vector_store %arg4[%swap3A_446, %swap3A_447], %get3A_444 {add = true, strides = array<i32>} : memref<8x256xf32, #tpu.memory_space<vmem>>, vector<16xf32>,
      %get3A_449 = arith.constant 3 : i32
      %get3A_450 = arith.index_cast %get3A_449 : i32 to index
      %get3A_451 = arith.constant 112 : index
      %get3A_452 = tpu.vector_load %arg5[%get3A_450, %get3A_451] {strides = array<i32>} : memref<8x256xf32, #tpu.memory_space<vmem>>, vector<16xf32>,
      %swap3A_453 = arith.constant 3 : i32
      %swap3A_454 = arith.index_cast %swap3A_453 : i32 to index
      %swap3A_455 = arith.constant 112 : index
      %swap3A_456 = tpu.vector_load %arg4[%swap3A_454, %swap3A_455] {strides = array<i32>} : memref<8x256xf32, #tpu.memory_space<vmem>>, vector<16xf32>,
      tpu.vector_store %arg4[%swap3A_454, %swap3A_455], %get3A_452 {add = true, strides = array<i32>} : memref<8x256xf32, #tpu.memory_space<vmem>>, vector<16xf32>,
      %get3A_457 = arith.constant 3 : i32
      %get3A_458 = arith.index_cast %get3A_457 : i32 to index
      %get3A_459 = arith.constant 128 : index
      %get3A_460 = tpu.vector_load %arg5[%get3A_458, %get3A_459] {strides = array<i32>} : memref<8x256xf32, #tpu.memory_space<vmem>>, vector<16xf32>,
      %swap3A_461 = arith.constant 3 : i32
      %swap3A_462 = arith.index_cast %swap3A_461 : i32 to index
      %swap3A_463 = arith.constant 128 : index
      %swap3A_464 = tpu.vector_load %arg4[%swap3A_462, %swap3A_463] {strides = array<i32>} : memref<8x256xf32, #tpu.memory_space<vmem>>, vector<16xf32>,
      tpu.vector_store %arg4[%swap3A_462, %swap3A_463], %get3A_460 {add = true, strides = array<i32>} : memref<8x256xf32, #tpu.memory_space<vmem>>, vector<16xf32>,
      %get3A_465 = arith.constant 3 : i32
      %get3A_466 = arith.index_cast %get3A_465 : i32 to index
      %get3A_467 = arith.constant 144 : index
      %get3A_468 = tpu.vector_load %arg5[%get3A_466, %get3A_467] {strides = array<i32>} : memref<8x256xf32, #tpu.memory_space<vmem>>, vector<16xf32>,
      %swap3A_469 = arith.constant 3 : i32
      %swap3A_470 = arith.index_cast %swap3A_469 : i32 to index
      %swap3A_471 = arith.constant 144 : index
      %swap3A_472 = tpu.vector_load %arg4[%swap3A_470, %swap3A_471] {strides = array<i32>} : memref<8x256xf32, #tpu.memory_space<vmem>>, vector<16xf32>,
      tpu.vector_store %arg4[%swap3A_470, %swap3A_471], %get3A_468 {add = true, strides = array<i32>} : memref<8x256xf32, #tpu.memory_space<vmem>>, vector<16xf32>,
      %get3A_473 = arith.constant 3 : i32
      %get3A_474 = arith.index_cast %get3A_473 : i32 to index
      %get3A_475 = arith.constant 160 : index
      %get3A_476 = tpu.vector_load %arg5[%get3A_474, %get3A_475] {strides = array<i32>} : memref<8x256xf32, #tpu.memory_space<vmem>>, vector<16xf32>,
      %swap3A_477 = arith.constant 3 : i32
      %swap3A_478 = arith.index_cast %swap3A_477 : i32 to index
      %swap3A_479 = arith.constant 160 : index
      %swap3A_480 = tpu.vector_load %arg4[%swap3A_478, %swap3A_479] {strides = array<i32>} : memref<8x256xf32, #tpu.memory_space<vmem>>, vector<16xf32>,
      tpu.vector_store %arg4[%swap3A_478, %swap3A_479], %get3A_476 {add = true, strides = array<i32>} : memref<8x256xf32, #tpu.memory_space<vmem>>, vector<16xf32>,
      %get3A_481 = arith.constant 3 : i32
      %get3A_482 = arith.index_cast %get3A_481 : i32 to index
      %get3A_483 = arith.constant 176 : index
      %get3A_484 = tpu.vector_load %arg5[%get3A_482, %get3A_483] {strides = array<i32>} : memref<8x256xf32, #tpu.memory_space<vmem>>, vector<16xf32>,
      %swap3A_485 = arith.constant 3 : i32
      %swap3A_486 = arith.index_cast %swap3A_485 : i32 to index
      %swap3A_487 = arith.constant 176 : index
      %swap3A_488 = tpu.vector_load %arg4[%swap3A_486, %swap3A_487] {strides = array<i32>} : memref<8x256xf32, #tpu.memory_space<vmem>>, vector<16xf32>,
      tpu.vector_store %arg4[%swap3A_486, %swap3A_487], %get3A_484 {add = true, strides = array<i32>} : memref<8x256xf32, #tpu.memory_space<vmem>>, vector<16xf32>,
      %get3A_489 = arith.constant 3 : i32
      %get3A_490 = arith.index_cast %get3A_489 : i32 to index
      %get3A_491 = arith.constant 192 : index
      %get3A_492 = tpu.vector_load %arg5[%get3A_490, %get3A_491] {strides = array<i32>} : memref<8x256xf32, #tpu.memory_space<vmem>>, vector<16xf32>,
      %swap3A_493 = arith.constant 3 : i32
      %swap3A_494 = arith.index_cast %swap3A_493 : i32 to index
      %swap3A_495 = arith.constant 192 : index
      %swap3A_496 = tpu.vector_load %arg4[%swap3A_494, %swap3A_495] {strides = array<i32>} : memref<8x256xf32, #tpu.memory_space<vmem>>, vector<16xf32>,
      tpu.vector_store %arg4[%swap3A_494, %swap3A_495], %get3A_492 {add = true, strides = array<i32>} : memref<8x256xf32, #tpu.memory_space<vmem>>, vector<16xf32>,
      %get3A_497 = arith.constant 3 : i32
      %get3A_498 = arith.index_cast %get3A_497 : i32 to index
      %get3A_499 = arith.constant 208 : index
      %get3A_500 = tpu.vector_load %arg5[%get3A_498, %get3A_499] {strides = array<i32>} : memref<8x256xf32, #tpu.memory_space<vmem>>, vector<16xf32>,
      %swap3A_501 = arith.constant 3 : i32
      %swap3A_502 = arith.index_cast %swap3A_501 : i32 to index
      %swap3A_503 = arith.constant 208 : index
      %swap3A_504 = tpu.vector_load %arg4[%swap3A_502, %swap3A_503] {strides = array<i32>} : memref<8x256xf32, #tpu.memory_space<vmem>>, vector<16xf32>,
      tpu.vector_store %arg4[%swap3A_502, %swap3A_503], %get3A_500 {add = true, strides = array<i32>} : memref<8x256xf32, #tpu.memory_space<vmem>>, vector<16xf32>,
      %get3A_505 = arith.constant 3 : i32
      %get3A_506 = arith.index_cast %get3A_505 : i32 to index
      %get3A_507 = arith.constant 224 : index
      %get3A_508 = tpu.vector_load %arg5[%get3A_506, %get3A_507] {strides = array<i32>} : memref<8x256xf32, #tpu.memory_space<vmem>>, vector<16xf32>,
      %swap3A_509 = arith.constant 3 : i32
      %swap3A_510 = arith.index_cast %swap3A_509 : i32 to index
      %swap3A_511 = arith.constant 224 : index
      %swap3A_512 = tpu.vector_load %arg4[%swap3A_510, %swap3A_511] {strides = array<i32>} : memref<8x256xf32, #tpu.memory_space<vmem>>, vector<16xf32>,
      tpu.vector_store %arg4[%swap3A_510, %swap3A_511], %get3A_508 {add = true, strides = array<i32>} : memref<8x256xf32, #tpu.memory_space<vmem>>, vector<16xf32>,
      %get3A_513 = arith.constant 3 : i32
      %get3A_514 = arith.index_cast %get3A_513 : i32 to index
      %get3A_515 = arith.constant 240 : index
      %get3A_516 = tpu.vector_load %arg5[%get3A_514, %get3A_515] {strides = array<i32>} : memref<8x256xf32, #tpu.memory_space<vmem>>, vector<16xf32>,
      %swap3A_517 = arith.constant 3 : i32
      %swap3A_518 = arith.index_cast %swap3A_517 : i32 to index
      %swap3A_519 = arith.constant 240 : index
      %swap3A_520 = tpu.vector_load %arg4[%swap3A_518, %swap3A_519] {strides = array<i32>} : memref<8x256xf32, #tpu.memory_space<vmem>>, vector<16xf32>,
      tpu.vector_store %arg4[%swap3A_518, %swap3A_519], %get3A_516 {add = true, strides = array<i32>} : memref<8x256xf32, #tpu.memory_space<vmem>>, vector<16xf32>,
      %get3A_521 = arith.constant 4 : i32
      %get3A_522 = arith.index_cast %get3A_521 : i32 to index
      %get3A_523 = arith.constant 0 : index
      %get3A_524 = tpu.vector_load %arg5[%get3A_522, %get3A_523] {strides = array<i32>} : memref<8x256xf32, #tpu.memory_space<vmem>>, vector<16xf32>,
      %swap3A_525 = arith.constant 4 : i32
      %swap3A_526 = arith.index_cast %swap3A_525 : i32 to index
      %swap3A_527 = arith.constant 0 : index
      %swap3A_528 = tpu.vector_load %arg4[%swap3A_526, %swap3A_527] {strides = array<i32>} : memref<8x256xf32, #tpu.memory_space<vmem>>, vector<16xf32>,
      tpu.vector_store %arg4[%swap3A_526, %swap3A_527], %get3A_524 {add = true, strides = array<i32>} : memref<8x256xf32, #tpu.memory_space<vmem>>, vector<16xf32>,
      %get3A_529 = arith.constant 4 : i32
      %get3A_530 = arith.index_cast %get3A_529 : i32 to index
      %get3A_531 = arith.constant 16 : index
      %get3A_532 = tpu.vector_load %arg5[%get3A_530, %get3A_531] {strides = array<i32>} : memref<8x256xf32, #tpu.memory_space<vmem>>, vector<16xf32>,
      %swap3A_533 = arith.constant 4 : i32
      %swap3A_534 = arith.index_cast %swap3A_533 : i32 to index
      %swap3A_535 = arith.constant 16 : index
      %swap3A_536 = tpu.vector_load %arg4[%swap3A_534, %swap3A_535] {strides = array<i32>} : memref<8x256xf32, #tpu.memory_space<vmem>>, vector<16xf32>,
      tpu.vector_store %arg4[%swap3A_534, %swap3A_535], %get3A_532 {add = true, strides = array<i32>} : memref<8x256xf32, #tpu.memory_space<vmem>>, vector<16xf32>,
      %get3A_537 = arith.constant 4 : i32
      %get3A_538 = arith.index_cast %get3A_537 : i32 to index
      %get3A_539 = arith.constant 32 : index
      %get3A_540 = tpu.vector_load %arg5[%get3A_538, %get3A_539] {strides = array<i32>} : memref<8x256xf32, #tpu.memory_space<vmem>>, vector<16xf32>,
      %swap3A_541 = arith.constant 4 : i32
      %swap3A_542 = arith.index_cast %swap3A_541 : i32 to index
      %swap3A_543 = arith.constant 32 : index
      %swap3A_544 = tpu.vector_load %arg4[%swap3A_542, %swap3A_543] {strides = array<i32>} : memref<8x256xf32, #tpu.memory_space<vmem>>, vector<16xf32>,
      tpu.vector_store %arg4[%swap3A_542, %swap3A_543], %get3A_540 {add = true, strides = array<i32>} : memref<8x256xf32, #tpu.memory_space<vmem>>, vector<16xf32>,
      %get3A_545 = arith.constant 4 : i32
      %get3A_546 = arith.index_cast %get3A_545 : i32 to index
      %get3A_547 = arith.constant 48 : index
      %get3A_548 = tpu.vector_load %arg5[%get3A_546, %get3A_547] {strides = array<i32>} : memref<8x256xf32, #tpu.memory_space<vmem>>, vector<16xf32>,
      %swap3A_549 = arith.constant 4 : i32
      %swap3A_550 = arith.index_cast %swap3A_549 : i32 to index
      %swap3A_551 = arith.constant 48 : index
      %swap3A_552 = tpu.vector_load %arg4[%swap3A_550, %swap3A_551] {strides = array<i32>} : memref<8x256xf32, #tpu.memory_space<vmem>>, vector<16xf32>,
      tpu.vector_store %arg4[%swap3A_550, %swap3A_551], %get3A_548 {add = true, strides = array<i32>} : memref<8x256xf32, #tpu.memory_space<vmem>>, vector<16xf32>,
      %get3A_553 = arith.constant 4 : i32
      %get3A_554 = arith.index_cast %get3A_553 : i32 to index
      %get3A_555 = arith.constant 64 : index
      %get3A_556 = tpu.vector_load %arg5[%get3A_554, %get3A_555] {strides = array<i32>} : memref<8x256xf32, #tpu.memory_space<vmem>>, vector<16xf32>,
      %swap3A_557 = arith.constant 4 : i32
      %swap3A_558 = arith.index_cast %swap3A_557 : i32 to index
      %swap3A_559 = arith.constant 64 : index
      %swap3A_560 = tpu.vector_load %arg4[%swap3A_558, %swap3A_559] {strides = array<i32>} : memref<8x256xf32, #tpu.memory_space<vmem>>, vector<16xf32>,
      tpu.vector_store %arg4[%swap3A_558, %swap3A_559], %get3A_556 {add = true, strides = array<i32>} : memref<8x256xf32, #tpu.memory_space<vmem>>, vector<16xf32>,
      %get3A_561 = arith.constant 4 : i32
      %get3A_562 = arith.index_cast %get3A_561 : i32 to index
      %get3A_563 = arith.constant 80 : index
      %get3A_564 = tpu.vector_load %arg5[%get3A_562, %get3A_563] {strides = array<i32>} : memref<8x256xf32, #tpu.memory_space<vmem>>, vector<16xf32>,
      %swap3A_565 = arith.constant 4 : i32
      %swap3A_566 = arith.index_cast %swap3A_565 : i32 to index
      %swap3A_567 = arith.constant 80 : index
      %swap3A_568 = tpu.vector_load %arg4[%swap3A_566, %swap3A_567] {strides = array<i32>} : memref<8x256xf32, #tpu.memory_space<vmem>>, vector<16xf32>,
      tpu.vector_store %arg4[%swap3A_566, %swap3A_567], %get3A_564 {add = true, strides = array<i32>} : memref<8x256xf32, #tpu.memory_space<vmem>>, vector<16xf32>,
      %get3A_569 = arith.constant 4 : i32
      %get3A_570 = arith.index_cast %get3A_569 : i32 to index
      %get3A_571 = arith.constant 96 : index
      %get3A_572 = tpu.vector_load %arg5[%get3A_570, %get3A_571] {strides = array<i32>} : memref<8x256xf32, #tpu.memory_space<vmem>>, vector<16xf32>,
      %swap3A_573 = arith.constant 4 : i32
      %swap3A_574 = arith.index_cast %swap3A_573 : i32 to index
      %swap3A_575 = arith.constant 96 : index
      %swap3A_576 = tpu.vector_load %arg4[%swap3A_574, %swap3A_575] {strides = array<i32>} : memref<8x256xf32, #tpu.memory_space<vmem>>, vector<16xf32>,
      tpu.vector_store %arg4[%swap3A_574, %swap3A_575], %get3A_572 {add = true, strides = array<i32>} : memref<8x256xf32, #tpu.memory_space<vmem>>, vector<16xf32>,
      %get3A_577 = arith.constant 4 : i32
      %get3A_578 = arith.index_cast %get3A_577 : i32 to index
      %get3A_579 = arith.constant 112 : index
      %get3A_580 = tpu.vector_load %arg5[%get3A_578, %get3A_579] {strides = array<i32>} : memref<8x256xf32, #tpu.memory_space<vmem>>, vector<16xf32>,
      %swap3A_581 = arith.constant 4 : i32
      %swap3A_582 = arith.index_cast %swap3A_581 : i32 to index
      %swap3A_583 = arith.constant 112 : index
      %swap3A_584 = tpu.vector_load %arg4[%swap3A_582, %swap3A_583] {strides = array<i32>} : memref<8x256xf32, #tpu.memory_space<vmem>>, vector<16xf32>,
      tpu.vector_store %arg4[%swap3A_582, %swap3A_583], %get3A_580 {add = true, strides = array<i32>} : memref<8x256xf32, #tpu.memory_space<vmem>>, vector<16xf32>,
      %get3A_585 = arith.constant 4 : i32
      %get3A_586 = arith.index_cast %get3A_585 : i32 to index
      %get3A_587 = arith.constant 128 : index
      %get3A_588 = tpu.vector_load %arg5[%get3A_586, %get3A_587] {strides = array<i32>} : memref<8x256xf32, #tpu.memory_space<vmem>>, vector<16xf32>,
      %swap3A_589 = arith.constant 4 : i32
      %swap3A_590 = arith.index_cast %swap3A_589 : i32 to index
      %swap3A_591 = arith.constant 128 : index
      %swap3A_592 = tpu.vector_load %arg4[%swap3A_590, %swap3A_591] {strides = array<i32>} : memref<8x256xf32, #tpu.memory_space<vmem>>, vector<16xf32>,
      tpu.vector_store %arg4[%swap3A_590, %swap3A_591], %get3A_588 {add = true, strides = array<i32>} : memref<8x256xf32, #tpu.memory_space<vmem>>, vector<16xf32>,
      %get3A_593 = arith.constant 4 : i32
      %get3A_594 = arith.index_cast %get3A_593 : i32 to index
      %get3A_595 = arith.constant 144 : index
      %get3A_596 = tpu.vector_load %arg5[%get3A_594, %get3A_595] {strides = array<i32>} : memref<8x256xf32, #tpu.memory_space<vmem>>, vector<16xf32>,
      %swap3A_597 = arith.constant 4 : i32
      %swap3A_598 = arith.index_cast %swap3A_597 : i32 to index
      %swap3A_599 = arith.constant 144 : index
      %swap3A_600 = tpu.vector_load %arg4[%swap3A_598, %swap3A_599] {strides = array<i32>} : memref<8x256xf32, #tpu.memory_space<vmem>>, vector<16xf32>,
      tpu.vector_store %arg4[%swap3A_598, %swap3A_599], %get3A_596 {add = true, strides = array<i32>} : memref<8x256xf32, #tpu.memory_space<vmem>>, vector<16xf32>,
      %get3A_601 = arith.constant 4 : i32
      %get3A_602 = arith.index_cast %get3A_601 : i32 to index
      %get3A_603 = arith.constant 160 : index
      %get3A_604 = tpu.vector_load %arg5[%get3A_602, %get3A_603] {strides = array<i32>} : memref<8x256xf32, #tpu.memory_space<vmem>>, vector<16xf32>,
      %swap3A_605 = arith.constant 4 : i32
      %swap3A_606 = arith.index_cast %swap3A_605 : i32 to index
      %swap3A_607 = arith.constant 160 : index
      %swap3A_608 = tpu.vector_load %arg4[%swap3A_606, %swap3A_607] {strides = array<i32>} : memref<8x256xf32, #tpu.memory_space<vmem>>, vector<16xf32>,
      tpu.vector_store %arg4[%swap3A_606, %swap3A_607], %get3A_604 {add = true, strides = array<i32>} : memref<8x256xf32, #tpu.memory_space<vmem>>, vector<16xf32>,
      %get3A_609 = arith.constant 4 : i32
      %get3A_610 = arith.index_cast %get3A_609 : i32 to index
      %get3A_611 = arith.constant 176 : index
      %get3A_612 = tpu.vector_load %arg5[%get3A_610, %get3A_611] {strides = array<i32>} : memref<8x256xf32, #tpu.memory_space<vmem>>, vector<16xf32>,
      %swap3A_613 = arith.constant 4 : i32
      %swap3A_614 = arith.index_cast %swap3A_613 : i32 to index
      %swap3A_615 = arith.constant 176 : index
      %swap3A_616 = tpu.vector_load %arg4[%swap3A_614, %swap3A_615] {strides = array<i32>} : memref<8x256xf32, #tpu.memory_space<vmem>>, vector<16xf32>,
      tpu.vector_store %arg4[%swap3A_614, %swap3A_615], %get3A_612 {add = true, strides = array<i32>} : memref<8x256xf32, #tpu.memory_space<vmem>>, vector<16xf32>,
      %get3A_617 = arith.constant 4 : i32
      %get3A_618 = arith.index_cast %get3A_617 : i32 to index
      %get3A_619 = arith.constant 192 : index
      %get3A_620 = tpu.vector_load %arg5[%get3A_618, %get3A_619] {strides = array<i32>} : memref<8x256xf32, #tpu.memory_space<vmem>>, vector<16xf32>,
      %swap3A_621 = arith.constant 4 : i32
      %swap3A_622 = arith.index_cast %swap3A_621 : i32 to index
      %swap3A_623 = arith.constant 192 : index
      %swap3A_624 = tpu.vector_load %arg4[%swap3A_622, %swap3A_623] {strides = array<i32>} : memref<8x256xf32, #tpu.memory_space<vmem>>, vector<16xf32>,
      tpu.vector_store %arg4[%swap3A_622, %swap3A_623], %get3A_620 {add = true, strides = array<i32>} : memref<8x256xf32, #tpu.memory_space<vmem>>, vector<16xf32>,
      %get3A_625 = arith.constant 4 : i32
      %get3A_626 = arith.index_cast %get3A_625 : i32 to index
      %get3A_627 = arith.constant 208 : index
      %get3A_628 = tpu.vector_load %arg5[%get3A_626, %get3A_627] {strides = array<i32>} : memref<8x256xf32, #tpu.memory_space<vmem>>, vector<16xf32>,
      %swap3A_629 = arith.constant 4 : i32
      %swap3A_630 = arith.index_cast %swap3A_629 : i32 to index
      %swap3A_631 = arith.constant 208 : index
      %swap3A_632 = tpu.vector_load %arg4[%swap3A_630, %swap3A_631] {strides = array<i32>} : memref<8x256xf32, #tpu.memory_space<vmem>>, vector<16xf32>,
      tpu.vector_store %arg4[%swap3A_630, %swap3A_631], %get3A_628 {add = true, strides = array<i32>} : memref<8x256xf32, #tpu.memory_space<vmem>>, vector<16xf32>,
      %get3A_633 = arith.constant 4 : i32
      %get3A_634 = arith.index_cast %get3A_633 : i32 to index
      %get3A_635 = arith.constant 224 : index
      %get3A_636 = tpu.vector_load %arg5[%get3A_634, %get3A_635] {strides = array<i32>} : memref<8x256xf32, #tpu.memory_space<vmem>>, vector<16xf32>,
      %swap3A_637 = arith.constant 4 : i32
      %swap3A_638 = arith.index_cast %swap3A_637 : i32 to index
      %swap3A_639 = arith.constant 224 : index
      %swap3A_640 = tpu.vector_load %arg4[%swap3A_638, %swap3A_639] {strides = array<i32>} : memref<8x256xf32, #tpu.memory_space<vmem>>, vector<16xf32>,
      tpu.vector_store %arg4[%swap3A_638, %swap3A_639], %get3A_636 {add = true, strides = array<i32>} : memref<8x256xf32, #tpu.memory_space<vmem>>, vector<16xf32>,
      %get3A_641 = arith.constant 4 : i32
      %get3A_642 = arith.index_cast %get3A_641 : i32 to index
      %get3A_643 = arith.constant 240 : index
      %get3A_644 = tpu.vector_load %arg5[%get3A_642, %get3A_643] {strides = array<i32>} : memref<8x256xf32, #tpu.memory_space<vmem>>, vector<16xf32>,
      %swap3A_645 = arith.constant 4 : i32
      %swap3A_646 = arith.index_cast %swap3A_645 : i32 to index
      %swap3A_647 = arith.constant 240 : index
      %swap3A_648 = tpu.vector_load %arg4[%swap3A_646, %swap3A_647] {strides = array<i32>} : memref<8x256xf32, #tpu.memory_space<vmem>>, vector<16xf32>,
      tpu.vector_store %arg4[%swap3A_646, %swap3A_647], %get3A_644 {add = true, strides = array<i32>} : memref<8x256xf32, #tpu.memory_space<vmem>>, vector<16xf32>,
      %get3A_649 = arith.constant 5 : i32
      %get3A_650 = arith.index_cast %get3A_649 : i32 to index
      %get3A_651 = arith.constant 0 : index
      %get3A_652 = tpu.vector_load %arg5[%get3A_650, %get3A_651] {strides = array<i32>} : memref<8x256xf32, #tpu.memory_space<vmem>>, vector<16xf32>,
      %swap3A_653 = arith.constant 5 : i32
      %swap3A_654 = arith.index_cast %swap3A_653 : i32 to index
      %swap3A_655 = arith.constant 0 : index
      %swap3A_656 = tpu.vector_load %arg4[%swap3A_654, %swap3A_655] {strides = array<i32>} : memref<8x256xf32, #tpu.memory_space<vmem>>, vector<16xf32>,
      tpu.vector_store %arg4[%swap3A_654, %swap3A_655], %get3A_652 {add = true, strides = array<i32>} : memref<8x256xf32, #tpu.memory_space<vmem>>, vector<16xf32>,
      %get3A_657 = arith.constant 5 : i32
      %get3A_658 = arith.index_cast %get3A_657 : i32 to index
      %get3A_659 = arith.constant 16 : index
      %get3A_660 = tpu.vector_load %arg5[%get3A_658, %get3A_659] {strides = array<i32>} : memref<8x256xf32, #tpu.memory_space<vmem>>, vector<16xf32>,
      %swap3A_661 = arith.constant 5 : i32
      %swap3A_662 = arith.index_cast %swap3A_661 : i32 to index
      %swap3A_663 = arith.constant 16 : index
      %swap3A_664 = tpu.vector_load %arg4[%swap3A_662, %swap3A_663] {strides = array<i32>} : memref<8x256xf32, #tpu.memory_space<vmem>>, vector<16xf32>,
      tpu.vector_store %arg4[%swap3A_662, %swap3A_663], %get3A_660 {add = true, strides = array<i32>} : memref<8x256xf32, #tpu.memory_space<vmem>>, vector<16xf32>,
      %get3A_665 = arith.constant 5 : i32
      %get3A_666 = arith.index_cast %get3A_665 : i32 to index
      %get3A_667 = arith.constant 32 : index
      %get3A_668 = tpu.vector_load %arg5[%get3A_666, %get3A_667] {strides = array<i32>} : memref<8x256xf32, #tpu.memory_space<vmem>>, vector<16xf32>,
      %swap3A_669 = arith.constant 5 : i32
      %swap3A_670 = arith.index_cast %swap3A_669 : i32 to index
      %swap3A_671 = arith.constant 32 : index
      %swap3A_672 = tpu.vector_load %arg4[%swap3A_670, %swap3A_671] {strides = array<i32>} : memref<8x256xf32, #tpu.memory_space<vmem>>, vector<16xf32>,
      tpu.vector_store %arg4[%swap3A_670, %swap3A_671], %get3A_668 {add = true, strides = array<i32>} : memref<8x256xf32, #tpu.memory_space<vmem>>, vector<16xf32>,
      %get3A_673 = arith.constant 5 : i32
      %get3A_674 = arith.index_cast %get3A_673 : i32 to index
      %get3A_675 = arith.constant 48 : index
      %get3A_676 = tpu.vector_load %arg5[%get3A_674, %get3A_675] {strides = array<i32>} : memref<8x256xf32, #tpu.memory_space<vmem>>, vector<16xf32>,
      %swap3A_677 = arith.constant 5 : i32
      %swap3A_678 = arith.index_cast %swap3A_677 : i32 to index
      %swap3A_679 = arith.constant 48 : index
      %swap3A_680 = tpu.vector_load %arg4[%swap3A_678, %swap3A_679] {strides = array<i32>} : memref<8x256xf32, #tpu.memory_space<vmem>>, vector<16xf32>,
      tpu.vector_store %arg4[%swap3A_678, %swap3A_679], %get3A_676 {add = true, strides = array<i32>} : memref<8x256xf32, #tpu.memory_space<vmem>>, vector<16xf32>,
      %get3A_681 = arith.constant 5 : i32
      %get3A_682 = arith.index_cast %get3A_681 : i32 to index
      %get3A_683 = arith.constant 64 : index
      %get3A_684 = tpu.vector_load %arg5[%get3A_682, %get3A_683] {strides = array<i32>} : memref<8x256xf32, #tpu.memory_space<vmem>>, vector<16xf32>,
      %swap3A_685 = arith.constant 5 : i32
      %swap3A_686 = arith.index_cast %swap3A_685 : i32 to index
      %swap3A_687 = arith.constant 64 : index
      %swap3A_688 = tpu.vector_load %arg4[%swap3A_686, %swap3A_687] {strides = array<i32>} : memref<8x256xf32, #tpu.memory_space<vmem>>, vector<16xf32>,
      tpu.vector_store %arg4[%swap3A_686, %swap3A_687], %get3A_684 {add = true, strides = array<i32>} : memref<8x256xf32, #tpu.memory_space<vmem>>, vector<16xf32>,
      %get3A_689 = arith.constant 5 : i32
      %get3A_690 = arith.index_cast %get3A_689 : i32 to index
      %get3A_691 = arith.constant 80 : index
      %get3A_692 = tpu.vector_load %arg5[%get3A_690, %get3A_691] {strides = array<i32>} : memref<8x256xf32, #tpu.memory_space<vmem>>, vector<16xf32>,
      %swap3A_693 = arith.constant 5 : i32
      %swap3A_694 = arith.index_cast %swap3A_693 : i32 to index
      %swap3A_695 = arith.constant 80 : index
      %swap3A_696 = tpu.vector_load %arg4[%swap3A_694, %swap3A_695] {strides = array<i32>} : memref<8x256xf32, #tpu.memory_space<vmem>>, vector<16xf32>,
      tpu.vector_store %arg4[%swap3A_694, %swap3A_695], %get3A_692 {add = true, strides = array<i32>} : memref<8x256xf32, #tpu.memory_space<vmem>>, vector<16xf32>,
      %get3A_697 = arith.constant 5 : i32
      %get3A_698 = arith.index_cast %get3A_697 : i32 to index
      %get3A_699 = arith.constant 96 : index
      %get3A_700 = tpu.vector_load %arg5[%get3A_698, %get3A_699] {strides = array<i32>} : memref<8x256xf32, #tpu.memory_space<vmem>>, vector<16xf32>,
      %swap3A_701 = arith.constant 5 : i32
      %swap3A_702 = arith.index_cast %swap3A_701 : i32 to index
      %swap3A_703 = arith.constant 96 : index
      %swap3A_704 = tpu.vector_load %arg4[%swap3A_702, %swap3A_703] {strides = array<i32>} : memref<8x256xf32, #tpu.memory_space<vmem>>, vector<16xf32>,
      tpu.vector_store %arg4[%swap3A_702, %swap3A_703], %get3A_700 {add = true, strides = array<i32>} : memref<8x256xf32, #tpu.memory_space<vmem>>, vector<16xf32>,
      %get3A_705 = arith.constant 5 : i32
      %get3A_706 = arith.index_cast %get3A_705 : i32 to index
      %get3A_707 = arith.constant 112 : index
      %get3A_708 = tpu.vector_load %arg5[%get3A_706, %get3A_707] {strides = array<i32>} : memref<8x256xf32, #tpu.memory_space<vmem>>, vector<16xf32>,
      %swap3A_709 = arith.constant 5 : i32
      %swap3A_710 = arith.index_cast %swap3A_709 : i32 to index
      %swap3A_711 = arith.constant 112 : index
      %swap3A_712 = tpu.vector_load %arg4[%swap3A_710, %swap3A_711] {strides = array<i32>} : memref<8x256xf32, #tpu.memory_space<vmem>>, vector<16xf32>,
      tpu.vector_store %arg4[%swap3A_710, %swap3A_711], %get3A_708 {add = true, strides = array<i32>} : memref<8x256xf32, #tpu.memory_space<vmem>>, vector<16xf32>,
      %get3A_713 = arith.constant 5 : i32
      %get3A_714 = arith.index_cast %get3A_713 : i32 to index
      %get3A_715 = arith.constant 128 : index
      %get3A_716 = tpu.vector_load %arg5[%get3A_714, %get3A_715] {strides = array<i32>} : memref<8x256xf32, #tpu.memory_space<vmem>>, vector<16xf32>,
      %swap3A_717 = arith.constant 5 : i32
      %swap3A_718 = arith.index_cast %swap3A_717 : i32 to index
      %swap3A_719 = arith.constant 128 : index
      %swap3A_720 = tpu.vector_load %arg4[%swap3A_718, %swap3A_719] {strides = array<i32>} : memref<8x256xf32, #tpu.memory_space<vmem>>, vector<16xf32>,
      tpu.vector_store %arg4[%swap3A_718, %swap3A_719], %get3A_716 {add = true, strides = array<i32>} : memref<8x256xf32, #tpu.memory_space<vmem>>, vector<16xf32>,
      %get3A_721 = arith.constant 5 : i32
      %get3A_722 = arith.index_cast %get3A_721 : i32 to index
      %get3A_723 = arith.constant 144 : index
      %get3A_724 = tpu.vector_load %arg5[%get3A_722, %get3A_723] {strides = array<i32>} : memref<8x256xf32, #tpu.memory_space<vmem>>, vector<16xf32>,
      %swap3A_725 = arith.constant 5 : i32
      %swap3A_726 = arith.index_cast %swap3A_725 : i32 to index
      %swap3A_727 = arith.constant 144 : index
      %swap3A_728 = tpu.vector_load %arg4[%swap3A_726, %swap3A_727] {strides = array<i32>} : memref<8x256xf32, #tpu.memory_space<vmem>>, vector<16xf32>,
      tpu.vector_store %arg4[%swap3A_726, %swap3A_727], %get3A_724 {add = true, strides = array<i32>} : memref<8x256xf32, #tpu.memory_space<vmem>>, vector<16xf32>,
      %get3A_729 = arith.constant 5 : i32
      %get3A_730 = arith.index_cast %get3A_729 : i32 to index
      %get3A_731 = arith.constant 160 : index
      %get3A_732 = tpu.vector_load %arg5[%get3A_730, %get3A_731] {strides = array<i32>} : memref<8x256xf32, #tpu.memory_space<vmem>>, vector<16xf32>,
      %swap3A_733 = arith.constant 5 : i32
      %swap3A_734 = arith.index_cast %swap3A_733 : i32 to index
      %swap3A_735 = arith.constant 160 : index
      %swap3A_736 = tpu.vector_load %arg4[%swap3A_734, %swap3A_735] {strides = array<i32>} : memref<8x256xf32, #tpu.memory_space<vmem>>, vector<16xf32>,
      tpu.vector_store %arg4[%swap3A_734, %swap3A_735], %get3A_732 {add = true, strides = array<i32>} : memref<8x256xf32, #tpu.memory_space<vmem>>, vector<16xf32>,
      %get3A_737 = arith.constant 5 : i32
      %get3A_738 = arith.index_cast %get3A_737 : i32 to index
      %get3A_739 = arith.constant 176 : index
      %get3A_740 = tpu.vector_load %arg5[%get3A_738, %get3A_739] {strides = array<i32>} : memref<8x256xf32, #tpu.memory_space<vmem>>, vector<16xf32>,
      %swap3A_741 = arith.constant 5 : i32
      %swap3A_742 = arith.index_cast %swap3A_741 : i32 to index
      %swap3A_743 = arith.constant 176 : index
      %swap3A_744 = tpu.vector_load %arg4[%swap3A_742, %swap3A_743] {strides = array<i32>} : memref<8x256xf32, #tpu.memory_space<vmem>>, vector<16xf32>,
      tpu.vector_store %arg4[%swap3A_742, %swap3A_743], %get3A_740 {add = true, strides = array<i32>} : memref<8x256xf32, #tpu.memory_space<vmem>>, vector<16xf32>,
      %get3A_745 = arith.constant 5 : i32
      %get3A_746 = arith.index_cast %get3A_745 : i32 to index
      %get3A_747 = arith.constant 192 : index
      %get3A_748 = tpu.vector_load %arg5[%get3A_746, %get3A_747] {strides = array<i32>} : memref<8x256xf32, #tpu.memory_space<vmem>>, vector<16xf32>,
      %swap3A_749 = arith.constant 5 : i32
      %swap3A_750 = arith.index_cast %swap3A_749 : i32 to index
      %swap3A_751 = arith.constant 192 : index
      %swap3A_752 = tpu.vector_load %arg4[%swap3A_750, %swap3A_751] {strides = array<i32>} : memref<8x256xf32, #tpu.memory_space<vmem>>, vector<16xf32>,
      tpu.vector_store %arg4[%swap3A_750, %swap3A_751], %get3A_748 {add = true, strides = array<i32>} : memref<8x256xf32, #tpu.memory_space<vmem>>, vector<16xf32>,
      %get3A_753 = arith.constant 5 : i32
      %get3A_754 = arith.index_cast %get3A_753 : i32 to index
      %get3A_755 = arith.constant 208 : index
      %get3A_756 = tpu.vector_load %arg5[%get3A_754, %get3A_755] {strides = array<i32>} : memref<8x256xf32, #tpu.memory_space<vmem>>, vector<16xf32>,
      %swap3A_757 = arith.constant 5 : i32
      %swap3A_758 = arith.index_cast %swap3A_757 : i32 to index
      %swap3A_759 = arith.constant 208 : index
      %swap3A_760 = tpu.vector_load %arg4[%swap3A_758, %swap3A_759] {strides = array<i32>} : memref<8x256xf32, #tpu.memory_space<vmem>>, vector<16xf32>,
      tpu.vector_store %arg4[%swap3A_758, %swap3A_759], %get3A_756 {add = true, strides = array<i32>} : memref<8x256xf32, #tpu.memory_space<vmem>>, vector<16xf32>,
      %get3A_761 = arith.constant 5 : i32
      %get3A_762 = arith.index_cast %get3A_761 : i32 to index
      %get3A_763 = arith.constant 224 : index
      %get3A_764 = tpu.vector_load %arg5[%get3A_762, %get3A_763] {strides = array<i32>} : memref<8x256xf32, #tpu.memory_space<vmem>>, vector<16xf32>,
      %swap3A_765 = arith.constant 5 : i32
      %swap3A_766 = arith.index_cast %swap3A_765 : i32 to index
      %swap3A_767 = arith.constant 224 : index
      %swap3A_768 = tpu.vector_load %arg4[%swap3A_766, %swap3A_767] {strides = array<i32>} : memref<8x256xf32, #tpu.memory_space<vmem>>, vector<16xf32>,
      tpu.vector_store %arg4[%swap3A_766, %swap3A_767], %get3A_764 {add = true, strides = array<i32>} : memref<8x256xf32, #tpu.memory_space<vmem>>, vector<16xf32>,
      %get3A_769 = arith.constant 5 : i32
      %get3A_770 = arith.index_cast %get3A_769 : i32 to index
      %get3A_771 = arith.constant 240 : index
      %get3A_772 = tpu.vector_load %arg5[%get3A_770, %get3A_771] {strides = array<i32>} : memref<8x256xf32, #tpu.memory_space<vmem>>, vector<16xf32>,
      %swap3A_773 = arith.constant 5 : i32
      %swap3A_774 = arith.index_cast %swap3A_773 : i32 to index
      %swap3A_775 = arith.constant 240 : index
      %swap3A_776 = tpu.vector_load %arg4[%swap3A_774, %swap3A_775] {strides = array<i32>} : memref<8x256xf32, #tpu.memory_space<vmem>>, vector<16xf32>,
      tpu.vector_store %arg4[%swap3A_774, %swap3A_775], %get3A_772 {add = true, strides = array<i32>} : memref<8x256xf32, #tpu.memory_space<vmem>>, vector<16xf32>,
      %get3A_777 = arith.constant 6 : i32
      %get3A_778 = arith.index_cast %get3A_777 : i32 to index
      %get3A_779 = arith.constant 0 : index
      %get3A_780 = tpu.vector_load %arg5[%get3A_778, %get3A_779] {strides = array<i32>} : memref<8x256xf32, #tpu.memory_space<vmem>>, vector<16xf32>,
      %swap3A_781 = arith.constant 6 : i32
      %swap3A_782 = arith.index_cast %swap3A_781 : i32 to index
      %swap3A_783 = arith.constant 0 : index
      %swap3A_784 = tpu.vector_load %arg4[%swap3A_782, %swap3A_783] {strides = array<i32>} : memref<8x256xf32, #tpu.memory_space<vmem>>, vector<16xf32>,
      tpu.vector_store %arg4[%swap3A_782, %swap3A_783], %get3A_780 {add = true, strides = array<i32>} : memref<8x256xf32, #tpu.memory_space<vmem>>, vector<16xf32>,
      %get3A_785 = arith.constant 6 : i32
      %get3A_786 = arith.index_cast %get3A_785 : i32 to index
      %get3A_787 = arith.constant 16 : index
      %get3A_788 = tpu.vector_load %arg5[%get3A_786, %get3A_787] {strides = array<i32>} : memref<8x256xf32, #tpu.memory_space<vmem>>, vector<16xf32>,
      %swap3A_789 = arith.constant 6 : i32
      %swap3A_790 = arith.index_cast %swap3A_789 : i32 to index
      %swap3A_791 = arith.constant 16 : index
      %swap3A_792 = tpu.vector_load %arg4[%swap3A_790, %swap3A_791] {strides = array<i32>} : memref<8x256xf32, #tpu.memory_space<vmem>>, vector<16xf32>,
      tpu.vector_store %arg4[%swap3A_790, %swap3A_791], %get3A_788 {add = true, strides = array<i32>} : memref<8x256xf32, #tpu.memory_space<vmem>>, vector<16xf32>,
      %get3A_793 = arith.constant 6 : i32
      %get3A_794 = arith.index_cast %get3A_793 : i32 to index
      %get3A_795 = arith.constant 32 : index
      %get3A_796 = tpu.vector_load %arg5[%get3A_794, %get3A_795] {strides = array<i32>} : memref<8x256xf32, #tpu.memory_space<vmem>>, vector<16xf32>,
      %swap3A_797 = arith.constant 6 : i32
      %swap3A_798 = arith.index_cast %swap3A_797 : i32 to index
      %swap3A_799 = arith.constant 32 : index
      %swap3A_800 = tpu.vector_load %arg4[%swap3A_798, %swap3A_799] {strides = array<i32>} : memref<8x256xf32, #tpu.memory_space<vmem>>, vector<16xf32>,
      tpu.vector_store %arg4[%swap3A_798, %swap3A_799], %get3A_796 {add = true, strides = array<i32>} : memref<8x256xf32, #tpu.memory_space<vmem>>, vector<16xf32>,
      %get3A_801 = arith.constant 6 : i32
      %get3A_802 = arith.index_cast %get3A_801 : i32 to index
      %get3A_803 = arith.constant 48 : index
      %get3A_804 = tpu.vector_load %arg5[%get3A_802, %get3A_803] {strides = array<i32>} : memref<8x256xf32, #tpu.memory_space<vmem>>, vector<16xf32>,
      %swap3A_805 = arith.constant 6 : i32
      %swap3A_806 = arith.index_cast %swap3A_805 : i32 to index
      %swap3A_807 = arith.constant 48 : index
      %swap3A_808 = tpu.vector_load %arg4[%swap3A_806, %swap3A_807] {strides = array<i32>} : memref<8x256xf32, #tpu.memory_space<vmem>>, vector<16xf32>,
      tpu.vector_store %arg4[%swap3A_806, %swap3A_807], %get3A_804 {add = true, strides = array<i32>} : memref<8x256xf32, #tpu.memory_space<vmem>>, vector<16xf32>,
      %get3A_809 = arith.constant 6 : i32
      %get3A_810 = arith.index_cast %get3A_809 : i32 to index
      %get3A_811 = arith.constant 64 : index
      %get3A_812 = tpu.vector_load %arg5[%get3A_810, %get3A_811] {strides = array<i32>} : memref<8x256xf32, #tpu.memory_space<vmem>>, vector<16xf32>,
      %swap3A_813 = arith.constant 6 : i32
      %swap3A_814 = arith.index_cast %swap3A_813 : i32 to index
      %swap3A_815 = arith.constant 64 : index
      %swap3A_816 = tpu.vector_load %arg4[%swap3A_814, %swap3A_815] {strides = array<i32>} : memref<8x256xf32, #tpu.memory_space<vmem>>, vector<16xf32>,
      tpu.vector_store %arg4[%swap3A_814, %swap3A_815], %get3A_812 {add = true, strides = array<i32>} : memref<8x256xf32, #tpu.memory_space<vmem>>, vector<16xf32>,
      %get3A_817 = arith.constant 6 : i32
      %get3A_818 = arith.index_cast %get3A_817 : i32 to index
      %get3A_819 = arith.constant 80 : index
      %get3A_820 = tpu.vector_load %arg5[%get3A_818, %get3A_819] {strides = array<i32>} : memref<8x256xf32, #tpu.memory_space<vmem>>, vector<16xf32>,
      %swap3A_821 = arith.constant 6 : i32
      %swap3A_822 = arith.index_cast %swap3A_821 : i32 to index
      %swap3A_823 = arith.constant 80 : index
      %swap3A_824 = tpu.vector_load %arg4[%swap3A_822, %swap3A_823] {strides = array<i32>} : memref<8x256xf32, #tpu.memory_space<vmem>>, vector<16xf32>,
      tpu.vector_store %arg4[%swap3A_822, %swap3A_823], %get3A_820 {add = true, strides = array<i32>} : memref<8x256xf32, #tpu.memory_space<vmem>>, vector<16xf32>,
      %get3A_825 = arith.constant 6 : i32
      %get3A_826 = arith.index_cast %get3A_825 : i32 to index
      %get3A_827 = arith.constant 96 : index
      %get3A_828 = tpu.vector_load %arg5[%get3A_826, %get3A_827] {strides = array<i32>} : memref<8x256xf32, #tpu.memory_space<vmem>>, vector<16xf32>,
      %swap3A_829 = arith.constant 6 : i32
      %swap3A_830 = arith.index_cast %swap3A_829 : i32 to index
      %swap3A_831 = arith.constant 96 : index
      %swap3A_832 = tpu.vector_load %arg4[%swap3A_830, %swap3A_831] {strides = array<i32>} : memref<8x256xf32, #tpu.memory_space<vmem>>, vector<16xf32>,
      tpu.vector_store %arg4[%swap3A_830, %swap3A_831], %get3A_828 {add = true, strides = array<i32>} : memref<8x256xf32, #tpu.memory_space<vmem>>, vector<16xf32>,
      %get3A_833 = arith.constant 6 : i32
      %get3A_834 = arith.index_cast %get3A_833 : i32 to index
      %get3A_835 = arith.constant 112 : index
      %get3A_836 = tpu.vector_load %arg5[%get3A_834, %get3A_835] {strides = array<i32>} : memref<8x256xf32, #tpu.memory_space<vmem>>, vector<16xf32>,
      %swap3A_837 = arith.constant 6 : i32
      %swap3A_838 = arith.index_cast %swap3A_837 : i32 to index
      %swap3A_839 = arith.constant 112 : index
      %swap3A_840 = tpu.vector_load %arg4[%swap3A_838, %swap3A_839] {strides = array<i32>} : memref<8x256xf32, #tpu.memory_space<vmem>>, vector<16xf32>,
      tpu.vector_store %arg4[%swap3A_838, %swap3A_839], %get3A_836 {add = true, strides = array<i32>} : memref<8x256xf32, #tpu.memory_space<vmem>>, vector<16xf32>,
      %get3A_841 = arith.constant 6 : i32
      %get3A_842 = arith.index_cast %get3A_841 : i32 to index
      %get3A_843 = arith.constant 128 : index
      %get3A_844 = tpu.vector_load %arg5[%get3A_842, %get3A_843] {strides = array<i32>} : memref<8x256xf32, #tpu.memory_space<vmem>>, vector<16xf32>,
      %swap3A_845 = arith.constant 6 : i32
      %swap3A_846 = arith.index_cast %swap3A_845 : i32 to index
      %swap3A_847 = arith.constant 128 : index
      %swap3A_848 = tpu.vector_load %arg4[%swap3A_846, %swap3A_847] {strides = array<i32>} : memref<8x256xf32, #tpu.memory_space<vmem>>, vector<16xf32>,
      tpu.vector_store %arg4[%swap3A_846, %swap3A_847], %get3A_844 {add = true, strides = array<i32>} : memref<8x256xf32, #tpu.memory_space<vmem>>, vector<16xf32>,
      %get3A_849 = arith.constant 6 : i32
      %get3A_850 = arith.index_cast %get3A_849 : i32 to index
      %get3A_851 = arith.constant 144 : index
      %get3A_852 = tpu.vector_load %arg5[%get3A_850, %get3A_851] {strides = array<i32>} : memref<8x256xf32, #tpu.memory_space<vmem>>, vector<16xf32>,
      %swap3A_853 = arith.constant 6 : i32
      %swap3A_854 = arith.index_cast %swap3A_853 : i32 to index
      %swap3A_855 = arith.constant 144 : index
      %swap3A_856 = tpu.vector_load %arg4[%swap3A_854, %swap3A_855] {strides = array<i32>} : memref<8x256xf32, #tpu.memory_space<vmem>>, vector<16xf32>,
      tpu.vector_store %arg4[%swap3A_854, %swap3A_855], %get3A_852 {add = true, strides = array<i32>} : memref<8x256xf32, #tpu.memory_space<vmem>>, vector<16xf32>,
      %get3A_857 = arith.constant 6 : i32
      %get3A_858 = arith.index_cast %get3A_857 : i32 to index
      %get3A_859 = arith.constant 160 : index
      %get3A_860 = tpu.vector_load %arg5[%get3A_858, %get3A_859] {strides = array<i32>} : memref<8x256xf32, #tpu.memory_space<vmem>>, vector<16xf32>,
      %swap3A_861 = arith.constant 6 : i32
      %swap3A_862 = arith.index_cast %swap3A_861 : i32 to index
      %swap3A_863 = arith.constant 160 : index
      %swap3A_864 = tpu.vector_load %arg4[%swap3A_862, %swap3A_863] {strides = array<i32>} : memref<8x256xf32, #tpu.memory_space<vmem>>, vector<16xf32>,
      tpu.vector_store %arg4[%swap3A_862, %swap3A_863], %get3A_860 {add = true, strides = array<i32>} : memref<8x256xf32, #tpu.memory_space<vmem>>, vector<16xf32>,
      %get3A_865 = arith.constant 6 : i32
      %get3A_866 = arith.index_cast %get3A_865 : i32 to index
      %get3A_867 = arith.constant 176 : index
      %get3A_868 = tpu.vector_load %arg5[%get3A_866, %get3A_867] {strides = array<i32>} : memref<8x256xf32, #tpu.memory_space<vmem>>, vector<16xf32>,
      %swap3A_869 = arith.constant 6 : i32
      %swap3A_870 = arith.index_cast %swap3A_869 : i32 to index
      %swap3A_871 = arith.constant 176 : index
      %swap3A_872 = tpu.vector_load %arg4[%swap3A_870, %swap3A_871] {strides = array<i32>} : memref<8x256xf32, #tpu.memory_space<vmem>>, vector<16xf32>,
      tpu.vector_store %arg4[%swap3A_870, %swap3A_871], %get3A_868 {add = true, strides = array<i32>} : memref<8x256xf32, #tpu.memory_space<vmem>>, vector<16xf32>,
      %get3A_873 = arith.constant 6 : i32
      %get3A_874 = arith.index_cast %get3A_873 : i32 to index
      %get3A_875 = arith.constant 192 : index
      %get3A_876 = tpu.vector_load %arg5[%get3A_874, %get3A_875] {strides = array<i32>} : memref<8x256xf32, #tpu.memory_space<vmem>>, vector<16xf32>,
      %swap3A_877 = arith.constant 6 : i32
      %swap3A_878 = arith.index_cast %swap3A_877 : i32 to index
      %swap3A_879 = arith.constant 192 : index
      %swap3A_880 = tpu.vector_load %arg4[%swap3A_878, %swap3A_879] {strides = array<i32>} : memref<8x256xf32, #tpu.memory_space<vmem>>, vector<16xf32>,
      tpu.vector_store %arg4[%swap3A_878, %swap3A_879], %get3A_876 {add = true, strides = array<i32>} : memref<8x256xf32, #tpu.memory_space<vmem>>, vector<16xf32>,
      %get3A_881 = arith.constant 6 : i32
      %get3A_882 = arith.index_cast %get3A_881 : i32 to index
      %get3A_883 = arith.constant 208 : index
      %get3A_884 = tpu.vector_load %arg5[%get3A_882, %get3A_883] {strides = array<i32>} : memref<8x256xf32, #tpu.memory_space<vmem>>, vector<16xf32>,
      %swap3A_885 = arith.constant 6 : i32
      %swap3A_886 = arith.index_cast %swap3A_885 : i32 to index
      %swap3A_887 = arith.constant 208 : index
      %swap3A_888 = tpu.vector_load %arg4[%swap3A_886, %swap3A_887] {strides = array<i32>} : memref<8x256xf32, #tpu.memory_space<vmem>>, vector<16xf32>,
      tpu.vector_store %arg4[%swap3A_886, %swap3A_887], %get3A_884 {add = true, strides = array<i32>} : memref<8x256xf32, #tpu.memory_space<vmem>>, vector<16xf32>,
      %get3A_889 = arith.constant 6 : i32
      %get3A_890 = arith.index_cast %get3A_889 : i32 to index
      %get3A_891 = arith.constant 224 : index
      %get3A_892 = tpu.vector_load %arg5[%get3A_890, %get3A_891] {strides = array<i32>} : memref<8x256xf32, #tpu.memory_space<vmem>>, vector<16xf32>,
      %swap3A_893 = arith.constant 6 : i32
      %swap3A_894 = arith.index_cast %swap3A_893 : i32 to index
      %swap3A_895 = arith.constant 224 : index
      %swap3A_896 = tpu.vector_load %arg4[%swap3A_894, %swap3A_895] {strides = array<i32>} : memref<8x256xf32, #tpu.memory_space<vmem>>, vector<16xf32>,
      tpu.vector_store %arg4[%swap3A_894, %swap3A_895], %get3A_892 {add = true, strides = array<i32>} : memref<8x256xf32, #tpu.memory_space<vmem>>, vector<16xf32>,
      %get3A_897 = arith.constant 6 : i32
      %get3A_898 = arith.index_cast %get3A_897 : i32 to index
      %get3A_899 = arith.constant 240 : index
      %get3A_900 = tpu.vector_load %arg5[%get3A_898, %get3A_899] {strides = array<i32>} : memref<8x256xf32, #tpu.memory_space<vmem>>, vector<16xf32>,
      %swap3A_901 = arith.constant 6 : i32
      %swap3A_902 = arith.index_cast %swap3A_901 : i32 to index
      %swap3A_903 = arith.constant 240 : index
      %swap3A_904 = tpu.vector_load %arg4[%swap3A_902, %swap3A_903] {strides = array<i32>} : memref<8x256xf32, #tpu.memory_space<vmem>>, vector<16xf32>,
      tpu.vector_store %arg4[%swap3A_902, %swap3A_903], %get3A_900 {add = true, strides = array<i32>} : memref<8x256xf32, #tpu.memory_space<vmem>>, vector<16xf32>,
      %get3A_905 = arith.constant 7 : i32
      %get3A_906 = arith.index_cast %get3A_905 : i32 to index
      %get3A_907 = arith.constant 0 : index
      %get3A_908 = tpu.vector_load %arg5[%get3A_906, %get3A_907] {strides = array<i32>} : memref<8x256xf32, #tpu.memory_space<vmem>>, vector<16xf32>,
      %swap3A_909 = arith.constant 7 : i32
      %swap3A_910 = arith.index_cast %swap3A_909 : i32 to index
      %swap3A_911 = arith.constant 0 : index
      %swap3A_912 = tpu.vector_load %arg4[%swap3A_910, %swap3A_911] {strides = array<i32>} : memref<8x256xf32, #tpu.memory_space<vmem>>, vector<16xf32>,
      tpu.vector_store %arg4[%swap3A_910, %swap3A_911], %get3A_908 {add = true, strides = array<i32>} : memref<8x256xf32, #tpu.memory_space<vmem>>, vector<16xf32>,
      %get3A_913 = arith.constant 7 : i32
      %get3A_914 = arith.index_cast %get3A_913 : i32 to index
      %get3A_915 = arith.constant 16 : index
      %get3A_916 = tpu.vector_load %arg5[%get3A_914, %get3A_915] {strides = array<i32>} : memref<8x256xf32, #tpu.memory_space<vmem>>, vector<16xf32>,
      %swap3A_917 = arith.constant 7 : i32
      %swap3A_918 = arith.index_cast %swap3A_917 : i32 to index
      %swap3A_919 = arith.constant 16 : index
      %swap3A_920 = tpu.vector_load %arg4[%swap3A_918, %swap3A_919] {strides = array<i32>} : memref<8x256xf32, #tpu.memory_space<vmem>>, vector<16xf32>,
      tpu.vector_store %arg4[%swap3A_918, %swap3A_919], %get3A_916 {add = true, strides = array<i32>} : memref<8x256xf32, #tpu.memory_space<vmem>>, vector<16xf32>,
      %get3A_921 = arith.constant 7 : i32
      %get3A_922 = arith.index_cast %get3A_921 : i32 to index
      %get3A_923 = arith.constant 32 : index
      %get3A_924 = tpu.vector_load %arg5[%get3A_922, %get3A_923] {strides = array<i32>} : memref<8x256xf32, #tpu.memory_space<vmem>>, vector<16xf32>,
      %swap3A_925 = arith.constant 7 : i32
      %swap3A_926 = arith.index_cast %swap3A_925 : i32 to index
      %swap3A_927 = arith.constant 32 : index
      %swap3A_928 = tpu.vector_load %arg4[%swap3A_926, %swap3A_927] {strides = array<i32>} : memref<8x256xf32, #tpu.memory_space<vmem>>, vector<16xf32>,
      tpu.vector_store %arg4[%swap3A_926, %swap3A_927], %get3A_924 {add = true, strides = array<i32>} : memref<8x256xf32, #tpu.memory_space<vmem>>, vector<16xf32>,
      %get3A_929 = arith.constant 7 : i32
      %get3A_930 = arith.index_cast %get3A_929 : i32 to index
      %get3A_931 = arith.constant 48 : index
      %get3A_932 = tpu.vector_load %arg5[%get3A_930, %get3A_931] {strides = array<i32>} : memref<8x256xf32, #tpu.memory_space<vmem>>, vector<16xf32>,
      %swap3A_933 = arith.constant 7 : i32
      %swap3A_934 = arith.index_cast %swap3A_933 : i32 to index
      %swap3A_935 = arith.constant 48 : index
      %swap3A_936 = tpu.vector_load %arg4[%swap3A_934, %swap3A_935] {strides = array<i32>} : memref<8x256xf32, #tpu.memory_space<vmem>>, vector<16xf32>,
      tpu.vector_store %arg4[%swap3A_934, %swap3A_935], %get3A_932 {add = true, strides = array<i32>} : memref<8x256xf32, #tpu.memory_space<vmem>>, vector<16xf32>,
      %get3A_937 = arith.constant 7 : i32
      %get3A_938 = arith.index_cast %get3A_937 : i32 to index
      %get3A_939 = arith.constant 64 : index
      %get3A_940 = tpu.vector_load %arg5[%get3A_938, %get3A_939] {strides = array<i32>} : memref<8x256xf32, #tpu.memory_space<vmem>>, vector<16xf32>,
      %swap3A_941 = arith.constant 7 : i32
      %swap3A_942 = arith.index_cast %swap3A_941 : i32 to index
      %swap3A_943 = arith.constant 64 : index
      %swap3A_944 = tpu.vector_load %arg4[%swap3A_942, %swap3A_943] {strides = array<i32>} : memref<8x256xf32, #tpu.memory_space<vmem>>, vector<16xf32>,
      tpu.vector_store %arg4[%swap3A_942, %swap3A_943], %get3A_940 {add = true, strides = array<i32>} : memref<8x256xf32, #tpu.memory_space<vmem>>, vector<16xf32>,
      %get3A_945 = arith.constant 7 : i32
      %get3A_946 = arith.index_cast %get3A_945 : i32 to index
      %get3A_947 = arith.constant 80 : index
      %get3A_948 = tpu.vector_load %arg5[%get3A_946, %get3A_947] {strides = array<i32>} : memref<8x256xf32, #tpu.memory_space<vmem>>, vector<16xf32>,
      %swap3A_949 = arith.constant 7 : i32
      %swap3A_950 = arith.index_cast %swap3A_949 : i32 to index
      %swap3A_951 = arith.constant 80 : index
      %swap3A_952 = tpu.vector_load %arg4[%swap3A_950, %swap3A_951] {strides = array<i32>} : memref<8x256xf32, #tpu.memory_space<vmem>>, vector<16xf32>,
      tpu.vector_store %arg4[%swap3A_950, %swap3A_951], %get3A_948 {add = true, strides = array<i32>} : memref<8x256xf32, #tpu.memory_space<vmem>>, vector<16xf32>,
      %get3A_953 = arith.constant 7 : i32
      %get3A_954 = arith.index_cast %get3A_953 : i32 to index
      %get3A_955 = arith.constant 96 : index
      %get3A_956 = tpu.vector_load %arg5[%get3A_954, %get3A_955] {strides = array<i32>} : memref<8x256xf32, #tpu.memory_space<vmem>>, vector<16xf32>,
      %swap3A_957 = arith.constant 7 : i32
      %swap3A_958 = arith.index_cast %swap3A_957 : i32 to index
      %swap3A_959 = arith.constant 96 : index
      %swap3A_960 = tpu.vector_load %arg4[%swap3A_958, %swap3A_959] {strides = array<i32>} : memref<8x256xf32, #tpu.memory_space<vmem>>, vector<16xf32>,
      tpu.vector_store %arg4[%swap3A_958, %swap3A_959], %get3A_956 {add = true, strides = array<i32>} : memref<8x256xf32, #tpu.memory_space<vmem>>, vector<16xf32>,
      %get3A_961 = arith.constant 7 : i32
      %get3A_962 = arith.index_cast %get3A_961 : i32 to index
      %get3A_963 = arith.constant 112 : index
      %get3A_964 = tpu.vector_load %arg5[%get3A_962, %get3A_963] {strides = array<i32>} : memref<8x256xf32, #tpu.memory_space<vmem>>, vector<16xf32>,
      %swap3A_965 = arith.constant 7 : i32
      %swap3A_966 = arith.index_cast %swap3A_965 : i32 to index
      %swap3A_967 = arith.constant 112 : index
      %swap3A_968 = tpu.vector_load %arg4[%swap3A_966, %swap3A_967] {strides = array<i32>} : memref<8x256xf32, #tpu.memory_space<vmem>>, vector<16xf32>,
      tpu.vector_store %arg4[%swap3A_966, %swap3A_967], %get3A_964 {add = true, strides = array<i32>} : memref<8x256xf32, #tpu.memory_space<vmem>>, vector<16xf32>,
      %get3A_969 = arith.constant 7 : i32
      %get3A_970 = arith.index_cast %get3A_969 : i32 to index
      %get3A_971 = arith.constant 128 : index
      %get3A_972 = tpu.vector_load %arg5[%get3A_970, %get3A_971] {strides = array<i32>} : memref<8x256xf32, #tpu.memory_space<vmem>>, vector<16xf32>,
      %swap3A_973 = arith.constant 7 : i32
      %swap3A_974 = arith.index_cast %swap3A_973 : i32 to index
      %swap3A_975 = arith.constant 128 : index
      %swap3A_976 = tpu.vector_load %arg4[%swap3A_974, %swap3A_975] {strides = array<i32>} : memref<8x256xf32, #tpu.memory_space<vmem>>, vector<16xf32>,
      tpu.vector_store %arg4[%swap3A_974, %swap3A_975], %get3A_972 {add = true, strides = array<i32>} : memref<8x256xf32, #tpu.memory_space<vmem>>, vector<16xf32>,
      %get3A_977 = arith.constant 7 : i32
      %get3A_978 = arith.index_cast %get3A_977 : i32 to index
      %get3A_979 = arith.constant 144 : index
      %get3A_980 = tpu.vector_load %arg5[%get3A_978, %get3A_979] {strides = array<i32>} : memref<8x256xf32, #tpu.memory_space<vmem>>, vector<16xf32>,
      %swap3A_981 = arith.constant 7 : i32
      %swap3A_982 = arith.index_cast %swap3A_981 : i32 to index
      %swap3A_983 = arith.constant 144 : index
      %swap3A_984 = tpu.vector_load %arg4[%swap3A_982, %swap3A_983] {strides = array<i32>} : memref<8x256xf32, #tpu.memory_space<vmem>>, vector<16xf32>,
      tpu.vector_store %arg4[%swap3A_982, %swap3A_983], %get3A_980 {add = true, strides = array<i32>} : memref<8x256xf32, #tpu.memory_space<vmem>>, vector<16xf32>,
      %get3A_985 = arith.constant 7 : i32
      %get3A_986 = arith.index_cast %get3A_985 : i32 to index
      %get3A_987 = arith.constant 160 : index
      %get3A_988 = tpu.vector_load %arg5[%get3A_986, %get3A_987] {strides = array<i32>} : memref<8x256xf32, #tpu.memory_space<vmem>>, vector<16xf32>,
      %swap3A_989 = arith.constant 7 : i32
      %swap3A_990 = arith.index_cast %swap3A_989 : i32 to index
      %swap3A_991 = arith.constant 160 : index
      %swap3A_992 = tpu.vector_load %arg4[%swap3A_990, %swap3A_991] {strides = array<i32>} : memref<8x256xf32, #tpu.memory_space<vmem>>, vector<16xf32>,
      tpu.vector_store %arg4[%swap3A_990, %swap3A_991], %get3A_988 {add = true, strides = array<i32>} : memref<8x256xf32, #tpu.memory_space<vmem>>, vector<16xf32>,
      %get3A_993 = arith.constant 7 : i32
      %get3A_994 = arith.index_cast %get3A_993 : i32 to index
      %get3A_995 = arith.constant 176 : index
      %get3A_996 = tpu.vector_load %arg5[%get3A_994, %get3A_995] {strides = array<i32>} : memref<8x256xf32, #tpu.memory_space<vmem>>, vector<16xf32>,
      %swap3A_997 = arith.constant 7 : i32
      %swap3A_998 = arith.index_cast %swap3A_997 : i32 to index
      %swap3A_999 = arith.constant 176 : index
      %swap3A_1000 = tpu.vector_load %arg4[%swap3A_998, %swap3A_999] {strides = array<i32>} : memref<8x256xf32, #tpu.memory_space<vmem>>, vector<16xf32>,
      tpu.vector_store %arg4[%swap3A_998, %swap3A_999], %get3A_996 {add = true, strides = array<i32>} : memref<8x256xf32, #tpu.memory_space<vmem>>, vector<16xf32>,
      %get3A_1001 = arith.constant 7 : i32
      %get3A_1002 = arith.index_cast %get3A_1001 : i32 to index
      %get3A_1003 = arith.constant 192 : index
      %get3A_1004 = tpu.vector_load %arg5[%get3A_1002, %get3A_1003] {strides = array<i32>} : memref<8x256xf32, #tpu.memory_space<vmem>>, vector<16xf32>,
      %swap3A_1005 = arith.constant 7 : i32
      %swap3A_1006 = arith.index_cast %swap3A_1005 : i32 to index
      %swap3A_1007 = arith.constant 192 : index
      %swap3A_1008 = tpu.vector_load %arg4[%swap3A_1006, %swap3A_1007] {strides = array<i32>} : memref<8x256xf32, #tpu.memory_space<vmem>>, vector<16xf32>,
      tpu.vector_store %arg4[%swap3A_1006, %swap3A_1007], %get3A_1004 {add = true, strides = array<i32>} : memref<8x256xf32, #tpu.memory_space<vmem>>, vector<16xf32>,
      %get3A_1009 = arith.constant 7 : i32
      %get3A_1010 = arith.index_cast %get3A_1009 : i32 to index
      %get3A_1011 = arith.constant 208 : index
      %get3A_1012 = tpu.vector_load %arg5[%get3A_1010, %get3A_1011] {strides = array<i32>} : memref<8x256xf32, #tpu.memory_space<vmem>>, vector<16xf32>,
      %swap3A_1013 = arith.constant 7 : i32
      %swap3A_1014 = arith.index_cast %swap3A_1013 : i32 to index
      %swap3A_1015 = arith.constant 208 : index
      %swap3A_1016 = tpu.vector_load %arg4[%swap3A_1014, %swap3A_1015] {strides = array<i32>} : memref<8x256xf32, #tpu.memory_space<vmem>>, vector<16xf32>,
      tpu.vector_store %arg4[%swap3A_1014, %swap3A_1015], %get3A_1012 {add = true, strides = array<i32>} : memref<8x256xf32, #tpu.memory_space<vmem>>, vector<16xf32>,
      %get3A_1017 = arith.constant 7 : i32
      %get3A_1018 = arith.index_cast %get3A_1017 : i32 to index
      %get3A_1019 = arith.constant 224 : index
      %get3A_1020 = tpu.vector_load %arg5[%get3A_1018, %get3A_1019] {strides = array<i32>} : memref<8x256xf32, #tpu.memory_space<vmem>>, vector<16xf32>,
      %swap3A_1021 = arith.constant 7 : i32
      %swap3A_1022 = arith.index_cast %swap3A_1021 : i32 to index
      %swap3A_1023 = arith.constant 224 : index
      %swap3A_1024 = tpu.vector_load %arg4[%swap3A_1022, %swap3A_1023] {strides = array<i32>} : memref<8x256xf32, #tpu.memory_space<vmem>>, vector<16xf32>,
      tpu.vector_store %arg4[%swap3A_1022, %swap3A_1023], %get3A_1020 {add = true, strides = array<i32>} : memref<8x256xf32, #tpu.memory_space<vmem>>, vector<16xf32>,
      %get3A_1025 = arith.constant 7 : i32
      %get3A_1026 = arith.index_cast %get3A_1025 : i32 to index
      %get3A_1027 = arith.constant 240 : index
      %get3A_1028 = tpu.vector_load %arg5[%get3A_1026, %get3A_1027] {strides = array<i32>} : memref<8x256xf32, #tpu.memory_space<vmem>>, vector<16xf32>,
      %swap3A_1029 = arith.constant 7 : i32
      %swap3A_1030 = arith.index_cast %swap3A_1029 : i32 to index
      %swap3A_1031 = arith.constant 240 : index
      %swap3A_1032 = tpu.vector_load %arg4[%swap3A_1030, %swap3A_1031] {strides = array<i32>} : memref<8x256xf32, #tpu.memory_space<vmem>>, vector<16xf32>,
      tpu.vector_store %arg4[%swap3A_1030, %swap3A_1031], %get3A_1028 {add = true, strides = array<i32>} : memref<8x256xf32, #tpu.memory_space<vmem>>, vector<16xf32>,
    }
    %scan3A_7 = arith.constant 31 : i32
    "tpu.region"() ({
      %run_scoped3A_10 = tpu.sem_alloc : memref<!tpu.dma_semaphore, #tpu.memory_space<semaphore_mem>>
      %dma_start3A = arith.constant 0 : i32
      %dma_start3A_11 = tpu.memref_slice %arg3[%mul3A_2, %dma_start3A] : memref<384x256xf32, #tpu.memory_space<hbm>> -> memref<8x256xf32, #tpu.memory_space<hbm>>
      %dma_start3A_12 = arith.constant 0 : i32
      %dma_start3A_13 = tpu.memref_slice %arg3[%mul3A_2, %dma_start3A_12] : memref<384x256xf32, #tpu.memory_space<hbm>> -> memref<8x256xf32, #tpu.memory_space<hbm>>
      tpu.enqueue_dma source(%arg4 : memref<8x256xf32, #tpu.memory_space<vmem>>) target(%dma_start3A_13 : memref<8x256xf32, #tpu.memory_space<hbm>>) target_semaphore(%run_scoped3A_10 : memref<!tpu.dma_semaphore, #tpu.memory_space<semaphore_mem>>)
      %dma_wait3A = arith.constant 0 : i32
      %dma_wait3A_14 = tpu.memref_slice %arg3[%mul3A_2, %dma_wait3A] : memref<384x256xf32, #tpu.memory_space<hbm>> -> memref<8x256xf32, #tpu.memory_space<hbm>>
      %dma_wait3A_15 = arith.constant 0 : i32
      %dma_wait3A_16 = tpu.memref_slice %arg3[%mul3A_2, %dma_wait3A_15] : memref<384x256xf32, #tpu.memory_space<hbm>> -> memref<8x256xf32, #tpu.memory_space<hbm>>
      tpu.wait_dma2 semaphore(%run_scoped3A_10 : memref<!tpu.dma_semaphore, #tpu.memory_space<semaphore_mem>>) src(%arg4 : memref<8x256xf32, #tpu.memory_space<vmem>>) dst(%dma_wait3A_16 : memref<8x256xf32, #tpu.memory_space<hbm>>)
      tpu.yield
    }) : () -> ()
    %lt3A = arith.constant 16 : i32
    %lt3A_8 = arith.cmpi slt, %add3A, %lt3A : i32
    %convert_element_type3A = arith.extui %lt3A_8 : i1 to i32
    %cond3A = arith.constant 0 : i32
    %cond3A_9 = arith.cmpi ne, %convert_element_type3A, %cond3A : i32
    scf.if %cond3A_9 {
      %add3A_10 = arith.constant 32 : i32
      %add3A_11 = arith.addi %add3A, %add3A_10 : i32
      %mul3A_12 = arith.constant 8 : i32
      %mul3A_13 = arith.muli %add3A_11, %mul3A_12 : i32
      %run_scoped3A_14 = arith.constant 0 : i32
      "tpu.region"() ({
        %run_scoped3A_21 = tpu.sem_alloc : memref<!tpu.dma_semaphore, #tpu.memory_space<semaphore_mem>>
        %dma_start3A = arith.constant 0 : i32
        %dma_start3A_22 = tpu.memref_slice %arg2[%run_scoped3A_14, %mul3A_13, %dma_start3A] : memref<32x384x256xf32, #tpu.memory_space<hbm>> -> memref<1x8x256xf32, #tpu.memory_space<hbm>>
        %dma_start3A_23 = tpu.memref_squeeze %dma_start3A_22 : memref<1x8x256xf32, #tpu.memory_space<hbm>> -> memref<8x256xf32, #tpu.memory_space<hbm>>
        %dma_start3A_24 = arith.constant 0 : i32
        %dma_start3A_25 = tpu.memref_slice %arg2[%run_scoped3A_14, %mul3A_13, %dma_start3A_24] : memref<32x384x256xf32, #tpu.memory_space<hbm>> -> memref<1x8x256xf32, #tpu.memory_space<hbm>>
        %dma_start3A_26 = tpu.memref_squeeze %dma_start3A_25 : memref<1x8x256xf32, #tpu.memory_space<hbm>> -> memref<8x256xf32, #tpu.memory_space<hbm>>
        tpu.enqueue_dma source(%dma_start3A_26 : memref<8x256xf32, #tpu.memory_space<hbm>>) target(%arg4 : memref<8x256xf32, #tpu.memory_space<vmem>>) target_semaphore(%run_scoped3A_21 : memref<!tpu.dma_semaphore, #tpu.memory_space<semaphore_mem>>)
        %dma_wait3A = arith.constant 0 : i32
        %dma_wait3A_27 = tpu.memref_slice %arg2[%run_scoped3A_14, %mul3A_13, %dma_wait3A] : memref<32x384x256xf32, #tpu.memory_space<hbm>> -> memref<1x8x256xf32, #tpu.memory_space<hbm>>
        %dma_wait3A_28 = tpu.memref_squeeze %dma_wait3A_27 : memref<1x8x256xf32, #tpu.memory_space<hbm>> -> memref<8x256xf32, #tpu.memory_space<hbm>>
        %dma_wait3A_29 = arith.constant 0 : i32
        %dma_wait3A_30 = tpu.memref_slice %arg2[%run_scoped3A_14, %mul3A_13, %dma_wait3A_29] : memref<32x384x256xf32, #tpu.memory_space<hbm>> -> memref<1x8x256xf32, #tpu.memory_space<hbm>>
        %dma_wait3A_31 = tpu.memref_squeeze %dma_wait3A_30 : memref<1x8x256xf32, #tpu.memory_space<hbm>> -> memref<8x256xf32, #tpu.memory_space<hbm>>
        tpu.wait_dma2 semaphore(%run_scoped3A_21 : memref<!tpu.dma_semaphore, #tpu.memory_space<semaphore_mem>>) src(%dma_wait3A_31 : memref<8x256xf32, #tpu.memory_space<hbm>>) dst(%arg4 : memref<8x256xf32, #tpu.memory_space<vmem>>)
        tpu.yield
      }) : () -> ()
      %scan3A_15 = arith.constant 0 : i32
      %scan3A_16 = arith.constant 1 : i32
      %scan3A_17 = arith.constant 31 : i32
      %scan3A_18 = arith.addi %scan3A_16, %scan3A_17 : i32
      %scan3A_19 = arith.constant 1 : i32
      scf.for %scan3A_21 = %scan3A_16 to %scan3A_18 step %scan3A_19  : i32 {
        "tpu.region"() ({
          %run_scoped3A_1044 = tpu.sem_alloc : memref<!tpu.dma_semaphore, #tpu.memory_space<semaphore_mem>>
          %dma_start3A = arith.constant 0 : i32
          %dma_start3A_1045 = tpu.memref_slice %arg2[%scan3A_21, %mul3A_13, %dma_start3A] : memref<32x384x256xf32, #tpu.memory_space<hbm>> -> memref<1x8x256xf32, #tpu.memory_space<hbm>>
          %dma_start3A_1046 = tpu.memref_squeeze %dma_start3A_1045 : memref<1x8x256xf32, #tpu.memory_space<hbm>> -> memref<8x256xf32, #tpu.memory_space<hbm>>
          %dma_start3A_1047 = arith.constant 0 : i32
          %dma_start3A_1048 = tpu.memref_slice %arg2[%scan3A_21, %mul3A_13, %dma_start3A_1047] : memref<32x384x256xf32, #tpu.memory_space<hbm>> -> memref<1x8x256xf32, #tpu.memory_space<hbm>>
          %dma_start3A_1049 = tpu.memref_squeeze %dma_start3A_1048 : memref<1x8x256xf32, #tpu.memory_space<hbm>> -> memref<8x256xf32, #tpu.memory_space<hbm>>
          tpu.enqueue_dma source(%dma_start3A_1049 : memref<8x256xf32, #tpu.memory_space<hbm>>) target(%arg5 : memref<8x256xf32, #tpu.memory_space<vmem>>) target_semaphore(%run_scoped3A_1044 : memref<!tpu.dma_semaphore, #tpu.memory_space<semaphore_mem>>)
          %dma_wait3A = arith.constant 0 : i32
          %dma_wait3A_1050 = tpu.memref_slice %arg2[%scan3A_21, %mul3A_13, %dma_wait3A] : memref<32x384x256xf32, #tpu.memory_space<hbm>> -> memref<1x8x256xf32, #tpu.memory_space<hbm>>
          %dma_wait3A_1051 = tpu.memref_squeeze %dma_wait3A_1050 : memref<1x8x256xf32, #tpu.memory_space<hbm>> -> memref<8x256xf32, #tpu.memory_space<hbm>>
          %dma_wait3A_1052 = arith.constant 0 : i32
          %dma_wait3A_1053 = tpu.memref_slice %arg2[%scan3A_21, %mul3A_13, %dma_wait3A_1052] : memref<32x384x256xf32, #tpu.memory_space<hbm>> -> memref<1x8x256xf32, #tpu.memory_space<hbm>>
          %dma_wait3A_1054 = tpu.memref_squeeze %dma_wait3A_1053 : memref<1x8x256xf32, #tpu.memory_space<hbm>> -> memref<8x256xf32, #tpu.memory_space<hbm>>
          tpu.wait_dma2 semaphore(%run_scoped3A_1044 : memref<!tpu.dma_semaphore, #tpu.memory_space<semaphore_mem>>) src(%dma_wait3A_1054 : memref<8x256xf32, #tpu.memory_space<hbm>>) dst(%arg5 : memref<8x256xf32, #tpu.memory_space<vmem>>)
          tpu.yield
        }) : () -> ()
        %get3A = arith.constant 0 : i32
        %get3A_22 = arith.index_cast %get3A : i32 to index
        %get3A_23 = arith.constant 0 : index
        %get3A_24 = tpu.vector_load %arg5[%get3A_22, %get3A_23] {strides = array<i32>} : memref<8x256xf32, #tpu.memory_space<vmem>>, vector<16xf32>,
        %swap3A = arith.constant 0 : i32
        %swap3A_25 = arith.index_cast %swap3A : i32 to index
        %swap3A_26 = arith.constant 0 : index
        %swap3A_27 = tpu.vector_load %arg4[%swap3A_25, %swap3A_26] {strides = array<i32>} : memref<8x256xf32, #tpu.memory_space<vmem>>, vector<16xf32>,
        tpu.vector_store %arg4[%swap3A_25, %swap3A_26], %get3A_24 {add = true, strides = array<i32>} : memref<8x256xf32, #tpu.memory_space<vmem>>, vector<16xf32>,
        %get3A_28 = arith.constant 0 : i32
        %get3A_29 = arith.index_cast %get3A_28 : i32 to index
        %get3A_30 = arith.constant 16 : index
        %get3A_31 = tpu.vector_load %arg5[%get3A_29, %get3A_30] {strides = array<i32>} : memref<8x256xf32, #tpu.memory_space<vmem>>, vector<16xf32>,
        %swap3A_32 = arith.constant 0 : i32
        %swap3A_33 = arith.index_cast %swap3A_32 : i32 to index
        %swap3A_34 = arith.constant 16 : index
        %swap3A_35 = tpu.vector_load %arg4[%swap3A_33, %swap3A_34] {strides = array<i32>} : memref<8x256xf32, #tpu.memory_space<vmem>>, vector<16xf32>,
        tpu.vector_store %arg4[%swap3A_33, %swap3A_34], %get3A_31 {add = true, strides = array<i32>} : memref<8x256xf32, #tpu.memory_space<vmem>>, vector<16xf32>,
        %get3A_36 = arith.constant 0 : i32
        %get3A_37 = arith.index_cast %get3A_36 : i32 to index
        %get3A_38 = arith.constant 32 : index
        %get3A_39 = tpu.vector_load %arg5[%get3A_37, %get3A_38] {strides = array<i32>} : memref<8x256xf32, #tpu.memory_space<vmem>>, vector<16xf32>,
        %swap3A_40 = arith.constant 0 : i32
        %swap3A_41 = arith.index_cast %swap3A_40 : i32 to index
        %swap3A_42 = arith.constant 32 : index
        %swap3A_43 = tpu.vector_load %arg4[%swap3A_41, %swap3A_42] {strides = array<i32>} : memref<8x256xf32, #tpu.memory_space<vmem>>, vector<16xf32>,
        tpu.vector_store %arg4[%swap3A_41, %swap3A_42], %get3A_39 {add = true, strides = array<i32>} : memref<8x256xf32, #tpu.memory_space<vmem>>, vector<16xf32>,
        %get3A_44 = arith.constant 0 : i32
        %get3A_45 = arith.index_cast %get3A_44 : i32 to index
        %get3A_46 = arith.constant 48 : index
        %get3A_47 = tpu.vector_load %arg5[%get3A_45, %get3A_46] {strides = array<i32>} : memref<8x256xf32, #tpu.memory_space<vmem>>, vector<16xf32>,
        %swap3A_48 = arith.constant 0 : i32
        %swap3A_49 = arith.index_cast %swap3A_48 : i32 to index
        %swap3A_50 = arith.constant 48 : index
        %swap3A_51 = tpu.vector_load %arg4[%swap3A_49, %swap3A_50] {strides = array<i32>} : memref<8x256xf32, #tpu.memory_space<vmem>>, vector<16xf32>,
        tpu.vector_store %arg4[%swap3A_49, %swap3A_50], %get3A_47 {add = true, strides = array<i32>} : memref<8x256xf32, #tpu.memory_space<vmem>>, vector<16xf32>,
        %get3A_52 = arith.constant 0 : i32
        %get3A_53 = arith.index_cast %get3A_52 : i32 to index
        %get3A_54 = arith.constant 64 : index
        %get3A_55 = tpu.vector_load %arg5[%get3A_53, %get3A_54] {strides = array<i32>} : memref<8x256xf32, #tpu.memory_space<vmem>>, vector<16xf32>,
        %swap3A_56 = arith.constant 0 : i32
        %swap3A_57 = arith.index_cast %swap3A_56 : i32 to index
        %swap3A_58 = arith.constant 64 : index
        %swap3A_59 = tpu.vector_load %arg4[%swap3A_57, %swap3A_58] {strides = array<i32>} : memref<8x256xf32, #tpu.memory_space<vmem>>, vector<16xf32>,
        tpu.vector_store %arg4[%swap3A_57, %swap3A_58], %get3A_55 {add = true, strides = array<i32>} : memref<8x256xf32, #tpu.memory_space<vmem>>, vector<16xf32>,
        %get3A_60 = arith.constant 0 : i32
        %get3A_61 = arith.index_cast %get3A_60 : i32 to index
        %get3A_62 = arith.constant 80 : index
        %get3A_63 = tpu.vector_load %arg5[%get3A_61, %get3A_62] {strides = array<i32>} : memref<8x256xf32, #tpu.memory_space<vmem>>, vector<16xf32>,
        %swap3A_64 = arith.constant 0 : i32
        %swap3A_65 = arith.index_cast %swap3A_64 : i32 to index
        %swap3A_66 = arith.constant 80 : index
        %swap3A_67 = tpu.vector_load %arg4[%swap3A_65, %swap3A_66] {strides = array<i32>} : memref<8x256xf32, #tpu.memory_space<vmem>>, vector<16xf32>,
        tpu.vector_store %arg4[%swap3A_65, %swap3A_66], %get3A_63 {add = true, strides = array<i32>} : memref<8x256xf32, #tpu.memory_space<vmem>>, vector<16xf32>,
        %get3A_68 = arith.constant 0 : i32
        %get3A_69 = arith.index_cast %get3A_68 : i32 to index
        %get3A_70 = arith.constant 96 : index
        %get3A_71 = tpu.vector_load %arg5[%get3A_69, %get3A_70] {strides = array<i32>} : memref<8x256xf32, #tpu.memory_space<vmem>>, vector<16xf32>,
        %swap3A_72 = arith.constant 0 : i32
        %swap3A_73 = arith.index_cast %swap3A_72 : i32 to index
        %swap3A_74 = arith.constant 96 : index
        %swap3A_75 = tpu.vector_load %arg4[%swap3A_73, %swap3A_74] {strides = array<i32>} : memref<8x256xf32, #tpu.memory_space<vmem>>, vector<16xf32>,
        tpu.vector_store %arg4[%swap3A_73, %swap3A_74], %get3A_71 {add = true, strides = array<i32>} : memref<8x256xf32, #tpu.memory_space<vmem>>, vector<16xf32>,
        %get3A_76 = arith.constant 0 : i32
        %get3A_77 = arith.index_cast %get3A_76 : i32 to index
        %get3A_78 = arith.constant 112 : index
        %get3A_79 = tpu.vector_load %arg5[%get3A_77, %get3A_78] {strides = array<i32>} : memref<8x256xf32, #tpu.memory_space<vmem>>, vector<16xf32>,
        %swap3A_80 = arith.constant 0 : i32
        %swap3A_81 = arith.index_cast %swap3A_80 : i32 to index
        %swap3A_82 = arith.constant 112 : index
        %swap3A_83 = tpu.vector_load %arg4[%swap3A_81, %swap3A_82] {strides = array<i32>} : memref<8x256xf32, #tpu.memory_space<vmem>>, vector<16xf32>,
        tpu.vector_store %arg4[%swap3A_81, %swap3A_82], %get3A_79 {add = true, strides = array<i32>} : memref<8x256xf32, #tpu.memory_space<vmem>>, vector<16xf32>,
        %get3A_84 = arith.constant 0 : i32
        %get3A_85 = arith.index_cast %get3A_84 : i32 to index
        %get3A_86 = arith.constant 128 : index
        %get3A_87 = tpu.vector_load %arg5[%get3A_85, %get3A_86] {strides = array<i32>} : memref<8x256xf32, #tpu.memory_space<vmem>>, vector<16xf32>,
        %swap3A_88 = arith.constant 0 : i32
        %swap3A_89 = arith.index_cast %swap3A_88 : i32 to index
        %swap3A_90 = arith.constant 128 : index
        %swap3A_91 = tpu.vector_load %arg4[%swap3A_89, %swap3A_90] {strides = array<i32>} : memref<8x256xf32, #tpu.memory_space<vmem>>, vector<16xf32>,
        tpu.vector_store %arg4[%swap3A_89, %swap3A_90], %get3A_87 {add = true, strides = array<i32>} : memref<8x256xf32, #tpu.memory_space<vmem>>, vector<16xf32>,
        %get3A_92 = arith.constant 0 : i32
        %get3A_93 = arith.index_cast %get3A_92 : i32 to index
        %get3A_94 = arith.constant 144 : index
        %get3A_95 = tpu.vector_load %arg5[%get3A_93, %get3A_94] {strides = array<i32>} : memref<8x256xf32, #tpu.memory_space<vmem>>, vector<16xf32>,
        %swap3A_96 = arith.constant 0 : i32
        %swap3A_97 = arith.index_cast %swap3A_96 : i32 to index
        %swap3A_98 = arith.constant 144 : index
        %swap3A_99 = tpu.vector_load %arg4[%swap3A_97, %swap3A_98] {strides = array<i32>} : memref<8x256xf32, #tpu.memory_space<vmem>>, vector<16xf32>,
        tpu.vector_store %arg4[%swap3A_97, %swap3A_98], %get3A_95 {add = true, strides = array<i32>} : memref<8x256xf32, #tpu.memory_space<vmem>>, vector<16xf32>,
        %get3A_100 = arith.constant 0 : i32
        %get3A_101 = arith.index_cast %get3A_100 : i32 to index
        %get3A_102 = arith.constant 160 : index
        %get3A_103 = tpu.vector_load %arg5[%get3A_101, %get3A_102] {strides = array<i32>} : memref<8x256xf32, #tpu.memory_space<vmem>>, vector<16xf32>,
        %swap3A_104 = arith.constant 0 : i32
        %swap3A_105 = arith.index_cast %swap3A_104 : i32 to index
        %swap3A_106 = arith.constant 160 : index
        %swap3A_107 = tpu.vector_load %arg4[%swap3A_105, %swap3A_106] {strides = array<i32>} : memref<8x256xf32, #tpu.memory_space<vmem>>, vector<16xf32>,
        tpu.vector_store %arg4[%swap3A_105, %swap3A_106], %get3A_103 {add = true, strides = array<i32>} : memref<8x256xf32, #tpu.memory_space<vmem>>, vector<16xf32>,
        %get3A_108 = arith.constant 0 : i32
        %get3A_109 = arith.index_cast %get3A_108 : i32 to index
        %get3A_110 = arith.constant 176 : index
        %get3A_111 = tpu.vector_load %arg5[%get3A_109, %get3A_110] {strides = array<i32>} : memref<8x256xf32, #tpu.memory_space<vmem>>, vector<16xf32>,
        %swap3A_112 = arith.constant 0 : i32
        %swap3A_113 = arith.index_cast %swap3A_112 : i32 to index
        %swap3A_114 = arith.constant 176 : index
        %swap3A_115 = tpu.vector_load %arg4[%swap3A_113, %swap3A_114] {strides = array<i32>} : memref<8x256xf32, #tpu.memory_space<vmem>>, vector<16xf32>,
        tpu.vector_store %arg4[%swap3A_113, %swap3A_114], %get3A_111 {add = true, strides = array<i32>} : memref<8x256xf32, #tpu.memory_space<vmem>>, vector<16xf32>,
        %get3A_116 = arith.constant 0 : i32
        %get3A_117 = arith.index_cast %get3A_116 : i32 to index
        %get3A_118 = arith.constant 192 : index
        %get3A_119 = tpu.vector_load %arg5[%get3A_117, %get3A_118] {strides = array<i32>} : memref<8x256xf32, #tpu.memory_space<vmem>>, vector<16xf32>,
        %swap3A_120 = arith.constant 0 : i32
        %swap3A_121 = arith.index_cast %swap3A_120 : i32 to index
        %swap3A_122 = arith.constant 192 : index
        %swap3A_123 = tpu.vector_load %arg4[%swap3A_121, %swap3A_122] {strides = array<i32>} : memref<8x256xf32, #tpu.memory_space<vmem>>, vector<16xf32>,
        tpu.vector_store %arg4[%swap3A_121, %swap3A_122], %get3A_119 {add = true, strides = array<i32>} : memref<8x256xf32, #tpu.memory_space<vmem>>, vector<16xf32>,
        %get3A_124 = arith.constant 0 : i32
        %get3A_125 = arith.index_cast %get3A_124 : i32 to index
        %get3A_126 = arith.constant 208 : index
        %get3A_127 = tpu.vector_load %arg5[%get3A_125, %get3A_126] {strides = array<i32>} : memref<8x256xf32, #tpu.memory_space<vmem>>, vector<16xf32>,
        %swap3A_128 = arith.constant 0 : i32
        %swap3A_129 = arith.index_cast %swap3A_128 : i32 to index
        %swap3A_130 = arith.constant 208 : index
        %swap3A_131 = tpu.vector_load %arg4[%swap3A_129, %swap3A_130] {strides = array<i32>} : memref<8x256xf32, #tpu.memory_space<vmem>>, vector<16xf32>,
        tpu.vector_store %arg4[%swap3A_129, %swap3A_130], %get3A_127 {add = true, strides = array<i32>} : memref<8x256xf32, #tpu.memory_space<vmem>>, vector<16xf32>,
        %get3A_132 = arith.constant 0 : i32
        %get3A_133 = arith.index_cast %get3A_132 : i32 to index
        %get3A_134 = arith.constant 224 : index
        %get3A_135 = tpu.vector_load %arg5[%get3A_133, %get3A_134] {strides = array<i32>} : memref<8x256xf32, #tpu.memory_space<vmem>>, vector<16xf32>,
        %swap3A_136 = arith.constant 0 : i32
        %swap3A_137 = arith.index_cast %swap3A_136 : i32 to index
        %swap3A_138 = arith.constant 224 : index
        %swap3A_139 = tpu.vector_load %arg4[%swap3A_137, %swap3A_138] {strides = array<i32>} : memref<8x256xf32, #tpu.memory_space<vmem>>, vector<16xf32>,
        tpu.vector_store %arg4[%swap3A_137, %swap3A_138], %get3A_135 {add = true, strides = array<i32>} : memref<8x256xf32, #tpu.memory_space<vmem>>, vector<16xf32>,
        %get3A_140 = arith.constant 0 : i32
        %get3A_141 = arith.index_cast %get3A_140 : i32 to index
        %get3A_142 = arith.constant 240 : index
        %get3A_143 = tpu.vector_load %arg5[%get3A_141, %get3A_142] {strides = array<i32>} : memref<8x256xf32, #tpu.memory_space<vmem>>, vector<16xf32>,
        %swap3A_144 = arith.constant 0 : i32
        %swap3A_145 = arith.index_cast %swap3A_144 : i32 to index
        %swap3A_146 = arith.constant 240 : index
        %swap3A_147 = tpu.vector_load %arg4[%swap3A_145, %swap3A_146] {strides = array<i32>} : memref<8x256xf32, #tpu.memory_space<vmem>>, vector<16xf32>,
        tpu.vector_store %arg4[%swap3A_145, %swap3A_146], %get3A_143 {add = true, strides = array<i32>} : memref<8x256xf32, #tpu.memory_space<vmem>>, vector<16xf32>,
        %get3A_148 = arith.constant 1 : i32
        %get3A_149 = arith.index_cast %get3A_148 : i32 to index
        %get3A_150 = arith.constant 0 : index
        %get3A_151 = tpu.vector_load %arg5[%get3A_149, %get3A_150] {strides = array<i32>} : memref<8x256xf32, #tpu.memory_space<vmem>>, vector<16xf32>,
        %swap3A_152 = arith.constant 1 : i32
        %swap3A_153 = arith.index_cast %swap3A_152 : i32 to index
        %swap3A_154 = arith.constant 0 : index
        %swap3A_155 = tpu.vector_load %arg4[%swap3A_153, %swap3A_154] {strides = array<i32>} : memref<8x256xf32, #tpu.memory_space<vmem>>, vector<16xf32>,
        tpu.vector_store %arg4[%swap3A_153, %swap3A_154], %get3A_151 {add = true, strides = array<i32>} : memref<8x256xf32, #tpu.memory_space<vmem>>, vector<16xf32>,
        %get3A_156 = arith.constant 1 : i32
        %get3A_157 = arith.index_cast %get3A_156 : i32 to index
        %get3A_158 = arith.constant 16 : index
        %get3A_159 = tpu.vector_load %arg5[%get3A_157, %get3A_158] {strides = array<i32>} : memref<8x256xf32, #tpu.memory_space<vmem>>, vector<16xf32>,
        %swap3A_160 = arith.constant 1 : i32
        %swap3A_161 = arith.index_cast %swap3A_160 : i32 to index
        %swap3A_162 = arith.constant 16 : index
        %swap3A_163 = tpu.vector_load %arg4[%swap3A_161, %swap3A_162] {strides = array<i32>} : memref<8x256xf32, #tpu.memory_space<vmem>>, vector<16xf32>,
        tpu.vector_store %arg4[%swap3A_161, %swap3A_162], %get3A_159 {add = true, strides = array<i32>} : memref<8x256xf32, #tpu.memory_space<vmem>>, vector<16xf32>,
        %get3A_164 = arith.constant 1 : i32
        %get3A_165 = arith.index_cast %get3A_164 : i32 to index
        %get3A_166 = arith.constant 32 : index
        %get3A_167 = tpu.vector_load %arg5[%get3A_165, %get3A_166] {strides = array<i32>} : memref<8x256xf32, #tpu.memory_space<vmem>>, vector<16xf32>,
        %swap3A_168 = arith.constant 1 : i32
        %swap3A_169 = arith.index_cast %swap3A_168 : i32 to index
        %swap3A_170 = arith.constant 32 : index
        %swap3A_171 = tpu.vector_load %arg4[%swap3A_169, %swap3A_170] {strides = array<i32>} : memref<8x256xf32, #tpu.memory_space<vmem>>, vector<16xf32>,
        tpu.vector_store %arg4[%swap3A_169, %swap3A_170], %get3A_167 {add = true, strides = array<i32>} : memref<8x256xf32, #tpu.memory_space<vmem>>, vector<16xf32>,
        %get3A_172 = arith.constant 1 : i32
        %get3A_173 = arith.index_cast %get3A_172 : i32 to index
        %get3A_174 = arith.constant 48 : index
        %get3A_175 = tpu.vector_load %arg5[%get3A_173, %get3A_174] {strides = array<i32>} : memref<8x256xf32, #tpu.memory_space<vmem>>, vector<16xf32>,
        %swap3A_176 = arith.constant 1 : i32
        %swap3A_177 = arith.index_cast %swap3A_176 : i32 to index
        %swap3A_178 = arith.constant 48 : index
        %swap3A_179 = tpu.vector_load %arg4[%swap3A_177, %swap3A_178] {strides = array<i32>} : memref<8x256xf32, #tpu.memory_space<vmem>>, vector<16xf32>,
        tpu.vector_store %arg4[%swap3A_177, %swap3A_178], %get3A_175 {add = true, strides = array<i32>} : memref<8x256xf32, #tpu.memory_space<vmem>>, vector<16xf32>,
        %get3A_180 = arith.constant 1 : i32
        %get3A_181 = arith.index_cast %get3A_180 : i32 to index
        %get3A_182 = arith.constant 64 : index
        %get3A_183 = tpu.vector_load %arg5[%get3A_181, %get3A_182] {strides = array<i32>} : memref<8x256xf32, #tpu.memory_space<vmem>>, vector<16xf32>,
        %swap3A_184 = arith.constant 1 : i32
        %swap3A_185 = arith.index_cast %swap3A_184 : i32 to index
        %swap3A_186 = arith.constant 64 : index
        %swap3A_187 = tpu.vector_load %arg4[%swap3A_185, %swap3A_186] {strides = array<i32>} : memref<8x256xf32, #tpu.memory_space<vmem>>, vector<16xf32>,
        tpu.vector_store %arg4[%swap3A_185, %swap3A_186], %get3A_183 {add = true, strides = array<i32>} : memref<8x256xf32, #tpu.memory_space<vmem>>, vector<16xf32>,
        %get3A_188 = arith.constant 1 : i32
        %get3A_189 = arith.index_cast %get3A_188 : i32 to index
        %get3A_190 = arith.constant 80 : index
        %get3A_191 = tpu.vector_load %arg5[%get3A_189, %get3A_190] {strides = array<i32>} : memref<8x256xf32, #tpu.memory_space<vmem>>, vector<16xf32>,
        %swap3A_192 = arith.constant 1 : i32
        %swap3A_193 = arith.index_cast %swap3A_192 : i32 to index
        %swap3A_194 = arith.constant 80 : index
        %swap3A_195 = tpu.vector_load %arg4[%swap3A_193, %swap3A_194] {strides = array<i32>} : memref<8x256xf32, #tpu.memory_space<vmem>>, vector<16xf32>,
        tpu.vector_store %arg4[%swap3A_193, %swap3A_194], %get3A_191 {add = true, strides = array<i32>} : memref<8x256xf32, #tpu.memory_space<vmem>>, vector<16xf32>,
        %get3A_196 = arith.constant 1 : i32
        %get3A_197 = arith.index_cast %get3A_196 : i32 to index
        %get3A_198 = arith.constant 96 : index
        %get3A_199 = tpu.vector_load %arg5[%get3A_197, %get3A_198] {strides = array<i32>} : memref<8x256xf32, #tpu.memory_space<vmem>>, vector<16xf32>,
        %swap3A_200 = arith.constant 1 : i32
        %swap3A_201 = arith.index_cast %swap3A_200 : i32 to index
        %swap3A_202 = arith.constant 96 : index
        %swap3A_203 = tpu.vector_load %arg4[%swap3A_201, %swap3A_202] {strides = array<i32>} : memref<8x256xf32, #tpu.memory_space<vmem>>, vector<16xf32>,
        tpu.vector_store %arg4[%swap3A_201, %swap3A_202], %get3A_199 {add = true, strides = array<i32>} : memref<8x256xf32, #tpu.memory_space<vmem>>, vector<16xf32>,
        %get3A_204 = arith.constant 1 : i32
        %get3A_205 = arith.index_cast %get3A_204 : i32 to index
        %get3A_206 = arith.constant 112 : index
        %get3A_207 = tpu.vector_load %arg5[%get3A_205, %get3A_206] {strides = array<i32>} : memref<8x256xf32, #tpu.memory_space<vmem>>, vector<16xf32>,
        %swap3A_208 = arith.constant 1 : i32
        %swap3A_209 = arith.index_cast %swap3A_208 : i32 to index
        %swap3A_210 = arith.constant 112 : index
        %swap3A_211 = tpu.vector_load %arg4[%swap3A_209, %swap3A_210] {strides = array<i32>} : memref<8x256xf32, #tpu.memory_space<vmem>>, vector<16xf32>,
        tpu.vector_store %arg4[%swap3A_209, %swap3A_210], %get3A_207 {add = true, strides = array<i32>} : memref<8x256xf32, #tpu.memory_space<vmem>>, vector<16xf32>,
        %get3A_212 = arith.constant 1 : i32
        %get3A_213 = arith.index_cast %get3A_212 : i32 to index
        %get3A_214 = arith.constant 128 : index
        %get3A_215 = tpu.vector_load %arg5[%get3A_213, %get3A_214] {strides = array<i32>} : memref<8x256xf32, #tpu.memory_space<vmem>>, vector<16xf32>,
        %swap3A_216 = arith.constant 1 : i32
        %swap3A_217 = arith.index_cast %swap3A_216 : i32 to index
        %swap3A_218 = arith.constant 128 : index
        %swap3A_219 = tpu.vector_load %arg4[%swap3A_217, %swap3A_218] {strides = array<i32>} : memref<8x256xf32, #tpu.memory_space<vmem>>, vector<16xf32>,
        tpu.vector_store %arg4[%swap3A_217, %swap3A_218], %get3A_215 {add = true, strides = array<i32>} : memref<8x256xf32, #tpu.memory_space<vmem>>, vector<16xf32>,
        %get3A_220 = arith.constant 1 : i32
        %get3A_221 = arith.index_cast %get3A_220 : i32 to index
        %get3A_222 = arith.constant 144 : index
        %get3A_223 = tpu.vector_load %arg5[%get3A_221, %get3A_222] {strides = array<i32>} : memref<8x256xf32, #tpu.memory_space<vmem>>, vector<16xf32>,
        %swap3A_224 = arith.constant 1 : i32
        %swap3A_225 = arith.index_cast %swap3A_224 : i32 to index
        %swap3A_226 = arith.constant 144 : index
        %swap3A_227 = tpu.vector_load %arg4[%swap3A_225, %swap3A_226] {strides = array<i32>} : memref<8x256xf32, #tpu.memory_space<vmem>>, vector<16xf32>,
        tpu.vector_store %arg4[%swap3A_225, %swap3A_226], %get3A_223 {add = true, strides = array<i32>} : memref<8x256xf32, #tpu.memory_space<vmem>>, vector<16xf32>,
        %get3A_228 = arith.constant 1 : i32
        %get3A_229 = arith.index_cast %get3A_228 : i32 to index
        %get3A_230 = arith.constant 160 : index
        %get3A_231 = tpu.vector_load %arg5[%get3A_229, %get3A_230] {strides = array<i32>} : memref<8x256xf32, #tpu.memory_space<vmem>>, vector<16xf32>,
        %swap3A_232 = arith.constant 1 : i32
        %swap3A_233 = arith.index_cast %swap3A_232 : i32 to index
        %swap3A_234 = arith.constant 160 : index
        %swap3A_235 = tpu.vector_load %arg4[%swap3A_233, %swap3A_234] {strides = array<i32>} : memref<8x256xf32, #tpu.memory_space<vmem>>, vector<16xf32>,
        tpu.vector_store %arg4[%swap3A_233, %swap3A_234], %get3A_231 {add = true, strides = array<i32>} : memref<8x256xf32, #tpu.memory_space<vmem>>, vector<16xf32>,
        %get3A_236 = arith.constant 1 : i32
        %get3A_237 = arith.index_cast %get3A_236 : i32 to index
        %get3A_238 = arith.constant 176 : index
        %get3A_239 = tpu.vector_load %arg5[%get3A_237, %get3A_238] {strides = array<i32>} : memref<8x256xf32, #tpu.memory_space<vmem>>, vector<16xf32>,
        %swap3A_240 = arith.constant 1 : i32
        %swap3A_241 = arith.index_cast %swap3A_240 : i32 to index
        %swap3A_242 = arith.constant 176 : index
        %swap3A_243 = tpu.vector_load %arg4[%swap3A_241, %swap3A_242] {strides = array<i32>} : memref<8x256xf32, #tpu.memory_space<vmem>>, vector<16xf32>,
        tpu.vector_store %arg4[%swap3A_241, %swap3A_242], %get3A_239 {add = true, strides = array<i32>} : memref<8x256xf32, #tpu.memory_space<vmem>>, vector<16xf32>,
        %get3A_244 = arith.constant 1 : i32
        %get3A_245 = arith.index_cast %get3A_244 : i32 to index
        %get3A_246 = arith.constant 192 : index
        %get3A_247 = tpu.vector_load %arg5[%get3A_245, %get3A_246] {strides = array<i32>} : memref<8x256xf32, #tpu.memory_space<vmem>>, vector<16xf32>,
        %swap3A_248 = arith.constant 1 : i32
        %swap3A_249 = arith.index_cast %swap3A_248 : i32 to index
        %swap3A_250 = arith.constant 192 : index
        %swap3A_251 = tpu.vector_load %arg4[%swap3A_249, %swap3A_250] {strides = array<i32>} : memref<8x256xf32, #tpu.memory_space<vmem>>, vector<16xf32>,
        tpu.vector_store %arg4[%swap3A_249, %swap3A_250], %get3A_247 {add = true, strides = array<i32>} : memref<8x256xf32, #tpu.memory_space<vmem>>, vector<16xf32>,
        %get3A_252 = arith.constant 1 : i32
        %get3A_253 = arith.index_cast %get3A_252 : i32 to index
        %get3A_254 = arith.constant 208 : index
        %get3A_255 = tpu.vector_load %arg5[%get3A_253, %get3A_254] {strides = array<i32>} : memref<8x256xf32, #tpu.memory_space<vmem>>, vector<16xf32>,
        %swap3A_256 = arith.constant 1 : i32
        %swap3A_257 = arith.index_cast %swap3A_256 : i32 to index
        %swap3A_258 = arith.constant 208 : index
        %swap3A_259 = tpu.vector_load %arg4[%swap3A_257, %swap3A_258] {strides = array<i32>} : memref<8x256xf32, #tpu.memory_space<vmem>>, vector<16xf32>,
        tpu.vector_store %arg4[%swap3A_257, %swap3A_258], %get3A_255 {add = true, strides = array<i32>} : memref<8x256xf32, #tpu.memory_space<vmem>>, vector<16xf32>,
        %get3A_260 = arith.constant 1 : i32
        %get3A_261 = arith.index_cast %get3A_260 : i32 to index
        %get3A_262 = arith.constant 224 : index
        %get3A_263 = tpu.vector_load %arg5[%get3A_261, %get3A_262] {strides = array<i32>} : memref<8x256xf32, #tpu.memory_space<vmem>>, vector<16xf32>,
        %swap3A_264 = arith.constant 1 : i32
        %swap3A_265 = arith.index_cast %swap3A_264 : i32 to index
        %swap3A_266 = arith.constant 224 : index
        %swap3A_267 = tpu.vector_load %arg4[%swap3A_265, %swap3A_266] {strides = array<i32>} : memref<8x256xf32, #tpu.memory_space<vmem>>, vector<16xf32>,
        tpu.vector_store %arg4[%swap3A_265, %swap3A_266], %get3A_263 {add = true, strides = array<i32>} : memref<8x256xf32, #tpu.memory_space<vmem>>, vector<16xf32>,
        %get3A_268 = arith.constant 1 : i32
        %get3A_269 = arith.index_cast %get3A_268 : i32 to index
        %get3A_270 = arith.constant 240 : index
        %get3A_271 = tpu.vector_load %arg5[%get3A_269, %get3A_270] {strides = array<i32>} : memref<8x256xf32, #tpu.memory_space<vmem>>, vector<16xf32>,
        %swap3A_272 = arith.constant 1 : i32
        %swap3A_273 = arith.index_cast %swap3A_272 : i32 to index
        %swap3A_274 = arith.constant 240 : index
        %swap3A_275 = tpu.vector_load %arg4[%swap3A_273, %swap3A_274] {strides = array<i32>} : memref<8x256xf32, #tpu.memory_space<vmem>>, vector<16xf32>,
        tpu.vector_store %arg4[%swap3A_273, %swap3A_274], %get3A_271 {add = true, strides = array<i32>} : memref<8x256xf32, #tpu.memory_space<vmem>>, vector<16xf32>,
        %get3A_276 = arith.constant 2 : i32
        %get3A_277 = arith.index_cast %get3A_276 : i32 to index
        %get3A_278 = arith.constant 0 : index
        %get3A_279 = tpu.vector_load %arg5[%get3A_277, %get3A_278] {strides = array<i32>} : memref<8x256xf32, #tpu.memory_space<vmem>>, vector<16xf32>,
        %swap3A_280 = arith.constant 2 : i32
        %swap3A_281 = arith.index_cast %swap3A_280 : i32 to index
        %swap3A_282 = arith.constant 0 : index
        %swap3A_283 = tpu.vector_load %arg4[%swap3A_281, %swap3A_282] {strides = array<i32>} : memref<8x256xf32, #tpu.memory_space<vmem>>, vector<16xf32>,
        tpu.vector_store %arg4[%swap3A_281, %swap3A_282], %get3A_279 {add = true, strides = array<i32>} : memref<8x256xf32, #tpu.memory_space<vmem>>, vector<16xf32>,
        %get3A_284 = arith.constant 2 : i32
        %get3A_285 = arith.index_cast %get3A_284 : i32 to index
        %get3A_286 = arith.constant 16 : index
        %get3A_287 = tpu.vector_load %arg5[%get3A_285, %get3A_286] {strides = array<i32>} : memref<8x256xf32, #tpu.memory_space<vmem>>, vector<16xf32>,
        %swap3A_288 = arith.constant 2 : i32
        %swap3A_289 = arith.index_cast %swap3A_288 : i32 to index
        %swap3A_290 = arith.constant 16 : index
        %swap3A_291 = tpu.vector_load %arg4[%swap3A_289, %swap3A_290] {strides = array<i32>} : memref<8x256xf32, #tpu.memory_space<vmem>>, vector<16xf32>,
        tpu.vector_store %arg4[%swap3A_289, %swap3A_290], %get3A_287 {add = true, strides = array<i32>} : memref<8x256xf32, #tpu.memory_space<vmem>>, vector<16xf32>,
        %get3A_292 = arith.constant 2 : i32
        %get3A_293 = arith.index_cast %get3A_292 : i32 to index
        %get3A_294 = arith.constant 32 : index
        %get3A_295 = tpu.vector_load %arg5[%get3A_293, %get3A_294] {strides = array<i32>} : memref<8x256xf32, #tpu.memory_space<vmem>>, vector<16xf32>,
        %swap3A_296 = arith.constant 2 : i32
        %swap3A_297 = arith.index_cast %swap3A_296 : i32 to index
        %swap3A_298 = arith.constant 32 : index
        %swap3A_299 = tpu.vector_load %arg4[%swap3A_297, %swap3A_298] {strides = array<i32>} : memref<8x256xf32, #tpu.memory_space<vmem>>, vector<16xf32>,
        tpu.vector_store %arg4[%swap3A_297, %swap3A_298], %get3A_295 {add = true, strides = array<i32>} : memref<8x256xf32, #tpu.memory_space<vmem>>, vector<16xf32>,
        %get3A_300 = arith.constant 2 : i32
        %get3A_301 = arith.index_cast %get3A_300 : i32 to index
        %get3A_302 = arith.constant 48 : index
        %get3A_303 = tpu.vector_load %arg5[%get3A_301, %get3A_302] {strides = array<i32>} : memref<8x256xf32, #tpu.memory_space<vmem>>, vector<16xf32>,
        %swap3A_304 = arith.constant 2 : i32
        %swap3A_305 = arith.index_cast %swap3A_304 : i32 to index
        %swap3A_306 = arith.constant 48 : index
        %swap3A_307 = tpu.vector_load %arg4[%swap3A_305, %swap3A_306] {strides = array<i32>} : memref<8x256xf32, #tpu.memory_space<vmem>>, vector<16xf32>,
        tpu.vector_store %arg4[%swap3A_305, %swap3A_306], %get3A_303 {add = true, strides = array<i32>} : memref<8x256xf32, #tpu.memory_space<vmem>>, vector<16xf32>,
        %get3A_308 = arith.constant 2 : i32
        %get3A_309 = arith.index_cast %get3A_308 : i32 to index
        %get3A_310 = arith.constant 64 : index
        %get3A_311 = tpu.vector_load %arg5[%get3A_309, %get3A_310] {strides = array<i32>} : memref<8x256xf32, #tpu.memory_space<vmem>>, vector<16xf32>,
        %swap3A_312 = arith.constant 2 : i32
        %swap3A_313 = arith.index_cast %swap3A_312 : i32 to index
        %swap3A_314 = arith.constant 64 : index
        %swap3A_315 = tpu.vector_load %arg4[%swap3A_313, %swap3A_314] {strides = array<i32>} : memref<8x256xf32, #tpu.memory_space<vmem>>, vector<16xf32>,
        tpu.vector_store %arg4[%swap3A_313, %swap3A_314], %get3A_311 {add = true, strides = array<i32>} : memref<8x256xf32, #tpu.memory_space<vmem>>, vector<16xf32>,
        %get3A_316 = arith.constant 2 : i32
        %get3A_317 = arith.index_cast %get3A_316 : i32 to index
        %get3A_318 = arith.constant 80 : index
        %get3A_319 = tpu.vector_load %arg5[%get3A_317, %get3A_318] {strides = array<i32>} : memref<8x256xf32, #tpu.memory_space<vmem>>, vector<16xf32>,
        %swap3A_320 = arith.constant 2 : i32
        %swap3A_321 = arith.index_cast %swap3A_320 : i32 to index
        %swap3A_322 = arith.constant 80 : index
        %swap3A_323 = tpu.vector_load %arg4[%swap3A_321, %swap3A_322] {strides = array<i32>} : memref<8x256xf32, #tpu.memory_space<vmem>>, vector<16xf32>,
        tpu.vector_store %arg4[%swap3A_321, %swap3A_322], %get3A_319 {add = true, strides = array<i32>} : memref<8x256xf32, #tpu.memory_space<vmem>>, vector<16xf32>,
        %get3A_324 = arith.constant 2 : i32
        %get3A_325 = arith.index_cast %get3A_324 : i32 to index
        %get3A_326 = arith.constant 96 : index
        %get3A_327 = tpu.vector_load %arg5[%get3A_325, %get3A_326] {strides = array<i32>} : memref<8x256xf32, #tpu.memory_space<vmem>>, vector<16xf32>,
        %swap3A_328 = arith.constant 2 : i32
        %swap3A_329 = arith.index_cast %swap3A_328 : i32 to index
        %swap3A_330 = arith.constant 96 : index
        %swap3A_331 = tpu.vector_load %arg4[%swap3A_329, %swap3A_330] {strides = array<i32>} : memref<8x256xf32, #tpu.memory_space<vmem>>, vector<16xf32>,
        tpu.vector_store %arg4[%swap3A_329, %swap3A_330], %get3A_327 {add = true, strides = array<i32>} : memref<8x256xf32, #tpu.memory_space<vmem>>, vector<16xf32>,
        %get3A_332 = arith.constant 2 : i32
        %get3A_333 = arith.index_cast %get3A_332 : i32 to index
        %get3A_334 = arith.constant 112 : index
        %get3A_335 = tpu.vector_load %arg5[%get3A_333, %get3A_334] {strides = array<i32>} : memref<8x256xf32, #tpu.memory_space<vmem>>, vector<16xf32>,
        %swap3A_336 = arith.constant 2 : i32
        %swap3A_337 = arith.index_cast %swap3A_336 : i32 to index
        %swap3A_338 = arith.constant 112 : index
        %swap3A_339 = tpu.vector_load %arg4[%swap3A_337, %swap3A_338] {strides = array<i32>} : memref<8x256xf32, #tpu.memory_space<vmem>>, vector<16xf32>,
        tpu.vector_store %arg4[%swap3A_337, %swap3A_338], %get3A_335 {add = true, strides = array<i32>} : memref<8x256xf32, #tpu.memory_space<vmem>>, vector<16xf32>,
        %get3A_340 = arith.constant 2 : i32
        %get3A_341 = arith.index_cast %get3A_340 : i32 to index
        %get3A_342 = arith.constant 128 : index
        %get3A_343 = tpu.vector_load %arg5[%get3A_341, %get3A_342] {strides = array<i32>} : memref<8x256xf32, #tpu.memory_space<vmem>>, vector<16xf32>,
        %swap3A_344 = arith.constant 2 : i32
        %swap3A_345 = arith.index_cast %swap3A_344 : i32 to index
        %swap3A_346 = arith.constant 128 : index
        %swap3A_347 = tpu.vector_load %arg4[%swap3A_345, %swap3A_346] {strides = array<i32>} : memref<8x256xf32, #tpu.memory_space<vmem>>, vector<16xf32>,
        tpu.vector_store %arg4[%swap3A_345, %swap3A_346], %get3A_343 {add = true, strides = array<i32>} : memref<8x256xf32, #tpu.memory_space<vmem>>, vector<16xf32>,
        %get3A_348 = arith.constant 2 : i32
        %get3A_349 = arith.index_cast %get3A_348 : i32 to index
        %get3A_350 = arith.constant 144 : index
        %get3A_351 = tpu.vector_load %arg5[%get3A_349, %get3A_350] {strides = array<i32>} : memref<8x256xf32, #tpu.memory_space<vmem>>, vector<16xf32>,
        %swap3A_352 = arith.constant 2 : i32
        %swap3A_353 = arith.index_cast %swap3A_352 : i32 to index
        %swap3A_354 = arith.constant 144 : index
        %swap3A_355 = tpu.vector_load %arg4[%swap3A_353, %swap3A_354] {strides = array<i32>} : memref<8x256xf32, #tpu.memory_space<vmem>>, vector<16xf32>,
        tpu.vector_store %arg4[%swap3A_353, %swap3A_354], %get3A_351 {add = true, strides = array<i32>} : memref<8x256xf32, #tpu.memory_space<vmem>>, vector<16xf32>,
        %get3A_356 = arith.constant 2 : i32
        %get3A_357 = arith.index_cast %get3A_356 : i32 to index
        %get3A_358 = arith.constant 160 : index
        %get3A_359 = tpu.vector_load %arg5[%get3A_357, %get3A_358] {strides = array<i32>} : memref<8x256xf32, #tpu.memory_space<vmem>>, vector<16xf32>,
        %swap3A_360 = arith.constant 2 : i32
        %swap3A_361 = arith.index_cast %swap3A_360 : i32 to index
        %swap3A_362 = arith.constant 160 : index
        %swap3A_363 = tpu.vector_load %arg4[%swap3A_361, %swap3A_362] {strides = array<i32>} : memref<8x256xf32, #tpu.memory_space<vmem>>, vector<16xf32>,
        tpu.vector_store %arg4[%swap3A_361, %swap3A_362], %get3A_359 {add = true, strides = array<i32>} : memref<8x256xf32, #tpu.memory_space<vmem>>, vector<16xf32>,
        %get3A_364 = arith.constant 2 : i32
        %get3A_365 = arith.index_cast %get3A_364 : i32 to index
        %get3A_366 = arith.constant 176 : index
        %get3A_367 = tpu.vector_load %arg5[%get3A_365, %get3A_366] {strides = array<i32>} : memref<8x256xf32, #tpu.memory_space<vmem>>, vector<16xf32>,
        %swap3A_368 = arith.constant 2 : i32
        %swap3A_369 = arith.index_cast %swap3A_368 : i32 to index
        %swap3A_370 = arith.constant 176 : index
        %swap3A_371 = tpu.vector_load %arg4[%swap3A_369, %swap3A_370] {strides = array<i32>} : memref<8x256xf32, #tpu.memory_space<vmem>>, vector<16xf32>,
        tpu.vector_store %arg4[%swap3A_369, %swap3A_370], %get3A_367 {add = true, strides = array<i32>} : memref<8x256xf32, #tpu.memory_space<vmem>>, vector<16xf32>,
        %get3A_372 = arith.constant 2 : i32
        %get3A_373 = arith.index_cast %get3A_372 : i32 to index
        %get3A_374 = arith.constant 192 : index
        %get3A_375 = tpu.vector_load %arg5[%get3A_373, %get3A_374] {strides = array<i32>} : memref<8x256xf32, #tpu.memory_space<vmem>>, vector<16xf32>,
        %swap3A_376 = arith.constant 2 : i32
        %swap3A_377 = arith.index_cast %swap3A_376 : i32 to index
        %swap3A_378 = arith.constant 192 : index
        %swap3A_379 = tpu.vector_load %arg4[%swap3A_377, %swap3A_378] {strides = array<i32>} : memref<8x256xf32, #tpu.memory_space<vmem>>, vector<16xf32>,
        tpu.vector_store %arg4[%swap3A_377, %swap3A_378], %get3A_375 {add = true, strides = array<i32>} : memref<8x256xf32, #tpu.memory_space<vmem>>, vector<16xf32>,
        %get3A_380 = arith.constant 2 : i32
        %get3A_381 = arith.index_cast %get3A_380 : i32 to index
        %get3A_382 = arith.constant 208 : index
        %get3A_383 = tpu.vector_load %arg5[%get3A_381, %get3A_382] {strides = array<i32>} : memref<8x256xf32, #tpu.memory_space<vmem>>, vector<16xf32>,
        %swap3A_384 = arith.constant 2 : i32
        %swap3A_385 = arith.index_cast %swap3A_384 : i32 to index
        %swap3A_386 = arith.constant 208 : index
        %swap3A_387 = tpu.vector_load %arg4[%swap3A_385, %swap3A_386] {strides = array<i32>} : memref<8x256xf32, #tpu.memory_space<vmem>>, vector<16xf32>,
        tpu.vector_store %arg4[%swap3A_385, %swap3A_386], %get3A_383 {add = true, strides = array<i32>} : memref<8x256xf32, #tpu.memory_space<vmem>>, vector<16xf32>,
        %get3A_388 = arith.constant 2 : i32
        %get3A_389 = arith.index_cast %get3A_388 : i32 to index
        %get3A_390 = arith.constant 224 : index
        %get3A_391 = tpu.vector_load %arg5[%get3A_389, %get3A_390] {strides = array<i32>} : memref<8x256xf32, #tpu.memory_space<vmem>>, vector<16xf32>,
        %swap3A_392 = arith.constant 2 : i32
        %swap3A_393 = arith.index_cast %swap3A_392 : i32 to index
        %swap3A_394 = arith.constant 224 : index
        %swap3A_395 = tpu.vector_load %arg4[%swap3A_393, %swap3A_394] {strides = array<i32>} : memref<8x256xf32, #tpu.memory_space<vmem>>, vector<16xf32>,
        tpu.vector_store %arg4[%swap3A_393, %swap3A_394], %get3A_391 {add = true, strides = array<i32>} : memref<8x256xf32, #tpu.memory_space<vmem>>, vector<16xf32>,
        %get3A_396 = arith.constant 2 : i32
        %get3A_397 = arith.index_cast %get3A_396 : i32 to index
        %get3A_398 = arith.constant 240 : index
        %get3A_399 = tpu.vector_load %arg5[%get3A_397, %get3A_398] {strides = array<i32>} : memref<8x256xf32, #tpu.memory_space<vmem>>, vector<16xf32>,
        %swap3A_400 = arith.constant 2 : i32
        %swap3A_401 = arith.index_cast %swap3A_400 : i32 to index
        %swap3A_402 = arith.constant 240 : index
        %swap3A_403 = tpu.vector_load %arg4[%swap3A_401, %swap3A_402] {strides = array<i32>} : memref<8x256xf32, #tpu.memory_space<vmem>>, vector<16xf32>,
        tpu.vector_store %arg4[%swap3A_401, %swap3A_402], %get3A_399 {add = true, strides = array<i32>} : memref<8x256xf32, #tpu.memory_space<vmem>>, vector<16xf32>,
        %get3A_404 = arith.constant 3 : i32
        %get3A_405 = arith.index_cast %get3A_404 : i32 to index
        %get3A_406 = arith.constant 0 : index
        %get3A_407 = tpu.vector_load %arg5[%get3A_405, %get3A_406] {strides = array<i32>} : memref<8x256xf32, #tpu.memory_space<vmem>>, vector<16xf32>,
        %swap3A_408 = arith.constant 3 : i32
        %swap3A_409 = arith.index_cast %swap3A_408 : i32 to index
        %swap3A_410 = arith.constant 0 : index
        %swap3A_411 = tpu.vector_load %arg4[%swap3A_409, %swap3A_410] {strides = array<i32>} : memref<8x256xf32, #tpu.memory_space<vmem>>, vector<16xf32>,
        tpu.vector_store %arg4[%swap3A_409, %swap3A_410], %get3A_407 {add = true, strides = array<i32>} : memref<8x256xf32, #tpu.memory_space<vmem>>, vector<16xf32>,
        %get3A_412 = arith.constant 3 : i32
        %get3A_413 = arith.index_cast %get3A_412 : i32 to index
        %get3A_414 = arith.constant 16 : index
        %get3A_415 = tpu.vector_load %arg5[%get3A_413, %get3A_414] {strides = array<i32>} : memref<8x256xf32, #tpu.memory_space<vmem>>, vector<16xf32>,
        %swap3A_416 = arith.constant 3 : i32
        %swap3A_417 = arith.index_cast %swap3A_416 : i32 to index
        %swap3A_418 = arith.constant 16 : index
        %swap3A_419 = tpu.vector_load %arg4[%swap3A_417, %swap3A_418] {strides = array<i32>} : memref<8x256xf32, #tpu.memory_space<vmem>>, vector<16xf32>,
        tpu.vector_store %arg4[%swap3A_417, %swap3A_418], %get3A_415 {add = true, strides = array<i32>} : memref<8x256xf32, #tpu.memory_space<vmem>>, vector<16xf32>,
        %get3A_420 = arith.constant 3 : i32
        %get3A_421 = arith.index_cast %get3A_420 : i32 to index
        %get3A_422 = arith.constant 32 : index
        %get3A_423 = tpu.vector_load %arg5[%get3A_421, %get3A_422] {strides = array<i32>} : memref<8x256xf32, #tpu.memory_space<vmem>>, vector<16xf32>,
        %swap3A_424 = arith.constant 3 : i32
        %swap3A_425 = arith.index_cast %swap3A_424 : i32 to index
        %swap3A_426 = arith.constant 32 : index
        %swap3A_427 = tpu.vector_load %arg4[%swap3A_425, %swap3A_426] {strides = array<i32>} : memref<8x256xf32, #tpu.memory_space<vmem>>, vector<16xf32>,
        tpu.vector_store %arg4[%swap3A_425, %swap3A_426], %get3A_423 {add = true, strides = array<i32>} : memref<8x256xf32, #tpu.memory_space<vmem>>, vector<16xf32>,
        %get3A_428 = arith.constant 3 : i32
        %get3A_429 = arith.index_cast %get3A_428 : i32 to index
        %get3A_430 = arith.constant 48 : index
        %get3A_431 = tpu.vector_load %arg5[%get3A_429, %get3A_430] {strides = array<i32>} : memref<8x256xf32, #tpu.memory_space<vmem>>, vector<16xf32>,
        %swap3A_432 = arith.constant 3 : i32
        %swap3A_433 = arith.index_cast %swap3A_432 : i32 to index
        %swap3A_434 = arith.constant 48 : index
        %swap3A_435 = tpu.vector_load %arg4[%swap3A_433, %swap3A_434] {strides = array<i32>} : memref<8x256xf32, #tpu.memory_space<vmem>>, vector<16xf32>,
        tpu.vector_store %arg4[%swap3A_433, %swap3A_434], %get3A_431 {add = true, strides = array<i32>} : memref<8x256xf32, #tpu.memory_space<vmem>>, vector<16xf32>,
        %get3A_436 = arith.constant 3 : i32
        %get3A_437 = arith.index_cast %get3A_436 : i32 to index
        %get3A_438 = arith.constant 64 : index
        %get3A_439 = tpu.vector_load %arg5[%get3A_437, %get3A_438] {strides = array<i32>} : memref<8x256xf32, #tpu.memory_space<vmem>>, vector<16xf32>,
        %swap3A_440 = arith.constant 3 : i32
        %swap3A_441 = arith.index_cast %swap3A_440 : i32 to index
        %swap3A_442 = arith.constant 64 : index
        %swap3A_443 = tpu.vector_load %arg4[%swap3A_441, %swap3A_442] {strides = array<i32>} : memref<8x256xf32, #tpu.memory_space<vmem>>, vector<16xf32>,
        tpu.vector_store %arg4[%swap3A_441, %swap3A_442], %get3A_439 {add = true, strides = array<i32>} : memref<8x256xf32, #tpu.memory_space<vmem>>, vector<16xf32>,
        %get3A_444 = arith.constant 3 : i32
        %get3A_445 = arith.index_cast %get3A_444 : i32 to index
        %get3A_446 = arith.constant 80 : index
        %get3A_447 = tpu.vector_load %arg5[%get3A_445, %get3A_446] {strides = array<i32>} : memref<8x256xf32, #tpu.memory_space<vmem>>, vector<16xf32>,
        %swap3A_448 = arith.constant 3 : i32
        %swap3A_449 = arith.index_cast %swap3A_448 : i32 to index
        %swap3A_450 = arith.constant 80 : index
        %swap3A_451 = tpu.vector_load %arg4[%swap3A_449, %swap3A_450] {strides = array<i32>} : memref<8x256xf32, #tpu.memory_space<vmem>>, vector<16xf32>,
        tpu.vector_store %arg4[%swap3A_449, %swap3A_450], %get3A_447 {add = true, strides = array<i32>} : memref<8x256xf32, #tpu.memory_space<vmem>>, vector<16xf32>,
        %get3A_452 = arith.constant 3 : i32
        %get3A_453 = arith.index_cast %get3A_452 : i32 to index
        %get3A_454 = arith.constant 96 : index
        %get3A_455 = tpu.vector_load %arg5[%get3A_453, %get3A_454] {strides = array<i32>} : memref<8x256xf32, #tpu.memory_space<vmem>>, vector<16xf32>,
        %swap3A_456 = arith.constant 3 : i32
        %swap3A_457 = arith.index_cast %swap3A_456 : i32 to index
        %swap3A_458 = arith.constant 96 : index
        %swap3A_459 = tpu.vector_load %arg4[%swap3A_457, %swap3A_458] {strides = array<i32>} : memref<8x256xf32, #tpu.memory_space<vmem>>, vector<16xf32>,
        tpu.vector_store %arg4[%swap3A_457, %swap3A_458], %get3A_455 {add = true, strides = array<i32>} : memref<8x256xf32, #tpu.memory_space<vmem>>, vector<16xf32>,
        %get3A_460 = arith.constant 3 : i32
        %get3A_461 = arith.index_cast %get3A_460 : i32 to index
        %get3A_462 = arith.constant 112 : index
        %get3A_463 = tpu.vector_load %arg5[%get3A_461, %get3A_462] {strides = array<i32>} : memref<8x256xf32, #tpu.memory_space<vmem>>, vector<16xf32>,
        %swap3A_464 = arith.constant 3 : i32
        %swap3A_465 = arith.index_cast %swap3A_464 : i32 to index
        %swap3A_466 = arith.constant 112 : index
        %swap3A_467 = tpu.vector_load %arg4[%swap3A_465, %swap3A_466] {strides = array<i32>} : memref<8x256xf32, #tpu.memory_space<vmem>>, vector<16xf32>,
        tpu.vector_store %arg4[%swap3A_465, %swap3A_466], %get3A_463 {add = true, strides = array<i32>} : memref<8x256xf32, #tpu.memory_space<vmem>>, vector<16xf32>,
        %get3A_468 = arith.constant 3 : i32
        %get3A_469 = arith.index_cast %get3A_468 : i32 to index
        %get3A_470 = arith.constant 128 : index
        %get3A_471 = tpu.vector_load %arg5[%get3A_469, %get3A_470] {strides = array<i32>} : memref<8x256xf32, #tpu.memory_space<vmem>>, vector<16xf32>,
        %swap3A_472 = arith.constant 3 : i32
        %swap3A_473 = arith.index_cast %swap3A_472 : i32 to index
        %swap3A_474 = arith.constant 128 : index
        %swap3A_475 = tpu.vector_load %arg4[%swap3A_473, %swap3A_474] {strides = array<i32>} : memref<8x256xf32, #tpu.memory_space<vmem>>, vector<16xf32>,
        tpu.vector_store %arg4[%swap3A_473, %swap3A_474], %get3A_471 {add = true, strides = array<i32>} : memref<8x256xf32, #tpu.memory_space<vmem>>, vector<16xf32>,
        %get3A_476 = arith.constant 3 : i32
        %get3A_477 = arith.index_cast %get3A_476 : i32 to index
        %get3A_478 = arith.constant 144 : index
        %get3A_479 = tpu.vector_load %arg5[%get3A_477, %get3A_478] {strides = array<i32>} : memref<8x256xf32, #tpu.memory_space<vmem>>, vector<16xf32>,
        %swap3A_480 = arith.constant 3 : i32
        %swap3A_481 = arith.index_cast %swap3A_480 : i32 to index
        %swap3A_482 = arith.constant 144 : index
        %swap3A_483 = tpu.vector_load %arg4[%swap3A_481, %swap3A_482] {strides = array<i32>} : memref<8x256xf32, #tpu.memory_space<vmem>>, vector<16xf32>,
        tpu.vector_store %arg4[%swap3A_481, %swap3A_482], %get3A_479 {add = true, strides = array<i32>} : memref<8x256xf32, #tpu.memory_space<vmem>>, vector<16xf32>,
        %get3A_484 = arith.constant 3 : i32
        %get3A_485 = arith.index_cast %get3A_484 : i32 to index
        %get3A_486 = arith.constant 160 : index
        %get3A_487 = tpu.vector_load %arg5[%get3A_485, %get3A_486] {strides = array<i32>} : memref<8x256xf32, #tpu.memory_space<vmem>>, vector<16xf32>,
        %swap3A_488 = arith.constant 3 : i32
        %swap3A_489 = arith.index_cast %swap3A_488 : i32 to index
        %swap3A_490 = arith.constant 160 : index
        %swap3A_491 = tpu.vector_load %arg4[%swap3A_489, %swap3A_490] {strides = array<i32>} : memref<8x256xf32, #tpu.memory_space<vmem>>, vector<16xf32>,
        tpu.vector_store %arg4[%swap3A_489, %swap3A_490], %get3A_487 {add = true, strides = array<i32>} : memref<8x256xf32, #tpu.memory_space<vmem>>, vector<16xf32>,
        %get3A_492 = arith.constant 3 : i32
        %get3A_493 = arith.index_cast %get3A_492 : i32 to index
        %get3A_494 = arith.constant 176 : index
        %get3A_495 = tpu.vector_load %arg5[%get3A_493, %get3A_494] {strides = array<i32>} : memref<8x256xf32, #tpu.memory_space<vmem>>, vector<16xf32>,
        %swap3A_496 = arith.constant 3 : i32
        %swap3A_497 = arith.index_cast %swap3A_496 : i32 to index
        %swap3A_498 = arith.constant 176 : index
        %swap3A_499 = tpu.vector_load %arg4[%swap3A_497, %swap3A_498] {strides = array<i32>} : memref<8x256xf32, #tpu.memory_space<vmem>>, vector<16xf32>,
        tpu.vector_store %arg4[%swap3A_497, %swap3A_498], %get3A_495 {add = true, strides = array<i32>} : memref<8x256xf32, #tpu.memory_space<vmem>>, vector<16xf32>,
        %get3A_500 = arith.constant 3 : i32
        %get3A_501 = arith.index_cast %get3A_500 : i32 to index
        %get3A_502 = arith.constant 192 : index
        %get3A_503 = tpu.vector_load %arg5[%get3A_501, %get3A_502] {strides = array<i32>} : memref<8x256xf32, #tpu.memory_space<vmem>>, vector<16xf32>,
        %swap3A_504 = arith.constant 3 : i32
        %swap3A_505 = arith.index_cast %swap3A_504 : i32 to index
        %swap3A_506 = arith.constant 192 : index
        %swap3A_507 = tpu.vector_load %arg4[%swap3A_505, %swap3A_506] {strides = array<i32>} : memref<8x256xf32, #tpu.memory_space<vmem>>, vector<16xf32>,
        tpu.vector_store %arg4[%swap3A_505, %swap3A_506], %get3A_503 {add = true, strides = array<i32>} : memref<8x256xf32, #tpu.memory_space<vmem>>, vector<16xf32>,
        %get3A_508 = arith.constant 3 : i32
        %get3A_509 = arith.index_cast %get3A_508 : i32 to index
        %get3A_510 = arith.constant 208 : index
        %get3A_511 = tpu.vector_load %arg5[%get3A_509, %get3A_510] {strides = array<i32>} : memref<8x256xf32, #tpu.memory_space<vmem>>, vector<16xf32>,
        %swap3A_512 = arith.constant 3 : i32
        %swap3A_513 = arith.index_cast %swap3A_512 : i32 to index
        %swap3A_514 = arith.constant 208 : index
        %swap3A_515 = tpu.vector_load %arg4[%swap3A_513, %swap3A_514] {strides = array<i32>} : memref<8x256xf32, #tpu.memory_space<vmem>>, vector<16xf32>,
        tpu.vector_store %arg4[%swap3A_513, %swap3A_514], %get3A_511 {add = true, strides = array<i32>} : memref<8x256xf32, #tpu.memory_space<vmem>>, vector<16xf32>,
        %get3A_516 = arith.constant 3 : i32
        %get3A_517 = arith.index_cast %get3A_516 : i32 to index
        %get3A_518 = arith.constant 224 : index
        %get3A_519 = tpu.vector_load %arg5[%get3A_517, %get3A_518] {strides = array<i32>} : memref<8x256xf32, #tpu.memory_space<vmem>>, vector<16xf32>,
        %swap3A_520 = arith.constant 3 : i32
        %swap3A_521 = arith.index_cast %swap3A_520 : i32 to index
        %swap3A_522 = arith.constant 224 : index
        %swap3A_523 = tpu.vector_load %arg4[%swap3A_521, %swap3A_522] {strides = array<i32>} : memref<8x256xf32, #tpu.memory_space<vmem>>, vector<16xf32>,
        tpu.vector_store %arg4[%swap3A_521, %swap3A_522], %get3A_519 {add = true, strides = array<i32>} : memref<8x256xf32, #tpu.memory_space<vmem>>, vector<16xf32>,
        %get3A_524 = arith.constant 3 : i32
        %get3A_525 = arith.index_cast %get3A_524 : i32 to index
        %get3A_526 = arith.constant 240 : index
        %get3A_527 = tpu.vector_load %arg5[%get3A_525, %get3A_526] {strides = array<i32>} : memref<8x256xf32, #tpu.memory_space<vmem>>, vector<16xf32>,
        %swap3A_528 = arith.constant 3 : i32
        %swap3A_529 = arith.index_cast %swap3A_528 : i32 to index
        %swap3A_530 = arith.constant 240 : index
        %swap3A_531 = tpu.vector_load %arg4[%swap3A_529, %swap3A_530] {strides = array<i32>} : memref<8x256xf32, #tpu.memory_space<vmem>>, vector<16xf32>,
        tpu.vector_store %arg4[%swap3A_529, %swap3A_530], %get3A_527 {add = true, strides = array<i32>} : memref<8x256xf32, #tpu.memory_space<vmem>>, vector<16xf32>,
        %get3A_532 = arith.constant 4 : i32
        %get3A_533 = arith.index_cast %get3A_532 : i32 to index
        %get3A_534 = arith.constant 0 : index
        %get3A_535 = tpu.vector_load %arg5[%get3A_533, %get3A_534] {strides = array<i32>} : memref<8x256xf32, #tpu.memory_space<vmem>>, vector<16xf32>,
        %swap3A_536 = arith.constant 4 : i32
        %swap3A_537 = arith.index_cast %swap3A_536 : i32 to index
        %swap3A_538 = arith.constant 0 : index
        %swap3A_539 = tpu.vector_load %arg4[%swap3A_537, %swap3A_538] {strides = array<i32>} : memref<8x256xf32, #tpu.memory_space<vmem>>, vector<16xf32>,
        tpu.vector_store %arg4[%swap3A_537, %swap3A_538], %get3A_535 {add = true, strides = array<i32>} : memref<8x256xf32, #tpu.memory_space<vmem>>, vector<16xf32>,
        %get3A_540 = arith.constant 4 : i32
        %get3A_541 = arith.index_cast %get3A_540 : i32 to index
        %get3A_542 = arith.constant 16 : index
        %get3A_543 = tpu.vector_load %arg5[%get3A_541, %get3A_542] {strides = array<i32>} : memref<8x256xf32, #tpu.memory_space<vmem>>, vector<16xf32>,
        %swap3A_544 = arith.constant 4 : i32
        %swap3A_545 = arith.index_cast %swap3A_544 : i32 to index
        %swap3A_546 = arith.constant 16 : index
        %swap3A_547 = tpu.vector_load %arg4[%swap3A_545, %swap3A_546] {strides = array<i32>} : memref<8x256xf32, #tpu.memory_space<vmem>>, vector<16xf32>,
        tpu.vector_store %arg4[%swap3A_545, %swap3A_546], %get3A_543 {add = true, strides = array<i32>} : memref<8x256xf32, #tpu.memory_space<vmem>>, vector<16xf32>,
        %get3A_548 = arith.constant 4 : i32
        %get3A_549 = arith.index_cast %get3A_548 : i32 to index
        %get3A_550 = arith.constant 32 : index
        %get3A_551 = tpu.vector_load %arg5[%get3A_549, %get3A_550] {strides = array<i32>} : memref<8x256xf32, #tpu.memory_space<vmem>>, vector<16xf32>,
        %swap3A_552 = arith.constant 4 : i32
        %swap3A_553 = arith.index_cast %swap3A_552 : i32 to index
        %swap3A_554 = arith.constant 32 : index
        %swap3A_555 = tpu.vector_load %arg4[%swap3A_553, %swap3A_554] {strides = array<i32>} : memref<8x256xf32, #tpu.memory_space<vmem>>, vector<16xf32>,
        tpu.vector_store %arg4[%swap3A_553, %swap3A_554], %get3A_551 {add = true, strides = array<i32>} : memref<8x256xf32, #tpu.memory_space<vmem>>, vector<16xf32>,
        %get3A_556 = arith.constant 4 : i32
        %get3A_557 = arith.index_cast %get3A_556 : i32 to index
        %get3A_558 = arith.constant 48 : index
        %get3A_559 = tpu.vector_load %arg5[%get3A_557, %get3A_558] {strides = array<i32>} : memref<8x256xf32, #tpu.memory_space<vmem>>, vector<16xf32>,
        %swap3A_560 = arith.constant 4 : i32
        %swap3A_561 = arith.index_cast %swap3A_560 : i32 to index
        %swap3A_562 = arith.constant 48 : index
        %swap3A_563 = tpu.vector_load %arg4[%swap3A_561, %swap3A_562] {strides = array<i32>} : memref<8x256xf32, #tpu.memory_space<vmem>>, vector<16xf32>,
        tpu.vector_store %arg4[%swap3A_561, %swap3A_562], %get3A_559 {add = true, strides = array<i32>} : memref<8x256xf32, #tpu.memory_space<vmem>>, vector<16xf32>,
        %get3A_564 = arith.constant 4 : i32
        %get3A_565 = arith.index_cast %get3A_564 : i32 to index
        %get3A_566 = arith.constant 64 : index
        %get3A_567 = tpu.vector_load %arg5[%get3A_565, %get3A_566] {strides = array<i32>} : memref<8x256xf32, #tpu.memory_space<vmem>>, vector<16xf32>,
        %swap3A_568 = arith.constant 4 : i32
        %swap3A_569 = arith.index_cast %swap3A_568 : i32 to index
        %swap3A_570 = arith.constant 64 : index
        %swap3A_571 = tpu.vector_load %arg4[%swap3A_569, %swap3A_570] {strides = array<i32>} : memref<8x256xf32, #tpu.memory_space<vmem>>, vector<16xf32>,
        tpu.vector_store %arg4[%swap3A_569, %swap3A_570], %get3A_567 {add = true, strides = array<i32>} : memref<8x256xf32, #tpu.memory_space<vmem>>, vector<16xf32>,
        %get3A_572 = arith.constant 4 : i32
        %get3A_573 = arith.index_cast %get3A_572 : i32 to index
        %get3A_574 = arith.constant 80 : index
        %get3A_575 = tpu.vector_load %arg5[%get3A_573, %get3A_574] {strides = array<i32>} : memref<8x256xf32, #tpu.memory_space<vmem>>, vector<16xf32>,
        %swap3A_576 = arith.constant 4 : i32
        %swap3A_577 = arith.index_cast %swap3A_576 : i32 to index
        %swap3A_578 = arith.constant 80 : index
        %swap3A_579 = tpu.vector_load %arg4[%swap3A_577, %swap3A_578] {strides = array<i32>} : memref<8x256xf32, #tpu.memory_space<vmem>>, vector<16xf32>,
        tpu.vector_store %arg4[%swap3A_577, %swap3A_578], %get3A_575 {add = true, strides = array<i32>} : memref<8x256xf32, #tpu.memory_space<vmem>>, vector<16xf32>,
        %get3A_580 = arith.constant 4 : i32
        %get3A_581 = arith.index_cast %get3A_580 : i32 to index
        %get3A_582 = arith.constant 96 : index
        %get3A_583 = tpu.vector_load %arg5[%get3A_581, %get3A_582] {strides = array<i32>} : memref<8x256xf32, #tpu.memory_space<vmem>>, vector<16xf32>,
        %swap3A_584 = arith.constant 4 : i32
        %swap3A_585 = arith.index_cast %swap3A_584 : i32 to index
        %swap3A_586 = arith.constant 96 : index
        %swap3A_587 = tpu.vector_load %arg4[%swap3A_585, %swap3A_586] {strides = array<i32>} : memref<8x256xf32, #tpu.memory_space<vmem>>, vector<16xf32>,
        tpu.vector_store %arg4[%swap3A_585, %swap3A_586], %get3A_583 {add = true, strides = array<i32>} : memref<8x256xf32, #tpu.memory_space<vmem>>, vector<16xf32>,
        %get3A_588 = arith.constant 4 : i32
        %get3A_589 = arith.index_cast %get3A_588 : i32 to index
        %get3A_590 = arith.constant 112 : index
        %get3A_591 = tpu.vector_load %arg5[%get3A_589, %get3A_590] {strides = array<i32>} : memref<8x256xf32, #tpu.memory_space<vmem>>, vector<16xf32>,
        %swap3A_592 = arith.constant 4 : i32
        %swap3A_593 = arith.index_cast %swap3A_592 : i32 to index
        %swap3A_594 = arith.constant 112 : index
        %swap3A_595 = tpu.vector_load %arg4[%swap3A_593, %swap3A_594] {strides = array<i32>} : memref<8x256xf32, #tpu.memory_space<vmem>>, vector<16xf32>,
        tpu.vector_store %arg4[%swap3A_593, %swap3A_594], %get3A_591 {add = true, strides = array<i32>} : memref<8x256xf32, #tpu.memory_space<vmem>>, vector<16xf32>,
        %get3A_596 = arith.constant 4 : i32
        %get3A_597 = arith.index_cast %get3A_596 : i32 to index
        %get3A_598 = arith.constant 128 : index
        %get3A_599 = tpu.vector_load %arg5[%get3A_597, %get3A_598] {strides = array<i32>} : memref<8x256xf32, #tpu.memory_space<vmem>>, vector<16xf32>,
        %swap3A_600 = arith.constant 4 : i32
        %swap3A_601 = arith.index_cast %swap3A_600 : i32 to index
        %swap3A_602 = arith.constant 128 : index
        %swap3A_603 = tpu.vector_load %arg4[%swap3A_601, %swap3A_602] {strides = array<i32>} : memref<8x256xf32, #tpu.memory_space<vmem>>, vector<16xf32>,
        tpu.vector_store %arg4[%swap3A_601, %swap3A_602], %get3A_599 {add = true, strides = array<i32>} : memref<8x256xf32, #tpu.memory_space<vmem>>, vector<16xf32>,
        %get3A_604 = arith.constant 4 : i32
        %get3A_605 = arith.index_cast %get3A_604 : i32 to index
        %get3A_606 = arith.constant 144 : index
        %get3A_607 = tpu.vector_load %arg5[%get3A_605, %get3A_606] {strides = array<i32>} : memref<8x256xf32, #tpu.memory_space<vmem>>, vector<16xf32>,
        %swap3A_608 = arith.constant 4 : i32
        %swap3A_609 = arith.index_cast %swap3A_608 : i32 to index
        %swap3A_610 = arith.constant 144 : index
        %swap3A_611 = tpu.vector_load %arg4[%swap3A_609, %swap3A_610] {strides = array<i32>} : memref<8x256xf32, #tpu.memory_space<vmem>>, vector<16xf32>,
        tpu.vector_store %arg4[%swap3A_609, %swap3A_610], %get3A_607 {add = true, strides = array<i32>} : memref<8x256xf32, #tpu.memory_space<vmem>>, vector<16xf32>,
        %get3A_612 = arith.constant 4 : i32
        %get3A_613 = arith.index_cast %get3A_612 : i32 to index
        %get3A_614 = arith.constant 160 : index
        %get3A_615 = tpu.vector_load %arg5[%get3A_613, %get3A_614] {strides = array<i32>} : memref<8x256xf32, #tpu.memory_space<vmem>>, vector<16xf32>,
        %swap3A_616 = arith.constant 4 : i32
        %swap3A_617 = arith.index_cast %swap3A_616 : i32 to index
        %swap3A_618 = arith.constant 160 : index
        %swap3A_619 = tpu.vector_load %arg4[%swap3A_617, %swap3A_618] {strides = array<i32>} : memref<8x256xf32, #tpu.memory_space<vmem>>, vector<16xf32>,
        tpu.vector_store %arg4[%swap3A_617, %swap3A_618], %get3A_615 {add = true, strides = array<i32>} : memref<8x256xf32, #tpu.memory_space<vmem>>, vector<16xf32>,
        %get3A_620 = arith.constant 4 : i32
        %get3A_621 = arith.index_cast %get3A_620 : i32 to index
        %get3A_622 = arith.constant 176 : index
        %get3A_623 = tpu.vector_load %arg5[%get3A_621, %get3A_622] {strides = array<i32>} : memref<8x256xf32, #tpu.memory_space<vmem>>, vector<16xf32>,
        %swap3A_624 = arith.constant 4 : i32
        %swap3A_625 = arith.index_cast %swap3A_624 : i32 to index
        %swap3A_626 = arith.constant 176 : index
        %swap3A_627 = tpu.vector_load %arg4[%swap3A_625, %swap3A_626] {strides = array<i32>} : memref<8x256xf32, #tpu.memory_space<vmem>>, vector<16xf32>,
        tpu.vector_store %arg4[%swap3A_625, %swap3A_626], %get3A_623 {add = true, strides = array<i32>} : memref<8x256xf32, #tpu.memory_space<vmem>>, vector<16xf32>,
        %get3A_628 = arith.constant 4 : i32
        %get3A_629 = arith.index_cast %get3A_628 : i32 to index
        %get3A_630 = arith.constant 192 : index
        %get3A_631 = tpu.vector_load %arg5[%get3A_629, %get3A_630] {strides = array<i32>} : memref<8x256xf32, #tpu.memory_space<vmem>>, vector<16xf32>,
        %swap3A_632 = arith.constant 4 : i32
        %swap3A_633 = arith.index_cast %swap3A_632 : i32 to index
        %swap3A_634 = arith.constant 192 : index
        %swap3A_635 = tpu.vector_load %arg4[%swap3A_633, %swap3A_634] {strides = array<i32>} : memref<8x256xf32, #tpu.memory_space<vmem>>, vector<16xf32>,
        tpu.vector_store %arg4[%swap3A_633, %swap3A_634], %get3A_631 {add = true, strides = array<i32>} : memref<8x256xf32, #tpu.memory_space<vmem>>, vector<16xf32>,
        %get3A_636 = arith.constant 4 : i32
        %get3A_637 = arith.index_cast %get3A_636 : i32 to index
        %get3A_638 = arith.constant 208 : index
        %get3A_639 = tpu.vector_load %arg5[%get3A_637, %get3A_638] {strides = array<i32>} : memref<8x256xf32, #tpu.memory_space<vmem>>, vector<16xf32>,
        %swap3A_640 = arith.constant 4 : i32
        %swap3A_641 = arith.index_cast %swap3A_640 : i32 to index
        %swap3A_642 = arith.constant 208 : index
        %swap3A_643 = tpu.vector_load %arg4[%swap3A_641, %swap3A_642] {strides = array<i32>} : memref<8x256xf32, #tpu.memory_space<vmem>>, vector<16xf32>,
        tpu.vector_store %arg4[%swap3A_641, %swap3A_642], %get3A_639 {add = true, strides = array<i32>} : memref<8x256xf32, #tpu.memory_space<vmem>>, vector<16xf32>,
        %get3A_644 = arith.constant 4 : i32
        %get3A_645 = arith.index_cast %get3A_644 : i32 to index
        %get3A_646 = arith.constant 224 : index
        %get3A_647 = tpu.vector_load %arg5[%get3A_645, %get3A_646] {strides = array<i32>} : memref<8x256xf32, #tpu.memory_space<vmem>>, vector<16xf32>,
        %swap3A_648 = arith.constant 4 : i32
        %swap3A_649 = arith.index_cast %swap3A_648 : i32 to index
        %swap3A_650 = arith.constant 224 : index
        %swap3A_651 = tpu.vector_load %arg4[%swap3A_649, %swap3A_650] {strides = array<i32>} : memref<8x256xf32, #tpu.memory_space<vmem>>, vector<16xf32>,
        tpu.vector_store %arg4[%swap3A_649, %swap3A_650], %get3A_647 {add = true, strides = array<i32>} : memref<8x256xf32, #tpu.memory_space<vmem>>, vector<16xf32>,
        %get3A_652 = arith.constant 4 : i32
        %get3A_653 = arith.index_cast %get3A_652 : i32 to index
        %get3A_654 = arith.constant 240 : index
        %get3A_655 = tpu.vector_load %arg5[%get3A_653, %get3A_654] {strides = array<i32>} : memref<8x256xf32, #tpu.memory_space<vmem>>, vector<16xf32>,
        %swap3A_656 = arith.constant 4 : i32
        %swap3A_657 = arith.index_cast %swap3A_656 : i32 to index
        %swap3A_658 = arith.constant 240 : index
        %swap3A_659 = tpu.vector_load %arg4[%swap3A_657, %swap3A_658] {strides = array<i32>} : memref<8x256xf32, #tpu.memory_space<vmem>>, vector<16xf32>,
        tpu.vector_store %arg4[%swap3A_657, %swap3A_658], %get3A_655 {add = true, strides = array<i32>} : memref<8x256xf32, #tpu.memory_space<vmem>>, vector<16xf32>,
        %get3A_660 = arith.constant 5 : i32
        %get3A_661 = arith.index_cast %get3A_660 : i32 to index
        %get3A_662 = arith.constant 0 : index
        %get3A_663 = tpu.vector_load %arg5[%get3A_661, %get3A_662] {strides = array<i32>} : memref<8x256xf32, #tpu.memory_space<vmem>>, vector<16xf32>,
        %swap3A_664 = arith.constant 5 : i32
        %swap3A_665 = arith.index_cast %swap3A_664 : i32 to index
        %swap3A_666 = arith.constant 0 : index
        %swap3A_667 = tpu.vector_load %arg4[%swap3A_665, %swap3A_666] {strides = array<i32>} : memref<8x256xf32, #tpu.memory_space<vmem>>, vector<16xf32>,
        tpu.vector_store %arg4[%swap3A_665, %swap3A_666], %get3A_663 {add = true, strides = array<i32>} : memref<8x256xf32, #tpu.memory_space<vmem>>, vector<16xf32>,
        %get3A_668 = arith.constant 5 : i32
        %get3A_669 = arith.index_cast %get3A_668 : i32 to index
        %get3A_670 = arith.constant 16 : index
        %get3A_671 = tpu.vector_load %arg5[%get3A_669, %get3A_670] {strides = array<i32>} : memref<8x256xf32, #tpu.memory_space<vmem>>, vector<16xf32>,
        %swap3A_672 = arith.constant 5 : i32
        %swap3A_673 = arith.index_cast %swap3A_672 : i32 to index
        %swap3A_674 = arith.constant 16 : index
        %swap3A_675 = tpu.vector_load %arg4[%swap3A_673, %swap3A_674] {strides = array<i32>} : memref<8x256xf32, #tpu.memory_space<vmem>>, vector<16xf32>,
        tpu.vector_store %arg4[%swap3A_673, %swap3A_674], %get3A_671 {add = true, strides = array<i32>} : memref<8x256xf32, #tpu.memory_space<vmem>>, vector<16xf32>,
        %get3A_676 = arith.constant 5 : i32
        %get3A_677 = arith.index_cast %get3A_676 : i32 to index
        %get3A_678 = arith.constant 32 : index
        %get3A_679 = tpu.vector_load %arg5[%get3A_677, %get3A_678] {strides = array<i32>} : memref<8x256xf32, #tpu.memory_space<vmem>>, vector<16xf32>,
        %swap3A_680 = arith.constant 5 : i32
        %swap3A_681 = arith.index_cast %swap3A_680 : i32 to index
        %swap3A_682 = arith.constant 32 : index
        %swap3A_683 = tpu.vector_load %arg4[%swap3A_681, %swap3A_682] {strides = array<i32>} : memref<8x256xf32, #tpu.memory_space<vmem>>, vector<16xf32>,
        tpu.vector_store %arg4[%swap3A_681, %swap3A_682], %get3A_679 {add = true, strides = array<i32>} : memref<8x256xf32, #tpu.memory_space<vmem>>, vector<16xf32>,
        %get3A_684 = arith.constant 5 : i32
        %get3A_685 = arith.index_cast %get3A_684 : i32 to index
        %get3A_686 = arith.constant 48 : index
        %get3A_687 = tpu.vector_load %arg5[%get3A_685, %get3A_686] {strides = array<i32>} : memref<8x256xf32, #tpu.memory_space<vmem>>, vector<16xf32>,
        %swap3A_688 = arith.constant 5 : i32
        %swap3A_689 = arith.index_cast %swap3A_688 : i32 to index
        %swap3A_690 = arith.constant 48 : index
        %swap3A_691 = tpu.vector_load %arg4[%swap3A_689, %swap3A_690] {strides = array<i32>} : memref<8x256xf32, #tpu.memory_space<vmem>>, vector<16xf32>,
        tpu.vector_store %arg4[%swap3A_689, %swap3A_690], %get3A_687 {add = true, strides = array<i32>} : memref<8x256xf32, #tpu.memory_space<vmem>>, vector<16xf32>,
        %get3A_692 = arith.constant 5 : i32
        %get3A_693 = arith.index_cast %get3A_692 : i32 to index
        %get3A_694 = arith.constant 64 : index
        %get3A_695 = tpu.vector_load %arg5[%get3A_693, %get3A_694] {strides = array<i32>} : memref<8x256xf32, #tpu.memory_space<vmem>>, vector<16xf32>,
        %swap3A_696 = arith.constant 5 : i32
        %swap3A_697 = arith.index_cast %swap3A_696 : i32 to index
        %swap3A_698 = arith.constant 64 : index
        %swap3A_699 = tpu.vector_load %arg4[%swap3A_697, %swap3A_698] {strides = array<i32>} : memref<8x256xf32, #tpu.memory_space<vmem>>, vector<16xf32>,
        tpu.vector_store %arg4[%swap3A_697, %swap3A_698], %get3A_695 {add = true, strides = array<i32>} : memref<8x256xf32, #tpu.memory_space<vmem>>, vector<16xf32>,
        %get3A_700 = arith.constant 5 : i32
        %get3A_701 = arith.index_cast %get3A_700 : i32 to index
        %get3A_702 = arith.constant 80 : index
        %get3A_703 = tpu.vector_load %arg5[%get3A_701, %get3A_702] {strides = array<i32>} : memref<8x256xf32, #tpu.memory_space<vmem>>, vector<16xf32>,
        %swap3A_704 = arith.constant 5 : i32
        %swap3A_705 = arith.index_cast %swap3A_704 : i32 to index
        %swap3A_706 = arith.constant 80 : index
        %swap3A_707 = tpu.vector_load %arg4[%swap3A_705, %swap3A_706] {strides = array<i32>} : memref<8x256xf32, #tpu.memory_space<vmem>>, vector<16xf32>,
        tpu.vector_store %arg4[%swap3A_705, %swap3A_706], %get3A_703 {add = true, strides = array<i32>} : memref<8x256xf32, #tpu.memory_space<vmem>>, vector<16xf32>,
        %get3A_708 = arith.constant 5 : i32
        %get3A_709 = arith.index_cast %get3A_708 : i32 to index
        %get3A_710 = arith.constant 96 : index
        %get3A_711 = tpu.vector_load %arg5[%get3A_709, %get3A_710] {strides = array<i32>} : memref<8x256xf32, #tpu.memory_space<vmem>>, vector<16xf32>,
        %swap3A_712 = arith.constant 5 : i32
        %swap3A_713 = arith.index_cast %swap3A_712 : i32 to index
        %swap3A_714 = arith.constant 96 : index
        %swap3A_715 = tpu.vector_load %arg4[%swap3A_713, %swap3A_714] {strides = array<i32>} : memref<8x256xf32, #tpu.memory_space<vmem>>, vector<16xf32>,
        tpu.vector_store %arg4[%swap3A_713, %swap3A_714], %get3A_711 {add = true, strides = array<i32>} : memref<8x256xf32, #tpu.memory_space<vmem>>, vector<16xf32>,
        %get3A_716 = arith.constant 5 : i32
        %get3A_717 = arith.index_cast %get3A_716 : i32 to index
        %get3A_718 = arith.constant 112 : index
        %get3A_719 = tpu.vector_load %arg5[%get3A_717, %get3A_718] {strides = array<i32>} : memref<8x256xf32, #tpu.memory_space<vmem>>, vector<16xf32>,
        %swap3A_720 = arith.constant 5 : i32
        %swap3A_721 = arith.index_cast %swap3A_720 : i32 to index
        %swap3A_722 = arith.constant 112 : index
        %swap3A_723 = tpu.vector_load %arg4[%swap3A_721, %swap3A_722] {strides = array<i32>} : memref<8x256xf32, #tpu.memory_space<vmem>>, vector<16xf32>,
        tpu.vector_store %arg4[%swap3A_721, %swap3A_722], %get3A_719 {add = true, strides = array<i32>} : memref<8x256xf32, #tpu.memory_space<vmem>>, vector<16xf32>,
        %get3A_724 = arith.constant 5 : i32
        %get3A_725 = arith.index_cast %get3A_724 : i32 to index
        %get3A_726 = arith.constant 128 : index
        %get3A_727 = tpu.vector_load %arg5[%get3A_725, %get3A_726] {strides = array<i32>} : memref<8x256xf32, #tpu.memory_space<vmem>>, vector<16xf32>,
        %swap3A_728 = arith.constant 5 : i32
        %swap3A_729 = arith.index_cast %swap3A_728 : i32 to index
        %swap3A_730 = arith.constant 128 : index
        %swap3A_731 = tpu.vector_load %arg4[%swap3A_729, %swap3A_730] {strides = array<i32>} : memref<8x256xf32, #tpu.memory_space<vmem>>, vector<16xf32>,
        tpu.vector_store %arg4[%swap3A_729, %swap3A_730], %get3A_727 {add = true, strides = array<i32>} : memref<8x256xf32, #tpu.memory_space<vmem>>, vector<16xf32>,
        %get3A_732 = arith.constant 5 : i32
        %get3A_733 = arith.index_cast %get3A_732 : i32 to index
        %get3A_734 = arith.constant 144 : index
        %get3A_735 = tpu.vector_load %arg5[%get3A_733, %get3A_734] {strides = array<i32>} : memref<8x256xf32, #tpu.memory_space<vmem>>, vector<16xf32>,
        %swap3A_736 = arith.constant 5 : i32
        %swap3A_737 = arith.index_cast %swap3A_736 : i32 to index
        %swap3A_738 = arith.constant 144 : index
        %swap3A_739 = tpu.vector_load %arg4[%swap3A_737, %swap3A_738] {strides = array<i32>} : memref<8x256xf32, #tpu.memory_space<vmem>>, vector<16xf32>,
        tpu.vector_store %arg4[%swap3A_737, %swap3A_738], %get3A_735 {add = true, strides = array<i32>} : memref<8x256xf32, #tpu.memory_space<vmem>>, vector<16xf32>,
        %get3A_740 = arith.constant 5 : i32
        %get3A_741 = arith.index_cast %get3A_740 : i32 to index
        %get3A_742 = arith.constant 160 : index
        %get3A_743 = tpu.vector_load %arg5[%get3A_741, %get3A_742] {strides = array<i32>} : memref<8x256xf32, #tpu.memory_space<vmem>>, vector<16xf32>,
        %swap3A_744 = arith.constant 5 : i32
        %swap3A_745 = arith.index_cast %swap3A_744 : i32 to index
        %swap3A_746 = arith.constant 160 : index
        %swap3A_747 = tpu.vector_load %arg4[%swap3A_745, %swap3A_746] {strides = array<i32>} : memref<8x256xf32, #tpu.memory_space<vmem>>, vector<16xf32>,
        tpu.vector_store %arg4[%swap3A_745, %swap3A_746], %get3A_743 {add = true, strides = array<i32>} : memref<8x256xf32, #tpu.memory_space<vmem>>, vector<16xf32>,
        %get3A_748 = arith.constant 5 : i32
        %get3A_749 = arith.index_cast %get3A_748 : i32 to index
        %get3A_750 = arith.constant 176 : index
        %get3A_751 = tpu.vector_load %arg5[%get3A_749, %get3A_750] {strides = array<i32>} : memref<8x256xf32, #tpu.memory_space<vmem>>, vector<16xf32>,
        %swap3A_752 = arith.constant 5 : i32
        %swap3A_753 = arith.index_cast %swap3A_752 : i32 to index
        %swap3A_754 = arith.constant 176 : index
        %swap3A_755 = tpu.vector_load %arg4[%swap3A_753, %swap3A_754] {strides = array<i32>} : memref<8x256xf32, #tpu.memory_space<vmem>>, vector<16xf32>,
        tpu.vector_store %arg4[%swap3A_753, %swap3A_754], %get3A_751 {add = true, strides = array<i32>} : memref<8x256xf32, #tpu.memory_space<vmem>>, vector<16xf32>,
        %get3A_756 = arith.constant 5 : i32
        %get3A_757 = arith.index_cast %get3A_756 : i32 to index
        %get3A_758 = arith.constant 192 : index
        %get3A_759 = tpu.vector_load %arg5[%get3A_757, %get3A_758] {strides = array<i32>} : memref<8x256xf32, #tpu.memory_space<vmem>>, vector<16xf32>,
        %swap3A_760 = arith.constant 5 : i32
        %swap3A_761 = arith.index_cast %swap3A_760 : i32 to index
        %swap3A_762 = arith.constant 192 : index
        %swap3A_763 = tpu.vector_load %arg4[%swap3A_761, %swap3A_762] {strides = array<i32>} : memref<8x256xf32, #tpu.memory_space<vmem>>, vector<16xf32>,
        tpu.vector_store %arg4[%swap3A_761, %swap3A_762], %get3A_759 {add = true, strides = array<i32>} : memref<8x256xf32, #tpu.memory_space<vmem>>, vector<16xf32>,
        %get3A_764 = arith.constant 5 : i32
        %get3A_765 = arith.index_cast %get3A_764 : i32 to index
        %get3A_766 = arith.constant 208 : index
        %get3A_767 = tpu.vector_load %arg5[%get3A_765, %get3A_766] {strides = array<i32>} : memref<8x256xf32, #tpu.memory_space<vmem>>, vector<16xf32>,
        %swap3A_768 = arith.constant 5 : i32
        %swap3A_769 = arith.index_cast %swap3A_768 : i32 to index
        %swap3A_770 = arith.constant 208 : index
        %swap3A_771 = tpu.vector_load %arg4[%swap3A_769, %swap3A_770] {strides = array<i32>} : memref<8x256xf32, #tpu.memory_space<vmem>>, vector<16xf32>,
        tpu.vector_store %arg4[%swap3A_769, %swap3A_770], %get3A_767 {add = true, strides = array<i32>} : memref<8x256xf32, #tpu.memory_space<vmem>>, vector<16xf32>,
        %get3A_772 = arith.constant 5 : i32
        %get3A_773 = arith.index_cast %get3A_772 : i32 to index
        %get3A_774 = arith.constant 224 : index
        %get3A_775 = tpu.vector_load %arg5[%get3A_773, %get3A_774] {strides = array<i32>} : memref<8x256xf32, #tpu.memory_space<vmem>>, vector<16xf32>,
        %swap3A_776 = arith.constant 5 : i32
        %swap3A_777 = arith.index_cast %swap3A_776 : i32 to index
        %swap3A_778 = arith.constant 224 : index
        %swap3A_779 = tpu.vector_load %arg4[%swap3A_777, %swap3A_778] {strides = array<i32>} : memref<8x256xf32, #tpu.memory_space<vmem>>, vector<16xf32>,
        tpu.vector_store %arg4[%swap3A_777, %swap3A_778], %get3A_775 {add = true, strides = array<i32>} : memref<8x256xf32, #tpu.memory_space<vmem>>, vector<16xf32>,
        %get3A_780 = arith.constant 5 : i32
        %get3A_781 = arith.index_cast %get3A_780 : i32 to index
        %get3A_782 = arith.constant 240 : index
        %get3A_783 = tpu.vector_load %arg5[%get3A_781, %get3A_782] {strides = array<i32>} : memref<8x256xf32, #tpu.memory_space<vmem>>, vector<16xf32>,
        %swap3A_784 = arith.constant 5 : i32
        %swap3A_785 = arith.index_cast %swap3A_784 : i32 to index
        %swap3A_786 = arith.constant 240 : index
        %swap3A_787 = tpu.vector_load %arg4[%swap3A_785, %swap3A_786] {strides = array<i32>} : memref<8x256xf32, #tpu.memory_space<vmem>>, vector<16xf32>,
        tpu.vector_store %arg4[%swap3A_785, %swap3A_786], %get3A_783 {add = true, strides = array<i32>} : memref<8x256xf32, #tpu.memory_space<vmem>>, vector<16xf32>,
        %get3A_788 = arith.constant 6 : i32
        %get3A_789 = arith.index_cast %get3A_788 : i32 to index
        %get3A_790 = arith.constant 0 : index
        %get3A_791 = tpu.vector_load %arg5[%get3A_789, %get3A_790] {strides = array<i32>} : memref<8x256xf32, #tpu.memory_space<vmem>>, vector<16xf32>,
        %swap3A_792 = arith.constant 6 : i32
        %swap3A_793 = arith.index_cast %swap3A_792 : i32 to index
        %swap3A_794 = arith.constant 0 : index
        %swap3A_795 = tpu.vector_load %arg4[%swap3A_793, %swap3A_794] {strides = array<i32>} : memref<8x256xf32, #tpu.memory_space<vmem>>, vector<16xf32>,
        tpu.vector_store %arg4[%swap3A_793, %swap3A_794], %get3A_791 {add = true, strides = array<i32>} : memref<8x256xf32, #tpu.memory_space<vmem>>, vector<16xf32>,
        %get3A_796 = arith.constant 6 : i32
        %get3A_797 = arith.index_cast %get3A_796 : i32 to index
        %get3A_798 = arith.constant 16 : index
        %get3A_799 = tpu.vector_load %arg5[%get3A_797, %get3A_798] {strides = array<i32>} : memref<8x256xf32, #tpu.memory_space<vmem>>, vector<16xf32>,
        %swap3A_800 = arith.constant 6 : i32
        %swap3A_801 = arith.index_cast %swap3A_800 : i32 to index
        %swap3A_802 = arith.constant 16 : index
        %swap3A_803 = tpu.vector_load %arg4[%swap3A_801, %swap3A_802] {strides = array<i32>} : memref<8x256xf32, #tpu.memory_space<vmem>>, vector<16xf32>,
        tpu.vector_store %arg4[%swap3A_801, %swap3A_802], %get3A_799 {add = true, strides = array<i32>} : memref<8x256xf32, #tpu.memory_space<vmem>>, vector<16xf32>,
        %get3A_804 = arith.constant 6 : i32
        %get3A_805 = arith.index_cast %get3A_804 : i32 to index
        %get3A_806 = arith.constant 32 : index
        %get3A_807 = tpu.vector_load %arg5[%get3A_805, %get3A_806] {strides = array<i32>} : memref<8x256xf32, #tpu.memory_space<vmem>>, vector<16xf32>,
        %swap3A_808 = arith.constant 6 : i32
        %swap3A_809 = arith.index_cast %swap3A_808 : i32 to index
        %swap3A_810 = arith.constant 32 : index
        %swap3A_811 = tpu.vector_load %arg4[%swap3A_809, %swap3A_810] {strides = array<i32>} : memref<8x256xf32, #tpu.memory_space<vmem>>, vector<16xf32>,
        tpu.vector_store %arg4[%swap3A_809, %swap3A_810], %get3A_807 {add = true, strides = array<i32>} : memref<8x256xf32, #tpu.memory_space<vmem>>, vector<16xf32>,
        %get3A_812 = arith.constant 6 : i32
        %get3A_813 = arith.index_cast %get3A_812 : i32 to index
        %get3A_814 = arith.constant 48 : index
        %get3A_815 = tpu.vector_load %arg5[%get3A_813, %get3A_814] {strides = array<i32>} : memref<8x256xf32, #tpu.memory_space<vmem>>, vector<16xf32>,
        %swap3A_816 = arith.constant 6 : i32
        %swap3A_817 = arith.index_cast %swap3A_816 : i32 to index
        %swap3A_818 = arith.constant 48 : index
        %swap3A_819 = tpu.vector_load %arg4[%swap3A_817, %swap3A_818] {strides = array<i32>} : memref<8x256xf32, #tpu.memory_space<vmem>>, vector<16xf32>,
        tpu.vector_store %arg4[%swap3A_817, %swap3A_818], %get3A_815 {add = true, strides = array<i32>} : memref<8x256xf32, #tpu.memory_space<vmem>>, vector<16xf32>,
        %get3A_820 = arith.constant 6 : i32
        %get3A_821 = arith.index_cast %get3A_820 : i32 to index
        %get3A_822 = arith.constant 64 : index
        %get3A_823 = tpu.vector_load %arg5[%get3A_821, %get3A_822] {strides = array<i32>} : memref<8x256xf32, #tpu.memory_space<vmem>>, vector<16xf32>,
        %swap3A_824 = arith.constant 6 : i32
        %swap3A_825 = arith.index_cast %swap3A_824 : i32 to index
        %swap3A_826 = arith.constant 64 : index
        %swap3A_827 = tpu.vector_load %arg4[%swap3A_825, %swap3A_826] {strides = array<i32>} : memref<8x256xf32, #tpu.memory_space<vmem>>, vector<16xf32>,
        tpu.vector_store %arg4[%swap3A_825, %swap3A_826], %get3A_823 {add = true, strides = array<i32>} : memref<8x256xf32, #tpu.memory_space<vmem>>, vector<16xf32>,
        %get3A_828 = arith.constant 6 : i32
        %get3A_829 = arith.index_cast %get3A_828 : i32 to index
        %get3A_830 = arith.constant 80 : index
        %get3A_831 = tpu.vector_load %arg5[%get3A_829, %get3A_830] {strides = array<i32>} : memref<8x256xf32, #tpu.memory_space<vmem>>, vector<16xf32>,
        %swap3A_832 = arith.constant 6 : i32
        %swap3A_833 = arith.index_cast %swap3A_832 : i32 to index
        %swap3A_834 = arith.constant 80 : index
        %swap3A_835 = tpu.vector_load %arg4[%swap3A_833, %swap3A_834] {strides = array<i32>} : memref<8x256xf32, #tpu.memory_space<vmem>>, vector<16xf32>,
        tpu.vector_store %arg4[%swap3A_833, %swap3A_834], %get3A_831 {add = true, strides = array<i32>} : memref<8x256xf32, #tpu.memory_space<vmem>>, vector<16xf32>,
        %get3A_836 = arith.constant 6 : i32
        %get3A_837 = arith.index_cast %get3A_836 : i32 to index
        %get3A_838 = arith.constant 96 : index
        %get3A_839 = tpu.vector_load %arg5[%get3A_837, %get3A_838] {strides = array<i32>} : memref<8x256xf32, #tpu.memory_space<vmem>>, vector<16xf32>,
        %swap3A_840 = arith.constant 6 : i32
        %swap3A_841 = arith.index_cast %swap3A_840 : i32 to index
        %swap3A_842 = arith.constant 96 : index
        %swap3A_843 = tpu.vector_load %arg4[%swap3A_841, %swap3A_842] {strides = array<i32>} : memref<8x256xf32, #tpu.memory_space<vmem>>, vector<16xf32>,
        tpu.vector_store %arg4[%swap3A_841, %swap3A_842], %get3A_839 {add = true, strides = array<i32>} : memref<8x256xf32, #tpu.memory_space<vmem>>, vector<16xf32>,
        %get3A_844 = arith.constant 6 : i32
        %get3A_845 = arith.index_cast %get3A_844 : i32 to index
        %get3A_846 = arith.constant 112 : index
        %get3A_847 = tpu.vector_load %arg5[%get3A_845, %get3A_846] {strides = array<i32>} : memref<8x256xf32, #tpu.memory_space<vmem>>, vector<16xf32>,
        %swap3A_848 = arith.constant 6 : i32
        %swap3A_849 = arith.index_cast %swap3A_848 : i32 to index
        %swap3A_850 = arith.constant 112 : index
        %swap3A_851 = tpu.vector_load %arg4[%swap3A_849, %swap3A_850] {strides = array<i32>} : memref<8x256xf32, #tpu.memory_space<vmem>>, vector<16xf32>,
        tpu.vector_store %arg4[%swap3A_849, %swap3A_850], %get3A_847 {add = true, strides = array<i32>} : memref<8x256xf32, #tpu.memory_space<vmem>>, vector<16xf32>,
        %get3A_852 = arith.constant 6 : i32
        %get3A_853 = arith.index_cast %get3A_852 : i32 to index
        %get3A_854 = arith.constant 128 : index
        %get3A_855 = tpu.vector_load %arg5[%get3A_853, %get3A_854] {strides = array<i32>} : memref<8x256xf32, #tpu.memory_space<vmem>>, vector<16xf32>,
        %swap3A_856 = arith.constant 6 : i32
        %swap3A_857 = arith.index_cast %swap3A_856 : i32 to index
        %swap3A_858 = arith.constant 128 : index
        %swap3A_859 = tpu.vector_load %arg4[%swap3A_857, %swap3A_858] {strides = array<i32>} : memref<8x256xf32, #tpu.memory_space<vmem>>, vector<16xf32>,
        tpu.vector_store %arg4[%swap3A_857, %swap3A_858], %get3A_855 {add = true, strides = array<i32>} : memref<8x256xf32, #tpu.memory_space<vmem>>, vector<16xf32>,
        %get3A_860 = arith.constant 6 : i32
        %get3A_861 = arith.index_cast %get3A_860 : i32 to index
        %get3A_862 = arith.constant 144 : index
        %get3A_863 = tpu.vector_load %arg5[%get3A_861, %get3A_862] {strides = array<i32>} : memref<8x256xf32, #tpu.memory_space<vmem>>, vector<16xf32>,
        %swap3A_864 = arith.constant 6 : i32
        %swap3A_865 = arith.index_cast %swap3A_864 : i32 to index
        %swap3A_866 = arith.constant 144 : index
        %swap3A_867 = tpu.vector_load %arg4[%swap3A_865, %swap3A_866] {strides = array<i32>} : memref<8x256xf32, #tpu.memory_space<vmem>>, vector<16xf32>,
        tpu.vector_store %arg4[%swap3A_865, %swap3A_866], %get3A_863 {add = true, strides = array<i32>} : memref<8x256xf32, #tpu.memory_space<vmem>>, vector<16xf32>,
        %get3A_868 = arith.constant 6 : i32
        %get3A_869 = arith.index_cast %get3A_868 : i32 to index
        %get3A_870 = arith.constant 160 : index
        %get3A_871 = tpu.vector_load %arg5[%get3A_869, %get3A_870] {strides = array<i32>} : memref<8x256xf32, #tpu.memory_space<vmem>>, vector<16xf32>,
        %swap3A_872 = arith.constant 6 : i32
        %swap3A_873 = arith.index_cast %swap3A_872 : i32 to index
        %swap3A_874 = arith.constant 160 : index
        %swap3A_875 = tpu.vector_load %arg4[%swap3A_873, %swap3A_874] {strides = array<i32>} : memref<8x256xf32, #tpu.memory_space<vmem>>, vector<16xf32>,
        tpu.vector_store %arg4[%swap3A_873, %swap3A_874], %get3A_871 {add = true, strides = array<i32>} : memref<8x256xf32, #tpu.memory_space<vmem>>, vector<16xf32>,
        %get3A_876 = arith.constant 6 : i32
        %get3A_877 = arith.index_cast %get3A_876 : i32 to index
        %get3A_878 = arith.constant 176 : index
        %get3A_879 = tpu.vector_load %arg5[%get3A_877, %get3A_878] {strides = array<i32>} : memref<8x256xf32, #tpu.memory_space<vmem>>, vector<16xf32>,
        %swap3A_880 = arith.constant 6 : i32
        %swap3A_881 = arith.index_cast %swap3A_880 : i32 to index
        %swap3A_882 = arith.constant 176 : index
        %swap3A_883 = tpu.vector_load %arg4[%swap3A_881, %swap3A_882] {strides = array<i32>} : memref<8x256xf32, #tpu.memory_space<vmem>>, vector<16xf32>,
        tpu.vector_store %arg4[%swap3A_881, %swap3A_882], %get3A_879 {add = true, strides = array<i32>} : memref<8x256xf32, #tpu.memory_space<vmem>>, vector<16xf32>,
        %get3A_884 = arith.constant 6 : i32
        %get3A_885 = arith.index_cast %get3A_884 : i32 to index
        %get3A_886 = arith.constant 192 : index
        %get3A_887 = tpu.vector_load %arg5[%get3A_885, %get3A_886] {strides = array<i32>} : memref<8x256xf32, #tpu.memory_space<vmem>>, vector<16xf32>,
        %swap3A_888 = arith.constant 6 : i32
        %swap3A_889 = arith.index_cast %swap3A_888 : i32 to index
        %swap3A_890 = arith.constant 192 : index
        %swap3A_891 = tpu.vector_load %arg4[%swap3A_889, %swap3A_890] {strides = array<i32>} : memref<8x256xf32, #tpu.memory_space<vmem>>, vector<16xf32>,
        tpu.vector_store %arg4[%swap3A_889, %swap3A_890], %get3A_887 {add = true, strides = array<i32>} : memref<8x256xf32, #tpu.memory_space<vmem>>, vector<16xf32>,
        %get3A_892 = arith.constant 6 : i32
        %get3A_893 = arith.index_cast %get3A_892 : i32 to index
        %get3A_894 = arith.constant 208 : index
        %get3A_895 = tpu.vector_load %arg5[%get3A_893, %get3A_894] {strides = array<i32>} : memref<8x256xf32, #tpu.memory_space<vmem>>, vector<16xf32>,
        %swap3A_896 = arith.constant 6 : i32
        %swap3A_897 = arith.index_cast %swap3A_896 : i32 to index
        %swap3A_898 = arith.constant 208 : index
        %swap3A_899 = tpu.vector_load %arg4[%swap3A_897, %swap3A_898] {strides = array<i32>} : memref<8x256xf32, #tpu.memory_space<vmem>>, vector<16xf32>,
        tpu.vector_store %arg4[%swap3A_897, %swap3A_898], %get3A_895 {add = true, strides = array<i32>} : memref<8x256xf32, #tpu.memory_space<vmem>>, vector<16xf32>,
        %get3A_900 = arith.constant 6 : i32
        %get3A_901 = arith.index_cast %get3A_900 : i32 to index
        %get3A_902 = arith.constant 224 : index
        %get3A_903 = tpu.vector_load %arg5[%get3A_901, %get3A_902] {strides = array<i32>} : memref<8x256xf32, #tpu.memory_space<vmem>>, vector<16xf32>,
        %swap3A_904 = arith.constant 6 : i32
        %swap3A_905 = arith.index_cast %swap3A_904 : i32 to index
        %swap3A_906 = arith.constant 224 : index
        %swap3A_907 = tpu.vector_load %arg4[%swap3A_905, %swap3A_906] {strides = array<i32>} : memref<8x256xf32, #tpu.memory_space<vmem>>, vector<16xf32>,
        tpu.vector_store %arg4[%swap3A_905, %swap3A_906], %get3A_903 {add = true, strides = array<i32>} : memref<8x256xf32, #tpu.memory_space<vmem>>, vector<16xf32>,
        %get3A_908 = arith.constant 6 : i32
        %get3A_909 = arith.index_cast %get3A_908 : i32 to index
        %get3A_910 = arith.constant 240 : index
        %get3A_911 = tpu.vector_load %arg5[%get3A_909, %get3A_910] {strides = array<i32>} : memref<8x256xf32, #tpu.memory_space<vmem>>, vector<16xf32>,
        %swap3A_912 = arith.constant 6 : i32
        %swap3A_913 = arith.index_cast %swap3A_912 : i32 to index
        %swap3A_914 = arith.constant 240 : index
        %swap3A_915 = tpu.vector_load %arg4[%swap3A_913, %swap3A_914] {strides = array<i32>} : memref<8x256xf32, #tpu.memory_space<vmem>>, vector<16xf32>,
        tpu.vector_store %arg4[%swap3A_913, %swap3A_914], %get3A_911 {add = true, strides = array<i32>} : memref<8x256xf32, #tpu.memory_space<vmem>>, vector<16xf32>,
        %get3A_916 = arith.constant 7 : i32
        %get3A_917 = arith.index_cast %get3A_916 : i32 to index
        %get3A_918 = arith.constant 0 : index
        %get3A_919 = tpu.vector_load %arg5[%get3A_917, %get3A_918] {strides = array<i32>} : memref<8x256xf32, #tpu.memory_space<vmem>>, vector<16xf32>,
        %swap3A_920 = arith.constant 7 : i32
        %swap3A_921 = arith.index_cast %swap3A_920 : i32 to index
        %swap3A_922 = arith.constant 0 : index
        %swap3A_923 = tpu.vector_load %arg4[%swap3A_921, %swap3A_922] {strides = array<i32>} : memref<8x256xf32, #tpu.memory_space<vmem>>, vector<16xf32>,
        tpu.vector_store %arg4[%swap3A_921, %swap3A_922], %get3A_919 {add = true, strides = array<i32>} : memref<8x256xf32, #tpu.memory_space<vmem>>, vector<16xf32>,
        %get3A_924 = arith.constant 7 : i32
        %get3A_925 = arith.index_cast %get3A_924 : i32 to index
        %get3A_926 = arith.constant 16 : index
        %get3A_927 = tpu.vector_load %arg5[%get3A_925, %get3A_926] {strides = array<i32>} : memref<8x256xf32, #tpu.memory_space<vmem>>, vector<16xf32>,
        %swap3A_928 = arith.constant 7 : i32
        %swap3A_929 = arith.index_cast %swap3A_928 : i32 to index
        %swap3A_930 = arith.constant 16 : index
        %swap3A_931 = tpu.vector_load %arg4[%swap3A_929, %swap3A_930] {strides = array<i32>} : memref<8x256xf32, #tpu.memory_space<vmem>>, vector<16xf32>,
        tpu.vector_store %arg4[%swap3A_929, %swap3A_930], %get3A_927 {add = true, strides = array<i32>} : memref<8x256xf32, #tpu.memory_space<vmem>>, vector<16xf32>,
        %get3A_932 = arith.constant 7 : i32
        %get3A_933 = arith.index_cast %get3A_932 : i32 to index
        %get3A_934 = arith.constant 32 : index
        %get3A_935 = tpu.vector_load %arg5[%get3A_933, %get3A_934] {strides = array<i32>} : memref<8x256xf32, #tpu.memory_space<vmem>>, vector<16xf32>,
        %swap3A_936 = arith.constant 7 : i32
        %swap3A_937 = arith.index_cast %swap3A_936 : i32 to index
        %swap3A_938 = arith.constant 32 : index
        %swap3A_939 = tpu.vector_load %arg4[%swap3A_937, %swap3A_938] {strides = array<i32>} : memref<8x256xf32, #tpu.memory_space<vmem>>, vector<16xf32>,
        tpu.vector_store %arg4[%swap3A_937, %swap3A_938], %get3A_935 {add = true, strides = array<i32>} : memref<8x256xf32, #tpu.memory_space<vmem>>, vector<16xf32>,
        %get3A_940 = arith.constant 7 : i32
        %get3A_941 = arith.index_cast %get3A_940 : i32 to index
        %get3A_942 = arith.constant 48 : index
        %get3A_943 = tpu.vector_load %arg5[%get3A_941, %get3A_942] {strides = array<i32>} : memref<8x256xf32, #tpu.memory_space<vmem>>, vector<16xf32>,
        %swap3A_944 = arith.constant 7 : i32
        %swap3A_945 = arith.index_cast %swap3A_944 : i32 to index
        %swap3A_946 = arith.constant 48 : index
        %swap3A_947 = tpu.vector_load %arg4[%swap3A_945, %swap3A_946] {strides = array<i32>} : memref<8x256xf32, #tpu.memory_space<vmem>>, vector<16xf32>,
        tpu.vector_store %arg4[%swap3A_945, %swap3A_946], %get3A_943 {add = true, strides = array<i32>} : memref<8x256xf32, #tpu.memory_space<vmem>>, vector<16xf32>,
        %get3A_948 = arith.constant 7 : i32
        %get3A_949 = arith.index_cast %get3A_948 : i32 to index
        %get3A_950 = arith.constant 64 : index
        %get3A_951 = tpu.vector_load %arg5[%get3A_949, %get3A_950] {strides = array<i32>} : memref<8x256xf32, #tpu.memory_space<vmem>>, vector<16xf32>,
        %swap3A_952 = arith.constant 7 : i32
        %swap3A_953 = arith.index_cast %swap3A_952 : i32 to index
        %swap3A_954 = arith.constant 64 : index
        %swap3A_955 = tpu.vector_load %arg4[%swap3A_953, %swap3A_954] {strides = array<i32>} : memref<8x256xf32, #tpu.memory_space<vmem>>, vector<16xf32>,
        tpu.vector_store %arg4[%swap3A_953, %swap3A_954], %get3A_951 {add = true, strides = array<i32>} : memref<8x256xf32, #tpu.memory_space<vmem>>, vector<16xf32>,
        %get3A_956 = arith.constant 7 : i32
        %get3A_957 = arith.index_cast %get3A_956 : i32 to index
        %get3A_958 = arith.constant 80 : index
        %get3A_959 = tpu.vector_load %arg5[%get3A_957, %get3A_958] {strides = array<i32>} : memref<8x256xf32, #tpu.memory_space<vmem>>, vector<16xf32>,
        %swap3A_960 = arith.constant 7 : i32
        %swap3A_961 = arith.index_cast %swap3A_960 : i32 to index
        %swap3A_962 = arith.constant 80 : index
        %swap3A_963 = tpu.vector_load %arg4[%swap3A_961, %swap3A_962] {strides = array<i32>} : memref<8x256xf32, #tpu.memory_space<vmem>>, vector<16xf32>,
        tpu.vector_store %arg4[%swap3A_961, %swap3A_962], %get3A_959 {add = true, strides = array<i32>} : memref<8x256xf32, #tpu.memory_space<vmem>>, vector<16xf32>,
        %get3A_964 = arith.constant 7 : i32
        %get3A_965 = arith.index_cast %get3A_964 : i32 to index
        %get3A_966 = arith.constant 96 : index
        %get3A_967 = tpu.vector_load %arg5[%get3A_965, %get3A_966] {strides = array<i32>} : memref<8x256xf32, #tpu.memory_space<vmem>>, vector<16xf32>,
        %swap3A_968 = arith.constant 7 : i32
        %swap3A_969 = arith.index_cast %swap3A_968 : i32 to index
        %swap3A_970 = arith.constant 96 : index
        %swap3A_971 = tpu.vector_load %arg4[%swap3A_969, %swap3A_970] {strides = array<i32>} : memref<8x256xf32, #tpu.memory_space<vmem>>, vector<16xf32>,
        tpu.vector_store %arg4[%swap3A_969, %swap3A_970], %get3A_967 {add = true, strides = array<i32>} : memref<8x256xf32, #tpu.memory_space<vmem>>, vector<16xf32>,
        %get3A_972 = arith.constant 7 : i32
        %get3A_973 = arith.index_cast %get3A_972 : i32 to index
        %get3A_974 = arith.constant 112 : index
        %get3A_975 = tpu.vector_load %arg5[%get3A_973, %get3A_974] {strides = array<i32>} : memref<8x256xf32, #tpu.memory_space<vmem>>, vector<16xf32>,
        %swap3A_976 = arith.constant 7 : i32
        %swap3A_977 = arith.index_cast %swap3A_976 : i32 to index
        %swap3A_978 = arith.constant 112 : index
        %swap3A_979 = tpu.vector_load %arg4[%swap3A_977, %swap3A_978] {strides = array<i32>} : memref<8x256xf32, #tpu.memory_space<vmem>>, vector<16xf32>,
        tpu.vector_store %arg4[%swap3A_977, %swap3A_978], %get3A_975 {add = true, strides = array<i32>} : memref<8x256xf32, #tpu.memory_space<vmem>>, vector<16xf32>,
        %get3A_980 = arith.constant 7 : i32
        %get3A_981 = arith.index_cast %get3A_980 : i32 to index
        %get3A_982 = arith.constant 128 : index
        %get3A_983 = tpu.vector_load %arg5[%get3A_981, %get3A_982] {strides = array<i32>} : memref<8x256xf32, #tpu.memory_space<vmem>>, vector<16xf32>,
        %swap3A_984 = arith.constant 7 : i32
        %swap3A_985 = arith.index_cast %swap3A_984 : i32 to index
        %swap3A_986 = arith.constant 128 : index
        %swap3A_987 = tpu.vector_load %arg4[%swap3A_985, %swap3A_986] {strides = array<i32>} : memref<8x256xf32, #tpu.memory_space<vmem>>, vector<16xf32>,
        tpu.vector_store %arg4[%swap3A_985, %swap3A_986], %get3A_983 {add = true, strides = array<i32>} : memref<8x256xf32, #tpu.memory_space<vmem>>, vector<16xf32>,
        %get3A_988 = arith.constant 7 : i32
        %get3A_989 = arith.index_cast %get3A_988 : i32 to index
        %get3A_990 = arith.constant 144 : index
        %get3A_991 = tpu.vector_load %arg5[%get3A_989, %get3A_990] {strides = array<i32>} : memref<8x256xf32, #tpu.memory_space<vmem>>, vector<16xf32>,
        %swap3A_992 = arith.constant 7 : i32
        %swap3A_993 = arith.index_cast %swap3A_992 : i32 to index
        %swap3A_994 = arith.constant 144 : index
        %swap3A_995 = tpu.vector_load %arg4[%swap3A_993, %swap3A_994] {strides = array<i32>} : memref<8x256xf32, #tpu.memory_space<vmem>>, vector<16xf32>,
        tpu.vector_store %arg4[%swap3A_993, %swap3A_994], %get3A_991 {add = true, strides = array<i32>} : memref<8x256xf32, #tpu.memory_space<vmem>>, vector<16xf32>,
        %get3A_996 = arith.constant 7 : i32
        %get3A_997 = arith.index_cast %get3A_996 : i32 to index
        %get3A_998 = arith.constant 160 : index
        %get3A_999 = tpu.vector_load %arg5[%get3A_997, %get3A_998] {strides = array<i32>} : memref<8x256xf32, #tpu.memory_space<vmem>>, vector<16xf32>,
        %swap3A_1000 = arith.constant 7 : i32
        %swap3A_1001 = arith.index_cast %swap3A_1000 : i32 to index
        %swap3A_1002 = arith.constant 160 : index
        %swap3A_1003 = tpu.vector_load %arg4[%swap3A_1001, %swap3A_1002] {strides = array<i32>} : memref<8x256xf32, #tpu.memory_space<vmem>>, vector<16xf32>,
        tpu.vector_store %arg4[%swap3A_1001, %swap3A_1002], %get3A_999 {add = true, strides = array<i32>} : memref<8x256xf32, #tpu.memory_space<vmem>>, vector<16xf32>,
        %get3A_1004 = arith.constant 7 : i32
        %get3A_1005 = arith.index_cast %get3A_1004 : i32 to index
        %get3A_1006 = arith.constant 176 : index
        %get3A_1007 = tpu.vector_load %arg5[%get3A_1005, %get3A_1006] {strides = array<i32>} : memref<8x256xf32, #tpu.memory_space<vmem>>, vector<16xf32>,
        %swap3A_1008 = arith.constant 7 : i32
        %swap3A_1009 = arith.index_cast %swap3A_1008 : i32 to index
        %swap3A_1010 = arith.constant 176 : index
        %swap3A_1011 = tpu.vector_load %arg4[%swap3A_1009, %swap3A_1010] {strides = array<i32>} : memref<8x256xf32, #tpu.memory_space<vmem>>, vector<16xf32>,
        tpu.vector_store %arg4[%swap3A_1009, %swap3A_1010], %get3A_1007 {add = true, strides = array<i32>} : memref<8x256xf32, #tpu.memory_space<vmem>>, vector<16xf32>,
        %get3A_1012 = arith.constant 7 : i32
        %get3A_1013 = arith.index_cast %get3A_1012 : i32 to index
        %get3A_1014 = arith.constant 192 : index
        %get3A_1015 = tpu.vector_load %arg5[%get3A_1013, %get3A_1014] {strides = array<i32>} : memref<8x256xf32, #tpu.memory_space<vmem>>, vector<16xf32>,
        %swap3A_1016 = arith.constant 7 : i32
        %swap3A_1017 = arith.index_cast %swap3A_1016 : i32 to index
        %swap3A_1018 = arith.constant 192 : index
        %swap3A_1019 = tpu.vector_load %arg4[%swap3A_1017, %swap3A_1018] {strides = array<i32>} : memref<8x256xf32, #tpu.memory_space<vmem>>, vector<16xf32>,
        tpu.vector_store %arg4[%swap3A_1017, %swap3A_1018], %get3A_1015 {add = true, strides = array<i32>} : memref<8x256xf32, #tpu.memory_space<vmem>>, vector<16xf32>,
        %get3A_1020 = arith.constant 7 : i32
        %get3A_1021 = arith.index_cast %get3A_1020 : i32 to index
        %get3A_1022 = arith.constant 208 : index
        %get3A_1023 = tpu.vector_load %arg5[%get3A_1021, %get3A_1022] {strides = array<i32>} : memref<8x256xf32, #tpu.memory_space<vmem>>, vector<16xf32>,
        %swap3A_1024 = arith.constant 7 : i32
        %swap3A_1025 = arith.index_cast %swap3A_1024 : i32 to index
        %swap3A_1026 = arith.constant 208 : index
        %swap3A_1027 = tpu.vector_load %arg4[%swap3A_1025, %swap3A_1026] {strides = array<i32>} : memref<8x256xf32, #tpu.memory_space<vmem>>, vector<16xf32>,
        tpu.vector_store %arg4[%swap3A_1025, %swap3A_1026], %get3A_1023 {add = true, strides = array<i32>} : memref<8x256xf32, #tpu.memory_space<vmem>>, vector<16xf32>,
        %get3A_1028 = arith.constant 7 : i32
        %get3A_1029 = arith.index_cast %get3A_1028 : i32 to index
        %get3A_1030 = arith.constant 224 : index
        %get3A_1031 = tpu.vector_load %arg5[%get3A_1029, %get3A_1030] {strides = array<i32>} : memref<8x256xf32, #tpu.memory_space<vmem>>, vector<16xf32>,
        %swap3A_1032 = arith.constant 7 : i32
        %swap3A_1033 = arith.index_cast %swap3A_1032 : i32 to index
        %swap3A_1034 = arith.constant 224 : index
        %swap3A_1035 = tpu.vector_load %arg4[%swap3A_1033, %swap3A_1034] {strides = array<i32>} : memref<8x256xf32, #tpu.memory_space<vmem>>, vector<16xf32>,
        tpu.vector_store %arg4[%swap3A_1033, %swap3A_1034], %get3A_1031 {add = true, strides = array<i32>} : memref<8x256xf32, #tpu.memory_space<vmem>>, vector<16xf32>,
        %get3A_1036 = arith.constant 7 : i32
        %get3A_1037 = arith.index_cast %get3A_1036 : i32 to index
        %get3A_1038 = arith.constant 240 : index
        %get3A_1039 = tpu.vector_load %arg5[%get3A_1037, %get3A_1038] {strides = array<i32>} : memref<8x256xf32, #tpu.memory_space<vmem>>, vector<16xf32>,
        %swap3A_1040 = arith.constant 7 : i32
        %swap3A_1041 = arith.index_cast %swap3A_1040 : i32 to index
        %swap3A_1042 = arith.constant 240 : index
        %swap3A_1043 = tpu.vector_load %arg4[%swap3A_1041, %swap3A_1042] {strides = array<i32>} : memref<8x256xf32, #tpu.memory_space<vmem>>, vector<16xf32>,
        tpu.vector_store %arg4[%swap3A_1041, %swap3A_1042], %get3A_1039 {add = true, strides = array<i32>} : memref<8x256xf32, #tpu.memory_space<vmem>>, vector<16xf32>,
      }
      %scan3A_20 = arith.constant 31 : i32
      "tpu.region"() ({
        %run_scoped3A_21 = tpu.sem_alloc : memref<!tpu.dma_semaphore, #tpu.memory_space<semaphore_mem>>
        %dma_start3A = arith.constant 0 : i32
        %dma_start3A_22 = tpu.memref_slice %arg3[%mul3A_13, %dma_start3A] : memref<384x256xf32, #tpu.memory_space<hbm>> -> memref<8x256xf32, #tpu.memory_space<hbm>>
        %dma_start3A_23 = arith.constant 0 : i32
        %dma_start3A_24 = tpu.memref_slice %arg3[%mul3A_13, %dma_start3A_23] : memref<384x256xf32, #tpu.memory_space<hbm>> -> memref<8x256xf32, #tpu.memory_space<hbm>>
        tpu.enqueue_dma source(%arg4 : memref<8x256xf32, #tpu.memory_space<vmem>>) target(%dma_start3A_24 : memref<8x256xf32, #tpu.memory_space<hbm>>) target_semaphore(%run_scoped3A_21 : memref<!tpu.dma_semaphore, #tpu.memory_space<semaphore_mem>>)
        %dma_wait3A = arith.constant 0 : i32
        %dma_wait3A_25 = tpu.memref_slice %arg3[%mul3A_13, %dma_wait3A] : memref<384x256xf32, #tpu.memory_space<hbm>> -> memref<8x256xf32, #tpu.memory_space<hbm>>
        %dma_wait3A_26 = arith.constant 0 : i32
        %dma_wait3A_27 = tpu.memref_slice %arg3[%mul3A_13, %dma_wait3A_26] : memref<384x256xf32, #tpu.memory_space<hbm>> -> memref<8x256xf32, #tpu.memory_space<hbm>>
        tpu.wait_dma2 semaphore(%run_scoped3A_21 : memref<!tpu.dma_semaphore, #tpu.memory_space<semaphore_mem>>) src(%arg4 : memref<8x256xf32, #tpu.memory_space<vmem>>) dst(%dma_wait3A_27 : memref<8x256xf32, #tpu.memory_space<hbm>>)
        tpu.yield
      }) : () -> ()
    } else {
    }
    return
  }
}

#map = affine_map<(d0, d1) -> (0, 0)>
#map1 = affine_map<(d0, d1) -> (0)>
#map2 = affine_map<(d0, d1) -> (0, 0, 0)>
module attributes {stable_mosaic.version = 14 : i64} {
  func.func @_main_body(%arg0: i32, %arg1: i32, %arg2: memref<263682x128xf32, #tpu.memory_space<hbm>>, %arg3: memref<131841xf32, #tpu.memory_space<hbm>>, %arg4: memref<131841xi32, #tpu.memory_space<hbm>>, %arg5: memref<32x384x256xf32, #tpu.memory_space<hbm>>, %arg6: memref<2x80x128xf32, #tpu.memory_space<vmem>>, %arg7: memref<2x40xf32, #tpu.memory_space<vmem>>, %arg8: memref<2x40xi32, #tpu.memory_space<vmem>>, %arg9: memref<384x256xf32, #tpu.memory_space<vmem>>, %arg10: memref<!tpu.dma_semaphore, #tpu.memory_space<semaphore_mem>>) attributes {dimension_semantics = [#tpu.dimension_semantics<core_parallel>, #tpu.dimension_semantics<subcore_parallel>], iteration_bounds = array<i64: 2, 16>, scalar_prefetch = 0 : i64, scratch_operands = 5 : i64, tpu.core_type = #tpu.core_type<sc_vector_subcore>, window_params = [{transform_indices = #map}, {transform_indices = #map1}, {transform_indices = #map1}, {transform_indices = #map2}]} {
    %mul3A = arith.constant 2 : i32
    %mul3A_0 = arith.muli %arg1, %mul3A : i32
    %add3A = arith.addi %mul3A_0, %arg0 : i32
    %mul3A_1 = arith.constant 4120 : i32
    %mul3A_2 = arith.muli %add3A, %mul3A_1 : i32
    %iota3A = tpu.iota {dimensions = array<i32: 0>} : vector<16xi32>
    %broadcast_in_dim3A = arith.constant 0.000000e+00 : f32
    %broadcast_in_dim3A_3 = vector.broadcast %broadcast_in_dim3A : f32 to vector<16xf32>
    %scan3A = arith.constant 0 : i32
    %scan3A_4 = arith.constant 0 : i32
    %scan3A_5 = arith.constant 384 : i32
    %scan3A_6 = arith.addi %scan3A_4, %scan3A_5 : i32
    %scan3A_7 = arith.constant 1 : i32
    scf.for %scan3A_49 = %scan3A_4 to %scan3A_6 step %scan3A_7  : i32 {
      %swap3A = arith.index_cast %scan3A_49 : i32 to index
      %swap3A_50 = arith.constant 0 : index
      %swap3A_51 = tpu.vector_load %arg9[%swap3A, %swap3A_50] {strides = array<i32>} : memref<384x256xf32, #tpu.memory_space<vmem>>, vector<16xf32>,
      tpu.vector_store %arg9[%swap3A, %swap3A_50], %broadcast_in_dim3A_3 {strides = array<i32>} : memref<384x256xf32, #tpu.memory_space<vmem>>, vector<16xf32>,
      %swap3A_52 = arith.index_cast %scan3A_49 : i32 to index
      %swap3A_53 = arith.constant 16 : index
      %swap3A_54 = tpu.vector_load %arg9[%swap3A_52, %swap3A_53] {strides = array<i32>} : memref<384x256xf32, #tpu.memory_space<vmem>>, vector<16xf32>,
      tpu.vector_store %arg9[%swap3A_52, %swap3A_53], %broadcast_in_dim3A_3 {strides = array<i32>} : memref<384x256xf32, #tpu.memory_space<vmem>>, vector<16xf32>,
      %swap3A_55 = arith.index_cast %scan3A_49 : i32 to index
      %swap3A_56 = arith.constant 32 : index
      %swap3A_57 = tpu.vector_load %arg9[%swap3A_55, %swap3A_56] {strides = array<i32>} : memref<384x256xf32, #tpu.memory_space<vmem>>, vector<16xf32>,
      tpu.vector_store %arg9[%swap3A_55, %swap3A_56], %broadcast_in_dim3A_3 {strides = array<i32>} : memref<384x256xf32, #tpu.memory_space<vmem>>, vector<16xf32>,
      %swap3A_58 = arith.index_cast %scan3A_49 : i32 to index
      %swap3A_59 = arith.constant 48 : index
      %swap3A_60 = tpu.vector_load %arg9[%swap3A_58, %swap3A_59] {strides = array<i32>} : memref<384x256xf32, #tpu.memory_space<vmem>>, vector<16xf32>,
      tpu.vector_store %arg9[%swap3A_58, %swap3A_59], %broadcast_in_dim3A_3 {strides = array<i32>} : memref<384x256xf32, #tpu.memory_space<vmem>>, vector<16xf32>,
      %swap3A_61 = arith.index_cast %scan3A_49 : i32 to index
      %swap3A_62 = arith.constant 64 : index
      %swap3A_63 = tpu.vector_load %arg9[%swap3A_61, %swap3A_62] {strides = array<i32>} : memref<384x256xf32, #tpu.memory_space<vmem>>, vector<16xf32>,
      tpu.vector_store %arg9[%swap3A_61, %swap3A_62], %broadcast_in_dim3A_3 {strides = array<i32>} : memref<384x256xf32, #tpu.memory_space<vmem>>, vector<16xf32>,
      %swap3A_64 = arith.index_cast %scan3A_49 : i32 to index
      %swap3A_65 = arith.constant 80 : index
      %swap3A_66 = tpu.vector_load %arg9[%swap3A_64, %swap3A_65] {strides = array<i32>} : memref<384x256xf32, #tpu.memory_space<vmem>>, vector<16xf32>,
      tpu.vector_store %arg9[%swap3A_64, %swap3A_65], %broadcast_in_dim3A_3 {strides = array<i32>} : memref<384x256xf32, #tpu.memory_space<vmem>>, vector<16xf32>,
      %swap3A_67 = arith.index_cast %scan3A_49 : i32 to index
      %swap3A_68 = arith.constant 96 : index
      %swap3A_69 = tpu.vector_load %arg9[%swap3A_67, %swap3A_68] {strides = array<i32>} : memref<384x256xf32, #tpu.memory_space<vmem>>, vector<16xf32>,
      tpu.vector_store %arg9[%swap3A_67, %swap3A_68], %broadcast_in_dim3A_3 {strides = array<i32>} : memref<384x256xf32, #tpu.memory_space<vmem>>, vector<16xf32>,
      %swap3A_70 = arith.index_cast %scan3A_49 : i32 to index
      %swap3A_71 = arith.constant 112 : index
      %swap3A_72 = tpu.vector_load %arg9[%swap3A_70, %swap3A_71] {strides = array<i32>} : memref<384x256xf32, #tpu.memory_space<vmem>>, vector<16xf32>,
      tpu.vector_store %arg9[%swap3A_70, %swap3A_71], %broadcast_in_dim3A_3 {strides = array<i32>} : memref<384x256xf32, #tpu.memory_space<vmem>>, vector<16xf32>,
      %swap3A_73 = arith.index_cast %scan3A_49 : i32 to index
      %swap3A_74 = arith.constant 128 : index
      %swap3A_75 = tpu.vector_load %arg9[%swap3A_73, %swap3A_74] {strides = array<i32>} : memref<384x256xf32, #tpu.memory_space<vmem>>, vector<16xf32>,
      tpu.vector_store %arg9[%swap3A_73, %swap3A_74], %broadcast_in_dim3A_3 {strides = array<i32>} : memref<384x256xf32, #tpu.memory_space<vmem>>, vector<16xf32>,
      %swap3A_76 = arith.index_cast %scan3A_49 : i32 to index
      %swap3A_77 = arith.constant 144 : index
      %swap3A_78 = tpu.vector_load %arg9[%swap3A_76, %swap3A_77] {strides = array<i32>} : memref<384x256xf32, #tpu.memory_space<vmem>>, vector<16xf32>,
      tpu.vector_store %arg9[%swap3A_76, %swap3A_77], %broadcast_in_dim3A_3 {strides = array<i32>} : memref<384x256xf32, #tpu.memory_space<vmem>>, vector<16xf32>,
      %swap3A_79 = arith.index_cast %scan3A_49 : i32 to index
      %swap3A_80 = arith.constant 160 : index
      %swap3A_81 = tpu.vector_load %arg9[%swap3A_79, %swap3A_80] {strides = array<i32>} : memref<384x256xf32, #tpu.memory_space<vmem>>, vector<16xf32>,
      tpu.vector_store %arg9[%swap3A_79, %swap3A_80], %broadcast_in_dim3A_3 {strides = array<i32>} : memref<384x256xf32, #tpu.memory_space<vmem>>, vector<16xf32>,
      %swap3A_82 = arith.index_cast %scan3A_49 : i32 to index
      %swap3A_83 = arith.constant 176 : index
      %swap3A_84 = tpu.vector_load %arg9[%swap3A_82, %swap3A_83] {strides = array<i32>} : memref<384x256xf32, #tpu.memory_space<vmem>>, vector<16xf32>,
      tpu.vector_store %arg9[%swap3A_82, %swap3A_83], %broadcast_in_dim3A_3 {strides = array<i32>} : memref<384x256xf32, #tpu.memory_space<vmem>>, vector<16xf32>,
      %swap3A_85 = arith.index_cast %scan3A_49 : i32 to index
      %swap3A_86 = arith.constant 192 : index
      %swap3A_87 = tpu.vector_load %arg9[%swap3A_85, %swap3A_86] {strides = array<i32>} : memref<384x256xf32, #tpu.memory_space<vmem>>, vector<16xf32>,
      tpu.vector_store %arg9[%swap3A_85, %swap3A_86], %broadcast_in_dim3A_3 {strides = array<i32>} : memref<384x256xf32, #tpu.memory_space<vmem>>, vector<16xf32>,
      %swap3A_88 = arith.index_cast %scan3A_49 : i32 to index
      %swap3A_89 = arith.constant 208 : index
      %swap3A_90 = tpu.vector_load %arg9[%swap3A_88, %swap3A_89] {strides = array<i32>} : memref<384x256xf32, #tpu.memory_space<vmem>>, vector<16xf32>,
      tpu.vector_store %arg9[%swap3A_88, %swap3A_89], %broadcast_in_dim3A_3 {strides = array<i32>} : memref<384x256xf32, #tpu.memory_space<vmem>>, vector<16xf32>,
      %swap3A_91 = arith.index_cast %scan3A_49 : i32 to index
      %swap3A_92 = arith.constant 224 : index
      %swap3A_93 = tpu.vector_load %arg9[%swap3A_91, %swap3A_92] {strides = array<i32>} : memref<384x256xf32, #tpu.memory_space<vmem>>, vector<16xf32>,
      tpu.vector_store %arg9[%swap3A_91, %swap3A_92], %broadcast_in_dim3A_3 {strides = array<i32>} : memref<384x256xf32, #tpu.memory_space<vmem>>, vector<16xf32>,
      %swap3A_94 = arith.index_cast %scan3A_49 : i32 to index
      %swap3A_95 = arith.constant 240 : index
      %swap3A_96 = tpu.vector_load %arg9[%swap3A_94, %swap3A_95] {strides = array<i32>} : memref<384x256xf32, #tpu.memory_space<vmem>>, vector<16xf32>,
      tpu.vector_store %arg9[%swap3A_94, %swap3A_95], %broadcast_in_dim3A_3 {strides = array<i32>} : memref<384x256xf32, #tpu.memory_space<vmem>>, vector<16xf32>,
    }
    %scan3A_8 = arith.constant 384 : i32
    %add3A_9 = arith.constant 0 : i32
    %add3A_10 = arith.addi %mul3A_2, %add3A_9 : i32
    %mul3A_11 = arith.constant 2 : i32
    %mul3A_12 = arith.muli %mul3A_11, %add3A_10 : i32
    %dma_start3A = arith.constant 0 : i32
    %dma_start3A_13 = arith.constant 0 : i32
    %dma_start3A_14 = arith.constant 0 : i32
    %dma_start3A_15 = tpu.memref_slice %arg6[%dma_start3A, %dma_start3A_13, %dma_start3A_14] : memref<2x80x128xf32, #tpu.memory_space<vmem>> -> memref<1x80x128xf32, #tpu.memory_space<vmem>>
    %dma_start3A_16 = tpu.memref_squeeze %dma_start3A_15 : memref<1x80x128xf32, #tpu.memory_space<vmem>> -> memref<80x128xf32, #tpu.memory_space<vmem>>
    %dma_start3A_17 = arith.constant 0 : i32
    %dma_start3A_18 = tpu.memref_slice %arg2[%mul3A_12, %dma_start3A_17] : memref<263682x128xf32, #tpu.memory_space<hbm>> -> memref<80x128xf32, #tpu.memory_space<hbm>>
    %dma_start3A_19 = arith.constant 0 : i32
    %dma_start3A_20 = arith.constant 0 : i32
    %dma_start3A_21 = tpu.memref_slice %arg6[%dma_start3A, %dma_start3A_19, %dma_start3A_20] : memref<2x80x128xf32, #tpu.memory_space<vmem>> -> memref<1x80x128xf32, #tpu.memory_space<vmem>>
    %dma_start3A_22 = tpu.memref_squeeze %dma_start3A_21 : memref<1x80x128xf32, #tpu.memory_space<vmem>> -> memref<80x128xf32, #tpu.memory_space<vmem>>
    %dma_start3A_23 = arith.constant 0 : i32
    %dma_start3A_24 = tpu.memref_slice %arg2[%mul3A_12, %dma_start3A_23] : memref<263682x128xf32, #tpu.memory_space<hbm>> -> memref<80x128xf32, #tpu.memory_space<hbm>>
    tpu.enqueue_dma source(%dma_start3A_24 : memref<80x128xf32, #tpu.memory_space<hbm>>) target(%dma_start3A_22 : memref<80x128xf32, #tpu.memory_space<vmem>>) target_semaphore(%arg10 : memref<!tpu.dma_semaphore, #tpu.memory_space<semaphore_mem>>)
    %dma_start3A_25 = arith.constant 0 : i32
    %dma_start3A_26 = arith.constant 0 : i32
    %dma_start3A_27 = tpu.memref_slice %arg7[%dma_start3A_25, %dma_start3A_26] : memref<2x40xf32, #tpu.memory_space<vmem>> -> memref<1x40xf32, #tpu.memory_space<vmem>>
    %dma_start3A_28 = tpu.memref_squeeze %dma_start3A_27 : memref<1x40xf32, #tpu.memory_space<vmem>> -> memref<40xf32, #tpu.memory_space<vmem>>
    %dma_start3A_29 = tpu.memref_slice %arg3[%add3A_10] : memref<131841xf32, #tpu.memory_space<hbm>> -> memref<40xf32, #tpu.memory_space<hbm>>
    %dma_start3A_30 = arith.constant 0 : i32
    %dma_start3A_31 = tpu.memref_slice %arg7[%dma_start3A_25, %dma_start3A_30] : memref<2x40xf32, #tpu.memory_space<vmem>> -> memref<1x40xf32, #tpu.memory_space<vmem>>
    %dma_start3A_32 = tpu.memref_squeeze %dma_start3A_31 : memref<1x40xf32, #tpu.memory_space<vmem>> -> memref<40xf32, #tpu.memory_space<vmem>>
    %dma_start3A_33 = tpu.memref_slice %arg3[%add3A_10] : memref<131841xf32, #tpu.memory_space<hbm>> -> memref<40xf32, #tpu.memory_space<hbm>>
    tpu.enqueue_dma source(%dma_start3A_33 : memref<40xf32, #tpu.memory_space<hbm>>) target(%dma_start3A_32 : memref<40xf32, #tpu.memory_space<vmem>>) target_semaphore(%arg10 : memref<!tpu.dma_semaphore, #tpu.memory_space<semaphore_mem>>)
    %dma_start3A_34 = arith.constant 0 : i32
    %dma_start3A_35 = arith.constant 0 : i32
    %dma_start3A_36 = tpu.memref_slice %arg8[%dma_start3A_34, %dma_start3A_35] : memref<2x40xi32, #tpu.memory_space<vmem>> -> memref<1x40xi32, #tpu.memory_space<vmem>>
    %dma_start3A_37 = tpu.memref_squeeze %dma_start3A_36 : memref<1x40xi32, #tpu.memory_space<vmem>> -> memref<40xi32, #tpu.memory_space<vmem>>
    %dma_start3A_38 = tpu.memref_slice %arg4[%add3A_10] : memref<131841xi32, #tpu.memory_space<hbm>> -> memref<40xi32, #tpu.memory_space<hbm>>
    %dma_start3A_39 = arith.constant 0 : i32
    %dma_start3A_40 = tpu.memref_slice %arg8[%dma_start3A_34, %dma_start3A_39] : memref<2x40xi32, #tpu.memory_space<vmem>> -> memref<1x40xi32, #tpu.memory_space<vmem>>
    %dma_start3A_41 = tpu.memref_squeeze %dma_start3A_40 : memref<1x40xi32, #tpu.memory_space<vmem>> -> memref<40xi32, #tpu.memory_space<vmem>>
    %dma_start3A_42 = tpu.memref_slice %arg4[%add3A_10] : memref<131841xi32, #tpu.memory_space<hbm>> -> memref<40xi32, #tpu.memory_space<hbm>>
    tpu.enqueue_dma source(%dma_start3A_42 : memref<40xi32, #tpu.memory_space<hbm>>) target(%dma_start3A_41 : memref<40xi32, #tpu.memory_space<vmem>>) target_semaphore(%arg10 : memref<!tpu.dma_semaphore, #tpu.memory_space<semaphore_mem>>)
    %scan3A_43 = arith.constant 0 : i32
    %scan3A_44 = arith.constant 0 : i32
    %scan3A_45 = arith.constant 103 : i32
    %scan3A_46 = arith.addi %scan3A_44, %scan3A_45 : i32
    %scan3A_47 = arith.constant 1 : i32
    scf.for %scan3A_49 = %scan3A_44 to %scan3A_46 step %scan3A_47  : i32 {
      %rem3A = arith.constant 2 : i32
      %rem3A_50 = arith.remsi %scan3A_49, %rem3A : i32
      %mul3A_51 = arith.constant 40 : i32
      %mul3A_52 = arith.muli %scan3A_49, %mul3A_51 : i32
      %add3A_53 = arith.addi %mul3A_2, %mul3A_52 : i32
      %mul3A_54 = arith.constant 2 : i32
      %mul3A_55 = arith.muli %mul3A_54, %add3A_53 : i32
      %dma_wait3A = arith.constant 0 : i32
      %dma_wait3A_56 = arith.constant 0 : i32
      %dma_wait3A_57 = tpu.memref_slice %arg6[%rem3A_50, %dma_wait3A, %dma_wait3A_56] : memref<2x80x128xf32, #tpu.memory_space<vmem>> -> memref<1x80x128xf32, #tpu.memory_space<vmem>>
      %dma_wait3A_58 = tpu.memref_squeeze %dma_wait3A_57 : memref<1x80x128xf32, #tpu.memory_space<vmem>> -> memref<80x128xf32, #tpu.memory_space<vmem>>
      %dma_wait3A_59 = arith.constant 0 : i32
      %dma_wait3A_60 = tpu.memref_slice %arg2[%mul3A_55, %dma_wait3A_59] : memref<263682x128xf32, #tpu.memory_space<hbm>> -> memref<80x128xf32, #tpu.memory_space<hbm>>
      %dma_wait3A_61 = arith.constant 0 : i32
      %dma_wait3A_62 = arith.constant 0 : i32
      %dma_wait3A_63 = tpu.memref_slice %arg6[%rem3A_50, %dma_wait3A_61, %dma_wait3A_62] : memref<2x80x128xf32, #tpu.memory_space<vmem>> -> memref<1x80x128xf32, #tpu.memory_space<vmem>>
      %dma_wait3A_64 = tpu.memref_squeeze %dma_wait3A_63 : memref<1x80x128xf32, #tpu.memory_space<vmem>> -> memref<80x128xf32, #tpu.memory_space<vmem>>
      %dma_wait3A_65 = arith.constant 0 : i32
      %dma_wait3A_66 = tpu.memref_slice %arg2[%mul3A_55, %dma_wait3A_65] : memref<263682x128xf32, #tpu.memory_space<hbm>> -> memref<80x128xf32, #tpu.memory_space<hbm>>
      tpu.wait_dma2 semaphore(%arg10 : memref<!tpu.dma_semaphore, #tpu.memory_space<semaphore_mem>>) src(%dma_wait3A_66 : memref<80x128xf32, #tpu.memory_space<hbm>>) dst(%dma_wait3A_64 : memref<80x128xf32, #tpu.memory_space<vmem>>)
      %dma_wait3A_67 = arith.constant 0 : i32
      %dma_wait3A_68 = tpu.memref_slice %arg7[%rem3A_50, %dma_wait3A_67] : memref<2x40xf32, #tpu.memory_space<vmem>> -> memref<1x40xf32, #tpu.memory_space<vmem>>
      %dma_wait3A_69 = tpu.memref_squeeze %dma_wait3A_68 : memref<1x40xf32, #tpu.memory_space<vmem>> -> memref<40xf32, #tpu.memory_space<vmem>>
      %dma_wait3A_70 = tpu.memref_slice %arg3[%add3A_53] : memref<131841xf32, #tpu.memory_space<hbm>> -> memref<40xf32, #tpu.memory_space<hbm>>
      %dma_wait3A_71 = arith.constant 0 : i32
      %dma_wait3A_72 = tpu.memref_slice %arg7[%rem3A_50, %dma_wait3A_71] : memref<2x40xf32, #tpu.memory_space<vmem>> -> memref<1x40xf32, #tpu.memory_space<vmem>>
      %dma_wait3A_73 = tpu.memref_squeeze %dma_wait3A_72 : memref<1x40xf32, #tpu.memory_space<vmem>> -> memref<40xf32, #tpu.memory_space<vmem>>
      %dma_wait3A_74 = tpu.memref_slice %arg3[%add3A_53] : memref<131841xf32, #tpu.memory_space<hbm>> -> memref<40xf32, #tpu.memory_space<hbm>>
      tpu.wait_dma2 semaphore(%arg10 : memref<!tpu.dma_semaphore, #tpu.memory_space<semaphore_mem>>) src(%dma_wait3A_74 : memref<40xf32, #tpu.memory_space<hbm>>) dst(%dma_wait3A_73 : memref<40xf32, #tpu.memory_space<vmem>>)
      %dma_wait3A_75 = arith.constant 0 : i32
      %dma_wait3A_76 = tpu.memref_slice %arg8[%rem3A_50, %dma_wait3A_75] : memref<2x40xi32, #tpu.memory_space<vmem>> -> memref<1x40xi32, #tpu.memory_space<vmem>>
      %dma_wait3A_77 = tpu.memref_squeeze %dma_wait3A_76 : memref<1x40xi32, #tpu.memory_space<vmem>> -> memref<40xi32, #tpu.memory_space<vmem>>
      %dma_wait3A_78 = tpu.memref_slice %arg4[%add3A_53] : memref<131841xi32, #tpu.memory_space<hbm>> -> memref<40xi32, #tpu.memory_space<hbm>>
      %dma_wait3A_79 = arith.constant 0 : i32
      %dma_wait3A_80 = tpu.memref_slice %arg8[%rem3A_50, %dma_wait3A_79] : memref<2x40xi32, #tpu.memory_space<vmem>> -> memref<1x40xi32, #tpu.memory_space<vmem>>
      %dma_wait3A_81 = tpu.memref_squeeze %dma_wait3A_80 : memref<1x40xi32, #tpu.memory_space<vmem>> -> memref<40xi32, #tpu.memory_space<vmem>>
      %dma_wait3A_82 = tpu.memref_slice %arg4[%add3A_53] : memref<131841xi32, #tpu.memory_space<hbm>> -> memref<40xi32, #tpu.memory_space<hbm>>
      tpu.wait_dma2 semaphore(%arg10 : memref<!tpu.dma_semaphore, #tpu.memory_space<semaphore_mem>>) src(%dma_wait3A_82 : memref<40xi32, #tpu.memory_space<hbm>>) dst(%dma_wait3A_81 : memref<40xi32, #tpu.memory_space<vmem>>)
      %add3A_83 = arith.constant 1 : i32
      %add3A_84 = arith.addi %scan3A_49, %add3A_83 : i32
      %lt3A = arith.constant 103 : i32
      %lt3A_85 = arith.cmpi slt, %add3A_84, %lt3A : i32
      %convert_element_type3A = arith.extui %lt3A_85 : i1 to i32
      %cond3A = arith.constant 0 : i32
      %cond3A_86 = arith.cmpi ne, %convert_element_type3A, %cond3A : i32
      scf.if %cond3A_86 {
        %add3A_89 = arith.constant 1 : i32
        %add3A_90 = arith.addi %scan3A_49, %add3A_89 : i32
        %sub3A = arith.constant 1 : i32
        %sub3A_91 = arith.subi %sub3A, %rem3A_50 : i32
        %mul3A_92 = arith.constant 40 : i32
        %mul3A_93 = arith.muli %add3A_90, %mul3A_92 : i32
        %add3A_94 = arith.addi %mul3A_2, %mul3A_93 : i32
        %mul3A_95 = arith.constant 2 : i32
        %mul3A_96 = arith.muli %mul3A_95, %add3A_94 : i32
        %dma_start3A_97 = arith.constant 0 : i32
        %dma_start3A_98 = arith.constant 0 : i32
        %dma_start3A_99 = tpu.memref_slice %arg6[%sub3A_91, %dma_start3A_97, %dma_start3A_98] : memref<2x80x128xf32, #tpu.memory_space<vmem>> -> memref<1x80x128xf32, #tpu.memory_space<vmem>>
        %dma_start3A_100 = tpu.memref_squeeze %dma_start3A_99 : memref<1x80x128xf32, #tpu.memory_space<vmem>> -> memref<80x128xf32, #tpu.memory_space<vmem>>
        %dma_start3A_101 = arith.constant 0 : i32
        %dma_start3A_102 = tpu.memref_slice %arg2[%mul3A_96, %dma_start3A_101] : memref<263682x128xf32, #tpu.memory_space<hbm>> -> memref<80x128xf32, #tpu.memory_space<hbm>>
        %dma_start3A_103 = arith.constant 0 : i32
        %dma_start3A_104 = arith.constant 0 : i32
        %dma_start3A_105 = tpu.memref_slice %arg6[%sub3A_91, %dma_start3A_103, %dma_start3A_104] : memref<2x80x128xf32, #tpu.memory_space<vmem>> -> memref<1x80x128xf32, #tpu.memory_space<vmem>>
        %dma_start3A_106 = tpu.memref_squeeze %dma_start3A_105 : memref<1x80x128xf32, #tpu.memory_space<vmem>> -> memref<80x128xf32, #tpu.memory_space<vmem>>
        %dma_start3A_107 = arith.constant 0 : i32
        %dma_start3A_108 = tpu.memref_slice %arg2[%mul3A_96, %dma_start3A_107] : memref<263682x128xf32, #tpu.memory_space<hbm>> -> memref<80x128xf32, #tpu.memory_space<hbm>>
        tpu.enqueue_dma source(%dma_start3A_108 : memref<80x128xf32, #tpu.memory_space<hbm>>) target(%dma_start3A_106 : memref<80x128xf32, #tpu.memory_space<vmem>>) target_semaphore(%arg10 : memref<!tpu.dma_semaphore, #tpu.memory_space<semaphore_mem>>)
        %dma_start3A_109 = arith.constant 0 : i32
        %dma_start3A_110 = tpu.memref_slice %arg7[%sub3A_91, %dma_start3A_109] : memref<2x40xf32, #tpu.memory_space<vmem>> -> memref<1x40xf32, #tpu.memory_space<vmem>>
        %dma_start3A_111 = tpu.memref_squeeze %dma_start3A_110 : memref<1x40xf32, #tpu.memory_space<vmem>> -> memref<40xf32, #tpu.memory_space<vmem>>
        %dma_start3A_112 = tpu.memref_slice %arg3[%add3A_94] : memref<131841xf32, #tpu.memory_space<hbm>> -> memref<40xf32, #tpu.memory_space<hbm>>
        %dma_start3A_113 = arith.constant 0 : i32
        %dma_start3A_114 = tpu.memref_slice %arg7[%sub3A_91, %dma_start3A_113] : memref<2x40xf32, #tpu.memory_space<vmem>> -> memref<1x40xf32, #tpu.memory_space<vmem>>
        %dma_start3A_115 = tpu.memref_squeeze %dma_start3A_114 : memref<1x40xf32, #tpu.memory_space<vmem>> -> memref<40xf32, #tpu.memory_space<vmem>>
        %dma_start3A_116 = tpu.memref_slice %arg3[%add3A_94] : memref<131841xf32, #tpu.memory_space<hbm>> -> memref<40xf32, #tpu.memory_space<hbm>>
        tpu.enqueue_dma source(%dma_start3A_116 : memref<40xf32, #tpu.memory_space<hbm>>) target(%dma_start3A_115 : memref<40xf32, #tpu.memory_space<vmem>>) target_semaphore(%arg10 : memref<!tpu.dma_semaphore, #tpu.memory_space<semaphore_mem>>)
        %dma_start3A_117 = arith.constant 0 : i32
        %dma_start3A_118 = tpu.memref_slice %arg8[%sub3A_91, %dma_start3A_117] : memref<2x40xi32, #tpu.memory_space<vmem>> -> memref<1x40xi32, #tpu.memory_space<vmem>>
        %dma_start3A_119 = tpu.memref_squeeze %dma_start3A_118 : memref<1x40xi32, #tpu.memory_space<vmem>> -> memref<40xi32, #tpu.memory_space<vmem>>
        %dma_start3A_120 = tpu.memref_slice %arg4[%add3A_94] : memref<131841xi32, #tpu.memory_space<hbm>> -> memref<40xi32, #tpu.memory_space<hbm>>
        %dma_start3A_121 = arith.constant 0 : i32
        %dma_start3A_122 = tpu.memref_slice %arg8[%sub3A_91, %dma_start3A_121] : memref<2x40xi32, #tpu.memory_space<vmem>> -> memref<1x40xi32, #tpu.memory_space<vmem>>
        %dma_start3A_123 = tpu.memref_squeeze %dma_start3A_122 : memref<1x40xi32, #tpu.memory_space<vmem>> -> memref<40xi32, #tpu.memory_space<vmem>>
        %dma_start3A_124 = tpu.memref_slice %arg4[%add3A_94] : memref<131841xi32, #tpu.memory_space<hbm>> -> memref<40xi32, #tpu.memory_space<hbm>>
        tpu.enqueue_dma source(%dma_start3A_124 : memref<40xi32, #tpu.memory_space<hbm>>) target(%dma_start3A_123 : memref<40xi32, #tpu.memory_space<vmem>>) target_semaphore(%arg10 : memref<!tpu.dma_semaphore, #tpu.memory_space<semaphore_mem>>)
      } else {
      }
      %parallel_loop3A = arith.constant 0 : i32
      %parallel_loop3A_87 = arith.constant 40 : i32
      %parallel_loop3A_88 = arith.constant 1 : i32
      scf.for %parallel_loop3A_89 = %parallel_loop3A to %parallel_loop3A_87 step %parallel_loop3A_88  : i32 {
        %parallel_loop3A_90 = vector.broadcast %rem3A_50 : i32 to vector<16xi32>
        %parallel_loop3A_91 = vector.broadcast %parallel_loop3A_89 : i32 to vector<16xi32>
        %parallel_loop3A_92 = tpu.vector_load_idx %arg8[%parallel_loop3A_90, %parallel_loop3A_91] : memref<2x40xi32, #tpu.memory_space<vmem>>[vector<16xi32>, vector<16xi32>], vector<16xi32>,
        %parallel_loop3A_93 = tpu.vector_load_idx %arg7[%parallel_loop3A_90, %parallel_loop3A_91] : memref<2x40xf32, #tpu.memory_space<vmem>>[vector<16xi32>, vector<16xi32>], vector<16xf32>,
        %parallel_loop3A_94 = arith.constant 2 : i32
        %parallel_loop3A_95 = arith.muli %parallel_loop3A_94, %parallel_loop3A_89 : i32
        %parallel_loop3A_96 = arith.constant 0 : i32
        %parallel_loop3A_97 = arith.addi %parallel_loop3A_95, %parallel_loop3A_96 : i32
        %parallel_loop3A_98 = arith.index_cast %rem3A_50 : i32 to index
        %parallel_loop3A_99 = arith.index_cast %parallel_loop3A_97 : i32 to index
        %parallel_loop3A_100 = arith.constant 0 : index
        %parallel_loop3A_101 = tpu.vector_load %arg6[%parallel_loop3A_98, %parallel_loop3A_99, %parallel_loop3A_100] {strides = array<i32>} : memref<2x80x128xf32, #tpu.memory_space<vmem>>, vector<16xf32>,
        %parallel_loop3A_102 = arith.mulf %parallel_loop3A_101, %parallel_loop3A_101 : vector<16xf32>
        %parallel_loop3A_103 = arith.mulf %parallel_loop3A_102, %parallel_loop3A_93 : vector<16xf32>
        %parallel_loop3A_104 = arith.constant 0 : i32
        %parallel_loop3A_105 = vector.broadcast %parallel_loop3A_104 : i32 to vector<16xi32>
        %parallel_loop3A_106 = arith.addi %iota3A, %parallel_loop3A_105 : vector<16xi32>
        tpu.vector_store_idx %arg9[%parallel_loop3A_92, %parallel_loop3A_106], %parallel_loop3A_103 {add = true} : memref<384x256xf32, #tpu.memory_space<vmem>>[vector<16xi32>, vector<16xi32>], vector<16xf32>,
        %parallel_loop3A_107 = arith.constant 2 : i32
        %parallel_loop3A_108 = arith.muli %parallel_loop3A_107, %parallel_loop3A_89 : i32
        %parallel_loop3A_109 = arith.constant 0 : i32
        %parallel_loop3A_110 = arith.addi %parallel_loop3A_108, %parallel_loop3A_109 : i32
        %parallel_loop3A_111 = arith.index_cast %rem3A_50 : i32 to index
        %parallel_loop3A_112 = arith.index_cast %parallel_loop3A_110 : i32 to index
        %parallel_loop3A_113 = arith.constant 16 : index
        %parallel_loop3A_114 = tpu.vector_load %arg6[%parallel_loop3A_111, %parallel_loop3A_112, %parallel_loop3A_113] {strides = array<i32>} : memref<2x80x128xf32, #tpu.memory_space<vmem>>, vector<16xf32>,
        %parallel_loop3A_115 = arith.mulf %parallel_loop3A_114, %parallel_loop3A_114 : vector<16xf32>
        %parallel_loop3A_116 = arith.mulf %parallel_loop3A_115, %parallel_loop3A_93 : vector<16xf32>
        %parallel_loop3A_117 = arith.constant 16 : i32
        %parallel_loop3A_118 = vector.broadcast %parallel_loop3A_117 : i32 to vector<16xi32>
        %parallel_loop3A_119 = arith.addi %iota3A, %parallel_loop3A_118 : vector<16xi32>
        tpu.vector_store_idx %arg9[%parallel_loop3A_92, %parallel_loop3A_119], %parallel_loop3A_116 {add = true} : memref<384x256xf32, #tpu.memory_space<vmem>>[vector<16xi32>, vector<16xi32>], vector<16xf32>,
        %parallel_loop3A_120 = arith.constant 2 : i32
        %parallel_loop3A_121 = arith.muli %parallel_loop3A_120, %parallel_loop3A_89 : i32
        %parallel_loop3A_122 = arith.constant 0 : i32
        %parallel_loop3A_123 = arith.addi %parallel_loop3A_121, %parallel_loop3A_122 : i32
        %parallel_loop3A_124 = arith.index_cast %rem3A_50 : i32 to index
        %parallel_loop3A_125 = arith.index_cast %parallel_loop3A_123 : i32 to index
        %parallel_loop3A_126 = arith.constant 32 : index
        %parallel_loop3A_127 = tpu.vector_load %arg6[%parallel_loop3A_124, %parallel_loop3A_125, %parallel_loop3A_126] {strides = array<i32>} : memref<2x80x128xf32, #tpu.memory_space<vmem>>, vector<16xf32>,
        %parallel_loop3A_128 = arith.mulf %parallel_loop3A_127, %parallel_loop3A_127 : vector<16xf32>
        %parallel_loop3A_129 = arith.mulf %parallel_loop3A_128, %parallel_loop3A_93 : vector<16xf32>
        %parallel_loop3A_130 = arith.constant 32 : i32
        %parallel_loop3A_131 = vector.broadcast %parallel_loop3A_130 : i32 to vector<16xi32>
        %parallel_loop3A_132 = arith.addi %iota3A, %parallel_loop3A_131 : vector<16xi32>
        tpu.vector_store_idx %arg9[%parallel_loop3A_92, %parallel_loop3A_132], %parallel_loop3A_129 {add = true} : memref<384x256xf32, #tpu.memory_space<vmem>>[vector<16xi32>, vector<16xi32>], vector<16xf32>,
        %parallel_loop3A_133 = arith.constant 2 : i32
        %parallel_loop3A_134 = arith.muli %parallel_loop3A_133, %parallel_loop3A_89 : i32
        %parallel_loop3A_135 = arith.constant 0 : i32
        %parallel_loop3A_136 = arith.addi %parallel_loop3A_134, %parallel_loop3A_135 : i32
        %parallel_loop3A_137 = arith.index_cast %rem3A_50 : i32 to index
        %parallel_loop3A_138 = arith.index_cast %parallel_loop3A_136 : i32 to index
        %parallel_loop3A_139 = arith.constant 48 : index
        %parallel_loop3A_140 = tpu.vector_load %arg6[%parallel_loop3A_137, %parallel_loop3A_138, %parallel_loop3A_139] {strides = array<i32>} : memref<2x80x128xf32, #tpu.memory_space<vmem>>, vector<16xf32>,
        %parallel_loop3A_141 = arith.mulf %parallel_loop3A_140, %parallel_loop3A_140 : vector<16xf32>
        %parallel_loop3A_142 = arith.mulf %parallel_loop3A_141, %parallel_loop3A_93 : vector<16xf32>
        %parallel_loop3A_143 = arith.constant 48 : i32
        %parallel_loop3A_144 = vector.broadcast %parallel_loop3A_143 : i32 to vector<16xi32>
        %parallel_loop3A_145 = arith.addi %iota3A, %parallel_loop3A_144 : vector<16xi32>
        tpu.vector_store_idx %arg9[%parallel_loop3A_92, %parallel_loop3A_145], %parallel_loop3A_142 {add = true} : memref<384x256xf32, #tpu.memory_space<vmem>>[vector<16xi32>, vector<16xi32>], vector<16xf32>,
        %parallel_loop3A_146 = arith.constant 2 : i32
        %parallel_loop3A_147 = arith.muli %parallel_loop3A_146, %parallel_loop3A_89 : i32
        %parallel_loop3A_148 = arith.constant 0 : i32
        %parallel_loop3A_149 = arith.addi %parallel_loop3A_147, %parallel_loop3A_148 : i32
        %parallel_loop3A_150 = arith.index_cast %rem3A_50 : i32 to index
        %parallel_loop3A_151 = arith.index_cast %parallel_loop3A_149 : i32 to index
        %parallel_loop3A_152 = arith.constant 64 : index
        %parallel_loop3A_153 = tpu.vector_load %arg6[%parallel_loop3A_150, %parallel_loop3A_151, %parallel_loop3A_152] {strides = array<i32>} : memref<2x80x128xf32, #tpu.memory_space<vmem>>, vector<16xf32>,
        %parallel_loop3A_154 = arith.mulf %parallel_loop3A_153, %parallel_loop3A_153 : vector<16xf32>
        %parallel_loop3A_155 = arith.mulf %parallel_loop3A_154, %parallel_loop3A_93 : vector<16xf32>
        %parallel_loop3A_156 = arith.constant 64 : i32
        %parallel_loop3A_157 = vector.broadcast %parallel_loop3A_156 : i32 to vector<16xi32>
        %parallel_loop3A_158 = arith.addi %iota3A, %parallel_loop3A_157 : vector<16xi32>
        tpu.vector_store_idx %arg9[%parallel_loop3A_92, %parallel_loop3A_158], %parallel_loop3A_155 {add = true} : memref<384x256xf32, #tpu.memory_space<vmem>>[vector<16xi32>, vector<16xi32>], vector<16xf32>,
        %parallel_loop3A_159 = arith.constant 2 : i32
        %parallel_loop3A_160 = arith.muli %parallel_loop3A_159, %parallel_loop3A_89 : i32
        %parallel_loop3A_161 = arith.constant 0 : i32
        %parallel_loop3A_162 = arith.addi %parallel_loop3A_160, %parallel_loop3A_161 : i32
        %parallel_loop3A_163 = arith.index_cast %rem3A_50 : i32 to index
        %parallel_loop3A_164 = arith.index_cast %parallel_loop3A_162 : i32 to index
        %parallel_loop3A_165 = arith.constant 80 : index
        %parallel_loop3A_166 = tpu.vector_load %arg6[%parallel_loop3A_163, %parallel_loop3A_164, %parallel_loop3A_165] {strides = array<i32>} : memref<2x80x128xf32, #tpu.memory_space<vmem>>, vector<16xf32>,
        %parallel_loop3A_167 = arith.mulf %parallel_loop3A_166, %parallel_loop3A_166 : vector<16xf32>
        %parallel_loop3A_168 = arith.mulf %parallel_loop3A_167, %parallel_loop3A_93 : vector<16xf32>
        %parallel_loop3A_169 = arith.constant 80 : i32
        %parallel_loop3A_170 = vector.broadcast %parallel_loop3A_169 : i32 to vector<16xi32>
        %parallel_loop3A_171 = arith.addi %iota3A, %parallel_loop3A_170 : vector<16xi32>
        tpu.vector_store_idx %arg9[%parallel_loop3A_92, %parallel_loop3A_171], %parallel_loop3A_168 {add = true} : memref<384x256xf32, #tpu.memory_space<vmem>>[vector<16xi32>, vector<16xi32>], vector<16xf32>,
        %parallel_loop3A_172 = arith.constant 2 : i32
        %parallel_loop3A_173 = arith.muli %parallel_loop3A_172, %parallel_loop3A_89 : i32
        %parallel_loop3A_174 = arith.constant 0 : i32
        %parallel_loop3A_175 = arith.addi %parallel_loop3A_173, %parallel_loop3A_174 : i32
        %parallel_loop3A_176 = arith.index_cast %rem3A_50 : i32 to index
        %parallel_loop3A_177 = arith.index_cast %parallel_loop3A_175 : i32 to index
        %parallel_loop3A_178 = arith.constant 96 : index
        %parallel_loop3A_179 = tpu.vector_load %arg6[%parallel_loop3A_176, %parallel_loop3A_177, %parallel_loop3A_178] {strides = array<i32>} : memref<2x80x128xf32, #tpu.memory_space<vmem>>, vector<16xf32>,
        %parallel_loop3A_180 = arith.mulf %parallel_loop3A_179, %parallel_loop3A_179 : vector<16xf32>
        %parallel_loop3A_181 = arith.mulf %parallel_loop3A_180, %parallel_loop3A_93 : vector<16xf32>
        %parallel_loop3A_182 = arith.constant 96 : i32
        %parallel_loop3A_183 = vector.broadcast %parallel_loop3A_182 : i32 to vector<16xi32>
        %parallel_loop3A_184 = arith.addi %iota3A, %parallel_loop3A_183 : vector<16xi32>
        tpu.vector_store_idx %arg9[%parallel_loop3A_92, %parallel_loop3A_184], %parallel_loop3A_181 {add = true} : memref<384x256xf32, #tpu.memory_space<vmem>>[vector<16xi32>, vector<16xi32>], vector<16xf32>,
        %parallel_loop3A_185 = arith.constant 2 : i32
        %parallel_loop3A_186 = arith.muli %parallel_loop3A_185, %parallel_loop3A_89 : i32
        %parallel_loop3A_187 = arith.constant 0 : i32
        %parallel_loop3A_188 = arith.addi %parallel_loop3A_186, %parallel_loop3A_187 : i32
        %parallel_loop3A_189 = arith.index_cast %rem3A_50 : i32 to index
        %parallel_loop3A_190 = arith.index_cast %parallel_loop3A_188 : i32 to index
        %parallel_loop3A_191 = arith.constant 112 : index
        %parallel_loop3A_192 = tpu.vector_load %arg6[%parallel_loop3A_189, %parallel_loop3A_190, %parallel_loop3A_191] {strides = array<i32>} : memref<2x80x128xf32, #tpu.memory_space<vmem>>, vector<16xf32>,
        %parallel_loop3A_193 = arith.mulf %parallel_loop3A_192, %parallel_loop3A_192 : vector<16xf32>
        %parallel_loop3A_194 = arith.mulf %parallel_loop3A_193, %parallel_loop3A_93 : vector<16xf32>
        %parallel_loop3A_195 = arith.constant 112 : i32
        %parallel_loop3A_196 = vector.broadcast %parallel_loop3A_195 : i32 to vector<16xi32>
        %parallel_loop3A_197 = arith.addi %iota3A, %parallel_loop3A_196 : vector<16xi32>
        tpu.vector_store_idx %arg9[%parallel_loop3A_92, %parallel_loop3A_197], %parallel_loop3A_194 {add = true} : memref<384x256xf32, #tpu.memory_space<vmem>>[vector<16xi32>, vector<16xi32>], vector<16xf32>,
        %parallel_loop3A_198 = arith.constant 2 : i32
        %parallel_loop3A_199 = arith.muli %parallel_loop3A_198, %parallel_loop3A_89 : i32
        %parallel_loop3A_200 = arith.constant 1 : i32
        %parallel_loop3A_201 = arith.addi %parallel_loop3A_199, %parallel_loop3A_200 : i32
        %parallel_loop3A_202 = arith.index_cast %rem3A_50 : i32 to index
        %parallel_loop3A_203 = arith.index_cast %parallel_loop3A_201 : i32 to index
        %parallel_loop3A_204 = arith.constant 0 : index
        %parallel_loop3A_205 = tpu.vector_load %arg6[%parallel_loop3A_202, %parallel_loop3A_203, %parallel_loop3A_204] {strides = array<i32>} : memref<2x80x128xf32, #tpu.memory_space<vmem>>, vector<16xf32>,
        %parallel_loop3A_206 = arith.mulf %parallel_loop3A_205, %parallel_loop3A_205 : vector<16xf32>
        %parallel_loop3A_207 = arith.mulf %parallel_loop3A_206, %parallel_loop3A_93 : vector<16xf32>
        %parallel_loop3A_208 = arith.constant 128 : i32
        %parallel_loop3A_209 = vector.broadcast %parallel_loop3A_208 : i32 to vector<16xi32>
        %parallel_loop3A_210 = arith.addi %iota3A, %parallel_loop3A_209 : vector<16xi32>
        tpu.vector_store_idx %arg9[%parallel_loop3A_92, %parallel_loop3A_210], %parallel_loop3A_207 {add = true} : memref<384x256xf32, #tpu.memory_space<vmem>>[vector<16xi32>, vector<16xi32>], vector<16xf32>,
        %parallel_loop3A_211 = arith.constant 2 : i32
        %parallel_loop3A_212 = arith.muli %parallel_loop3A_211, %parallel_loop3A_89 : i32
        %parallel_loop3A_213 = arith.constant 1 : i32
        %parallel_loop3A_214 = arith.addi %parallel_loop3A_212, %parallel_loop3A_213 : i32
        %parallel_loop3A_215 = arith.index_cast %rem3A_50 : i32 to index
        %parallel_loop3A_216 = arith.index_cast %parallel_loop3A_214 : i32 to index
        %parallel_loop3A_217 = arith.constant 16 : index
        %parallel_loop3A_218 = tpu.vector_load %arg6[%parallel_loop3A_215, %parallel_loop3A_216, %parallel_loop3A_217] {strides = array<i32>} : memref<2x80x128xf32, #tpu.memory_space<vmem>>, vector<16xf32>,
        %parallel_loop3A_219 = arith.mulf %parallel_loop3A_218, %parallel_loop3A_218 : vector<16xf32>
        %parallel_loop3A_220 = arith.mulf %parallel_loop3A_219, %parallel_loop3A_93 : vector<16xf32>
        %parallel_loop3A_221 = arith.constant 144 : i32
        %parallel_loop3A_222 = vector.broadcast %parallel_loop3A_221 : i32 to vector<16xi32>
        %parallel_loop3A_223 = arith.addi %iota3A, %parallel_loop3A_222 : vector<16xi32>
        tpu.vector_store_idx %arg9[%parallel_loop3A_92, %parallel_loop3A_223], %parallel_loop3A_220 {add = true} : memref<384x256xf32, #tpu.memory_space<vmem>>[vector<16xi32>, vector<16xi32>], vector<16xf32>,
        %parallel_loop3A_224 = arith.constant 2 : i32
        %parallel_loop3A_225 = arith.muli %parallel_loop3A_224, %parallel_loop3A_89 : i32
        %parallel_loop3A_226 = arith.constant 1 : i32
        %parallel_loop3A_227 = arith.addi %parallel_loop3A_225, %parallel_loop3A_226 : i32
        %parallel_loop3A_228 = arith.index_cast %rem3A_50 : i32 to index
        %parallel_loop3A_229 = arith.index_cast %parallel_loop3A_227 : i32 to index
        %parallel_loop3A_230 = arith.constant 32 : index
        %parallel_loop3A_231 = tpu.vector_load %arg6[%parallel_loop3A_228, %parallel_loop3A_229, %parallel_loop3A_230] {strides = array<i32>} : memref<2x80x128xf32, #tpu.memory_space<vmem>>, vector<16xf32>,
        %parallel_loop3A_232 = arith.mulf %parallel_loop3A_231, %parallel_loop3A_231 : vector<16xf32>
        %parallel_loop3A_233 = arith.mulf %parallel_loop3A_232, %parallel_loop3A_93 : vector<16xf32>
        %parallel_loop3A_234 = arith.constant 160 : i32
        %parallel_loop3A_235 = vector.broadcast %parallel_loop3A_234 : i32 to vector<16xi32>
        %parallel_loop3A_236 = arith.addi %iota3A, %parallel_loop3A_235 : vector<16xi32>
        tpu.vector_store_idx %arg9[%parallel_loop3A_92, %parallel_loop3A_236], %parallel_loop3A_233 {add = true} : memref<384x256xf32, #tpu.memory_space<vmem>>[vector<16xi32>, vector<16xi32>], vector<16xf32>,
        %parallel_loop3A_237 = arith.constant 2 : i32
        %parallel_loop3A_238 = arith.muli %parallel_loop3A_237, %parallel_loop3A_89 : i32
        %parallel_loop3A_239 = arith.constant 1 : i32
        %parallel_loop3A_240 = arith.addi %parallel_loop3A_238, %parallel_loop3A_239 : i32
        %parallel_loop3A_241 = arith.index_cast %rem3A_50 : i32 to index
        %parallel_loop3A_242 = arith.index_cast %parallel_loop3A_240 : i32 to index
        %parallel_loop3A_243 = arith.constant 48 : index
        %parallel_loop3A_244 = tpu.vector_load %arg6[%parallel_loop3A_241, %parallel_loop3A_242, %parallel_loop3A_243] {strides = array<i32>} : memref<2x80x128xf32, #tpu.memory_space<vmem>>, vector<16xf32>,
        %parallel_loop3A_245 = arith.mulf %parallel_loop3A_244, %parallel_loop3A_244 : vector<16xf32>
        %parallel_loop3A_246 = arith.mulf %parallel_loop3A_245, %parallel_loop3A_93 : vector<16xf32>
        %parallel_loop3A_247 = arith.constant 176 : i32
        %parallel_loop3A_248 = vector.broadcast %parallel_loop3A_247 : i32 to vector<16xi32>
        %parallel_loop3A_249 = arith.addi %iota3A, %parallel_loop3A_248 : vector<16xi32>
        tpu.vector_store_idx %arg9[%parallel_loop3A_92, %parallel_loop3A_249], %parallel_loop3A_246 {add = true} : memref<384x256xf32, #tpu.memory_space<vmem>>[vector<16xi32>, vector<16xi32>], vector<16xf32>,
        %parallel_loop3A_250 = arith.constant 2 : i32
        %parallel_loop3A_251 = arith.muli %parallel_loop3A_250, %parallel_loop3A_89 : i32
        %parallel_loop3A_252 = arith.constant 1 : i32
        %parallel_loop3A_253 = arith.addi %parallel_loop3A_251, %parallel_loop3A_252 : i32
        %parallel_loop3A_254 = arith.index_cast %rem3A_50 : i32 to index
        %parallel_loop3A_255 = arith.index_cast %parallel_loop3A_253 : i32 to index
        %parallel_loop3A_256 = arith.constant 64 : index
        %parallel_loop3A_257 = tpu.vector_load %arg6[%parallel_loop3A_254, %parallel_loop3A_255, %parallel_loop3A_256] {strides = array<i32>} : memref<2x80x128xf32, #tpu.memory_space<vmem>>, vector<16xf32>,
        %parallel_loop3A_258 = arith.mulf %parallel_loop3A_257, %parallel_loop3A_257 : vector<16xf32>
        %parallel_loop3A_259 = arith.mulf %parallel_loop3A_258, %parallel_loop3A_93 : vector<16xf32>
        %parallel_loop3A_260 = arith.constant 192 : i32
        %parallel_loop3A_261 = vector.broadcast %parallel_loop3A_260 : i32 to vector<16xi32>
        %parallel_loop3A_262 = arith.addi %iota3A, %parallel_loop3A_261 : vector<16xi32>
        tpu.vector_store_idx %arg9[%parallel_loop3A_92, %parallel_loop3A_262], %parallel_loop3A_259 {add = true} : memref<384x256xf32, #tpu.memory_space<vmem>>[vector<16xi32>, vector<16xi32>], vector<16xf32>,
        %parallel_loop3A_263 = arith.constant 2 : i32
        %parallel_loop3A_264 = arith.muli %parallel_loop3A_263, %parallel_loop3A_89 : i32
        %parallel_loop3A_265 = arith.constant 1 : i32
        %parallel_loop3A_266 = arith.addi %parallel_loop3A_264, %parallel_loop3A_265 : i32
        %parallel_loop3A_267 = arith.index_cast %rem3A_50 : i32 to index
        %parallel_loop3A_268 = arith.index_cast %parallel_loop3A_266 : i32 to index
        %parallel_loop3A_269 = arith.constant 80 : index
        %parallel_loop3A_270 = tpu.vector_load %arg6[%parallel_loop3A_267, %parallel_loop3A_268, %parallel_loop3A_269] {strides = array<i32>} : memref<2x80x128xf32, #tpu.memory_space<vmem>>, vector<16xf32>,
        %parallel_loop3A_271 = arith.mulf %parallel_loop3A_270, %parallel_loop3A_270 : vector<16xf32>
        %parallel_loop3A_272 = arith.mulf %parallel_loop3A_271, %parallel_loop3A_93 : vector<16xf32>
        %parallel_loop3A_273 = arith.constant 208 : i32
        %parallel_loop3A_274 = vector.broadcast %parallel_loop3A_273 : i32 to vector<16xi32>
        %parallel_loop3A_275 = arith.addi %iota3A, %parallel_loop3A_274 : vector<16xi32>
        tpu.vector_store_idx %arg9[%parallel_loop3A_92, %parallel_loop3A_275], %parallel_loop3A_272 {add = true} : memref<384x256xf32, #tpu.memory_space<vmem>>[vector<16xi32>, vector<16xi32>], vector<16xf32>,
        %parallel_loop3A_276 = arith.constant 2 : i32
        %parallel_loop3A_277 = arith.muli %parallel_loop3A_276, %parallel_loop3A_89 : i32
        %parallel_loop3A_278 = arith.constant 1 : i32
        %parallel_loop3A_279 = arith.addi %parallel_loop3A_277, %parallel_loop3A_278 : i32
        %parallel_loop3A_280 = arith.index_cast %rem3A_50 : i32 to index
        %parallel_loop3A_281 = arith.index_cast %parallel_loop3A_279 : i32 to index
        %parallel_loop3A_282 = arith.constant 96 : index
        %parallel_loop3A_283 = tpu.vector_load %arg6[%parallel_loop3A_280, %parallel_loop3A_281, %parallel_loop3A_282] {strides = array<i32>} : memref<2x80x128xf32, #tpu.memory_space<vmem>>, vector<16xf32>,
        %parallel_loop3A_284 = arith.mulf %parallel_loop3A_283, %parallel_loop3A_283 : vector<16xf32>
        %parallel_loop3A_285 = arith.mulf %parallel_loop3A_284, %parallel_loop3A_93 : vector<16xf32>
        %parallel_loop3A_286 = arith.constant 224 : i32
        %parallel_loop3A_287 = vector.broadcast %parallel_loop3A_286 : i32 to vector<16xi32>
        %parallel_loop3A_288 = arith.addi %iota3A, %parallel_loop3A_287 : vector<16xi32>
        tpu.vector_store_idx %arg9[%parallel_loop3A_92, %parallel_loop3A_288], %parallel_loop3A_285 {add = true} : memref<384x256xf32, #tpu.memory_space<vmem>>[vector<16xi32>, vector<16xi32>], vector<16xf32>,
        %parallel_loop3A_289 = arith.constant 2 : i32
        %parallel_loop3A_290 = arith.muli %parallel_loop3A_289, %parallel_loop3A_89 : i32
        %parallel_loop3A_291 = arith.constant 1 : i32
        %parallel_loop3A_292 = arith.addi %parallel_loop3A_290, %parallel_loop3A_291 : i32
        %parallel_loop3A_293 = arith.index_cast %rem3A_50 : i32 to index
        %parallel_loop3A_294 = arith.index_cast %parallel_loop3A_292 : i32 to index
        %parallel_loop3A_295 = arith.constant 112 : index
        %parallel_loop3A_296 = tpu.vector_load %arg6[%parallel_loop3A_293, %parallel_loop3A_294, %parallel_loop3A_295] {strides = array<i32>} : memref<2x80x128xf32, #tpu.memory_space<vmem>>, vector<16xf32>,
        %parallel_loop3A_297 = arith.mulf %parallel_loop3A_296, %parallel_loop3A_296 : vector<16xf32>
        %parallel_loop3A_298 = arith.mulf %parallel_loop3A_297, %parallel_loop3A_93 : vector<16xf32>
        %parallel_loop3A_299 = arith.constant 240 : i32
        %parallel_loop3A_300 = vector.broadcast %parallel_loop3A_299 : i32 to vector<16xi32>
        %parallel_loop3A_301 = arith.addi %iota3A, %parallel_loop3A_300 : vector<16xi32>
        tpu.vector_store_idx %arg9[%parallel_loop3A_92, %parallel_loop3A_301], %parallel_loop3A_298 {add = true} : memref<384x256xf32, #tpu.memory_space<vmem>>[vector<16xi32>, vector<16xi32>], vector<16xf32>,
      } {sc.loop_unroll_factor = 1 : i64, sc.parallel_access}
    }
    %scan3A_48 = arith.constant 103 : i32
    "tpu.region"() ({
      %run_scoped3A = tpu.sem_alloc : memref<!tpu.dma_semaphore, #tpu.memory_space<semaphore_mem>>
      %dma_start3A_49 = arith.constant 0 : i32
      %dma_start3A_50 = arith.constant 0 : i32
      %dma_start3A_51 = tpu.memref_slice %arg5[%add3A, %dma_start3A_49, %dma_start3A_50] : memref<32x384x256xf32, #tpu.memory_space<hbm>> -> memref<1x384x256xf32, #tpu.memory_space<hbm>>
      %dma_start3A_52 = tpu.memref_squeeze %dma_start3A_51 : memref<1x384x256xf32, #tpu.memory_space<hbm>> -> memref<384x256xf32, #tpu.memory_space<hbm>>
      %dma_start3A_53 = arith.constant 0 : i32
      %dma_start3A_54 = arith.constant 0 : i32
      %dma_start3A_55 = tpu.memref_slice %arg5[%add3A, %dma_start3A_53, %dma_start3A_54] : memref<32x384x256xf32, #tpu.memory_space<hbm>> -> memref<1x384x256xf32, #tpu.memory_space<hbm>>
      %dma_start3A_56 = tpu.memref_squeeze %dma_start3A_55 : memref<1x384x256xf32, #tpu.memory_space<hbm>> -> memref<384x256xf32, #tpu.memory_space<hbm>>
      tpu.enqueue_dma source(%arg9 : memref<384x256xf32, #tpu.memory_space<vmem>>) target(%dma_start3A_56 : memref<384x256xf32, #tpu.memory_space<hbm>>) target_semaphore(%run_scoped3A : memref<!tpu.dma_semaphore, #tpu.memory_space<semaphore_mem>>)
      %dma_wait3A = arith.constant 0 : i32
      %dma_wait3A_57 = arith.constant 0 : i32
      %dma_wait3A_58 = tpu.memref_slice %arg5[%add3A, %dma_wait3A, %dma_wait3A_57] : memref<32x384x256xf32, #tpu.memory_space<hbm>> -> memref<1x384x256xf32, #tpu.memory_space<hbm>>
      %dma_wait3A_59 = tpu.memref_squeeze %dma_wait3A_58 : memref<1x384x256xf32, #tpu.memory_space<hbm>> -> memref<384x256xf32, #tpu.memory_space<hbm>>
      %dma_wait3A_60 = arith.constant 0 : i32
      %dma_wait3A_61 = arith.constant 0 : i32
      %dma_wait3A_62 = tpu.memref_slice %arg5[%add3A, %dma_wait3A_60, %dma_wait3A_61] : memref<32x384x256xf32, #tpu.memory_space<hbm>> -> memref<1x384x256xf32, #tpu.memory_space<hbm>>
      %dma_wait3A_63 = tpu.memref_squeeze %dma_wait3A_62 : memref<1x384x256xf32, #tpu.memory_space<hbm>> -> memref<384x256xf32, #tpu.memory_space<hbm>>
      tpu.wait_dma2 semaphore(%run_scoped3A : memref<!tpu.dma_semaphore, #tpu.memory_space<semaphore_mem>>) src(%arg9 : memref<384x256xf32, #tpu.memory_space<vmem>>) dst(%dma_wait3A_63 : memref<384x256xf32, #tpu.memory_space<hbm>>)
      tpu.yield
    }) : () -> ()
    return
  }
}

</mosaic_0001>

<sc_bundles>
// kernel: _sc_spectrum.4.cloned.1.call-start
scs
__scs_entry_jumppad:
0x0: {  	(pc) =	sbr.rel $0x88, $3  }
0x1: {  	(tag) =	ssettag $0x0;
	lr =	simm.s32 $0x1  }
0x2: {  	[smem:$0x3F9E] =	sst lr;
	_ =	strace $0xD0000000  }
0x3: {  	_ = 	snop  }
0x4: {  	_ = 	snop  }
0x5: {  	_ = 	snop  }
0x6: {  	_ = 	snop  }
0x7: {  	_ = 	snop  }
__scs_overlays_trampoline_lowered:
0x8: {  	[smem:$0x3FAD] =	sst s0  }
0x9: {  	[smem:$0x3FAE] =	sst s1  }
0xa: {  	[smem:$0x3FAF] =	sst s2  }
0xb: {  	[smem:$0x3FB0] =	sst s3  }
0xc: {  	[smem:$0x3FB1] =	sst s4  }
0xd: {  	[smem:$0x3FB2] =	sst s5  }
0xe: {  	[smem:$0x3FB3] =	sst s6  }
0xf: {  	[smem:$0x3FB4] =	sst s7  }
0x10: {  	[smem:$0x3FB5] =	sst s8  }
0x11: {  	[smem:$0x3FB6] =	sst s9;
	s0 =	simm.s32 @!p0 $0x0  }
0x12: {  	s1 =	sld [smem:$0x3F9C];
	s0 =	simm.s32 @p0 $0x1  }
0x13: {  	[smem:$0x3FB7] =	sst s0;
	s0 =	simm.s32 @!p1 $0x0  }
0x14: {  	s2 =	sld [smem:$0x3F9B];
	s0 =	simm.s32 @p1 $0x1  }
0x15: {  	[smem:$0x3FB8] =	sst s0;
	s0 =	simm.s32 @!p2 $0x0  }
0x16: {  	s3 =	sld [smem:$0x3FDB];
	s0 =	simm.s32 @p2 $0x1  }
0x17: {  	s4 =	simm.s32 $0x1BF5;
	[smem:$0x3FBA] =	sst s0  }
0x18: {  	s0 =	sld [smem:$0x3F9D];
	_ =	swait.ge [sflag:s4], $0x0  }
0x19: {  	s7 =	sld [smem:$0x3F9E]  }
0x1a: {  	s8 =	sadd.s32 $0xFFFFE003, lr  }
0x1b: {  	s9 =	sadd.s32 $0xFFFFFEF7, lr;
	s5 =	simm.s32 $0xFFFFFFFF;
	p2 =	slt.u32 s8, $0xFFFFF086  }
0x1c: {  	p1 =	slt.u32 s9, $0xF7A;
	s5 =	simm.s32 @!p2 $0x0  }
0x1d: {  	s5 =	simm.s32 @p1 $0x1;
	p0 =	seq.s32 s7, s2  }
0x1e: {  	s7 =	smul.u32 @!p0 $0xF7A, s2;
	p2 =	seq.s32 @!p0 s5, $0x0  }
0x1f: {  	s9 =	smul.u32 $0xF7A, s1;
	s8 =	simm.s32 @!p0 $0x1BF5;
	p2 =	por !p2, p0  }
0x20: {  	[sflag:s8] =	ssyncset.s32 @!p0 $0xFFFFF086;
	s6 =	sadd.s32 @!p0 s3, s7;
	s7 =	simm.s32 @!p0 $0x108  }
0x21: {  	s3 =	sadd.s32 s3, s9;
	s6 =	sadd.s32 @!p0 $0x88, s6;
	s7 =	simm.s32 @p2 $0x1082  }
0x22: {  	[simem:s7], [sflag:s8] =	dma.local @!p0 [hbm:s6], $0xF7A  }
0x23: {  	s9 =	sor.u32 $0xD0000000, s2;
	s6 =	simm.s32 $0x108;
	_ =	swait.ge @!p0 [sflag:s8], $0x0  }
0x24: {  	s3 =	sadd.s32 $0x88, s3;
	s6 =	simm.s32 @!p1 $0x1082;
	[sflag:s4] =	ssyncset.s32 $0xFFFFF086  }
0x25: {  	[simem:s6], [sflag:s4] =	dma.local [hbm:s3], $0xF7A  }
0x26: {  	[smem:$0x3F9E] =	sst s1;
	(tag) =	ssettag s2;
	_ =	strace s9  }
0x27: {  	s1 =	sld [smem:$0x3FAE]  }
0x28: {  	s2 =	sld [smem:$0x3FAF]  }
0x29: {  	s4 =	sld [smem:$0x3FB1]  }
0x2a: {  	p0 =	seq.s32 s5, $0x0;
	s5 =	sld [smem:$0x3FB2]  }
0x2b: {  	s6 =	sld [smem:$0x3FB3]  }
0x2c: {  	s7 =	sld [smem:$0x3FB4]  }
0x2d: {  	s3 =	simm.s32 $0x108;
	s8 =	sld [smem:$0x3FB5]  }
0x2e: {  	s3 =	simm.s32 @!p0 $0x1082;
	s9 =	sld [smem:$0x3FB6]  }
0x2f: {  	lr =	sadd.s32 s0, s3;
	s0 =	sld [smem:$0x3FAD]  }
0x30: {  	s3 =	sld [smem:$0x3FB0]  }
0x31: {  	[smem:$0x3FB9] =	sst s10  }
0x32: {  	s10 =	sld [smem:$0x3FB7];
	_ =	sdelay $0x3  }
0x33: {  	p0 =	seq.s32 s10, $0x1;
	s10 =	sld [smem:$0x3FB9];
	_ =	sdelay $0x3  }
0x34: {  	[smem:$0x3FB9] =	sst s10  }
0x35: {  	s10 =	sld [smem:$0x3FB8];
	_ =	sdelay $0x3  }
0x36: {  	p1 =	seq.s32 s10, $0x1;
	s10 =	sld [smem:$0x3FB9];
	_ =	sdelay $0x3  }
0x37: {  	[smem:$0x3FB9] =	sst s10  }
0x38: {  	s10 =	sld [smem:$0x3FBA]  }
0x39: {  	_ = 	snop;
	(pc) =	sbr.ind lr, $3  }
0x3a: {  	_ = 	snop  }
0x3b: {  	_ = 	snop  }
0x3c: {  	p2 =	seq.s32 s10, $0x1;
	s10 =	sld [smem:$0x3FB9]  }
0x3d: {  	_ =	shalt  }
0x3e: {  	_ =	shalt  }
0x3f: {  	_ =	shalt  }
0x40: {  	_ =	shalt  }
0x41: {  	_ =	shalt  }
0x42: {  	_ =	shalt  }
0x43: {  	_ =	shalt  }
0x44: {  	_ =	shalt  }
0x45: {  	_ =	shalt  }
0x46: {  	_ =	shalt  }
0x47: {  	_ =	shalt  }
0x48: {  	_ =	shalt  }
0x49: {  	_ =	shalt  }
0x4a: {  	_ =	shalt  }
0x4b: {  	_ =	shalt  }
0x4c: {  	_ =	shalt  }
0x4d: {  	_ =	shalt  }
0x4e: {  	_ =	shalt  }
0x4f: {  	_ =	shalt  }
0x50: {  	_ =	shalt  }
0x51: {  	_ =	shalt  }
0x52: {  	_ =	shalt  }
0x53: {  	_ =	shalt  }
0x54: {  	_ =	shalt  }
0x55: {  	_ =	shalt  }
0x56: {  	_ =	shalt  }
0x57: {  	_ =	shalt  }
0x58: {  	_ =	shalt  }
0x59: {  	_ =	shalt  }
0x5a: {  	_ =	shalt  }
0x5b: {  	_ =	shalt  }
0x5c: {  	_ =	shalt  }
0x5d: {  	_ =	shalt  }
0x5e: {  	_ =	shalt  }
0x5f: {  	_ =	shalt  }
0x60: {  	_ =	shalt  }
0x61: {  	_ =	shalt  }
0x62: {  	_ =	shalt  }
0x63: {  	_ =	shalt  }
0x64: {  	_ =	shalt  }
0x65: {  	_ =	shalt  }
0x66: {  	_ =	shalt  }
0x67: {  	_ =	shalt  }
0x68: {  	_ =	shalt  }
0x69: {  	_ =	shalt  }
0x6a: {  	_ =	shalt  }
0x6b: {  	_ =	shalt  }
0x6c: {  	_ =	shalt  }
0x6d: {  	_ =	shalt  }
0x6e: {  	_ =	shalt  }
0x6f: {  	_ =	shalt  }
0x70: {  	_ =	shalt  }
0x71: {  	_ =	shalt  }
0x72: {  	_ =	shalt  }
0x73: {  	_ =	shalt  }
0x74: {  	_ =	shalt  }
0x75: {  	_ =	shalt  }
0x76: {  	_ =	shalt  }
0x77: {  	_ =	shalt  }
0x78: {  	_ =	shalt  }
0x79: {  	_ =	shalt  }
0x7a: {  	_ =	shalt  }
0x7b: {  	_ =	shalt  }
0x7c: {  	_ =	shalt  }
0x7d: {  	_ =	shalt  }
0x7e: {  	_ =	shalt  }
0x7f: {  	_ =	shalt  }
0x80: {  	_ =	shalt  }
0x81: {  	_ =	shalt  }
0x82: {  	_ =	shalt  }
0x83: {  	_ =	shalt  }
0x84: {  	_ =	shalt  }
0x85: {  	_ =	shalt  }
0x86: {  	_ =	shalt  }
0x87: {  	_ =	shalt  }
.Lfunc_end0:
.L_simem_size_0:
called_computation_lowered:
.L_overlay_start_0:
0x88: {  	s2 =	sld [smem:$0x3FD9]  }
0x89: {  	s3 =	sld [smem:$0x3FFE];
	_ =	sdelay $0x1  }
0x8a: {  	s1 =	srdreg.scid  }
0x8b: {  	s0 =	sand.u32 $0x1, s1  }
0x8c: {  	s17 =	sshll.u32 s0, $0xA;
	s2 =	sadd.s32 s3, s2  }
0x8d: {  	s2 =	sadd.s32 s2, s17  }
0x8e: {  	[smem:$0x3FC5] =	sst s2  }
0x8f: {  	_ = 	snop  }
0x90: {  	s2 =	sld [smem:$0x3FC9]  }
0x91: {  	s18 =	sld [smem:$0x3FC8]  }
0x92: {  	s4 =	sld [smem:$0x3FC7];
	(tm) =	ssettm $0x1  }
0x93: {  	s5 =	sld [smem:$0x3FFB];
	_ =	sdelay $0x3  }
0x94: {  	_ =	strace s5  }
0x95: {  	s5 =	sld [smem:$0x3FFC];
	_ =	sdelay $0x3  }
0x96: {  	_ =	strace s5  }
0x97: {  	s5 =	sld [smem:$0x3FFD];
	_ =	sdelay $0x3  }
0x98: {  	_ =	strace s5  }
0x99: {  	_ =	strace $0x8FFFFFFF  }
0x9a: {  	s19 =	sld [smem:$0x3FDB];
	_ =	sdelay $0x1  }
0x9b: {  	s6 =	simm.s32 $_scs_section_size  }
0x9c: {  	s7 =	simm.s32 $_size__tile_overlayer_lowered;
	s8 =	simm.s32 $_tile_overlayer_lowered  }
0x9d: {  	s22 =	simm.s32 $0x1BFF;
	s21 =	sshll.u32 s8, $0x1;
	s5 =	sadd.s32 s6, s19  }
0x9e: {  	s9 =	simm.s32 $0x0;
	s20 =	sshll.u32 s7, $0x1;
	s7 =	sadd.s32 s21, s5  }
0x9f: {  	[timem:s9], [sflag:s22] =	dma.local [hbm:s7], s20  }
0xa0: {  	_ =	swait.ge [sflag:s22], s20  }
0xa1: {  	s6 =	ssub.s32 $0x0, s20;
	[sflag:s22] =	ssyncset.done $0x0  }
0xa2: {  	[sflag:s22] =	ssyncadd.s32 s6;
	_ =	sdelay $0x1  }
0xa3: {  	s23 =	simm.s32 $0x1B8B  }
0xa4: {  	_ =	swait.ge [sflag:s23], $0x1  }
0xa5: {  	[sflag:s23] =	ssyncset.done $0x0  }
0xa6: {  	s25 =	simm.s32 $0x1B8E;
	s24 =	sld [smem:$0x3FFE];
	[sflag:s23] =	ssyncadd.s32 $0xFFFFFFFF  }
0xa7: {  	s26 =	simm.s32 $execute0_lowered;
	[smem:$0x3FD2] =	sst s25  }
0xa8: {  	s7 =	sshll.u32 s26, $0x1;
	_ =	strace $0x80000046;
	[dreg:$0x1] =	wrdreg $0xFFFFFFFF  }
0xa9: {  	s28 =	simm.s32 $_size_execute0_lowered;
	s5 =	sadd.s32 s5, s7;
	[dreg:$0x0] =	wrdreg $0x0  }
0xaa: {  	s7 =	sshll.u32 s28, $0x1;
	[dreg:$0x2] =	wrdreg s5  }
0xab: {  	[dreg:$0x3] =	wrdreg s7  }
0xac: {  	[dreg:$0x4] =	wrdreg $0xC0  }
0xad: {  	_ =	task [dreg:s9], $0x5FFFF  }
0xae: {  	[dreg:$0x1] =	wrdreg $0xFFFFFFFF  }
0xaf: {  	[dreg:$0x0] =	wrdreg $0x60  }
0xb0: {  	[dreg:$0x2] =	wrdreg s2  }
0xb1: {  	[dreg:$0x3] =	wrdreg s18  }
0xb2: {  	[dreg:$0x4] =	wrdreg s4  }
0xb3: {  	[dreg:$0x5] =	wrdreg s24  }
0xb4: {  	[dreg:$0x6] =	wrdreg $0x9  }
0xb5: {  	_ =	task.clear_ibuf [dreg:s9], $0x7FFFF;
	_ =	strace $0x90000046  }
0xb6: {  	s29 =	simm.s32 $0x9;
	_ =	strace $0x80000048  }
0xb7: {  	_ =	swait.ge [sflag:s29], $0x1  }
0xb8: {  	[sflag:s29] =	ssyncadd.s32 $0xFFFFFFFF  }
0xb9: {  	_ =	strace $0x90000048  }
0xba: {  	_ =	sfence  }
0xbb: {  	s30 =	sld [smem:$0x0];
	_ =	sdelay $0x2  }
0xbc: {  	s31 =	sshll.u32 s1, $0xD;
	s1 =	sshrl.u32 s1, $0x2  }
0xbd: {  	s3 =	sand.u32 $0x4000, s31;
	s1 =	sadd.s32 s1, s30  }
0xbe: {  	s0 =	sor.u32 s3, s0;
	s1 =	sshll.u32 s1, $0x11  }
0xbf: {  	s0 =	sor.u32 s1, s0  }
0xc0: {  	s0 =	sadd.s32 $0x8F2B, s0  }
0xc1: {  	[sflag:s0] =	ssyncadd.remote.s32 $0x1  }
0xc2: {  	_ =	sfence.sel $0xFFFF  }
0xc3: {  	[dreg:$0x0] =	wrdreg $0xFFFFFFFF;
	(pc) =	sbr.abs _section_cstart, $3  }
0xc4: {  	[dreg:$0x1] =	wrdreg $0xFFFFFFFF  }
0xc5: {  	_ =	task.clear_ibuf [dreg:s9], $0x2FFFF;
	_ =	strace $0x9FFFFFFF  }
0xc6: {  	(tm) =	ssettm $0x7FFFFFFF  }
0xc7: {  	_ =	shalt  }
tec
execute0_lowered:
.L_overlay_start_1:
0x0: {  	(tag) =	ssettag $0x1  }
0x1: {  	s1 =	rddreg [dreg:$0x0]  }
0x2: {  	s2 =	rddreg [dreg:$0x1];
	s3 =	srdreg.scid  }
0x3: {  	s0 =	stileid.u32;
	s4 =	rddreg [dreg:$0x2]  }
0x4: {  	s8 =	rddreg [dreg:$0x3];
	s5 =	simm.s32 $0x0;
	s13 =	simm.s32 $0x5100  }
0x5: {  	s14 =	simm.s32 $0x1;
	s7 =	sand.u32 $0x1, s3;
	s30 =	sshll.u32 s0, $0x1  }
0x6: {  	s15 =	simm.s32 $0x5200;
	s16 =	simm.s32 $0x2;
	s9 =	sor.u32 s7, s30  }
0x7: {  	v0 =	vimm.f32 $0.0e+00;
	v1 =	vlaneseq.u32;
	s17 =	simm.s32 $0x0;
	s3 =	rddreg [dreg:$0x4];
	s10 =	smul.u32 $0x3000, s9  }
0x8: {  	[smem:$0x7FF] =	sst s5;
	v2 =	vor.u32 $0x10, v1;
	v3 =	vor.u32 $0x20, v1;
	v4 =	vor.u32 $0x30, v1;
	s7 =	ssub.s32 $0x2, s7;
	s6 =	smul.u32 $0x1018, s9  }
0x9: {  	v5 =	vor.u32 $0x40, v1;
	v6 =	vor.u32 $0x50, v1;
	v7 =	vor.u32 $0x60, v1;
	_ =	strace $0x80000047;
	s9 =	smul.u32 $0x20300, s9;
	s31 =	sshrl.u32 s7, $0x1  }
0xa: {  	v8 =	vor.u32 $0x70, v1;
	v9 =	vor.u32 $0x400, v1;
	v10 =	vor.u32 $0x410, v1;
	s12 =	ssub.s32 s7, s31;
	s10 =	sadd.s32 s10, s8;
	s11 =	sshrl.u32 s6, $0x3  }
0xb: {  	v11 =	vor.u32 $0x420, v1;
	v12 =	vor.u32 $0x430, v1;
	v13 =	vor.u32 $0x440, v1;
	s7 =	sadd.s32 s1, s9;
	s8 =	sadd.s32 s2, s11;
	s9 =	sadd.s32 s4, s11  }
0xc: {  	v14 =	vor.u32 $0x450, v1;
	v15 =	vor.u32 $0x460, v1;
	v16 =	vor.u32 $0x470, v1;
	s10 =	sadd.s32 $0x800, s10;
	s11 =	smax.u32 s12, $0x1;
	s12 =	simm.s32 $0x5000  }
.LBB2_1:
0xd: {  	s18 =	sand.u32 $0x1F800, s5;
	s19 =	sand.u32 $0x380, s5  }
0xe: {  	s18 =	sor.u32 s19, s18  }
0xf: {  	[tilespmem:s18+$0x5670] =	vst v0  }
0x10: {  	[tilespmem:s18+$0x5200] =	vst v0  }
0x11: {  	[tilespmem:s18+$0x5210] =	vst v0  }
0x12: {  	[tilespmem:s18+$0x5220] =	vst v0  }
0x13: {  	[tilespmem:s18+$0x5230] =	vst v0  }
0x14: {  	[tilespmem:s18+$0x5240] =	vst v0  }
0x15: {  	[tilespmem:s18+$0x5250] =	vst v0  }
0x16: {  	[tilespmem:s18+$0x5260] =	vst v0  }
0x17: {  	[tilespmem:s18+$0x5270] =	vst v0  }
0x18: {  	[tilespmem:s18+$0x5600] =	vst v0  }
0x19: {  	[tilespmem:s18+$0x5610] =	vst v0  }
0x1a: {  	[tilespmem:s18+$0x5620] =	vst v0  }
0x1b: {  	[tilespmem:s18+$0x5630] =	vst v0  }
0x1c: {  	s20 =	simm.s32 $0x100;
	s19 =	simm.s32 $0x80;
	[tilespmem:s18+$0x5640] =	vst v0  }
0x1d: {  	s21 =	sand.u32 $0x1F800, s20;
	s20 =	simm.s32 $0x200;
	s22 =	sand.u32 $0x380, s19;
	[tilespmem:s18+$0x5650] =	vst v0  }
.LBB2_2:
0x1e: {  	p0 =	sne.s32 s20, $0x17F00;
	[tilespmem:s18+$0x5660] =	vst v0;
	s18 =	sor.u32 s22, s21  }
0x1f: {  	[tilespmem:s18+$0x5670] =	vst v0  }
0x20: {  	[tilespmem:s18+$0x5200] =	vst v0  }
0x21: {  	[tilespmem:s18+$0x5210] =	vst v0  }
0x22: {  	[tilespmem:s18+$0x5220] =	vst v0  }
0x23: {  	[tilespmem:s18+$0x5230] =	vst v0  }
0x24: {  	[tilespmem:s18+$0x5240] =	vst v0  }
0x25: {  	[tilespmem:s18+$0x5250] =	vst v0  }
0x26: {  	[tilespmem:s18+$0x5260] =	vst v0  }
0x27: {  	[tilespmem:s18+$0x5270] =	vst v0  }
0x28: {  	[tilespmem:s18+$0x5600] =	vst v0  }
.Ltmp0:
0x29: {  	[tilespmem:s18+$0x5610] =	vst v0;
	(pc) =	sbr.rel @p0 .LBB2_2-.Ltmp0, $4  }
0x2a: {  	[tilespmem:s18+$0x5620] =	vst v0  }
0x2b: {  	[tilespmem:s18+$0x5630] =	vst v0  }
0x2c: {  	s19 =	sadd.s32 $0x80, s19;
	[tilespmem:s18+$0x5640] =	vst v0  }
0x2d: {  	s21 =	sand.u32 $0x1F800, s20;
	s20 =	sadd.s32 $0x100, s20;
	s22 =	sand.u32 $0x380, s19;
	[tilespmem:s18+$0x5650] =	vst v0  }
0x2e: {  	s19 =	sor.u32 s22, s21;
	[tilespmem:s18+$0x5660] =	vst v0  }
0x2f: {  	[tilespmem:s19+$0x5670] =	vst v0  }
0x30: {  	[tilespmem:s19+$0x5200] =	vst v0  }
0x31: {  	[tilespmem:s19+$0x5210] =	vst v0  }
0x32: {  	[tilespmem:s19+$0x5220] =	vst v0  }
0x33: {  	[tilespmem:s19+$0x5230] =	vst v0  }
0x34: {  	[tilespmem:s19+$0x5240] =	vst v0  }
0x35: {  	[tilespmem:s19+$0x5250] =	vst v0  }
0x36: {  	[tilespmem:s19+$0x5260] =	vst v0  }
0x37: {  	[tilespmem:s19+$0x5270] =	vst v0  }
0x38: {  	[tilespmem:s19+$0x5600] =	vst v0  }
0x39: {  	[tilespmem:s19+$0x5610] =	vst v0  }
0x3a: {  	[tilespmem:s19+$0x5620] =	vst v0  }
0x3b: {  	[tilespmem:s19+$0x5630] =	vst v0  }
0x3c: {  	[tilespmem:s19+$0x5640] =	vst v0  }
0x3d: {  	[tilespmem:s19+$0x5650] =	vst v0  }
0x3e: {  	s18 =	simm.s32 $0x0;
	[tilespmem:s19+$0x5660] =	vst v0  }
0x3f: {  	[tilespmem:s18], [sflag:$0x1] =	stream.linear.gather [hbm4b:s7+s18], $0x2800, $0x38;
	[tilespmem:$0x1D200] =	vst v63  }
0x40: {  	_ = 	snop  }
0x41: {  	[tilespmem:s12], [sflag:$0x1] =	stream.linear.gather [hbm4b:s8+s18], $0x28, $0x38;
	[tilespmem:$0x1D200] =	vst v63  }
0x42: {  	p0 =	por $0x0, $0x0;
	s19 =	simm.s32 $0x0  }
0x43: {  	[tilespmem:s13], [sflag:$0x1] =	stream.linear.gather [hbm4b:s9+s18], $0x28, $0x38;
	[tilespmem:$0x1D200] =	vst v63  }
.LBB2_5:
0x44: {  	_ =	swait.ge [sflag:s14], $0x2800  }
0x45: {  	s20 =	smov.u32 s19;
	[sflag:s14] =	ssyncset.done $0x0  }
0x46: {  	s19 =	sadd.s32 $0x1, s19;
	p1 =	seq.s32 s20, $0x66;
	[sflag:s14] =	ssyncadd.s32 $0xFFFFD800  }
0x47: {  	s20 =	sand.u32 $0x1, s20;
	s21 =	smul.u32 @!p1 $0x28, s19;
	_ =	swait.ge [sflag:s14], $0x28  }
0x48: {  	s22 =	sxor.u32 @!p1 $0x1, s20;
	[sflag:s14] =	ssyncset.done $0x0  }
0x49: {  	s23 =	smul.u32 @!p1 $0xA000, s22;
	s21 =	sadd.s32 @!p1 s6, s21;
	[sflag:s14] =	ssyncadd.s32 $0xFFFFFFD8  }
0x4a: {  	v17 =	vmov s18;
	s20 =	sshll.u32 s20, $0x7;
	s24 =	sshll.u32 @!p1 s21, $0x5;
	_ =	swait.ge [sflag:s14], $0x28  }
0x4b: {  	v17 =	vand.u32 $0x7F, v17;
	v24 =	vmov s20;
	s20 =	sshrl.u32 @!p1 s23, $0x2;
	s24 =	sand.u32 @!p1 $0x1FFFFF00, s24;
	[sflag:s14] =	ssyncset.done $0x0  }
0x4c: {  	v17 =	vadd.s32 v24, v17;
	s23 =	sadd.s32 @!p1 s1, s24;
	s24 =	simm.s32 @!p1 $0x0;
	[sflag:s14] =	ssyncadd.s32 $0xFFFFFFD8  }
0x4d: {  	v17 =	vbroadcast v17, $0x0;
	[tilespmem:s20], [sflag:$0x1] =	stream.linear.gather @!p1 [hbm4b:s23+s24], $0x2800, $0x38;
	[tilespmem:$0x1D200] =	vst v63  }
0x4e: {  	s21 =	sshrl.u32 @!p1 s21, $0x3;
	s20 =	sshll.u32 @!p1 s22, $0x7  }
0x4f: {  	s25 =	sadd.s32 @!p1 s2, s21;
	s22 =	simm.s32 $0x1;
	s23 =	sor.u32 @!p1 $0x5000, s20  }
0x50: {  	[tilespmem:s23], [sflag:$0x1] =	stream.linear.gather @!p1 [hbm4b:s25+s24], $0x28, $0x38;
	[tilespmem:$0x1D200] =	vst v63  }
0x51: {  	s21 =	sadd.s32 @!p1 s4, s21;
	s22 =	simm.s32 @!p0 $0x0;
	s20 =	sor.u32 @!p1 $0x5100, s20  }
0x52: {  	[tilespmem:s20], [sflag:$0x1] =	stream.linear.gather @!p1 [hbm4b:s21+s24], $0x28, $0x38;
	[tilespmem:$0x1D200] =	vst v63  }
0x53: {  	s30 =	smul.u32 $0xA000, s22;
	v18 =	vld.idx.msk [tilespmem:v17+s13+$0x0], $0xffff;
	_ =	sdelay $0x1  }
0x54: {  	s20 =	sshrl.u32 s30, $0x2  }
0x55: {  	s31 =	sor.u32 $0x80, s20  }
0x56: {  	v19 =	vld [tilespmem:s31+$0xFFFFFF80]  }
0x57: {  	v20 =	vshll.u32 v18, $0x8;
	v18 =	vshll.u32 v18, $0x7  }
0x58: {  	v17 =	vld.idx.msk [tilespmem:v17+s12+$0x0], $0xffff;
	v20 =	vand.u32 $0xFFFFF800, v20;
	v18 =	vand.u32 $0x380, v18  }
0x59: {  	v27 =	vor.u32 v18, v20  }
0x5a: {  	v18 =	vor.u32 v1, v27  }
0x5b: {  	v19 =	vmul.f32 v19, v19;
	_ =	sdelay $0x1  }
0x5c: {  	v19 =	vmul.f32 v19, v17;
	_ =	sdelay $0x1  }
0x5d: {  	[tilespmem:v18+s15+$0x0] =	vst.idx.add.f32.msk $0xffff, v19  }
0x5e: {  	v18 =	vld [tilespmem:s31+$0xFFFFFF90];
	_ =	sdelay $0x3  }
0x5f: {  	v19 =	vor.u32 v2, v27  }
0x60: {  	v18 =	vmul.f32 v18, v18;
	_ =	sdelay $0x1  }
0x61: {  	v18 =	vmul.f32 v18, v17  }
0x62: {  	s26 =	simm.s32 $0x1  }
0x63: {  	v20 =	vmov s26;
	[tilespmem:v19+s15+$0x0] =	vst.idx.add.f32.msk $0xffff, v18  }
0x64: {  	v18 =	vand.u32 $0x7F, v20;
	v19 =	vld [tilespmem:s31+$0xFFFFFFA0]  }
0x65: {  	v18 =	vadd.s32 v24, v18  }
0x66: {  	v18 =	vbroadcast v18, $0x0;
	_ =	sdelay $0x1  }
0x67: {  	v20 =	vor.u32 v3, v27  }
0x68: {  	v19 =	vmul.f32 v19, v19;
	_ =	sdelay $0x1  }
0x69: {  	v19 =	vmul.f32 v19, v17  }
0x6a: {  	v21 =	vld.idx.msk [tilespmem:v18+s13+$0x0], $0xffff  }
0x6b: {  	[tilespmem:v20+s15+$0x0] =	vst.idx.add.f32.msk $0xffff, v19  }
0x6c: {  	v19 =	vld [tilespmem:s31+$0xFFFFFFB0];
	_ =	sdelay $0x2  }
0x6d: {  	s20 =	sadd.s32 $0x100, s31  }
0x6e: {  	v22 =	vor.u32 v4, v27;
	v20 =	vld [tilespmem:s20+$0xFFFFFF80]  }
0x6f: {  	v23 =	vshll.u32 v21, $0x8;
	v21 =	vshll.u32 v21, $0x7;
	v25 =	vmul.f32 v19, v19  }
0x70: {  	v18 =	vld.idx.msk [tilespmem:v18+s12+$0x0], $0xffff;
	v21 =	vand.u32 $0x380, v21;
	v19 =	vand.u32 $0xFFFFF800, v23  }
0x71: {  	v19 =	vor.u32 v21, v19;
	v21 =	vmul.f32 v25, v17  }
0x72: {  	v23 =	vor.u32 v1, v19  }
0x73: {  	v20 =	vmul.f32 v20, v20;
	[tilespmem:v22+s15+$0x0] =	vst.idx.add.f32.msk $0xffff, v21  }
0x74: {  	v21 =	vld [tilespmem:s31+$0xFFFFFFC0]  }
0x75: {  	v20 =	vmul.f32 v20, v18;
	_ =	sdelay $0x1  }
0x76: {  	[tilespmem:v23+s15+$0x0] =	vst.idx.add.f32.msk $0xffff, v20  }
0x77: {  	v22 =	vor.u32 v5, v27;
	v20 =	vld [tilespmem:s20+$0xFFFFFF90]  }
0x78: {  	v21 =	vmul.f32 v21, v21;
	_ =	sdelay $0x1  }
0x79: {  	v21 =	vmul.f32 v21, v17  }
0x7a: {  	v23 =	vor.u32 v2, v19  }
0x7b: {  	v20 =	vmul.f32 v20, v20;
	[tilespmem:v22+s15+$0x0] =	vst.idx.add.f32.msk $0xffff, v21  }
0x7c: {  	v21 =	vld [tilespmem:s31+$0xFFFFFFD0]  }
0x7d: {  	v20 =	vmul.f32 v20, v18  }
0x7e: {  	s28 =	simm.s32 $0x2  }
0x7f: {  	v22 =	vmov s28;
	[tilespmem:v23+s15+$0x0] =	vst.idx.add.f32.msk $0xffff, v20  }
0x80: {  	v20 =	vand.u32 $0x7F, v22;
	v23 =	vor.u32 v6, v27;
	v22 =	vld [tilespmem:s20+$0xFFFFFFA0]  }
0x81: {  	v20 =	vadd.s32 v24, v20;
	v21 =	vmul.f32 v21, v21  }
0x82: {  	v20 =	vbroadcast v20, $0x0  }
0x83: {  	v21 =	vmul.f32 v21, v17  }
0x84: {  	v25 =	vor.u32 v3, v19  }
0x85: {  	v22 =	vmul.f32 v22, v22;
	[tilespmem:v23+s15+$0x0] =	vst.idx.add.f32.msk $0xffff, v21  }
0x86: {  	v21 =	vld [tilespmem:s31+$0xFFFFFFE0]  }
0x87: {  	v22 =	vmul.f32 v22, v18  }
0x88: {  	v23 =	vld.idx.msk [tilespmem:v20+s13+$0x0], $0xffff  }
0x89: {  	[tilespmem:v25+s15+$0x0] =	vst.idx.add.f32.msk $0xffff, v22  }
0x8a: {  	v25 =	vor.u32 v7, v27;
	v22 =	vld [tilespmem:s20+$0xFFFFFFB0]  }
0x8b: {  	v21 =	vmul.f32 v21, v21  }
0x8c: {  	s21 =	sadd.s32 $0x100, s20  }
0x8d: {  	v26 =	vld [tilespmem:s21+$0xFFFFFF80];
	v21 =	vmul.f32 v21, v17  }
0x8e: {  	v28 =	vor.u32 v4, v19;
	v20 =	vld.idx.msk [tilespmem:v20+s12+$0x0], $0xffff  }
0x8f: {  	v29 =	vshll.u32 v23, $0x8;
	v23 =	vshll.u32 v23, $0x7;
	v22 =	vmul.f32 v22, v22;
	[tilespmem:v25+s15+$0x0] =	vst.idx.add.f32.msk $0xffff, v21  }
0x90: {  	v23 =	vand.u32 $0x380, v23;
	v21 =	vand.u32 $0xFFFFF800, v29;
	v25 =	vld [tilespmem:s31+$0xFFFFFFF0]  }
0x91: {  	v21 =	vor.u32 v23, v21;
	v22 =	vmul.f32 v22, v18  }
0x92: {  	v23 =	vor.u32 v1, v21  }
0x93: {  	v26 =	vmul.f32 v26, v26;
	[tilespmem:v28+s15+$0x0] =	vst.idx.add.f32.msk $0xffff, v22  }
0x94: {  	v28 =	vor.u32 v8, v27;
	v22 =	vld [tilespmem:s20+$0xFFFFFFC0]  }
0x95: {  	v26 =	vmul.f32 v26, v20;
	v25 =	vmul.f32 v25, v25;
	_ =	sdelay $0x1  }
0x96: {  	[tilespmem:v23+s15+$0x0] =	vst.idx.add.f32.msk $0xffff, v26;
	v23 =	vmul.f32 v25, v17  }
0x97: {  	v26 =	vor.u32 v5, v19;
	v25 =	vld [tilespmem:s21+$0xFFFFFF90]  }
0x98: {  	v22 =	vmul.f32 v22, v22;
	[tilespmem:v28+s15+$0x0] =	vst.idx.add.f32.msk $0xffff, v23  }
0x99: {  	v23 =	vld [tilespmem:s31+$0x0]  }
0x9a: {  	v22 =	vmul.f32 v22, v18  }
0x9b: {  	v28 =	vor.u32 v2, v21  }
0x9c: {  	v25 =	vmul.f32 v25, v25;
	[tilespmem:v26+s15+$0x0] =	vst.idx.add.f32.msk $0xffff, v22  }
0x9d: {  	v26 =	vor.u32 v9, v27;
	v22 =	vld [tilespmem:s20+$0xFFFFFFD0]  }
0x9e: {  	v25 =	vmul.f32 v25, v20;
	v23 =	vmul.f32 v23, v23  }
0x9f: {  	s29 =	simm.s32 $0x3  }
0xa0: {  	v29 =	vmov s29;
	[tilespmem:v28+s15+$0x0] =	vst.idx.add.f32.msk $0xffff, v25;
	v23 =	vmul.f32 v23, v17  }
0xa1: {  	v25 =	vand.u32 $0x7F, v29;
	v29 =	vor.u32 v6, v19;
	v28 =	vld [tilespmem:s21+$0xFFFFFFA0]  }
0xa2: {  	v25 =	vadd.s32 v24, v25;
	v22 =	vmul.f32 v22, v22;
	[tilespmem:v26+s15+$0x0] =	vst.idx.add.f32.msk $0xffff, v23  }
0xa3: {  	v23 =	vbroadcast v25, $0x0;
	v25 =	vld [tilespmem:s31+$0x10]  }
0xa4: {  	v22 =	vmul.f32 v22, v18  }
0xa5: {  	v26 =	vor.u32 v3, v21  }
0xa6: {  	v28 =	vmul.f32 v28, v28;
	[tilespmem:v29+s15+$0x0] =	vst.idx.add.f32.msk $0xffff, v22  }
0xa7: {  	v29 =	vor.u32 v10, v27;
	v22 =	vld [tilespmem:s20+$0xFFFFFFE0]  }
0xa8: {  	v28 =	vmul.f32 v28, v20;
	v25 =	vmul.f32 v25, v25  }
0xa9: {  	v30 =	vld.idx.msk [tilespmem:v23+s13+$0x0], $0xffff  }
0xaa: {  	[tilespmem:v26+s15+$0x0] =	vst.idx.add.f32.msk $0xffff, v28;
	v25 =	vmul.f32 v25, v17  }
0xab: {  	v28 =	vor.u32 v7, v19;
	v26 =	vld [tilespmem:s21+$0xFFFFFFB0]  }
0xac: {  	v22 =	vmul.f32 v22, v22;
	[tilespmem:v29+s15+$0x0] =	vst.idx.add.f32.msk $0xffff, v25  }
0xad: {  	s22 =	sadd.s32 $0x100, s21;
	v25 =	vld [tilespmem:s31+$0x20]  }
0xae: {  	v29 =	vld [tilespmem:s22+$0xFFFFFF80];
	v31 =	vmul.f32 v22, v18  }
0xaf: {  	v32 =	vor.u32 v4, v21;
	v22 =	vld.idx.msk [tilespmem:v23+s12+$0x0], $0xffff;
	v23 =	vshll.u32 v30, $0x8;
	v30 =	vshll.u32 v30, $0x7  }
0xb0: {  	v23 =	vand.u32 $0xFFFFF800, v23;
	v26 =	vmul.f32 v26, v26;
	[tilespmem:v28+s15+$0x0] =	vst.idx.add.f32.msk $0xffff, v31;
	v28 =	vand.u32 $0x380, v30  }
0xb1: {  	v31 =	vor.u32 v11, v27;
	v23 =	vor.u32 v28, v23  }
0xb2: {  	v26 =	vmul.f32 v26, v20;
	v28 =	vor.u32 v1, v23;
	v25 =	vmul.f32 v25, v25  }
0xb3: {  	v30 =	vld [tilespmem:s20+$0xFFFFFFF0];
	v29 =	vmul.f32 v29, v29  }
0xb4: {  	[tilespmem:v32+s15+$0x0] =	vst.idx.add.f32.msk $0xffff, v26;
	v25 =	vmul.f32 v25, v17  }
0xb5: {  	v29 =	vmul.f32 v29, v22;
	v26 =	vld [tilespmem:s21+$0xFFFFFFC0]  }
0xb6: {  	[tilespmem:v31+s15+$0x0] =	vst.idx.add.f32.msk $0xffff, v25  }
0xb7: {  	[tilespmem:v28+s15+$0x0] =	vst.idx.add.f32.msk $0xffff, v29  }
0xb8: {  	v48 =	vor.u32 v8, v19;
	v30 =	vmul.f32 v30, v30;
	v25 =	vld [tilespmem:s31+$0x30]  }
0xb9: {  	v29 =	vld [tilespmem:s22+$0xFFFFFF90]  }
0xba: {  	v28 =	vmul.f32 v30, v18;
	v30 =	vor.u32 v5, v21  }
0xbb: {  	v26 =	vmul.f32 v26, v26  }
0xbc: {  	v33 =	vor.u32 v2, v23;
	v31 =	vor.u32 v12, v27  }
0xbd: {  	[tilespmem:v48+s15+$0x0] =	vst.idx.add.f32.msk $0xffff, v28;
	v26 =	vmul.f32 v26, v20;
	v25 =	vmul.f32 v25, v25  }
0xbe: {  	v28 =	vld [tilespmem:s20+$0x0];
	v29 =	vmul.f32 v29, v29  }
0xbf: {  	s30 =	simm.s32 $0x4;
	[tilespmem:v30+s15+$0x0] =	vst.idx.add.f32.msk $0xffff, v26;
	v25 =	vmul.f32 v25, v17  }
0xc0: {  	v49 =	vmov s30;
	v30 =	vld [tilespmem:s21+$0xFFFFFFD0];
	v29 =	vmul.f32 v29, v22  }
0xc1: {  	v32 =	vand.u32 $0x7F, v49;
	[tilespmem:v31+s15+$0x0] =	vst.idx.add.f32.msk $0xffff, v25  }
0xc2: {  	v50 =	vor.u32 v9, v19;
	v26 =	vadd.s32 v24, v32;
	[tilespmem:v33+s15+$0x0] =	vst.idx.add.f32.msk $0xffff, v29  }
0xc3: {  	v28 =	vmul.f32 v28, v28;
	v25 =	vbroadcast v26, $0x0;
	v26 =	vld [tilespmem:s31+$0x40]  }
0xc4: {  	v29 =	vld [tilespmem:s22+$0xFFFFFFA0]  }
0xc5: {  	v31 =	vor.u32 v6, v21;
	v28 =	vmul.f32 v28, v18  }
0xc6: {  	v30 =	vmul.f32 v30, v30  }
0xc7: {  	v51 =	vor.u32 v13, v27;
	[tilespmem:v50+s15+$0x0] =	vst.idx.add.f32.msk $0xffff, v28  }
0xc8: {  	v34 =	vor.u32 v3, v23;
	v28 =	vld [tilespmem:s20+$0x10];
	v30 =	vmul.f32 v30, v20;
	v26 =	vmul.f32 v26, v26  }
0xc9: {  	v29 =	vmul.f32 v29, v29  }
0xca: {  	[tilespmem:v31+s15+$0x0] =	vst.idx.add.f32.msk $0xffff, v30;
	v26 =	vmul.f32 v26, v17  }
0xcb: {  	v30 =	vld [tilespmem:s21+$0xFFFFFFE0];
	v29 =	vmul.f32 v29, v22  }
0xcc: {  	v31 =	vor.u32 v10, v19;
	[tilespmem:v51+s15+$0x0] =	vst.idx.add.f32.msk $0xffff, v26  }
0xcd: {  	v28 =	vmul.f32 v28, v28;
	[tilespmem:v34+s15+$0x0] =	vst.idx.add.f32.msk $0xffff, v29  }
0xce: {  	v26 =	vld [tilespmem:s31+$0x50]  }
0xcf: {  	v28 =	vmul.f32 v28, v18;
	v29 =	vld [tilespmem:s22+$0xFFFFFFB0]  }
0xd0: {  	v53 =	vor.u32 v7, v21;
	v52 =	vld.idx.msk [tilespmem:v25+s13+$0x0], $0xffff  }
0xd1: {  	v30 =	vmul.f32 v30, v30;
	[tilespmem:v31+s15+$0x0] =	vst.idx.add.f32.msk $0xffff, v28  }
0xd2: {  	s25 =	sadd.s32 $0x100, s22;
	v31 =	vor.u32 v14, v27;
	v28 =	vld [tilespmem:s20+$0x20]  }
0xd3: {  	v54 =	vld [tilespmem:s25+$0xFFFFFF80];
	v55 =	vor.u32 v4, v23;
	v30 =	vmul.f32 v30, v20;
	v36 =	vmul.f32 v26, v26  }
0xd4: {  	v56 =	vor.u32 v11, v19;
	v26 =	vld.idx.msk [tilespmem:v25+s12+$0x0], $0xffff;
	v29 =	vmul.f32 v29, v29  }
0xd5: {  	v35 =	vshll.u32 v52, $0x8;
	v33 =	vshll.u32 v52, $0x7;
	[tilespmem:v53+s15+$0x0] =	vst.idx.add.f32.msk $0xffff, v30;
	v30 =	vmul.f32 v36, v17  }
0xd6: {  	v33 =	vand.u32 $0x380, v33;
	v25 =	vand.u32 $0xFFFFF800, v35;
	v32 =	vld [tilespmem:s21+$0xFFFFFFF0];
	v29 =	vmul.f32 v29, v22  }
0xd7: {  	v25 =	vor.u32 v33, v25;
	v28 =	vmul.f32 v28, v28;
	[tilespmem:v31+s15+$0x0] =	vst.idx.add.f32.msk $0xffff, v30  }
0xd8: {  	v30 =	vor.u32 v1, v25;
	[tilespmem:v55+s15+$0x0] =	vst.idx.add.f32.msk $0xffff, v29  }
0xd9: {  	v34 =	vmul.f32 v54, v54;
	v31 =	vld [tilespmem:s31+$0x60];
	v28 =	vmul.f32 v28, v18  }
0xda: {  	v57 =	vor.u32 v8, v21;
	v29 =	vld [tilespmem:s22+$0xFFFFFFC0]  }
0xdb: {  	v34 =	vmul.f32 v34, v26;
	v32 =	vmul.f32 v32, v32;
	[tilespmem:v56+s15+$0x0] =	vst.idx.add.f32.msk $0xffff, v28  }
0xdc: {  	v28 =	vld [tilespmem:s20+$0x30]  }
0xdd: {  	v58 =	vor.u32 v15, v27;
	[tilespmem:v30+s15+$0x0] =	vst.idx.add.f32.msk $0xffff, v34;
	v30 =	vmul.f32 v32, v20  }
0xde: {  	v31 =	vmul.f32 v31, v31;
	v59 =	vld [tilespmem:s25+$0xFFFFFF90]  }
0xdf: {  	v60 =	vor.u32 v5, v23;
	[tilespmem:v57+s15+$0x0] =	vst.idx.add.f32.msk $0xffff, v30  }
0xe0: {  	v29 =	vmul.f32 v29, v29;
	v30 =	vmul.f32 v31, v17;
	v31 =	vld [tilespmem:s21+$0x0]  }
0xe1: {  	v61 =	vor.u32 v12, v19  }
0xe2: {  	v29 =	vmul.f32 v29, v22;
	v28 =	vmul.f32 v28, v28;
	[tilespmem:v58+s15+$0x0] =	vst.idx.add.f32.msk $0xffff, v30  }
0xe3: {  	v62 =	vor.u32 v2, v25;
	v37 =	vld [tilespmem:s31+$0x70];
	s31 =	simm.s32 $0x5  }
0xe4: {  	[tilespmem:v60+s15+$0x0] =	vst.idx.add.f32.msk $0xffff, v29;
	v30 =	vmul.f32 v59, v59;
	v28 =	vmul.f32 v28, v18;
	v29 =	vmov s31  }
0xe5: {  	v33 =	vld [tilespmem:s22+$0xFFFFFFD0];
	v29 =	vand.u32 $0x7F, v29;
	v63 =	vmul.f32 v31, v31;
	v31 =	vor.u32 v9, v21  }
0xe6: {  	v32 =	vmul.f32 v30, v26;
	[tilespmem:v61+s15+$0x0] =	vst.idx.add.f32.msk $0xffff, v28;
	v28 =	vadd.s32 v24, v29  }
0xe7: {  	v27 =	vor.u32 v16, v27;
	v30 =	vld [tilespmem:s20+$0x40];
	v29 =	vbroadcast v28, $0x0  }
0xe8: {  	[tilespmem:v62+s15+$0x0] =	vst.idx.add.f32.msk $0xffff, v32;
	v32 =	vmul.f32 v63, v20;
	v28 =	vmul.f32 v37, v37  }
0xe9: {  	s24 =	simm.s32 $0x6;
	s23 =	smov.u32 s25;
	v34 =	vor.u32 v6, v23;
	v35 =	vld [tilespmem:s25+$0xFFFFFFA0]  }
.LBB2_6:
0xea: {  	p1 =	seq.s32 s24, $0x27;
	v33 =	vmul.f32 v33, v33;
	[tilespmem:v31+s15+$0x0] =	vst.idx.add.f32.msk $0xffff, v32;
	v28 =	vmul.f32 v28, v17;
	v17 =	vmov v18  }
0xeb: {  	v32 =	vor.u32 v13, v19;
	v18 =	vmovc v20;
	v20 =	vmov v22;
	v22 =	vmov v26;
	v31 =	vld [tilespmem:s21+$0x10]  }
0xec: {  	v26 =	vmul.f32 v33, v20;
	v30 =	vmul.f32 v30, v30;
	[tilespmem:v27+s15+$0x0] =	vst.idx.add.f32.msk $0xffff, v28  }
0xed: {  	v28 =	vor.u32 v3, v25;
	v27 =	vld.idx.msk [tilespmem:v29+s13+$0x0], $0xffff  }
0xee: {  	v33 =	vmul.f32 v35, v35;
	[tilespmem:v34+s15+$0x0] =	vst.idx.add.f32.msk $0xffff, v26;
	v26 =	vmul.f32 v30, v17  }
0xef: {  	v34 =	vor.u32 v10, v21;
	v30 =	vld [tilespmem:s22+$0xFFFFFFE0]  }
0xf0: {  	v33 =	vmul.f32 v33, v22;
	v31 =	vmul.f32 v31, v31;
	[tilespmem:v32+s15+$0x0] =	vst.idx.add.f32.msk $0xffff, v26  }
0xf1: {  	v26 =	vld [tilespmem:s20+$0x50]  }
0xf2: {  	[tilespmem:v28+s15+$0x0] =	vst.idx.add.f32.msk $0xffff, v33;
	v28 =	vmul.f32 v31, v18  }
0xf3: {  	v32 =	vor.u32 v7, v23;
	v31 =	vld [tilespmem:s25+$0xFFFFFFB0]  }
0xf4: {  	v30 =	vmul.f32 v30, v30;
	[tilespmem:v34+s15+$0x0] =	vst.idx.add.f32.msk $0xffff, v28  }
0xf5: {  	v33 =	vor.u32 v14, v19;
	s25 =	sadd.s32 $0x100, s25;
	v28 =	vld [tilespmem:s21+$0x20]  }
0xf6: {  	v35 =	vshll.u32 v27, $0x8;
	v34 =	vld [tilespmem:s25+$0xFFFFFF80];
	v30 =	vmul.f32 v30, v20;
	v36 =	vmul.f32 v26, v26  }
0xf7: {  	v27 =	vshll.u32 v27, $0x7;
	v26 =	vld.idx.msk [tilespmem:v29+s12+$0x0], $0xffff;
	v29 =	vand.u32 $0xFFFFF800, v35;
	v35 =	vor.u32 v4, v25  }
0xf8: {  	v27 =	vand.u32 $0x380, v27;
	v31 =	vmul.f32 v31, v31;
	[tilespmem:v32+s15+$0x0] =	vst.idx.add.f32.msk $0xffff, v30;
	v30 =	vmul.f32 v36, v17  }
0xf9: {  	v36 =	vor.u32 v27, v29;
	v29 =	vor.u32 v11, v21;
	v27 =	vld [tilespmem:s22+$0xFFFFFFF0]  }
0xfa: {  	v31 =	vmul.f32 v31, v22;
	v28 =	vmul.f32 v28, v28;
	[tilespmem:v33+s15+$0x0] =	vst.idx.add.f32.msk $0xffff, v30  }
0xfb: {  	v30 =	vor.u32 v1, v36;
	v32 =	vld [tilespmem:s20+$0x60]  }
0xfc: {  	v33 =	vmul.f32 v34, v34;
	[tilespmem:v35+s15+$0x0] =	vst.idx.add.f32.msk $0xffff, v31;
	v28 =	vmul.f32 v28, v18  }
0xfd: {  	v34 =	vor.u32 v8, v23;
	v31 =	vld [tilespmem:s23+$0xFFFFFFC0]  }
0xfe: {  	v33 =	vmul.f32 v33, v26;
	v27 =	vmul.f32 v27, v27;
	[tilespmem:v29+s15+$0x0] =	vst.idx.add.f32.msk $0xffff, v28  }
0xff: {  	v29 =	vor.u32 v15, v19;
	v28 =	vld [tilespmem:s21+$0x30]  }
0x100: {  	[tilespmem:v30+s15+$0x0] =	vst.idx.add.f32.msk $0xffff, v33;
	v27 =	vmul.f32 v27, v20;
	v30 =	vmul.f32 v32, v32  }
0x101: {  	v33 =	vor.u32 v5, v25;
	v32 =	vld [tilespmem:s25+$0xFFFFFF90]  }
0x102: {  	v31 =	vmul.f32 v31, v31;
	[tilespmem:v34+s15+$0x0] =	vst.idx.add.f32.msk $0xffff, v27;
	v27 =	vmul.f32 v30, v17  }
0x103: {  	v34 =	vor.u32 v12, v21;
	v30 =	vld [tilespmem:s22+$0x0]  }
0x104: {  	v31 =	vmul.f32 v31, v22;
	v28 =	vmul.f32 v28, v28;
	[tilespmem:v29+s15+$0x0] =	vst.idx.add.f32.msk $0xffff, v27  }
0x105: {  	v35 =	vor.u32 v2, v36;
	v27 =	vmov s24;
	v37 =	vld [tilespmem:s20+$0x70];
	s20 =	smov.u32 s21;
	s21 =	smov.u32 s22;
	s22 =	smov.u32 s23  }
0x106: {  	v27 =	vand.u32 $0x7F, v27;
	s23 =	smov.u32 s25;
	v29 =	vmul.f32 v32, v32;
	[tilespmem:v33+s15+$0x0] =	vst.idx.add.f32.msk $0xffff, v31;
	v28 =	vmul.f32 v28, v18  }
.Ltmp1:
0x107: {  	v27 =	vadd.s32 v24, v27;
	v31 =	vor.u32 v9, v23;
	v33 =	vld [tilespmem:s22+$0xFFFFFFD0];
	(pc) =	sbr.rel @!p1 .LBB2_6-.Ltmp1, $4  }
0x108: {  	v32 =	vmul.f32 v29, v26;
	v38 =	vmul.f32 v30, v30;
	[tilespmem:v34+s15+$0x0] =	vst.idx.add.f32.msk $0xffff, v28  }
0x109: {  	v29 =	vbroadcast v27, $0x0;
	v27 =	vor.u32 v16, v19;
	v19 =	vmovc v21;
	v21 =	vmovc v23;
	v23 =	vmov v25;
	v30 =	vld [tilespmem:s20+$0x40]  }
0x10a: {  	v25 =	vmov v36;
	[tilespmem:v35+s15+$0x0] =	vst.idx.add.f32.msk $0xffff, v32;
	v32 =	vmul.f32 v38, v20;
	v28 =	vmul.f32 v37, v37  }
0x10b: {  	s24 =	sadd.s32 $0x1, s24;
	v34 =	vor.u32 v6, v23;
	v35 =	vld [tilespmem:s25+$0xFFFFFFA0]  }
0x10c: {  	_ =	sdelay $0x3  }
0x10d: {  	v24 =	vld.idx.msk [tilespmem:v29+s13+$0x0], $0xffff;
	_ =	sdelay $0x2  }
0x10e: {  	s24 =	sadd.s32 $0x100, s25  }
0x10f: {  	v36 =	vld [tilespmem:s24+$0xFFFFFF80]  }
0x110: {  	v37 =	vshll.u32 v24, $0x8;
	v38 =	vshll.u32 v24, $0x7  }
0x111: {  	v24 =	vld.idx.msk [tilespmem:v29+s12+$0x0], $0xffff;
	v55 =	vand.u32 $0xFFFFF800, v37;
	v56 =	vand.u32 $0x380, v38  }
0x112: {  	v29 =	vor.u32 v56, v55  }
0x113: {  	v37 =	vor.u32 v1, v29  }
0x114: {  	v36 =	vmul.f32 v36, v36;
	_ =	sdelay $0x1  }
0x115: {  	v36 =	vmul.f32 v36, v24;
	_ =	sdelay $0x1  }
0x116: {  	[tilespmem:v37+s15+$0x0] =	vst.idx.add.f32.msk $0xffff, v36  }
0x117: {  	v36 =	vld [tilespmem:s24+$0xFFFFFF90];
	_ =	sdelay $0x3  }
0x118: {  	v57 =	vor.u32 v2, v29  }
0x119: {  	v36 =	vmul.f32 v36, v36;
	_ =	sdelay $0x1  }
0x11a: {  	v36 =	vmul.f32 v36, v24;
	_ =	sdelay $0x1  }
0x11b: {  	[tilespmem:v57+s15+$0x0] =	vst.idx.add.f32.msk $0xffff, v36  }
0x11c: {  	v36 =	vld [tilespmem:s24+$0xFFFFFFA0];
	_ =	sdelay $0x1  }
0x11d: {  	v58 =	vor.u32 v3, v25  }
0x11e: {  	v35 =	vmul.f32 v35, v35  }
0x11f: {  	v59 =	vor.u32 v3, v29  }
0x120: {  	v35 =	vmul.f32 v35, v26;
	v36 =	vmul.f32 v36, v36;
	_ =	sdelay $0x1  }
0x121: {  	[tilespmem:v58+s15+$0x0] =	vst.idx.add.f32.msk $0xffff, v35;
	v36 =	vmul.f32 v36, v24  }
0x122: {  	v35 =	vld [tilespmem:s25+$0xFFFFFFB0]  }
0x123: {  	[tilespmem:v59+s15+$0x0] =	vst.idx.add.f32.msk $0xffff, v36  }
0x124: {  	v36 =	vld [tilespmem:s24+$0xFFFFFFB0];
	_ =	sdelay $0x1  }
0x125: {  	v60 =	vor.u32 v4, v25  }
0x126: {  	v35 =	vmul.f32 v35, v35  }
0x127: {  	v61 =	vor.u32 v4, v29  }
0x128: {  	v35 =	vmul.f32 v35, v26;
	v36 =	vmul.f32 v36, v36;
	_ =	sdelay $0x1  }
0x129: {  	[tilespmem:v60+s15+$0x0] =	vst.idx.add.f32.msk $0xffff, v35;
	v36 =	vmul.f32 v36, v24  }
0x12a: {  	v35 =	vld [tilespmem:s23+$0xFFFFFFC0]  }
0x12b: {  	[tilespmem:v61+s15+$0x0] =	vst.idx.add.f32.msk $0xffff, v36  }
0x12c: {  	v36 =	vld [tilespmem:s24+$0xFFFFFFC0];
	_ =	sdelay $0x1  }
0x12d: {  	v62 =	vor.u32 v5, v25  }
0x12e: {  	v35 =	vmul.f32 v35, v35  }
0x12f: {  	v63 =	vor.u32 v5, v29  }
0x130: {  	v35 =	vmul.f32 v35, v26;
	v36 =	vmul.f32 v36, v36;
	_ =	sdelay $0x1  }
0x131: {  	[tilespmem:v62+s15+$0x0] =	vst.idx.add.f32.msk $0xffff, v35;
	v36 =	vmul.f32 v36, v24  }
0x132: {  	v35 =	vld [tilespmem:s23+$0xFFFFFFD0]  }
0x133: {  	v33 =	vmul.f32 v33, v33;
	[tilespmem:v63+s15+$0x0] =	vst.idx.add.f32.msk $0xffff, v36  }
0x134: {  	v36 =	vld [tilespmem:s24+$0xFFFFFFD0]  }
0x135: {  	v33 =	vmul.f32 v33, v22  }
0x136: {  	v40 =	vor.u32 v6, v25  }
0x137: {  	[tilespmem:v34+s15+$0x0] =	vst.idx.add.f32.msk $0xffff, v33;
	v35 =	vmul.f32 v35, v35  }
0x138: {  	v43 =	vld [tilespmem:s22+$0xFFFFFFE0];
	v42 =	vor.u32 v6, v29  }
0x139: {  	v41 =	vmul.f32 v35, v26;
	v36 =	vmul.f32 v36, v36;
	_ =	sdelay $0x1  }
0x13a: {  	[tilespmem:v40+s15+$0x0] =	vst.idx.add.f32.msk $0xffff, v41;
	v36 =	vmul.f32 v36, v24  }
0x13b: {  	v44 =	vor.u32 v7, v23;
	v33 =	vld [tilespmem:s23+$0xFFFFFFE0]  }
0x13c: {  	v45 =	vmul.f32 v43, v43;
	[tilespmem:v42+s15+$0x0] =	vst.idx.add.f32.msk $0xffff, v36  }
0x13d: {  	v46 =	vld [tilespmem:s24+$0xFFFFFFE0]  }
0x13e: {  	v34 =	vmul.f32 v45, v22  }
0x13f: {  	v47 =	vor.u32 v7, v25  }
0x140: {  	[tilespmem:v44+s15+$0x0] =	vst.idx.add.f32.msk $0xffff, v34;
	v33 =	vmul.f32 v33, v33  }
0x141: {  	v48 =	vor.u32 v7, v29;
	v37 =	vld [tilespmem:s22+$0xFFFFFFF0]  }
0x142: {  	v33 =	vmul.f32 v33, v26;
	v35 =	vmul.f32 v46, v46;
	_ =	sdelay $0x1  }
0x143: {  	[tilespmem:v47+s15+$0x0] =	vst.idx.add.f32.msk $0xffff, v33;
	v35 =	vmul.f32 v35, v24  }
0x144: {  	v49 =	vor.u32 v8, v23;
	v33 =	vld [tilespmem:s23+$0xFFFFFFF0]  }
0x145: {  	v50 =	vmul.f32 v37, v37;
	[tilespmem:v48+s15+$0x0] =	vst.idx.add.f32.msk $0xffff, v35  }
0x146: {  	v35 =	vld [tilespmem:s24+$0xFFFFFFF0]  }
0x147: {  	v34 =	vmul.f32 v50, v22  }
0x148: {  	v51 =	vor.u32 v8, v25  }
0x149: {  	[tilespmem:v49+s15+$0x0] =	vst.idx.add.f32.msk $0xffff, v34;
	v33 =	vmul.f32 v33, v33  }
0x14a: {  	v52 =	vor.u32 v8, v29;
	v36 =	vld [tilespmem:s22+$0x0]  }
0x14b: {  	v33 =	vmul.f32 v33, v26;
	v35 =	vmul.f32 v35, v35;
	_ =	sdelay $0x1  }
0x14c: {  	[tilespmem:v51+s15+$0x0] =	vst.idx.add.f32.msk $0xffff, v33;
	v35 =	vmul.f32 v35, v24  }
0x14d: {  	v53 =	vor.u32 v9, v23;
	v33 =	vld [tilespmem:s23+$0x0]  }
0x14e: {  	v54 =	vmul.f32 v36, v36;
	[tilespmem:v52+s15+$0x0] =	vst.idx.add.f32.msk $0xffff, v35  }
0x14f: {  	v35 =	vld [tilespmem:s24+$0x0]  }
0x150: {  	v56 =	vmul.f32 v54, v22  }
0x151: {  	v55 =	vor.u32 v9, v25  }
0x152: {  	v57 =	vmul.f32 v33, v33;
	[tilespmem:v53+s15+$0x0] =	vst.idx.add.f32.msk $0xffff, v56  }
0x153: {  	v60 =	vor.u32 v9, v29;
	v61 =	vld [tilespmem:s22+$0x10]  }
0x154: {  	[tilespmem:v31+s15+$0x0] =	vst.idx.add.f32.msk $0xffff, v32;
	v59 =	vmul.f32 v57, v26;
	v35 =	vmul.f32 v35, v35  }
0x155: {  	v58 =	vld [tilespmem:s21+$0x10]  }
0x156: {  	[tilespmem:v55+s15+$0x0] =	vst.idx.add.f32.msk $0xffff, v59;
	v35 =	vmul.f32 v35, v24  }
0x157: {  	v63 =	vor.u32 v10, v23;
	v36 =	vld [tilespmem:s23+$0x10]  }
0x158: {  	v39 =	vmul.f32 v61, v61;
	[tilespmem:v60+s15+$0x0] =	vst.idx.add.f32.msk $0xffff, v35  }
0x159: {  	v62 =	vor.u32 v10, v21;
	v40 =	vld [tilespmem:s24+$0x10]  }
0x15a: {  	v33 =	vmul.f32 v58, v58;
	v42 =	vmul.f32 v39, v22  }
0x15b: {  	v41 =	vor.u32 v10, v25  }
0x15c: {  	v38 =	vmul.f32 v33, v20;
	v43 =	vmul.f32 v36, v36;
	[tilespmem:v63+s15+$0x0] =	vst.idx.add.f32.msk $0xffff, v42  }
0x15d: {  	v46 =	vor.u32 v10, v29;
	v47 =	vld [tilespmem:s22+$0x20]  }
0x15e: {  	[tilespmem:v62+s15+$0x0] =	vst.idx.add.f32.msk $0xffff, v38;
	v45 =	vmul.f32 v43, v26;
	v34 =	vmul.f32 v40, v40  }
0x15f: {  	v44 =	vld [tilespmem:s21+$0x20]  }
0x160: {  	[tilespmem:v41+s15+$0x0] =	vst.idx.add.f32.msk $0xffff, v45;
	v34 =	vmul.f32 v34, v24  }
0x161: {  	v49 =	vor.u32 v11, v23;
	v35 =	vld [tilespmem:s23+$0x20]  }
0x162: {  	v51 =	vmul.f32 v47, v47;
	[tilespmem:v46+s15+$0x0] =	vst.idx.add.f32.msk $0xffff, v34  }
0x163: {  	v48 =	vor.u32 v11, v21;
	v34 =	vld [tilespmem:s24+$0x20]  }
0x164: {  	v33 =	vmul.f32 v44, v44;
	v53 =	vmul.f32 v51, v22  }
0x165: {  	v52 =	vor.u32 v11, v25  }
0x166: {  	v50 =	vmul.f32 v33, v20;
	[tilespmem:v49+s15+$0x0] =	vst.idx.add.f32.msk $0xffff, v53;
	v54 =	vmul.f32 v35, v35  }
0x167: {  	v57 =	vor.u32 v11, v29;
	v58 =	vld [tilespmem:s22+$0x30]  }
0x168: {  	[tilespmem:v48+s15+$0x0] =	vst.idx.add.f32.msk $0xffff, v50;
	v56 =	vmul.f32 v54, v26;
	v34 =	vmul.f32 v34, v34  }
0x169: {  	v55 =	vld [tilespmem:s21+$0x30]  }
0x16a: {  	[tilespmem:v52+s15+$0x0] =	vst.idx.add.f32.msk $0xffff, v56;
	v34 =	vmul.f32 v34, v24  }
0x16b: {  	v61 =	vor.u32 v12, v23;
	v36 =	vld [tilespmem:s23+$0x30]  }
0x16c: {  	v62 =	vmul.f32 v58, v58;
	[tilespmem:v57+s15+$0x0] =	vst.idx.add.f32.msk $0xffff, v34  }
0x16d: {  	v60 =	vor.u32 v12, v21;
	v63 =	vld [tilespmem:s24+$0x30]  }
0x16e: {  	v33 =	vmul.f32 v55, v55;
	v39 =	vmul.f32 v62, v22  }
0x16f: {  	v38 =	vor.u32 v12, v25  }
0x170: {  	v33 =	vmul.f32 v33, v20;
	[tilespmem:v61+s15+$0x0] =	vst.idx.add.f32.msk $0xffff, v39;
	v40 =	vmul.f32 v36, v36  }
0x171: {  	v43 =	vor.u32 v12, v29;
	v44 =	vld [tilespmem:s22+$0x40]  }
0x172: {  	[tilespmem:v60+s15+$0x0] =	vst.idx.add.f32.msk $0xffff, v33;
	v42 =	vmul.f32 v40, v26;
	v35 =	vmul.f32 v63, v63  }
0x173: {  	v59 =	vor.u32 v13, v19;
	v41 =	vld [tilespmem:s21+$0x40]  }
0x174: {  	v30 =	vmul.f32 v30, v30;
	[tilespmem:v38+s15+$0x0] =	vst.idx.add.f32.msk $0xffff, v42;
	v35 =	vmul.f32 v35, v24  }
0x175: {  	v47 =	vor.u32 v13, v23;
	v31 =	vld [tilespmem:s23+$0x40]  }
0x176: {  	v30 =	vmul.f32 v30, v18;
	v33 =	vmul.f32 v44, v44;
	[tilespmem:v43+s15+$0x0] =	vst.idx.add.f32.msk $0xffff, v35  }
0x177: {  	v45 =	vor.u32 v13, v21;
	v49 =	vld [tilespmem:s24+$0x40]  }
0x178: {  	[tilespmem:v59+s15+$0x0] =	vst.idx.add.f32.msk $0xffff, v30;
	v51 =	vmul.f32 v33, v22;
	v34 =	vmul.f32 v41, v41  }
0x179: {  	v50 =	vor.u32 v13, v25;
	v46 =	vld [tilespmem:s20+$0x50]  }
0x17a: {  	[tilespmem:v47+s15+$0x0] =	vst.idx.add.f32.msk $0xffff, v51;
	v48 =	vmul.f32 v34, v20;
	v31 =	vmul.f32 v31, v31  }
0x17b: {  	v56 =	vor.u32 v13, v29;
	v37 =	vld [tilespmem:s22+$0x50]  }
0x17c: {  	[tilespmem:v45+s15+$0x0] =	vst.idx.add.f32.msk $0xffff, v48;
	v55 =	vmul.f32 v31, v26;
	v34 =	vmul.f32 v49, v49  }
0x17d: {  	v52 =	vor.u32 v14, v19;
	v54 =	vld [tilespmem:s21+$0x50]  }
0x17e: {  	v53 =	vmul.f32 v46, v46;
	[tilespmem:v50+s15+$0x0] =	vst.idx.add.f32.msk $0xffff, v55;
	v34 =	vmul.f32 v34, v24  }
0x17f: {  	v59 =	vor.u32 v14, v23;
	v35 =	vld [tilespmem:s23+$0x50]  }
0x180: {  	v33 =	vmul.f32 v53, v18;
	v61 =	vmul.f32 v37, v37;
	[tilespmem:v56+s15+$0x0] =	vst.idx.add.f32.msk $0xffff, v34  }
0x181: {  	v57 =	vor.u32 v14, v21;
	v34 =	vld [tilespmem:s24+$0x50]  }
0x182: {  	[tilespmem:v52+s15+$0x0] =	vst.idx.add.f32.msk $0xffff, v33;
	v39 =	vmul.f32 v61, v22;
	v58 =	vmul.f32 v54, v54  }
0x183: {  	v62 =	vld [tilespmem:s20+$0x60];
	v63 =	vor.u32 v14, v25  }
0x184: {  	[tilespmem:v59+s15+$0x0] =	vst.idx.add.f32.msk $0xffff, v39;
	v60 =	vmul.f32 v58, v20;
	v40 =	vmul.f32 v35, v35  }
0x185: {  	v43 =	vor.u32 v14, v29;
	v33 =	vld [tilespmem:s22+$0x60]  }
0x186: {  	[tilespmem:v57+s15+$0x0] =	vst.idx.add.f32.msk $0xffff, v60;
	v42 =	vmul.f32 v40, v26;
	v34 =	vmul.f32 v34, v34  }
0x187: {  	v44 =	vor.u32 v15, v19;
	v41 =	vld [tilespmem:s21+$0x60]  }
0x188: {  	v45 =	vmul.f32 v62, v62;
	[tilespmem:v63+s15+$0x0] =	vst.idx.add.f32.msk $0xffff, v42;
	v34 =	vmul.f32 v34, v24  }
0x189: {  	v47 =	vor.u32 v15, v23;
	v37 =	vld [tilespmem:s23+$0x60]  }
0x18a: {  	v30 =	vmul.f32 v45, v18;
	v33 =	vmul.f32 v33, v33;
	[tilespmem:v43+s15+$0x0] =	vst.idx.add.f32.msk $0xffff, v34  }
0x18b: {  	v46 =	vor.u32 v15, v21;
	v34 =	vld [tilespmem:s24+$0x60]  }
0x18c: {  	[tilespmem:v44+s15+$0x0] =	vst.idx.add.f32.msk $0xffff, v30;
	v49 =	vmul.f32 v33, v22;
	v32 =	vmul.f32 v41, v41  }
0x18d: {  	v48 =	vor.u32 v15, v25;
	v35 =	vld [tilespmem:s20+$0x70]  }
0x18e: {  	[tilespmem:v47+s15+$0x0] =	vst.idx.add.f32.msk $0xffff, v49;
	v32 =	vmul.f32 v32, v20;
	v50 =	vmul.f32 v37, v37  }
0x18f: {  	v52 =	vor.u32 v15, v29;
	v54 =	vld [tilespmem:s22+$0x70]  }
0x190: {  	[tilespmem:v46+s15+$0x0] =	vst.idx.add.f32.msk $0xffff, v32;
	v51 =	vmul.f32 v50, v26;
	v34 =	vmul.f32 v34, v34  }
0x191: {  	v53 =	vld [tilespmem:s21+$0x70]  }
0x192: {  	[tilespmem:v48+s15+$0x0] =	vst.idx.add.f32.msk $0xffff, v51;
	v55 =	vmul.f32 v34, v24  }
0x193: {  	v56 =	vld [tilespmem:s23+$0x70]  }
0x194: {  	[tilespmem:v52+s15+$0x0] =	vst.idx.add.f32.msk $0xffff, v55  }
0x195: {  	v17 =	vmul.f32 v28, v17;
	v19 =	vor.u32 v16, v19;
	v57 =	vld [tilespmem:s24+$0x70]  }
0x196: {  	v59 =	vor.u32 v16, v21;
	v58 =	vmul.f32 v35, v35  }
0x197: {  	[tilespmem:v27+s15+$0x0] =	vst.idx.add.f32.msk $0xffff, v17;
	v60 =	vor.u32 v16, v23;
	v17 =	vmul.f32 v53, v53  }
0x198: {  	v62 =	vor.u32 v16, v25;
	v18 =	vmul.f32 v58, v18;
	v61 =	vmul.f32 v54, v54  }
0x199: {  	v29 =	vor.u32 v16, v29;
	v17 =	vmul.f32 v17, v20;
	v63 =	vmul.f32 v56, v56  }
0x19a: {  	[tilespmem:v19+s15+$0x0] =	vst.idx.add.f32.msk $0xffff, v18;
	v18 =	vmul.f32 v61, v22;
	v19 =	vmul.f32 v57, v57  }
0x19b: {  	[tilespmem:v59+s15+$0x0] =	vst.idx.add.f32.msk $0xffff, v17;
	v17 =	vmul.f32 v63, v26  }
0x19c: {  	[tilespmem:v60+s15+$0x0] =	vst.idx.add.f32.msk $0xffff, v18;
	v18 =	vmul.f32 v19, v24  }
0x19d: {  	[tilespmem:v62+s15+$0x0] =	vst.idx.add.f32.msk $0xffff, v17  }
0x19e: {  	[tilespmem:v29+s15+$0x0] =	vst.idx.add.f32.msk $0xffff, v18  }
0x19f: {  	p1 =	seq.s32 s19, $0x67  }
.Ltmp2:
0x1a0: {  	_ = 	snop;
	(pc) =	sbr.rel @!p1 .LBB2_5-.Ltmp2, $2  }
0x1a1: {  	_ =	sdelay $0x2  }
0x1a2: {  	p0 =	por !p0, !p0  }
0x1a3: {  	s17 =	sadd.s32 $0x1, s17  }
0x1a4: {  	p0 =	sne.s32 s17, s11  }
.Ltmp3:
0x1a5: {  	_ = 	snop;
	(pc) =	sbr.rel @p0 .LBB2_1-.Ltmp3, $4  }
0x1a6: {  	[hbm4b:s10+s5] =	stream.linear.scatter [tilespmem:s15], [sflag:$0x2], $0x18000, $0x38;
	[tilespmem:$0x1D200] =	vst v63  }
0x1a7: {  	_ =	swait.ge [sflag:s16], $0x18000  }
0x1a8: {  	[sflag:s16] =	ssyncset.done $0x0  }
0x1a9: {  	[sflag:s16] =	ssyncadd.s32 $0xFFFE8000  }
0x1aa: {  	_ =	sfence.sel $0x180000  }
0x1ab: {  	[bflag:$0x0] =	sbarrier.arrive $0xFFFF  }
0x1ac: {  	p0 =	sne.s32 s0, $0x0;
	_ =	strace $0x90000047  }
0x1ad: {  	s0 =	sadd.s32 @!p0 $0x100000, s3;
	[bflag:$0x2] =	sbarrier.arrive $0xFFFF  }
0x1ae: {  	[sflag:s0] =	ssyncadd.tile.s32 @!p0 $0x1;
	_ =	shalt  }
.Lfunc_end2:
_tile_overlayer_lowered:
.L_overlay_start_2:
0x1af: {  	(tag) =	ssettag $0x2  }
0x1b0: {  	s0 =	rddreg [dreg:$0x0];
	s2 =	stileid.u32  }
0x1b1: {  	s1 =	rddreg [dreg:$0x1];
	p0 =	sne.s32 s2, $0x0  }
0x1b2: {  	s3 =	rddreg [dreg:$0x2];
	[bflag:$0x3] =	sbarrier.arrive $0xFFFF;
	s2 =	simm.s32 @!p0 $0x1C02  }
0x1b3: {  	[timem:s3], [sflag:s2] =	dma.local @!p0 [hbm:s0], s1  }
0x1b4: {  	s0 =	simm.s32 @!p0 $0x2  }
0x1b5: {  	_ =	swait.ge @!p0 [sflag:s0], s1  }
0x1b6: {  	s1 =	ssub.s32 @!p0 $0x0, s1;
	[sflag:s0] =	ssyncset.done @!p0 $0x0  }
0x1b7: {  	[sflag:s0] =	ssyncadd.s32 @!p0 s1  }
0x1b8: {  	[bflag:$0x3] =	sbarrier.arrive $0xFFFF  }
0x1b9: {  	_ =	shalt  }

// kernel: _sc_spectrum.7.cloned.1.call-start
scs
__scs_entry_jumppad:
0x0: {  	(pc) =	sbr.rel $0x88, $3  }
0x1: {  	(tag) =	ssettag $0x0;
	lr =	simm.s32 $0x1  }
0x2: {  	[smem:$0x3F9E] =	sst lr;
	_ =	strace $0xD0000000  }
0x3: {  	_ = 	snop  }
0x4: {  	_ = 	snop  }
0x5: {  	_ = 	snop  }
0x6: {  	_ = 	snop  }
0x7: {  	_ = 	snop  }
__scs_overlays_trampoline_lowered:
0x8: {  	[smem:$0x3FAD] =	sst s0  }
0x9: {  	[smem:$0x3FAE] =	sst s1  }
0xa: {  	[smem:$0x3FAF] =	sst s2  }
0xb: {  	[smem:$0x3FB0] =	sst s3  }
0xc: {  	[smem:$0x3FB1] =	sst s4  }
0xd: {  	[smem:$0x3FB2] =	sst s5  }
0xe: {  	[smem:$0x3FB3] =	sst s6  }
0xf: {  	[smem:$0x3FB4] =	sst s7  }
0x10: {  	[smem:$0x3FB5] =	sst s8  }
0x11: {  	[smem:$0x3FB6] =	sst s9;
	s0 =	simm.s32 @!p0 $0x0  }
0x12: {  	s1 =	sld [smem:$0x3F9C];
	s0 =	simm.s32 @p0 $0x1  }
0x13: {  	[smem:$0x3FB7] =	sst s0;
	s0 =	simm.s32 @!p1 $0x0  }
0x14: {  	s2 =	sld [smem:$0x3F9B];
	s0 =	simm.s32 @p1 $0x1  }
0x15: {  	[smem:$0x3FB8] =	sst s0;
	s0 =	simm.s32 @!p2 $0x0  }
0x16: {  	s3 =	sld [smem:$0x3FDB];
	s0 =	simm.s32 @p2 $0x1  }
0x17: {  	s4 =	simm.s32 $0x1BF5;
	[smem:$0x3FBA] =	sst s0  }
0x18: {  	s0 =	sld [smem:$0x3F9D];
	_ =	swait.ge [sflag:s4], $0x0  }
0x19: {  	s7 =	sld [smem:$0x3F9E]  }
0x1a: {  	s8 =	sadd.s32 $0xFFFFE003, lr  }
0x1b: {  	s9 =	sadd.s32 $0xFFFFFEF7, lr;
	s5 =	simm.s32 $0xFFFFFFFF;
	p2 =	slt.u32 s8, $0xFFFFF086  }
0x1c: {  	p1 =	slt.u32 s9, $0xF7A;
	s5 =	simm.s32 @!p2 $0x0  }
0x1d: {  	s5 =	simm.s32 @p1 $0x1;
	p0 =	seq.s32 s7, s2  }
0x1e: {  	s7 =	smul.u32 @!p0 $0xF7A, s2;
	p2 =	seq.s32 @!p0 s5, $0x0  }
0x1f: {  	s9 =	smul.u32 $0xF7A, s1;
	s8 =	simm.s32 @!p0 $0x1BF5;
	p2 =	por !p2, p0  }
0x20: {  	[sflag:s8] =	ssyncset.s32 @!p0 $0xFFFFF086;
	s6 =	sadd.s32 @!p0 s3, s7;
	s7 =	simm.s32 @!p0 $0x108  }
0x21: {  	s3 =	sadd.s32 s3, s9;
	s6 =	sadd.s32 @!p0 $0x88, s6;
	s7 =	simm.s32 @p2 $0x1082  }
0x22: {  	[simem:s7], [sflag:s8] =	dma.local @!p0 [hbm:s6], $0xF7A  }
0x23: {  	s9 =	sor.u32 $0xD0000000, s2;
	s6 =	simm.s32 $0x108;
	_ =	swait.ge @!p0 [sflag:s8], $0x0  }
0x24: {  	s3 =	sadd.s32 $0x88, s3;
	s6 =	simm.s32 @!p1 $0x1082;
	[sflag:s4] =	ssyncset.s32 $0xFFFFF086  }
0x25: {  	[simem:s6], [sflag:s4] =	dma.local [hbm:s3], $0xF7A  }
0x26: {  	[smem:$0x3F9E] =	sst s1;
	(tag) =	ssettag s2;
	_ =	strace s9  }
0x27: {  	s1 =	sld [smem:$0x3FAE]  }
0x28: {  	s2 =	sld [smem:$0x3FAF]  }
0x29: {  	s4 =	sld [smem:$0x3FB1]  }
0x2a: {  	p0 =	seq.s32 s5, $0x0;
	s5 =	sld [smem:$0x3FB2]  }
0x2b: {  	s6 =	sld [smem:$0x3FB3]  }
0x2c: {  	s7 =	sld [smem:$0x3FB4]  }
0x2d: {  	s3 =	simm.s32 $0x108;
	s8 =	sld [smem:$0x3FB5]  }
0x2e: {  	s3 =	simm.s32 @!p0 $0x1082;
	s9 =	sld [smem:$0x3FB6]  }
0x2f: {  	lr =	sadd.s32 s0, s3;
	s0 =	sld [smem:$0x3FAD]  }
0x30: {  	s3 =	sld [smem:$0x3FB0]  }
0x31: {  	[smem:$0x3FB9] =	sst s10  }
0x32: {  	s10 =	sld [smem:$0x3FB7];
	_ =	sdelay $0x3  }
0x33: {  	p0 =	seq.s32 s10, $0x1;
	s10 =	sld [smem:$0x3FB9];
	_ =	sdelay $0x3  }
0x34: {  	[smem:$0x3FB9] =	sst s10  }
0x35: {  	s10 =	sld [smem:$0x3FB8];
	_ =	sdelay $0x3  }
0x36: {  	p1 =	seq.s32 s10, $0x1;
	s10 =	sld [smem:$0x3FB9];
	_ =	sdelay $0x3  }
0x37: {  	[smem:$0x3FB9] =	sst s10  }
0x38: {  	s10 =	sld [smem:$0x3FBA]  }
0x39: {  	_ = 	snop;
	(pc) =	sbr.ind lr, $3  }
0x3a: {  	_ = 	snop  }
0x3b: {  	_ = 	snop  }
0x3c: {  	p2 =	seq.s32 s10, $0x1;
	s10 =	sld [smem:$0x3FB9]  }
0x3d: {  	_ =	shalt  }
0x3e: {  	_ =	shalt  }
0x3f: {  	_ =	shalt  }
0x40: {  	_ =	shalt  }
0x41: {  	_ =	shalt  }
0x42: {  	_ =	shalt  }
0x43: {  	_ =	shalt  }
0x44: {  	_ =	shalt  }
0x45: {  	_ =	shalt  }
0x46: {  	_ =	shalt  }
0x47: {  	_ =	shalt  }
0x48: {  	_ =	shalt  }
0x49: {  	_ =	shalt  }
0x4a: {  	_ =	shalt  }
0x4b: {  	_ =	shalt  }
0x4c: {  	_ =	shalt  }
0x4d: {  	_ =	shalt  }
0x4e: {  	_ =	shalt  }
0x4f: {  	_ =	shalt  }
0x50: {  	_ =	shalt  }
0x51: {  	_ =	shalt  }
0x52: {  	_ =	shalt  }
0x53: {  	_ =	shalt  }
0x54: {  	_ =	shalt  }
0x55: {  	_ =	shalt  }
0x56: {  	_ =	shalt  }
0x57: {  	_ =	shalt  }
0x58: {  	_ =	shalt  }
0x59: {  	_ =	shalt  }
0x5a: {  	_ =	shalt  }
0x5b: {  	_ =	shalt  }
0x5c: {  	_ =	shalt  }
0x5d: {  	_ =	shalt  }
0x5e: {  	_ =	shalt  }
0x5f: {  	_ =	shalt  }
0x60: {  	_ =	shalt  }
0x61: {  	_ =	shalt  }
0x62: {  	_ =	shalt  }
0x63: {  	_ =	shalt  }
0x64: {  	_ =	shalt  }
0x65: {  	_ =	shalt  }
0x66: {  	_ =	shalt  }
0x67: {  	_ =	shalt  }
0x68: {  	_ =	shalt  }
0x69: {  	_ =	shalt  }
0x6a: {  	_ =	shalt  }
0x6b: {  	_ =	shalt  }
0x6c: {  	_ =	shalt  }
0x6d: {  	_ =	shalt  }
0x6e: {  	_ =	shalt  }
0x6f: {  	_ =	shalt  }
0x70: {  	_ =	shalt  }
0x71: {  	_ =	shalt  }
0x72: {  	_ =	shalt  }
0x73: {  	_ =	shalt  }
0x74: {  	_ =	shalt  }
0x75: {  	_ =	shalt  }
0x76: {  	_ =	shalt  }
0x77: {  	_ =	shalt  }
0x78: {  	_ =	shalt  }
0x79: {  	_ =	shalt  }
0x7a: {  	_ =	shalt  }
0x7b: {  	_ =	shalt  }
0x7c: {  	_ =	shalt  }
0x7d: {  	_ =	shalt  }
0x7e: {  	_ =	shalt  }
0x7f: {  	_ =	shalt  }
0x80: {  	_ =	shalt  }
0x81: {  	_ =	shalt  }
0x82: {  	_ =	shalt  }
0x83: {  	_ =	shalt  }
0x84: {  	_ =	shalt  }
0x85: {  	_ =	shalt  }
0x86: {  	_ =	shalt  }
0x87: {  	_ =	shalt  }
.Lfunc_end0:
.L_simem_size_0:
called_computation.1_lowered:
.L_overlay_start_0:
0x88: {  	s2 =	sld [smem:$0x3FD9]  }
0x89: {  	s3 =	sld [smem:$0x3FFE];
	_ =	sdelay $0x1  }
0x8a: {  	s1 =	srdreg.scid  }
0x8b: {  	s0 =	sand.u32 $0x1, s1  }
0x8c: {  	s17 =	sshll.u32 s0, $0xA;
	s2 =	sadd.s32 s3, s2  }
0x8d: {  	s2 =	sadd.s32 s2, s17  }
0x8e: {  	[smem:$0x3FC5] =	sst s2  }
0x8f: {  	_ = 	snop  }
0x90: {  	s2 =	sld [smem:$0x3FD0];
	(tm) =	ssettm $0x1  }
0x91: {  	s18 =	sld [smem:$0x3FFB];
	_ =	sdelay $0x3  }
0x92: {  	_ =	strace s18  }
0x93: {  	s3 =	sld [smem:$0x3FFC];
	_ =	sdelay $0x3  }
0x94: {  	_ =	strace s3  }
0x95: {  	s3 =	sld [smem:$0x3FFD];
	_ =	sdelay $0x3  }
0x96: {  	_ =	strace s3  }
0x97: {  	_ =	strace $0x8FFFFFFF  }
0x98: {  	s19 =	sld [smem:$0x3FDB];
	_ =	sdelay $0x1  }
0x99: {  	s4 =	simm.s32 $_scs_section_size  }
0x9a: {  	s5 =	simm.s32 $_size__tile_overlayer_lowered;
	s6 =	simm.s32 $_tile_overlayer_lowered  }
0x9b: {  	s22 =	simm.s32 $0x1BFF;
	s21 =	sshll.u32 s6, $0x1;
	s3 =	sadd.s32 s4, s19  }
0x9c: {  	s7 =	simm.s32 $0x0;
	s20 =	sshll.u32 s5, $0x1;
	s5 =	sadd.s32 s21, s3  }
0x9d: {  	[timem:s7], [sflag:s22] =	dma.local [hbm:s5], s20  }
0x9e: {  	_ =	swait.ge [sflag:s22], s20  }
0x9f: {  	s4 =	ssub.s32 $0x0, s20;
	[sflag:s22] =	ssyncset.done $0x0  }
0xa0: {  	[sflag:s22] =	ssyncadd.s32 s4;
	_ =	sdelay $0x1  }
0xa1: {  	s23 =	simm.s32 $0x1B8B  }
0xa2: {  	_ =	swait.ge [sflag:s23], $0x1  }
0xa3: {  	[sflag:s23] =	ssyncset.done $0x0  }
0xa4: {  	s25 =	simm.s32 $0x1B8E;
	s24 =	sld [smem:$0x3FFE];
	[sflag:s23] =	ssyncadd.s32 $0xFFFFFFFF  }
0xa5: {  	s26 =	simm.s32 $execute0_lowered;
	[smem:$0x3FD2] =	sst s25  }
0xa6: {  	s5 =	sshll.u32 s26, $0x1;
	_ =	strace $0x80000049;
	[dreg:$0x1] =	wrdreg $0xFFFFFFFF  }
0xa7: {  	s28 =	simm.s32 $_size_execute0_lowered;
	s3 =	sadd.s32 s3, s5;
	[dreg:$0x0] =	wrdreg $0x0  }
0xa8: {  	s5 =	sshll.u32 s28, $0x1;
	[dreg:$0x2] =	wrdreg s3  }
0xa9: {  	[dreg:$0x3] =	wrdreg s5  }
0xaa: {  	[dreg:$0x4] =	wrdreg $0xC0  }
0xab: {  	_ =	task [dreg:s7], $0x5FFFF  }
0xac: {  	[dreg:$0x1] =	wrdreg $0xFFFFFFFF  }
0xad: {  	[dreg:$0x0] =	wrdreg $0x60  }
0xae: {  	[dreg:$0x2] =	wrdreg s24  }
0xaf: {  	[dreg:$0x3] =	wrdreg s2  }
0xb0: {  	[dreg:$0x4] =	wrdreg $0x9  }
0xb1: {  	_ =	task.clear_ibuf [dreg:s7], $0x5FFFF;
	_ =	strace $0x90000049  }
0xb2: {  	s29 =	simm.s32 $0x9;
	_ =	strace $0x8000004B  }
0xb3: {  	_ =	swait.ge [sflag:s29], $0x1  }
0xb4: {  	[sflag:s29] =	ssyncadd.s32 $0xFFFFFFFF  }
0xb5: {  	_ =	strace $0x9000004B  }
0xb6: {  	_ =	sfence  }
0xb7: {  	s30 =	sld [smem:$0x0];
	_ =	sdelay $0x2  }
0xb8: {  	s31 =	sshll.u32 s1, $0xD;
	s1 =	sshrl.u32 s1, $0x2  }
0xb9: {  	s3 =	sand.u32 $0x4000, s31;
	s1 =	sadd.s32 s1, s30  }
0xba: {  	s0 =	sor.u32 s3, s0;
	s1 =	sshll.u32 s1, $0x11  }
0xbb: {  	s0 =	sor.u32 s1, s0  }
0xbc: {  	s0 =	sadd.s32 $0x8F2B, s0  }
0xbd: {  	[sflag:s0] =	ssyncadd.remote.s32 $0x1  }
0xbe: {  	_ =	sfence.sel $0xFFFF  }
0xbf: {  	[dreg:$0x0] =	wrdreg $0xFFFFFFFF;
	(pc) =	sbr.abs _section_cstart, $3  }
0xc0: {  	[dreg:$0x1] =	wrdreg $0xFFFFFFFF  }
0xc1: {  	_ =	task.clear_ibuf [dreg:s7], $0x2FFFF;
	_ =	strace $0x9FFFFFFF  }
0xc2: {  	(tm) =	ssettm $0x7FFFFFFF  }
0xc3: {  	_ =	shalt  }
tec
execute0_lowered:
.L_overlay_start_1:
0x0: {  	(tag) =	ssettag $0x1  }
0x1: {  	s0 =	rddreg [dreg:$0x0]  }
0x2: {  	s2 =	rddreg [dreg:$0x1];
	s1 =	simm.s32 $0x0;
	s3 =	srdreg.scid  }
0x3: {  	s9 =	stileid.u32;
	s10 =	simm.s32 $0x1;
	s11 =	simm.s32 $0x740  }
0x4: {  	s12 =	simm.s32 $0x750;
	s13 =	simm.s32 $0x760;
	s14 =	simm.s32 $0x770  }
0x5: {  	s15 =	simm.s32 $0x380;
	s16 =	simm.s32 $0x390;
	s17 =	simm.s32 $0x3A0  }
0x6: {  	s18 =	simm.s32 $0x3B0;
	s19 =	simm.s32 $0x3C0;
	s28 =	simm.s32 $0x7C0  }
0x7: {  	s29 =	simm.s32 $0x7D0;
	s30 =	simm.s32 $0x7E0;
	s31 =	simm.s32 $0x7F0  }
0x8: {  	[smem:$0x7FF] =	sst s1;
	s4 =	sand.u32 $0x1, s3;
	s3 =	sadd.s32 $0x800, s0  }
0x9: {  	s6 =	sshll.u32 s9, $0x9;
	s8 =	sshll.u32 s9, $0xC;
	p0 =	sgt.u32 s9, $0x7  }
0xa: {  	s9 =	simm.s32 $0x730;
	_ =	strace $0x8000004A;
	s5 =	ssub.s32 $0x2, s4  }
0xb: {  	s7 =	sshll.u32 s4, $0x8;
	s4 =	sshll.u32 s4, $0xB;
	s20 =	sshrl.u32 s5, $0x1  }
0xc: {  	s21 =	sor.u32 s7, s6;
	s4 =	sor.u32 s4, s8;
	s8 =	simm.s32 $0x700  }
0xd: {  	s0 =	ssub.s32 s5, s20;
	s6 =	sadd.s32 s3, s21;
	s22 =	sor.u32 $0x2000, s21  }
0xe: {  	s23 =	sadd.s32 $0x28000, s4;
	s5 =	sadd.s32 s2, s21;
	[dreg:$0x4] =	wrdreg s6  }
0xf: {  	s20 =	simm.s32 $0x3D0;
	s21 =	simm.s32 $0x3E0;
	[dreg:$0x5] =	wrdreg s5  }
0x10: {  	s24 =	sadd.s32 s3, s22;
	s25 =	sshrl.u32 s23, $0x3;
	s2 =	sadd.s32 s2, s22  }
.Ltmp0:
0x11: {  	s0 =	smax.u32 s0, $0x1;
	[dreg:$0x6] =	wrdreg s24;
	(pc) =	sbr.rel .LBB2_1-.Ltmp0, $4  }
0x12: {  	s5 =	simm.s32 $0x710;
	s6 =	simm.s32 $0x720;
	[dreg:$0x7] =	wrdreg s2  }
0x13: {  	s22 =	simm.s32 $0x3F0;
	s23 =	simm.s32 $0x780;
	[dreg:$0x8] =	wrdreg s0  }
0x14: {  	s26 =	sadd.s32 s25, s3;
	s24 =	simm.s32 $0x790;
	s25 =	simm.s32 $0x7A0  }
0x15: {  	s2 =	simm.s32 $0x0;
	[dreg:$0x3] =	wrdreg s26;
	s26 =	simm.s32 $0x7B0  }
.LBB2_7:
0x16: {  	s2 =	sadd.s32 $0x1, s2;
	s0 =	rddreg [dreg:$0x8]  }
0x17: {  	p1 =	sne.s32 s2, s0  }
.Ltmp1:
0x18: {  	_ = 	snop;
	(pc) =	sbr.rel @!p1 .LBB2_8-.Ltmp1, $1  }
0x19: {  	_ =	sdelay $0x3  }
.LBB2_1:
0x1a: {  	[dreg:$0x9] =	wrdreg s2  }
0x1b: {  	s0 =	rddreg [dreg:$0x4]  }
0x1c: {  	[tilespmem:s1], [sflag:$0x1] =	stream.linear.gather [hbm4b:s0+s1], $0x800, $0x38;
	[tilespmem:$0x1000] =	vst v63  }
0x1d: {  	_ =	swait.ge [sflag:s10], $0x800  }
0x1e: {  	[sflag:s10] =	ssyncset.done $0x0  }
0x1f: {  	s0 =	simm.s32 $0x18000;
	[sflag:s10] =	ssyncadd.s32 $0xFFFFF800  }
.LBB2_2:
0x20: {  	s2 =	sadd.s32 s0, s4  }
0x21: {  	s2 =	sshrl.u32 s2, $0x3  }
0x22: {  	s7 =	simm.s32 $0x800;
	s2 =	sadd.s32 s3, s2  }
0x23: {  	[tilespmem:s7], [sflag:$0x1] =	stream.linear.gather [hbm4b:s2+s1], $0x800, $0x38;
	[tilespmem:$0x1000] =	vst v63  }
0x24: {  	_ =	swait.ge [sflag:s10], $0x800  }
0x25: {  	[sflag:s10] =	ssyncset.done $0x0  }
0x26: {  	[sflag:s10] =	ssyncadd.s32 $0xFFFFF800  }
0x27: {  	v0 =	vld [tilespmem:$0x800];
	_ =	sdelay $0x4  }
0x28: {  	[tilespmem:s1+$0x0] =	vst.add.f32.msk $0xffff, v0  }
0x29: {  	v0 =	vld [tilespmem:$0x810];
	_ =	sdelay $0x3  }
0x2a: {  	s7 =	simm.s32 $0x10  }
0x2b: {  	[tilespmem:s7+$0x0] =	vst.add.f32.msk $0xffff, v0  }
0x2c: {  	v0 =	vld [tilespmem:$0x820];
	_ =	sdelay $0x3  }
0x2d: {  	s2 =	simm.s32 $0x20  }
0x2e: {  	[tilespmem:s2+$0x0] =	vst.add.f32.msk $0xffff, v0  }
0x2f: {  	v0 =	vld [tilespmem:$0x830];
	_ =	sdelay $0x3  }
0x30: {  	s2 =	simm.s32 $0x30  }
0x31: {  	[tilespmem:s2+$0x0] =	vst.add.f32.msk $0xffff, v0  }
0x32: {  	v0 =	vld [tilespmem:$0x840];
	_ =	sdelay $0x3  }
0x33: {  	s2 =	simm.s32 $0x40  }
0x34: {  	[tilespmem:s2+$0x0] =	vst.add.f32.msk $0xffff, v0  }
0x35: {  	v0 =	vld [tilespmem:$0x850];
	_ =	sdelay $0x3  }
0x36: {  	s2 =	simm.s32 $0x50  }
0x37: {  	[tilespmem:s2+$0x0] =	vst.add.f32.msk $0xffff, v0  }
0x38: {  	v0 =	vld [tilespmem:$0x860];
	_ =	sdelay $0x3  }
0x39: {  	s2 =	simm.s32 $0x60  }
0x3a: {  	[tilespmem:s2+$0x0] =	vst.add.f32.msk $0xffff, v0  }
0x3b: {  	v0 =	vld [tilespmem:$0x870];
	_ =	sdelay $0x3  }
0x3c: {  	s2 =	simm.s32 $0x70  }
0x3d: {  	[tilespmem:s2+$0x0] =	vst.add.f32.msk $0xffff, v0  }
0x3e: {  	v0 =	vld [tilespmem:$0xC00];
	_ =	sdelay $0x3  }
0x3f: {  	s2 =	simm.s32 $0x400  }
0x40: {  	[tilespmem:s2+$0x0] =	vst.add.f32.msk $0xffff, v0  }
0x41: {  	v0 =	vld [tilespmem:$0xC10];
	_ =	sdelay $0x3  }
0x42: {  	s2 =	simm.s32 $0x410  }
0x43: {  	[tilespmem:s2+$0x0] =	vst.add.f32.msk $0xffff, v0  }
0x44: {  	v0 =	vld [tilespmem:$0xC20];
	_ =	sdelay $0x3  }
0x45: {  	s2 =	simm.s32 $0x420  }
0x46: {  	[tilespmem:s2+$0x0] =	vst.add.f32.msk $0xffff, v0  }
0x47: {  	v0 =	vld [tilespmem:$0xC30];
	_ =	sdelay $0x3  }
0x48: {  	s2 =	simm.s32 $0x430  }
0x49: {  	[tilespmem:s2+$0x0] =	vst.add.f32.msk $0xffff, v0  }
0x4a: {  	v0 =	vld [tilespmem:$0xC40];
	_ =	sdelay $0x3  }
0x4b: {  	s2 =	simm.s32 $0x440  }
0x4c: {  	[tilespmem:s2+$0x0] =	vst.add.f32.msk $0xffff, v0  }
0x4d: {  	v0 =	vld [tilespmem:$0xC50];
	_ =	sdelay $0x3  }
0x4e: {  	s2 =	simm.s32 $0x450  }
0x4f: {  	[tilespmem:s2+$0x0] =	vst.add.f32.msk $0xffff, v0  }
0x50: {  	v0 =	vld [tilespmem:$0xC60];
	_ =	sdelay $0x3  }
0x51: {  	s2 =	simm.s32 $0x460  }
0x52: {  	[tilespmem:s2+$0x0] =	vst.add.f32.msk $0xffff, v0  }
0x53: {  	v0 =	vld [tilespmem:$0xC70];
	_ =	sdelay $0x3  }
0x54: {  	s2 =	simm.s32 $0x470  }
0x55: {  	[tilespmem:s2+$0x0] =	vst.add.f32.msk $0xffff, v0  }
0x56: {  	v0 =	vld [tilespmem:$0x880];
	_ =	sdelay $0x3  }
0x57: {  	s2 =	simm.s32 $0x80  }
0x58: {  	[tilespmem:s2+$0x0] =	vst.add.f32.msk $0xffff, v0  }
0x59: {  	v0 =	vld [tilespmem:$0x890];
	_ =	sdelay $0x3  }
0x5a: {  	s2 =	simm.s32 $0x90  }
0x5b: {  	[tilespmem:s2+$0x0] =	vst.add.f32.msk $0xffff, v0  }
0x5c: {  	v0 =	vld [tilespmem:$0x8A0];
	_ =	sdelay $0x3  }
0x5d: {  	s2 =	simm.s32 $0xA0  }
0x5e: {  	[tilespmem:s2+$0x0] =	vst.add.f32.msk $0xffff, v0  }
0x5f: {  	v0 =	vld [tilespmem:$0x8B0];
	_ =	sdelay $0x3  }
0x60: {  	s2 =	simm.s32 $0xB0  }
0x61: {  	[tilespmem:s2+$0x0] =	vst.add.f32.msk $0xffff, v0  }
0x62: {  	v0 =	vld [tilespmem:$0x8C0];
	_ =	sdelay $0x3  }
0x63: {  	s2 =	simm.s32 $0xC0  }
0x64: {  	[tilespmem:s2+$0x0] =	vst.add.f32.msk $0xffff, v0  }
0x65: {  	v0 =	vld [tilespmem:$0x8D0];
	_ =	sdelay $0x3  }
0x66: {  	s2 =	simm.s32 $0xD0  }
0x67: {  	[tilespmem:s2+$0x0] =	vst.add.f32.msk $0xffff, v0  }
0x68: {  	v0 =	vld [tilespmem:$0x8E0];
	_ =	sdelay $0x3  }
0x69: {  	s2 =	simm.s32 $0xE0  }
0x6a: {  	[tilespmem:s2+$0x0] =	vst.add.f32.msk $0xffff, v0  }
0x6b: {  	v0 =	vld [tilespmem:$0x8F0];
	_ =	sdelay $0x3  }
0x6c: {  	s2 =	simm.s32 $0xF0  }
0x6d: {  	[tilespmem:s2+$0x0] =	vst.add.f32.msk $0xffff, v0  }
0x6e: {  	v0 =	vld [tilespmem:$0xC80];
	_ =	sdelay $0x3  }
0x6f: {  	s2 =	simm.s32 $0x480  }
0x70: {  	[tilespmem:s2+$0x0] =	vst.add.f32.msk $0xffff, v0  }
0x71: {  	v0 =	vld [tilespmem:$0xC90];
	_ =	sdelay $0x3  }
0x72: {  	s2 =	simm.s32 $0x490  }
0x73: {  	[tilespmem:s2+$0x0] =	vst.add.f32.msk $0xffff, v0  }
0x74: {  	v0 =	vld [tilespmem:$0xCA0];
	_ =	sdelay $0x3  }
0x75: {  	s2 =	simm.s32 $0x4A0  }
0x76: {  	[tilespmem:s2+$0x0] =	vst.add.f32.msk $0xffff, v0  }
0x77: {  	v0 =	vld [tilespmem:$0xCB0];
	_ =	sdelay $0x3  }
0x78: {  	s2 =	simm.s32 $0x4B0  }
0x79: {  	[tilespmem:s2+$0x0] =	vst.add.f32.msk $0xffff, v0  }
0x7a: {  	v0 =	vld [tilespmem:$0xCC0];
	_ =	sdelay $0x3  }
0x7b: {  	s2 =	simm.s32 $0x4C0  }
0x7c: {  	[tilespmem:s2+$0x0] =	vst.add.f32.msk $0xffff, v0  }
0x7d: {  	v0 =	vld [tilespmem:$0xCD0];
	_ =	sdelay $0x3  }
0x7e: {  	s2 =	simm.s32 $0x4D0  }
0x7f: {  	[tilespmem:s2+$0x0] =	vst.add.f32.msk $0xffff, v0  }
0x80: {  	v0 =	vld [tilespmem:$0xCE0];
	_ =	sdelay $0x3  }
0x81: {  	s2 =	simm.s32 $0x4E0  }
0x82: {  	[tilespmem:s2+$0x0] =	vst.add.f32.msk $0xffff, v0  }
0x83: {  	v0 =	vld [tilespmem:$0xCF0];
	_ =	sdelay $0x3  }
0x84: {  	s2 =	simm.s32 $0x4F0  }
0x85: {  	[tilespmem:s2+$0x0] =	vst.add.f32.msk $0xffff, v0  }
0x86: {  	v0 =	vld [tilespmem:$0x900];
	_ =	sdelay $0x3  }
0x87: {  	s2 =	simm.s32 $0x100  }
0x88: {  	[tilespmem:s2+$0x0] =	vst.add.f32.msk $0xffff, v0  }
0x89: {  	v0 =	vld [tilespmem:$0x910];
	_ =	sdelay $0x3  }
0x8a: {  	s2 =	simm.s32 $0x110  }
0x8b: {  	[tilespmem:s2+$0x0] =	vst.add.f32.msk $0xffff, v0  }
0x8c: {  	v0 =	vld [tilespmem:$0x920];
	_ =	sdelay $0x3  }
0x8d: {  	s2 =	simm.s32 $0x120  }
0x8e: {  	[tilespmem:s2+$0x0] =	vst.add.f32.msk $0xffff, v0  }
0x8f: {  	v0 =	vld [tilespmem:$0x930];
	_ =	sdelay $0x3  }
0x90: {  	s2 =	simm.s32 $0x130  }
0x91: {  	[tilespmem:s2+$0x0] =	vst.add.f32.msk $0xffff, v0  }
0x92: {  	v0 =	vld [tilespmem:$0x940];
	_ =	sdelay $0x3  }
0x93: {  	s2 =	simm.s32 $0x140  }
0x94: {  	[tilespmem:s2+$0x0] =	vst.add.f32.msk $0xffff, v0  }
0x95: {  	v0 =	vld [tilespmem:$0x950];
	_ =	sdelay $0x3  }
0x96: {  	s2 =	simm.s32 $0x150  }
0x97: {  	[tilespmem:s2+$0x0] =	vst.add.f32.msk $0xffff, v0  }
0x98: {  	v0 =	vld [tilespmem:$0x960];
	_ =	sdelay $0x3  }
0x99: {  	s2 =	simm.s32 $0x160  }
0x9a: {  	[tilespmem:s2+$0x0] =	vst.add.f32.msk $0xffff, v0  }
0x9b: {  	v0 =	vld [tilespmem:$0x970];
	_ =	sdelay $0x3  }
0x9c: {  	s2 =	simm.s32 $0x170  }
0x9d: {  	[tilespmem:s2+$0x0] =	vst.add.f32.msk $0xffff, v0  }
0x9e: {  	v0 =	vld [tilespmem:$0xD00];
	_ =	sdelay $0x3  }
0x9f: {  	s2 =	simm.s32 $0x500  }
0xa0: {  	[tilespmem:s2+$0x0] =	vst.add.f32.msk $0xffff, v0  }
0xa1: {  	v0 =	vld [tilespmem:$0xD10];
	_ =	sdelay $0x3  }
0xa2: {  	s2 =	simm.s32 $0x510  }
0xa3: {  	[tilespmem:s2+$0x0] =	vst.add.f32.msk $0xffff, v0  }
0xa4: {  	v0 =	vld [tilespmem:$0xD20];
	_ =	sdelay $0x3  }
0xa5: {  	s2 =	simm.s32 $0x520  }
0xa6: {  	[tilespmem:s2+$0x0] =	vst.add.f32.msk $0xffff, v0  }
0xa7: {  	v0 =	vld [tilespmem:$0xD30];
	_ =	sdelay $0x3  }
0xa8: {  	s2 =	simm.s32 $0x530  }
0xa9: {  	[tilespmem:s2+$0x0] =	vst.add.f32.msk $0xffff, v0  }
0xaa: {  	v0 =	vld [tilespmem:$0xD40];
	_ =	sdelay $0x3  }
0xab: {  	s2 =	simm.s32 $0x540  }
0xac: {  	[tilespmem:s2+$0x0] =	vst.add.f32.msk $0xffff, v0  }
0xad: {  	v0 =	vld [tilespmem:$0xD50];
	_ =	sdelay $0x3  }
0xae: {  	s2 =	simm.s32 $0x550  }
0xaf: {  	[tilespmem:s2+$0x0] =	vst.add.f32.msk $0xffff, v0  }
0xb0: {  	v0 =	vld [tilespmem:$0xD60];
	_ =	sdelay $0x3  }
0xb1: {  	s2 =	simm.s32 $0x560  }
0xb2: {  	[tilespmem:s2+$0x0] =	vst.add.f32.msk $0xffff, v0  }
0xb3: {  	v0 =	vld [tilespmem:$0xD70];
	_ =	sdelay $0x3  }
0xb4: {  	s2 =	simm.s32 $0x570  }
0xb5: {  	[tilespmem:s2+$0x0] =	vst.add.f32.msk $0xffff, v0  }
0xb6: {  	v0 =	vld [tilespmem:$0x980];
	_ =	sdelay $0x3  }
0xb7: {  	s2 =	simm.s32 $0x180  }
0xb8: {  	[tilespmem:s2+$0x0] =	vst.add.f32.msk $0xffff, v0  }
0xb9: {  	v0 =	vld [tilespmem:$0x990];
	_ =	sdelay $0x3  }
0xba: {  	s2 =	simm.s32 $0x190  }
0xbb: {  	[tilespmem:s2+$0x0] =	vst.add.f32.msk $0xffff, v0  }
0xbc: {  	v0 =	vld [tilespmem:$0x9A0];
	_ =	sdelay $0x3  }
0xbd: {  	s2 =	simm.s32 $0x1A0  }
0xbe: {  	[tilespmem:s2+$0x0] =	vst.add.f32.msk $0xffff, v0  }
0xbf: {  	v0 =	vld [tilespmem:$0x9B0];
	_ =	sdelay $0x3  }
0xc0: {  	s2 =	simm.s32 $0x1B0  }
0xc1: {  	[tilespmem:s2+$0x0] =	vst.add.f32.msk $0xffff, v0  }
0xc2: {  	v0 =	vld [tilespmem:$0x9C0];
	_ =	sdelay $0x3  }
0xc3: {  	s2 =	simm.s32 $0x1C0  }
0xc4: {  	[tilespmem:s2+$0x0] =	vst.add.f32.msk $0xffff, v0  }
0xc5: {  	v0 =	vld [tilespmem:$0x9D0];
	_ =	sdelay $0x3  }
0xc6: {  	s2 =	simm.s32 $0x1D0  }
0xc7: {  	[tilespmem:s2+$0x0] =	vst.add.f32.msk $0xffff, v0  }
0xc8: {  	v0 =	vld [tilespmem:$0x9E0];
	_ =	sdelay $0x3  }
0xc9: {  	s2 =	simm.s32 $0x1E0  }
0xca: {  	[tilespmem:s2+$0x0] =	vst.add.f32.msk $0xffff, v0  }
0xcb: {  	v0 =	vld [tilespmem:$0x9F0];
	_ =	sdelay $0x3  }
0xcc: {  	s2 =	simm.s32 $0x1F0  }
0xcd: {  	[tilespmem:s2+$0x0] =	vst.add.f32.msk $0xffff, v0  }
0xce: {  	v0 =	vld [tilespmem:$0xD80];
	_ =	sdelay $0x3  }
0xcf: {  	s2 =	simm.s32 $0x580  }
0xd0: {  	[tilespmem:s2+$0x0] =	vst.add.f32.msk $0xffff, v0  }
0xd1: {  	v0 =	vld [tilespmem:$0xD90];
	_ =	sdelay $0x3  }
0xd2: {  	s2 =	simm.s32 $0x590  }
0xd3: {  	[tilespmem:s2+$0x0] =	vst.add.f32.msk $0xffff, v0  }
0xd4: {  	v0 =	vld [tilespmem:$0xDA0];
	_ =	sdelay $0x3  }
0xd5: {  	s2 =	simm.s32 $0x5A0  }
0xd6: {  	[tilespmem:s2+$0x0] =	vst.add.f32.msk $0xffff, v0  }
0xd7: {  	v0 =	vld [tilespmem:$0xDB0];
	_ =	sdelay $0x3  }
0xd8: {  	s2 =	simm.s32 $0x5B0  }
0xd9: {  	[tilespmem:s2+$0x0] =	vst.add.f32.msk $0xffff, v0  }
0xda: {  	v0 =	vld [tilespmem:$0xDC0];
	_ =	sdelay $0x3  }
0xdb: {  	s2 =	simm.s32 $0x5C0  }
0xdc: {  	[tilespmem:s2+$0x0] =	vst.add.f32.msk $0xffff, v0  }
0xdd: {  	v0 =	vld [tilespmem:$0xDD0];
	_ =	sdelay $0x3  }
0xde: {  	s2 =	simm.s32 $0x5D0  }
0xdf: {  	[tilespmem:s2+$0x0] =	vst.add.f32.msk $0xffff, v0  }
0xe0: {  	v0 =	vld [tilespmem:$0xDE0];
	_ =	sdelay $0x3  }
0xe1: {  	s2 =	simm.s32 $0x5E0  }
0xe2: {  	[tilespmem:s2+$0x0] =	vst.add.f32.msk $0xffff, v0  }
0xe3: {  	v0 =	vld [tilespmem:$0xDF0];
	_ =	sdelay $0x3  }
0xe4: {  	s2 =	simm.s32 $0x5F0  }
0xe5: {  	[tilespmem:s2+$0x0] =	vst.add.f32.msk $0xffff, v0  }
0xe6: {  	v0 =	vld [tilespmem:$0xA00];
	_ =	sdelay $0x3  }
0xe7: {  	s2 =	simm.s32 $0x200  }
0xe8: {  	[tilespmem:s2+$0x0] =	vst.add.f32.msk $0xffff, v0  }
0xe9: {  	v0 =	vld [tilespmem:$0xA10];
	_ =	sdelay $0x3  }
0xea: {  	s2 =	simm.s32 $0x210  }
0xeb: {  	[tilespmem:s2+$0x0] =	vst.add.f32.msk $0xffff, v0  }
0xec: {  	v0 =	vld [tilespmem:$0xA20];
	_ =	sdelay $0x3  }
0xed: {  	s2 =	simm.s32 $0x220  }
0xee: {  	[tilespmem:s2+$0x0] =	vst.add.f32.msk $0xffff, v0  }
0xef: {  	v0 =	vld [tilespmem:$0xA30];
	_ =	sdelay $0x3  }
0xf0: {  	s2 =	simm.s32 $0x230  }
0xf1: {  	[tilespmem:s2+$0x0] =	vst.add.f32.msk $0xffff, v0  }
0xf2: {  	v0 =	vld [tilespmem:$0xA40];
	_ =	sdelay $0x3  }
0xf3: {  	s2 =	simm.s32 $0x240  }
0xf4: {  	[tilespmem:s2+$0x0] =	vst.add.f32.msk $0xffff, v0  }
0xf5: {  	v0 =	vld [tilespmem:$0xA50];
	_ =	sdelay $0x3  }
0xf6: {  	s2 =	simm.s32 $0x250  }
0xf7: {  	[tilespmem:s2+$0x0] =	vst.add.f32.msk $0xffff, v0  }
0xf8: {  	v0 =	vld [tilespmem:$0xA60];
	_ =	sdelay $0x3  }
0xf9: {  	s2 =	simm.s32 $0x260  }
0xfa: {  	[tilespmem:s2+$0x0] =	vst.add.f32.msk $0xffff, v0  }
0xfb: {  	v0 =	vld [tilespmem:$0xA70];
	_ =	sdelay $0x3  }
0xfc: {  	s2 =	simm.s32 $0x270  }
0xfd: {  	[tilespmem:s2+$0x0] =	vst.add.f32.msk $0xffff, v0  }
0xfe: {  	v0 =	vld [tilespmem:$0xE00];
	_ =	sdelay $0x3  }
0xff: {  	s2 =	simm.s32 $0x600  }
0x100: {  	[tilespmem:s2+$0x0] =	vst.add.f32.msk $0xffff, v0  }
0x101: {  	v0 =	vld [tilespmem:$0xE10];
	_ =	sdelay $0x3  }
0x102: {  	s2 =	simm.s32 $0x610  }
0x103: {  	[tilespmem:s2+$0x0] =	vst.add.f32.msk $0xffff, v0  }
0x104: {  	v0 =	vld [tilespmem:$0xE20];
	_ =	sdelay $0x3  }
0x105: {  	s2 =	simm.s32 $0x620  }
0x106: {  	[tilespmem:s2+$0x0] =	vst.add.f32.msk $0xffff, v0  }
0x107: {  	v0 =	vld [tilespmem:$0xE30];
	_ =	sdelay $0x3  }
0x108: {  	s2 =	simm.s32 $0x630  }
0x109: {  	[tilespmem:s2+$0x0] =	vst.add.f32.msk $0xffff, v0  }
0x10a: {  	v0 =	vld [tilespmem:$0xE40];
	_ =	sdelay $0x3  }
0x10b: {  	s2 =	simm.s32 $0x640  }
0x10c: {  	[tilespmem:s2+$0x0] =	vst.add.f32.msk $0xffff, v0  }
0x10d: {  	v0 =	vld [tilespmem:$0xE50];
	_ =	sdelay $0x3  }
0x10e: {  	s2 =	simm.s32 $0x650  }
0x10f: {  	[tilespmem:s2+$0x0] =	vst.add.f32.msk $0xffff, v0  }
0x110: {  	v0 =	vld [tilespmem:$0xE60];
	_ =	sdelay $0x3  }
0x111: {  	s2 =	simm.s32 $0x660  }
0x112: {  	[tilespmem:s2+$0x0] =	vst.add.f32.msk $0xffff, v0  }
0x113: {  	v0 =	vld [tilespmem:$0xE70];
	_ =	sdelay $0x3  }
0x114: {  	s2 =	simm.s32 $0x670  }
0x115: {  	[tilespmem:s2+$0x0] =	vst.add.f32.msk $0xffff, v0  }
0x116: {  	v0 =	vld [tilespmem:$0xA80];
	_ =	sdelay $0x3  }
0x117: {  	s2 =	simm.s32 $0x280  }
0x118: {  	[tilespmem:s2+$0x0] =	vst.add.f32.msk $0xffff, v0  }
0x119: {  	v0 =	vld [tilespmem:$0xA90];
	_ =	sdelay $0x3  }
0x11a: {  	s2 =	simm.s32 $0x290  }
0x11b: {  	[tilespmem:s2+$0x0] =	vst.add.f32.msk $0xffff, v0  }
0x11c: {  	v0 =	vld [tilespmem:$0xAA0];
	_ =	sdelay $0x3  }
0x11d: {  	s2 =	simm.s32 $0x2A0  }
0x11e: {  	[tilespmem:s2+$0x0] =	vst.add.f32.msk $0xffff, v0  }
0x11f: {  	v0 =	vld [tilespmem:$0xAB0];
	_ =	sdelay $0x3  }
0x120: {  	s2 =	simm.s32 $0x2B0  }
0x121: {  	[tilespmem:s2+$0x0] =	vst.add.f32.msk $0xffff, v0  }
0x122: {  	v0 =	vld [tilespmem:$0xAC0];
	_ =	sdelay $0x3  }
0x123: {  	s2 =	simm.s32 $0x2C0  }
0x124: {  	[tilespmem:s2+$0x0] =	vst.add.f32.msk $0xffff, v0  }
0x125: {  	v0 =	vld [tilespmem:$0xAD0];
	_ =	sdelay $0x3  }
0x126: {  	s2 =	simm.s32 $0x2D0  }
0x127: {  	[tilespmem:s2+$0x0] =	vst.add.f32.msk $0xffff, v0  }
0x128: {  	v0 =	vld [tilespmem:$0xAE0];
	_ =	sdelay $0x3  }
0x129: {  	s2 =	simm.s32 $0x2E0  }
0x12a: {  	[tilespmem:s2+$0x0] =	vst.add.f32.msk $0xffff, v0  }
0x12b: {  	v0 =	vld [tilespmem:$0xAF0];
	_ =	sdelay $0x3  }
0x12c: {  	s2 =	simm.s32 $0x2F0  }
0x12d: {  	[tilespmem:s2+$0x0] =	vst.add.f32.msk $0xffff, v0  }
0x12e: {  	v0 =	vld [tilespmem:$0xE80];
	_ =	sdelay $0x3  }
0x12f: {  	s2 =	simm.s32 $0x680  }
0x130: {  	[tilespmem:s2+$0x0] =	vst.add.f32.msk $0xffff, v0  }
0x131: {  	v0 =	vld [tilespmem:$0xE90];
	_ =	sdelay $0x3  }
0x132: {  	s2 =	simm.s32 $0x690  }
0x133: {  	[tilespmem:s2+$0x0] =	vst.add.f32.msk $0xffff, v0  }
0x134: {  	v0 =	vld [tilespmem:$0xEA0];
	_ =	sdelay $0x3  }
0x135: {  	s2 =	simm.s32 $0x6A0  }
0x136: {  	[tilespmem:s2+$0x0] =	vst.add.f32.msk $0xffff, v0  }
0x137: {  	v0 =	vld [tilespmem:$0xEB0];
	_ =	sdelay $0x3  }
0x138: {  	s2 =	simm.s32 $0x6B0  }
0x139: {  	[tilespmem:s2+$0x0] =	vst.add.f32.msk $0xffff, v0  }
0x13a: {  	v0 =	vld [tilespmem:$0xEC0];
	_ =	sdelay $0x3  }
0x13b: {  	s2 =	simm.s32 $0x6C0  }
0x13c: {  	[tilespmem:s2+$0x0] =	vst.add.f32.msk $0xffff, v0  }
0x13d: {  	v0 =	vld [tilespmem:$0xED0];
	_ =	sdelay $0x3  }
0x13e: {  	s2 =	simm.s32 $0x6D0  }
0x13f: {  	[tilespmem:s2+$0x0] =	vst.add.f32.msk $0xffff, v0  }
0x140: {  	v0 =	vld [tilespmem:$0xEE0];
	_ =	sdelay $0x3  }
0x141: {  	s2 =	simm.s32 $0x6E0  }
0x142: {  	[tilespmem:s2+$0x0] =	vst.add.f32.msk $0xffff, v0  }
0x143: {  	v0 =	vld [tilespmem:$0xEF0];
	_ =	sdelay $0x3  }
0x144: {  	s2 =	simm.s32 $0x6F0  }
0x145: {  	[tilespmem:s2+$0x0] =	vst.add.f32.msk $0xffff, v0  }
0x146: {  	v0 =	vld [tilespmem:$0xB00];
	_ =	sdelay $0x3  }
0x147: {  	s2 =	simm.s32 $0x300  }
0x148: {  	[tilespmem:s2+$0x0] =	vst.add.f32.msk $0xffff, v0  }
0x149: {  	v0 =	vld [tilespmem:$0xB10];
	_ =	sdelay $0x3  }
0x14a: {  	s2 =	simm.s32 $0x310  }
0x14b: {  	[tilespmem:s2+$0x0] =	vst.add.f32.msk $0xffff, v0  }
0x14c: {  	v0 =	vld [tilespmem:$0xB20];
	_ =	sdelay $0x3  }
0x14d: {  	s2 =	simm.s32 $0x320  }
0x14e: {  	[tilespmem:s2+$0x0] =	vst.add.f32.msk $0xffff, v0  }
0x14f: {  	v0 =	vld [tilespmem:$0xB30];
	_ =	sdelay $0x3  }
0x150: {  	s2 =	simm.s32 $0x330  }
0x151: {  	[tilespmem:s2+$0x0] =	vst.add.f32.msk $0xffff, v0  }
0x152: {  	v0 =	vld [tilespmem:$0xB40];
	_ =	sdelay $0x3  }
0x153: {  	s2 =	simm.s32 $0x340  }
0x154: {  	[tilespmem:s2+$0x0] =	vst.add.f32.msk $0xffff, v0  }
0x155: {  	v0 =	vld [tilespmem:$0xB50];
	_ =	sdelay $0x3  }
0x156: {  	s2 =	simm.s32 $0x350  }
0x157: {  	[tilespmem:s2+$0x0] =	vst.add.f32.msk $0xffff, v0  }
0x158: {  	v0 =	vld [tilespmem:$0xB60];
	_ =	sdelay $0x3  }
0x159: {  	s2 =	simm.s32 $0x360  }
0x15a: {  	[tilespmem:s2+$0x0] =	vst.add.f32.msk $0xffff, v0  }
0x15b: {  	v0 =	vld [tilespmem:$0xB70];
	_ =	sdelay $0x3  }
0x15c: {  	s2 =	simm.s32 $0x370  }
0x15d: {  	[tilespmem:s2+$0x0] =	vst.add.f32.msk $0xffff, v0  }
0x15e: {  	v0 =	vld [tilespmem:$0xF00];
	_ =	sdelay $0x4  }
0x15f: {  	[tilespmem:s8+$0x0] =	vst.add.f32.msk $0xffff, v0  }
0x160: {  	v0 =	vld [tilespmem:$0xF10];
	_ =	sdelay $0x4  }
0x161: {  	[tilespmem:s5+$0x0] =	vst.add.f32.msk $0xffff, v0  }
0x162: {  	v0 =	vld [tilespmem:$0xF20];
	_ =	sdelay $0x4  }
0x163: {  	[tilespmem:s6+$0x0] =	vst.add.f32.msk $0xffff, v0  }
0x164: {  	v0 =	vld [tilespmem:$0xF30];
	_ =	sdelay $0x4  }
0x165: {  	[tilespmem:s9+$0x0] =	vst.add.f32.msk $0xffff, v0  }
0x166: {  	v0 =	vld [tilespmem:$0xF40];
	_ =	sdelay $0x4  }
0x167: {  	[tilespmem:s11+$0x0] =	vst.add.f32.msk $0xffff, v0  }
0x168: {  	v0 =	vld [tilespmem:$0xF50];
	_ =	sdelay $0x4  }
0x169: {  	[tilespmem:s12+$0x0] =	vst.add.f32.msk $0xffff, v0  }
0x16a: {  	v0 =	vld [tilespmem:$0xF60];
	_ =	sdelay $0x4  }
0x16b: {  	[tilespmem:s13+$0x0] =	vst.add.f32.msk $0xffff, v0  }
0x16c: {  	v0 =	vld [tilespmem:$0xF70];
	_ =	sdelay $0x4  }
0x16d: {  	[tilespmem:s14+$0x0] =	vst.add.f32.msk $0xffff, v0  }
0x16e: {  	v0 =	vld [tilespmem:$0xB80];
	_ =	sdelay $0x4  }
0x16f: {  	[tilespmem:s15+$0x0] =	vst.add.f32.msk $0xffff, v0  }
0x170: {  	v0 =	vld [tilespmem:$0xB90];
	_ =	sdelay $0x4  }
0x171: {  	[tilespmem:s16+$0x0] =	vst.add.f32.msk $0xffff, v0  }
0x172: {  	v0 =	vld [tilespmem:$0xBA0];
	_ =	sdelay $0x4  }
0x173: {  	[tilespmem:s17+$0x0] =	vst.add.f32.msk $0xffff, v0  }
0x174: {  	v0 =	vld [tilespmem:$0xBB0];
	_ =	sdelay $0x4  }
0x175: {  	[tilespmem:s18+$0x0] =	vst.add.f32.msk $0xffff, v0  }
0x176: {  	v0 =	vld [tilespmem:$0xBC0];
	_ =	sdelay $0x4  }
0x177: {  	[tilespmem:s19+$0x0] =	vst.add.f32.msk $0xffff, v0  }
0x178: {  	v0 =	vld [tilespmem:$0xBD0];
	_ =	sdelay $0x4  }
0x179: {  	[tilespmem:s20+$0x0] =	vst.add.f32.msk $0xffff, v0  }
0x17a: {  	v0 =	vld [tilespmem:$0xBE0];
	_ =	sdelay $0x4  }
0x17b: {  	[tilespmem:s21+$0x0] =	vst.add.f32.msk $0xffff, v0  }
0x17c: {  	v0 =	vld [tilespmem:$0xBF0];
	_ =	sdelay $0x4  }
0x17d: {  	[tilespmem:s22+$0x0] =	vst.add.f32.msk $0xffff, v0  }
0x17e: {  	v0 =	vld [tilespmem:$0xF80];
	_ =	sdelay $0x4  }
0x17f: {  	[tilespmem:s23+$0x0] =	vst.add.f32.msk $0xffff, v0  }
0x180: {  	v0 =	vld [tilespmem:$0xF90];
	_ =	sdelay $0x4  }
0x181: {  	[tilespmem:s24+$0x0] =	vst.add.f32.msk $0xffff, v0  }
0x182: {  	v0 =	vld [tilespmem:$0xFA0];
	_ =	sdelay $0x4  }
0x183: {  	[tilespmem:s25+$0x0] =	vst.add.f32.msk $0xffff, v0  }
0x184: {  	v0 =	vld [tilespmem:$0xFB0];
	_ =	sdelay $0x4  }
0x185: {  	[tilespmem:s26+$0x0] =	vst.add.f32.msk $0xffff, v0  }
0x186: {  	v0 =	vld [tilespmem:$0xFC0];
	_ =	sdelay $0x4  }
0x187: {  	[tilespmem:s28+$0x0] =	vst.add.f32.msk $0xffff, v0  }
0x188: {  	v0 =	vld [tilespmem:$0xFD0];
	_ =	sdelay $0x4  }
0x189: {  	[tilespmem:s29+$0x0] =	vst.add.f32.msk $0xffff, v0  }
0x18a: {  	v0 =	vld [tilespmem:$0xFE0];
	_ =	sdelay $0x4  }
0x18b: {  	[tilespmem:s30+$0x0] =	vst.add.f32.msk $0xffff, v0  }
0x18c: {  	p1 =	sne.s32 s0, $0x2E8000;
	v0 =	vld [tilespmem:$0xFF0]  }
.Ltmp2:
0x18d: {  	_ = 	snop;
	(pc) =	sbr.rel @p1 .LBB2_2-.Ltmp2, $2  }
0x18e: {  	_ =	sdelay $0x2  }
0x18f: {  	s0 =	sadd.s32 $0x18000, s0;
	[tilespmem:s31+$0x0] =	vst.add.f32.msk $0xffff, v0  }
.Ltmp3:
0x190: {  	s0 =	rddreg [dreg:$0x5];
	(pc) =	sbr.rel @p0 .LBB2_7-.Ltmp3, $4  }
0x191: {  	[hbm4b:s0+s1] =	stream.linear.scatter [tilespmem:s1], [sflag:$0x1], $0x800, $0x38;
	[tilespmem:$0x1000] =	vst v63  }
0x192: {  	_ =	swait.ge [sflag:s10], $0x800  }
0x193: {  	[sflag:s10] =	ssyncset.done $0x0  }
0x194: {  	s2 =	rddreg [dreg:$0x9];
	[sflag:s10] =	ssyncadd.s32 $0xFFFFF800  }
0x195: {  	s0 =	simm.s32 $0x0;
	s2 =	rddreg [dreg:$0x6]  }
0x196: {  	[tilespmem:s0], [sflag:$0x1] =	stream.linear.gather [hbm4b:s2+s0], $0x800, $0x38;
	[tilespmem:$0x1000] =	vst v63  }
0x197: {  	_ =	swait.ge [sflag:s10], $0x800  }
0x198: {  	[sflag:s10] =	ssyncset.done $0x0  }
0x199: {  	[sflag:s10] =	ssyncadd.s32 $0xFFFFF800  }
.LBB2_5:
0x19a: {  	s2 =	rddreg [dreg:$0x3]  }
0x19b: {  	s8 =	simm.s32 $0x800;
	s2 =	sadd.s32 s0, s2  }
0x19c: {  	[tilespmem:s8], [sflag:$0x1] =	stream.linear.gather [hbm4b:s2+s1], $0x800, $0x38;
	[tilespmem:$0x1000] =	vst v63  }
0x19d: {  	_ =	swait.ge [sflag:s10], $0x800  }
0x19e: {  	[sflag:s10] =	ssyncset.done $0x0  }
0x19f: {  	[sflag:s10] =	ssyncadd.s32 $0xFFFFF800  }
0x1a0: {  	v0 =	vld [tilespmem:$0x800];
	_ =	sdelay $0x4  }
0x1a1: {  	[tilespmem:s1+$0x0] =	vst.add.f32.msk $0xffff, v0  }
0x1a2: {  	v0 =	vld [tilespmem:$0x810];
	_ =	sdelay $0x4  }
0x1a3: {  	[tilespmem:s7+$0x0] =	vst.add.f32.msk $0xffff, v0  }
0x1a4: {  	v0 =	vld [tilespmem:$0x820];
	_ =	sdelay $0x3  }
0x1a5: {  	s2 =	simm.s32 $0x20  }
0x1a6: {  	[tilespmem:s2+$0x0] =	vst.add.f32.msk $0xffff, v0  }
0x1a7: {  	v0 =	vld [tilespmem:$0x830];
	_ =	sdelay $0x3  }
0x1a8: {  	s2 =	simm.s32 $0x30  }
0x1a9: {  	[tilespmem:s2+$0x0] =	vst.add.f32.msk $0xffff, v0  }
0x1aa: {  	v0 =	vld [tilespmem:$0x840];
	_ =	sdelay $0x3  }
0x1ab: {  	s2 =	simm.s32 $0x40  }
0x1ac: {  	[tilespmem:s2+$0x0] =	vst.add.f32.msk $0xffff, v0  }
0x1ad: {  	v0 =	vld [tilespmem:$0x850];
	_ =	sdelay $0x3  }
0x1ae: {  	s2 =	simm.s32 $0x50  }
0x1af: {  	[tilespmem:s2+$0x0] =	vst.add.f32.msk $0xffff, v0  }
0x1b0: {  	v0 =	vld [tilespmem:$0x860];
	_ =	sdelay $0x3  }
0x1b1: {  	s2 =	simm.s32 $0x60  }
0x1b2: {  	[tilespmem:s2+$0x0] =	vst.add.f32.msk $0xffff, v0  }
0x1b3: {  	v0 =	vld [tilespmem:$0x870];
	_ =	sdelay $0x3  }
0x1b4: {  	s2 =	simm.s32 $0x70  }
0x1b5: {  	[tilespmem:s2+$0x0] =	vst.add.f32.msk $0xffff, v0  }
0x1b6: {  	v0 =	vld [tilespmem:$0xC00];
	_ =	sdelay $0x3  }
0x1b7: {  	s2 =	simm.s32 $0x400  }
0x1b8: {  	[tilespmem:s2+$0x0] =	vst.add.f32.msk $0xffff, v0  }
0x1b9: {  	v0 =	vld [tilespmem:$0xC10];
	_ =	sdelay $0x3  }
0x1ba: {  	s2 =	simm.s32 $0x410  }
0x1bb: {  	[tilespmem:s2+$0x0] =	vst.add.f32.msk $0xffff, v0  }
0x1bc: {  	v0 =	vld [tilespmem:$0xC20];
	_ =	sdelay $0x3  }
0x1bd: {  	s2 =	simm.s32 $0x420  }
0x1be: {  	[tilespmem:s2+$0x0] =	vst.add.f32.msk $0xffff, v0  }
0x1bf: {  	v0 =	vld [tilespmem:$0xC30];
	_ =	sdelay $0x3  }
0x1c0: {  	s2 =	simm.s32 $0x430  }
0x1c1: {  	[tilespmem:s2+$0x0] =	vst.add.f32.msk $0xffff, v0  }
0x1c2: {  	v0 =	vld [tilespmem:$0xC40];
	_ =	sdelay $0x3  }
0x1c3: {  	s2 =	simm.s32 $0x440  }
0x1c4: {  	[tilespmem:s2+$0x0] =	vst.add.f32.msk $0xffff, v0  }
0x1c5: {  	v0 =	vld [tilespmem:$0xC50];
	_ =	sdelay $0x3  }
0x1c6: {  	s2 =	simm.s32 $0x450  }
0x1c7: {  	[tilespmem:s2+$0x0] =	vst.add.f32.msk $0xffff, v0  }
0x1c8: {  	v0 =	vld [tilespmem:$0xC60];
	_ =	sdelay $0x3  }
0x1c9: {  	s2 =	simm.s32 $0x460  }
0x1ca: {  	[tilespmem:s2+$0x0] =	vst.add.f32.msk $0xffff, v0  }
0x1cb: {  	v0 =	vld [tilespmem:$0xC70];
	_ =	sdelay $0x3  }
0x1cc: {  	s2 =	simm.s32 $0x470  }
0x1cd: {  	[tilespmem:s2+$0x0] =	vst.add.f32.msk $0xffff, v0  }
0x1ce: {  	v0 =	vld [tilespmem:$0x880];
	_ =	sdelay $0x3  }
0x1cf: {  	s2 =	simm.s32 $0x80  }
0x1d0: {  	[tilespmem:s2+$0x0] =	vst.add.f32.msk $0xffff, v0  }
0x1d1: {  	v0 =	vld [tilespmem:$0x890];
	_ =	sdelay $0x3  }
0x1d2: {  	s2 =	simm.s32 $0x90  }
0x1d3: {  	[tilespmem:s2+$0x0] =	vst.add.f32.msk $0xffff, v0  }
0x1d4: {  	v0 =	vld [tilespmem:$0x8A0];
	_ =	sdelay $0x3  }
0x1d5: {  	s2 =	simm.s32 $0xA0  }
0x1d6: {  	[tilespmem:s2+$0x0] =	vst.add.f32.msk $0xffff, v0  }
0x1d7: {  	v0 =	vld [tilespmem:$0x8B0];
	_ =	sdelay $0x3  }
0x1d8: {  	s2 =	simm.s32 $0xB0  }
0x1d9: {  	[tilespmem:s2+$0x0] =	vst.add.f32.msk $0xffff, v0  }
0x1da: {  	v0 =	vld [tilespmem:$0x8C0];
	_ =	sdelay $0x3  }
0x1db: {  	s2 =	simm.s32 $0xC0  }
0x1dc: {  	[tilespmem:s2+$0x0] =	vst.add.f32.msk $0xffff, v0  }
0x1dd: {  	v0 =	vld [tilespmem:$0x8D0];
	_ =	sdelay $0x3  }
0x1de: {  	s2 =	simm.s32 $0xD0  }
0x1df: {  	[tilespmem:s2+$0x0] =	vst.add.f32.msk $0xffff, v0  }
0x1e0: {  	v0 =	vld [tilespmem:$0x8E0];
	_ =	sdelay $0x3  }
0x1e1: {  	s2 =	simm.s32 $0xE0  }
0x1e2: {  	[tilespmem:s2+$0x0] =	vst.add.f32.msk $0xffff, v0  }
0x1e3: {  	v0 =	vld [tilespmem:$0x8F0];
	_ =	sdelay $0x3  }
0x1e4: {  	s2 =	simm.s32 $0xF0  }
0x1e5: {  	[tilespmem:s2+$0x0] =	vst.add.f32.msk $0xffff, v0  }
0x1e6: {  	v0 =	vld [tilespmem:$0xC80];
	_ =	sdelay $0x3  }
0x1e7: {  	s2 =	simm.s32 $0x480  }
0x1e8: {  	[tilespmem:s2+$0x0] =	vst.add.f32.msk $0xffff, v0  }
0x1e9: {  	v0 =	vld [tilespmem:$0xC90];
	_ =	sdelay $0x3  }
0x1ea: {  	s2 =	simm.s32 $0x490  }
0x1eb: {  	[tilespmem:s2+$0x0] =	vst.add.f32.msk $0xffff, v0  }
0x1ec: {  	v0 =	vld [tilespmem:$0xCA0];
	_ =	sdelay $0x3  }
0x1ed: {  	s2 =	simm.s32 $0x4A0  }
0x1ee: {  	[tilespmem:s2+$0x0] =	vst.add.f32.msk $0xffff, v0  }
0x1ef: {  	v0 =	vld [tilespmem:$0xCB0];
	_ =	sdelay $0x3  }
0x1f0: {  	s2 =	simm.s32 $0x4B0  }
0x1f1: {  	[tilespmem:s2+$0x0] =	vst.add.f32.msk $0xffff, v0  }
0x1f2: {  	v0 =	vld [tilespmem:$0xCC0];
	_ =	sdelay $0x3  }
0x1f3: {  	s2 =	simm.s32 $0x4C0  }
0x1f4: {  	[tilespmem:s2+$0x0] =	vst.add.f32.msk $0xffff, v0  }
0x1f5: {  	v0 =	vld [tilespmem:$0xCD0];
	_ =	sdelay $0x3  }
0x1f6: {  	s2 =	simm.s32 $0x4D0  }
0x1f7: {  	[tilespmem:s2+$0x0] =	vst.add.f32.msk $0xffff, v0  }
0x1f8: {  	v0 =	vld [tilespmem:$0xCE0];
	_ =	sdelay $0x3  }
0x1f9: {  	s2 =	simm.s32 $0x4E0  }
0x1fa: {  	[tilespmem:s2+$0x0] =	vst.add.f32.msk $0xffff, v0  }
0x1fb: {  	v0 =	vld [tilespmem:$0xCF0];
	_ =	sdelay $0x3  }
0x1fc: {  	s2 =	simm.s32 $0x4F0  }
0x1fd: {  	[tilespmem:s2+$0x0] =	vst.add.f32.msk $0xffff, v0  }
0x1fe: {  	v0 =	vld [tilespmem:$0x900];
	_ =	sdelay $0x3  }
0x1ff: {  	s2 =	simm.s32 $0x100  }
0x200: {  	[tilespmem:s2+$0x0] =	vst.add.f32.msk $0xffff, v0  }
0x201: {  	v0 =	vld [tilespmem:$0x910];
	_ =	sdelay $0x3  }
0x202: {  	s2 =	simm.s32 $0x110  }
0x203: {  	[tilespmem:s2+$0x0] =	vst.add.f32.msk $0xffff, v0  }
0x204: {  	v0 =	vld [tilespmem:$0x920];
	_ =	sdelay $0x3  }
0x205: {  	s2 =	simm.s32 $0x120  }
0x206: {  	[tilespmem:s2+$0x0] =	vst.add.f32.msk $0xffff, v0  }
0x207: {  	v0 =	vld [tilespmem:$0x930];
	_ =	sdelay $0x3  }
0x208: {  	s2 =	simm.s32 $0x130  }
0x209: {  	[tilespmem:s2+$0x0] =	vst.add.f32.msk $0xffff, v0  }
0x20a: {  	v0 =	vld [tilespmem:$0x940];
	_ =	sdelay $0x3  }
0x20b: {  	s2 =	simm.s32 $0x140  }
0x20c: {  	[tilespmem:s2+$0x0] =	vst.add.f32.msk $0xffff, v0  }
0x20d: {  	v0 =	vld [tilespmem:$0x950];
	_ =	sdelay $0x3  }
0x20e: {  	s2 =	simm.s32 $0x150  }
0x20f: {  	[tilespmem:s2+$0x0] =	vst.add.f32.msk $0xffff, v0  }
0x210: {  	v0 =	vld [tilespmem:$0x960];
	_ =	sdelay $0x3  }
0x211: {  	s2 =	simm.s32 $0x160  }
0x212: {  	[tilespmem:s2+$0x0] =	vst.add.f32.msk $0xffff, v0  }
0x213: {  	v0 =	vld [tilespmem:$0x970];
	_ =	sdelay $0x3  }
0x214: {  	s2 =	simm.s32 $0x170  }
0x215: {  	[tilespmem:s2+$0x0] =	vst.add.f32.msk $0xffff, v0  }
0x216: {  	v0 =	vld [tilespmem:$0xD00];
	_ =	sdelay $0x3  }
0x217: {  	s2 =	simm.s32 $0x500  }
0x218: {  	[tilespmem:s2+$0x0] =	vst.add.f32.msk $0xffff, v0  }
0x219: {  	v0 =	vld [tilespmem:$0xD10];
	_ =	sdelay $0x3  }
0x21a: {  	s2 =	simm.s32 $0x510  }
0x21b: {  	[tilespmem:s2+$0x0] =	vst.add.f32.msk $0xffff, v0  }
0x21c: {  	v0 =	vld [tilespmem:$0xD20];
	_ =	sdelay $0x3  }
0x21d: {  	s2 =	simm.s32 $0x520  }
0x21e: {  	[tilespmem:s2+$0x0] =	vst.add.f32.msk $0xffff, v0  }
0x21f: {  	v0 =	vld [tilespmem:$0xD30];
	_ =	sdelay $0x3  }
0x220: {  	s2 =	simm.s32 $0x530  }
0x221: {  	[tilespmem:s2+$0x0] =	vst.add.f32.msk $0xffff, v0  }
0x222: {  	v0 =	vld [tilespmem:$0xD40];
	_ =	sdelay $0x3  }
0x223: {  	s2 =	simm.s32 $0x540  }
0x224: {  	[tilespmem:s2+$0x0] =	vst.add.f32.msk $0xffff, v0  }
0x225: {  	v0 =	vld [tilespmem:$0xD50];
	_ =	sdelay $0x3  }
0x226: {  	s2 =	simm.s32 $0x550  }
0x227: {  	[tilespmem:s2+$0x0] =	vst.add.f32.msk $0xffff, v0  }
0x228: {  	v0 =	vld [tilespmem:$0xD60];
	_ =	sdelay $0x3  }
0x229: {  	s2 =	simm.s32 $0x560  }
0x22a: {  	[tilespmem:s2+$0x0] =	vst.add.f32.msk $0xffff, v0  }
0x22b: {  	v0 =	vld [tilespmem:$0xD70];
	_ =	sdelay $0x3  }
0x22c: {  	s2 =	simm.s32 $0x570  }
0x22d: {  	[tilespmem:s2+$0x0] =	vst.add.f32.msk $0xffff, v0  }
0x22e: {  	v0 =	vld [tilespmem:$0x980];
	_ =	sdelay $0x3  }
0x22f: {  	s2 =	simm.s32 $0x180  }
0x230: {  	[tilespmem:s2+$0x0] =	vst.add.f32.msk $0xffff, v0  }
0x231: {  	v0 =	vld [tilespmem:$0x990];
	_ =	sdelay $0x3  }
0x232: {  	s2 =	simm.s32 $0x190  }
0x233: {  	[tilespmem:s2+$0x0] =	vst.add.f32.msk $0xffff, v0  }
0x234: {  	v0 =	vld [tilespmem:$0x9A0];
	_ =	sdelay $0x3  }
0x235: {  	s2 =	simm.s32 $0x1A0  }
0x236: {  	[tilespmem:s2+$0x0] =	vst.add.f32.msk $0xffff, v0  }
0x237: {  	v0 =	vld [tilespmem:$0x9B0];
	_ =	sdelay $0x3  }
0x238: {  	s2 =	simm.s32 $0x1B0  }
0x239: {  	[tilespmem:s2+$0x0] =	vst.add.f32.msk $0xffff, v0  }
0x23a: {  	v0 =	vld [tilespmem:$0x9C0];
	_ =	sdelay $0x3  }
0x23b: {  	s2 =	simm.s32 $0x1C0  }
0x23c: {  	[tilespmem:s2+$0x0] =	vst.add.f32.msk $0xffff, v0  }
0x23d: {  	v0 =	vld [tilespmem:$0x9D0];
	_ =	sdelay $0x3  }
0x23e: {  	s2 =	simm.s32 $0x1D0  }
0x23f: {  	[tilespmem:s2+$0x0] =	vst.add.f32.msk $0xffff, v0  }
0x240: {  	v0 =	vld [tilespmem:$0x9E0];
	_ =	sdelay $0x3  }
0x241: {  	s2 =	simm.s32 $0x1E0  }
0x242: {  	[tilespmem:s2+$0x0] =	vst.add.f32.msk $0xffff, v0  }
0x243: {  	v0 =	vld [tilespmem:$0x9F0];
	_ =	sdelay $0x3  }
0x244: {  	s2 =	simm.s32 $0x1F0  }
0x245: {  	[tilespmem:s2+$0x0] =	vst.add.f32.msk $0xffff, v0  }
0x246: {  	v0 =	vld [tilespmem:$0xD80];
	_ =	sdelay $0x3  }
0x247: {  	s2 =	simm.s32 $0x580  }
0x248: {  	[tilespmem:s2+$0x0] =	vst.add.f32.msk $0xffff, v0  }
0x249: {  	v0 =	vld [tilespmem:$0xD90];
	_ =	sdelay $0x3  }
0x24a: {  	s2 =	simm.s32 $0x590  }
0x24b: {  	[tilespmem:s2+$0x0] =	vst.add.f32.msk $0xffff, v0  }
0x24c: {  	v0 =	vld [tilespmem:$0xDA0];
	_ =	sdelay $0x3  }
0x24d: {  	s2 =	simm.s32 $0x5A0  }
0x24e: {  	[tilespmem:s2+$0x0] =	vst.add.f32.msk $0xffff, v0  }
0x24f: {  	v0 =	vld [tilespmem:$0xDB0];
	_ =	sdelay $0x3  }
0x250: {  	s2 =	simm.s32 $0x5B0  }
0x251: {  	[tilespmem:s2+$0x0] =	vst.add.f32.msk $0xffff, v0  }
0x252: {  	v0 =	vld [tilespmem:$0xDC0];
	_ =	sdelay $0x3  }
0x253: {  	s2 =	simm.s32 $0x5C0  }
0x254: {  	[tilespmem:s2+$0x0] =	vst.add.f32.msk $0xffff, v0  }
0x255: {  	v0 =	vld [tilespmem:$0xDD0];
	_ =	sdelay $0x3  }
0x256: {  	s2 =	simm.s32 $0x5D0  }
0x257: {  	[tilespmem:s2+$0x0] =	vst.add.f32.msk $0xffff, v0  }
0x258: {  	v0 =	vld [tilespmem:$0xDE0];
	_ =	sdelay $0x3  }
0x259: {  	s2 =	simm.s32 $0x5E0  }
0x25a: {  	[tilespmem:s2+$0x0] =	vst.add.f32.msk $0xffff, v0  }
0x25b: {  	v0 =	vld [tilespmem:$0xDF0];
	_ =	sdelay $0x3  }
0x25c: {  	s2 =	simm.s32 $0x5F0  }
0x25d: {  	[tilespmem:s2+$0x0] =	vst.add.f32.msk $0xffff, v0  }
0x25e: {  	v0 =	vld [tilespmem:$0xA00];
	_ =	sdelay $0x3  }
0x25f: {  	s2 =	simm.s32 $0x200  }
0x260: {  	[tilespmem:s2+$0x0] =	vst.add.f32.msk $0xffff, v0  }
0x261: {  	v0 =	vld [tilespmem:$0xA10];
	_ =	sdelay $0x3  }
0x262: {  	s2 =	simm.s32 $0x210  }
0x263: {  	[tilespmem:s2+$0x0] =	vst.add.f32.msk $0xffff, v0  }
0x264: {  	v0 =	vld [tilespmem:$0xA20];
	_ =	sdelay $0x3  }
0x265: {  	s2 =	simm.s32 $0x220  }
0x266: {  	[tilespmem:s2+$0x0] =	vst.add.f32.msk $0xffff, v0  }
0x267: {  	v0 =	vld [tilespmem:$0xA30];
	_ =	sdelay $0x3  }
0x268: {  	s2 =	simm.s32 $0x230  }
0x269: {  	[tilespmem:s2+$0x0] =	vst.add.f32.msk $0xffff, v0  }
0x26a: {  	v0 =	vld [tilespmem:$0xA40];
	_ =	sdelay $0x3  }
0x26b: {  	s2 =	simm.s32 $0x240  }
0x26c: {  	[tilespmem:s2+$0x0] =	vst.add.f32.msk $0xffff, v0  }
0x26d: {  	v0 =	vld [tilespmem:$0xA50];
	_ =	sdelay $0x3  }
0x26e: {  	s2 =	simm.s32 $0x250  }
0x26f: {  	[tilespmem:s2+$0x0] =	vst.add.f32.msk $0xffff, v0  }
0x270: {  	v0 =	vld [tilespmem:$0xA60];
	_ =	sdelay $0x3  }
0x271: {  	s2 =	simm.s32 $0x260  }
0x272: {  	[tilespmem:s2+$0x0] =	vst.add.f32.msk $0xffff, v0  }
0x273: {  	v0 =	vld [tilespmem:$0xA70];
	_ =	sdelay $0x3  }
0x274: {  	s2 =	simm.s32 $0x270  }
0x275: {  	[tilespmem:s2+$0x0] =	vst.add.f32.msk $0xffff, v0  }
0x276: {  	v0 =	vld [tilespmem:$0xE00];
	_ =	sdelay $0x3  }
0x277: {  	s2 =	simm.s32 $0x600  }
0x278: {  	[tilespmem:s2+$0x0] =	vst.add.f32.msk $0xffff, v0  }
0x279: {  	v0 =	vld [tilespmem:$0xE10];
	_ =	sdelay $0x3  }
0x27a: {  	s2 =	simm.s32 $0x610  }
0x27b: {  	[tilespmem:s2+$0x0] =	vst.add.f32.msk $0xffff, v0  }
0x27c: {  	v0 =	vld [tilespmem:$0xE20];
	_ =	sdelay $0x3  }
0x27d: {  	s2 =	simm.s32 $0x620  }
0x27e: {  	[tilespmem:s2+$0x0] =	vst.add.f32.msk $0xffff, v0  }
0x27f: {  	v0 =	vld [tilespmem:$0xE30];
	_ =	sdelay $0x3  }
0x280: {  	s2 =	simm.s32 $0x630  }
0x281: {  	[tilespmem:s2+$0x0] =	vst.add.f32.msk $0xffff, v0  }
0x282: {  	v0 =	vld [tilespmem:$0xE40];
	_ =	sdelay $0x3  }
0x283: {  	s2 =	simm.s32 $0x640  }
0x284: {  	[tilespmem:s2+$0x0] =	vst.add.f32.msk $0xffff, v0  }
0x285: {  	v0 =	vld [tilespmem:$0xE50];
	_ =	sdelay $0x3  }
0x286: {  	s2 =	simm.s32 $0x650  }
0x287: {  	[tilespmem:s2+$0x0] =	vst.add.f32.msk $0xffff, v0  }
0x288: {  	v0 =	vld [tilespmem:$0xE60];
	_ =	sdelay $0x3  }
0x289: {  	s2 =	simm.s32 $0x660  }
0x28a: {  	[tilespmem:s2+$0x0] =	vst.add.f32.msk $0xffff, v0  }
0x28b: {  	v0 =	vld [tilespmem:$0xE70];
	_ =	sdelay $0x3  }
0x28c: {  	s2 =	simm.s32 $0x670  }
0x28d: {  	[tilespmem:s2+$0x0] =	vst.add.f32.msk $0xffff, v0  }
0x28e: {  	v0 =	vld [tilespmem:$0xA80];
	_ =	sdelay $0x3  }
0x28f: {  	s2 =	simm.s32 $0x280  }
0x290: {  	[tilespmem:s2+$0x0] =	vst.add.f32.msk $0xffff, v0  }
0x291: {  	v0 =	vld [tilespmem:$0xA90];
	_ =	sdelay $0x3  }
0x292: {  	s2 =	simm.s32 $0x290  }
0x293: {  	[tilespmem:s2+$0x0] =	vst.add.f32.msk $0xffff, v0  }
0x294: {  	v0 =	vld [tilespmem:$0xAA0];
	_ =	sdelay $0x3  }
0x295: {  	s2 =	simm.s32 $0x2A0  }
0x296: {  	[tilespmem:s2+$0x0] =	vst.add.f32.msk $0xffff, v0  }
0x297: {  	v0 =	vld [tilespmem:$0xAB0];
	_ =	sdelay $0x3  }
0x298: {  	s2 =	simm.s32 $0x2B0  }
0x299: {  	[tilespmem:s2+$0x0] =	vst.add.f32.msk $0xffff, v0  }
0x29a: {  	v0 =	vld [tilespmem:$0xAC0];
	_ =	sdelay $0x3  }
0x29b: {  	s2 =	simm.s32 $0x2C0  }
0x29c: {  	[tilespmem:s2+$0x0] =	vst.add.f32.msk $0xffff, v0  }
0x29d: {  	v0 =	vld [tilespmem:$0xAD0];
	_ =	sdelay $0x3  }
0x29e: {  	s2 =	simm.s32 $0x2D0  }
0x29f: {  	[tilespmem:s2+$0x0] =	vst.add.f32.msk $0xffff, v0  }
0x2a0: {  	v0 =	vld [tilespmem:$0xAE0];
	_ =	sdelay $0x3  }
0x2a1: {  	s2 =	simm.s32 $0x2E0  }
0x2a2: {  	[tilespmem:s2+$0x0] =	vst.add.f32.msk $0xffff, v0  }
0x2a3: {  	v0 =	vld [tilespmem:$0xAF0];
	_ =	sdelay $0x3  }
0x2a4: {  	s2 =	simm.s32 $0x2F0  }
0x2a5: {  	[tilespmem:s2+$0x0] =	vst.add.f32.msk $0xffff, v0  }
0x2a6: {  	v0 =	vld [tilespmem:$0xE80];
	_ =	sdelay $0x3  }
0x2a7: {  	s2 =	simm.s32 $0x680  }
0x2a8: {  	[tilespmem:s2+$0x0] =	vst.add.f32.msk $0xffff, v0  }
0x2a9: {  	v0 =	vld [tilespmem:$0xE90];
	_ =	sdelay $0x3  }
0x2aa: {  	s2 =	simm.s32 $0x690  }
0x2ab: {  	[tilespmem:s2+$0x0] =	vst.add.f32.msk $0xffff, v0  }
0x2ac: {  	v0 =	vld [tilespmem:$0xEA0];
	_ =	sdelay $0x3  }
0x2ad: {  	s2 =	simm.s32 $0x6A0  }
0x2ae: {  	[tilespmem:s2+$0x0] =	vst.add.f32.msk $0xffff, v0  }
0x2af: {  	v0 =	vld [tilespmem:$0xEB0];
	_ =	sdelay $0x3  }
0x2b0: {  	s2 =	simm.s32 $0x6B0  }
0x2b1: {  	[tilespmem:s2+$0x0] =	vst.add.f32.msk $0xffff, v0  }
0x2b2: {  	v0 =	vld [tilespmem:$0xEC0];
	_ =	sdelay $0x3  }
0x2b3: {  	s2 =	simm.s32 $0x6C0  }
0x2b4: {  	[tilespmem:s2+$0x0] =	vst.add.f32.msk $0xffff, v0  }
0x2b5: {  	v0 =	vld [tilespmem:$0xED0];
	_ =	sdelay $0x3  }
0x2b6: {  	s2 =	simm.s32 $0x6D0  }
0x2b7: {  	[tilespmem:s2+$0x0] =	vst.add.f32.msk $0xffff, v0  }
0x2b8: {  	v0 =	vld [tilespmem:$0xEE0];
	_ =	sdelay $0x3  }
0x2b9: {  	s2 =	simm.s32 $0x6E0  }
0x2ba: {  	[tilespmem:s2+$0x0] =	vst.add.f32.msk $0xffff, v0  }
0x2bb: {  	v0 =	vld [tilespmem:$0xEF0];
	_ =	sdelay $0x3  }
0x2bc: {  	s2 =	simm.s32 $0x6F0  }
0x2bd: {  	[tilespmem:s2+$0x0] =	vst.add.f32.msk $0xffff, v0  }
0x2be: {  	v0 =	vld [tilespmem:$0xB00];
	_ =	sdelay $0x3  }
0x2bf: {  	s2 =	simm.s32 $0x300  }
0x2c0: {  	[tilespmem:s2+$0x0] =	vst.add.f32.msk $0xffff, v0  }
0x2c1: {  	v0 =	vld [tilespmem:$0xB10];
	_ =	sdelay $0x3  }
0x2c2: {  	s2 =	simm.s32 $0x310  }
0x2c3: {  	[tilespmem:s2+$0x0] =	vst.add.f32.msk $0xffff, v0  }
0x2c4: {  	v0 =	vld [tilespmem:$0xB20];
	_ =	sdelay $0x3  }
0x2c5: {  	s2 =	simm.s32 $0x320  }
0x2c6: {  	[tilespmem:s2+$0x0] =	vst.add.f32.msk $0xffff, v0  }
0x2c7: {  	v0 =	vld [tilespmem:$0xB30];
	_ =	sdelay $0x3  }
0x2c8: {  	s2 =	simm.s32 $0x330  }
0x2c9: {  	[tilespmem:s2+$0x0] =	vst.add.f32.msk $0xffff, v0  }
0x2ca: {  	v0 =	vld [tilespmem:$0xB40];
	_ =	sdelay $0x3  }
0x2cb: {  	s2 =	simm.s32 $0x340  }
0x2cc: {  	[tilespmem:s2+$0x0] =	vst.add.f32.msk $0xffff, v0  }
0x2cd: {  	v0 =	vld [tilespmem:$0xB50];
	_ =	sdelay $0x3  }
0x2ce: {  	s2 =	simm.s32 $0x350  }
0x2cf: {  	[tilespmem:s2+$0x0] =	vst.add.f32.msk $0xffff, v0  }
0x2d0: {  	v0 =	vld [tilespmem:$0xB60];
	_ =	sdelay $0x3  }
0x2d1: {  	s2 =	simm.s32 $0x360  }
0x2d2: {  	[tilespmem:s2+$0x0] =	vst.add.f32.msk $0xffff, v0  }
0x2d3: {  	v0 =	vld [tilespmem:$0xB70];
	_ =	sdelay $0x3  }
0x2d4: {  	s2 =	simm.s32 $0x370  }
0x2d5: {  	[tilespmem:s2+$0x0] =	vst.add.f32.msk $0xffff, v0  }
0x2d6: {  	v0 =	vld [tilespmem:$0xF00];
	_ =	sdelay $0x3  }
0x2d7: {  	s8 =	simm.s32 $0x700  }
0x2d8: {  	[tilespmem:s8+$0x0] =	vst.add.f32.msk $0xffff, v0  }
0x2d9: {  	v0 =	vld [tilespmem:$0xF10];
	_ =	sdelay $0x4  }
0x2da: {  	[tilespmem:s5+$0x0] =	vst.add.f32.msk $0xffff, v0  }
0x2db: {  	v0 =	vld [tilespmem:$0xF20];
	_ =	sdelay $0x4  }
0x2dc: {  	[tilespmem:s6+$0x0] =	vst.add.f32.msk $0xffff, v0  }
0x2dd: {  	v0 =	vld [tilespmem:$0xF30];
	_ =	sdelay $0x4  }
0x2de: {  	[tilespmem:s9+$0x0] =	vst.add.f32.msk $0xffff, v0  }
0x2df: {  	v0 =	vld [tilespmem:$0xF40];
	_ =	sdelay $0x4  }
0x2e0: {  	[tilespmem:s11+$0x0] =	vst.add.f32.msk $0xffff, v0  }
0x2e1: {  	v0 =	vld [tilespmem:$0xF50];
	_ =	sdelay $0x4  }
0x2e2: {  	[tilespmem:s12+$0x0] =	vst.add.f32.msk $0xffff, v0  }
0x2e3: {  	v0 =	vld [tilespmem:$0xF60];
	_ =	sdelay $0x4  }
0x2e4: {  	[tilespmem:s13+$0x0] =	vst.add.f32.msk $0xffff, v0  }
0x2e5: {  	v0 =	vld [tilespmem:$0xF70];
	_ =	sdelay $0x4  }
0x2e6: {  	[tilespmem:s14+$0x0] =	vst.add.f32.msk $0xffff, v0  }
0x2e7: {  	v0 =	vld [tilespmem:$0xB80];
	_ =	sdelay $0x4  }
0x2e8: {  	[tilespmem:s15+$0x0] =	vst.add.f32.msk $0xffff, v0  }
0x2e9: {  	v0 =	vld [tilespmem:$0xB90];
	_ =	sdelay $0x4  }
0x2ea: {  	[tilespmem:s16+$0x0] =	vst.add.f32.msk $0xffff, v0  }
0x2eb: {  	v0 =	vld [tilespmem:$0xBA0];
	_ =	sdelay $0x4  }
0x2ec: {  	[tilespmem:s17+$0x0] =	vst.add.f32.msk $0xffff, v0  }
0x2ed: {  	v0 =	vld [tilespmem:$0xBB0];
	_ =	sdelay $0x4  }
0x2ee: {  	[tilespmem:s18+$0x0] =	vst.add.f32.msk $0xffff, v0  }
0x2ef: {  	v0 =	vld [tilespmem:$0xBC0];
	_ =	sdelay $0x4  }
0x2f0: {  	[tilespmem:s19+$0x0] =	vst.add.f32.msk $0xffff, v0  }
0x2f1: {  	v0 =	vld [tilespmem:$0xBD0];
	_ =	sdelay $0x4  }
0x2f2: {  	[tilespmem:s20+$0x0] =	vst.add.f32.msk $0xffff, v0  }
0x2f3: {  	v0 =	vld [tilespmem:$0xBE0];
	_ =	sdelay $0x4  }
0x2f4: {  	[tilespmem:s21+$0x0] =	vst.add.f32.msk $0xffff, v0  }
0x2f5: {  	v0 =	vld [tilespmem:$0xBF0];
	_ =	sdelay $0x4  }
0x2f6: {  	[tilespmem:s22+$0x0] =	vst.add.f32.msk $0xffff, v0  }
0x2f7: {  	v0 =	vld [tilespmem:$0xF80];
	_ =	sdelay $0x4  }
0x2f8: {  	[tilespmem:s23+$0x0] =	vst.add.f32.msk $0xffff, v0  }
0x2f9: {  	v0 =	vld [tilespmem:$0xF90];
	_ =	sdelay $0x4  }
0x2fa: {  	[tilespmem:s24+$0x0] =	vst.add.f32.msk $0xffff, v0  }
0x2fb: {  	v0 =	vld [tilespmem:$0xFA0];
	_ =	sdelay $0x4  }
0x2fc: {  	[tilespmem:s25+$0x0] =	vst.add.f32.msk $0xffff, v0  }
0x2fd: {  	v0 =	vld [tilespmem:$0xFB0];
	_ =	sdelay $0x4  }
0x2fe: {  	[tilespmem:s26+$0x0] =	vst.add.f32.msk $0xffff, v0  }
0x2ff: {  	v0 =	vld [tilespmem:$0xFC0];
	_ =	sdelay $0x4  }
0x300: {  	[tilespmem:s28+$0x0] =	vst.add.f32.msk $0xffff, v0  }
0x301: {  	v0 =	vld [tilespmem:$0xFD0];
	_ =	sdelay $0x4  }
0x302: {  	[tilespmem:s29+$0x0] =	vst.add.f32.msk $0xffff, v0  }
0x303: {  	v0 =	vld [tilespmem:$0xFE0];
	_ =	sdelay $0x4  }
0x304: {  	[tilespmem:s30+$0x0] =	vst.add.f32.msk $0xffff, v0  }
0x305: {  	p1 =	sne.s32 s0, $0x5A000;
	v0 =	vld [tilespmem:$0xFF0]  }
.Ltmp4:
0x306: {  	_ = 	snop;
	(pc) =	sbr.rel @p1 .LBB2_5-.Ltmp4, $2  }
0x307: {  	_ =	sdelay $0x2  }
0x308: {  	s0 =	sadd.s32 $0x3000, s0;
	[tilespmem:s31+$0x0] =	vst.add.f32.msk $0xffff, v0  }
.Ltmp5:
0x309: {  	s0 =	rddreg [dreg:$0x7];
	(pc) =	sbr.rel .LBB2_7-.Ltmp5, $4  }
0x30a: {  	[hbm4b:s0+s1] =	stream.linear.scatter [tilespmem:s1], [sflag:$0x1], $0x800, $0x38;
	[tilespmem:$0x1000] =	vst v63  }
0x30b: {  	_ =	swait.ge [sflag:s10], $0x800  }
0x30c: {  	[sflag:s10] =	ssyncset.done $0x0  }
0x30d: {  	s2 =	rddreg [dreg:$0x9];
	[sflag:s10] =	ssyncadd.s32 $0xFFFFF800  }
.LBB2_8:
0x30e: {  	_ =	sfence.sel $0x180000  }
0x30f: {  	[bflag:$0x0] =	sbarrier.arrive $0xFFFF  }
0x310: {  	_ =	strace $0x9000004A  }
0x311: {  	s0 =	stileid.u32;
	[bflag:$0x2] =	sbarrier.arrive $0xFFFF  }
0x312: {  	p0 =	sne.s32 s0, $0x0;
	s0 =	rddreg [dreg:$0x2]  }
0x313: {  	s0 =	sadd.s32 @!p0 $0x100000, s0  }
0x314: {  	[sflag:s0] =	ssyncadd.tile.s32 @!p0 $0x1;
	_ =	shalt  }
.Lfunc_end2:
_tile_overlayer_lowered:
.L_overlay_start_2:
0x315: {  	(tag) =	ssettag $0x2  }
0x316: {  	s0 =	rddreg [dreg:$0x0];
	s2 =	stileid.u32  }
0x317: {  	s1 =	rddreg [dreg:$0x1];
	p0 =	sne.s32 s2, $0x0  }
0x318: {  	s3 =	rddreg [dreg:$0x2];
	[bflag:$0x3] =	sbarrier.arrive $0xFFFF;
	s2 =	simm.s32 @!p0 $0x1C01  }
0x319: {  	[timem:s3], [sflag:s2] =	dma.local @!p0 [hbm:s0], s1  }
0x31a: {  	s0 =	simm.s32 @!p0 $0x1  }
0x31b: {  	_ =	swait.ge @!p0 [sflag:s0], s1  }
0x31c: {  	s1 =	ssub.s32 @!p0 $0x0, s1;
	[sflag:s0] =	ssyncset.done @!p0 $0x0  }
0x31d: {  	[sflag:s0] =	ssyncadd.s32 @!p0 s1  }
0x31e: {  	[bflag:$0x3] =	sbarrier.arrive $0xFFFF  }
0x31f: {  	_ =	shalt  }

</sc_bundles>
